<compile_context>
chip_gen: v7x
topology: tpu7x:2x2x1
jax: 0.10.2.dev20260603
libtpu: 0.0.44.dev20260713+nightly
codegen_flags: <defaults>
</compile_context>

<pallas_src>
import functools

import jax
import jax.numpy as jnp
from jax import lax
from jax.experimental import pallas as pl
from jax.experimental.pallas import tpu as pltpu
from jax.experimental.pallas import tpu_sc as plsc

_D = 256
_DD = 2 * _D
_L = 16
_SL = 4
_CHUNK = 64



def _bf16_bits(x):
    u = lax.bitcast_convert_type(x, jnp.uint32)
    return (u + 0x7FFF + ((u >> 16) & 1)) >> 16


def _normalize_body(s_ref, t_ref, o_ref):
    h = _D // 2
    for ref, col in ((s_ref, 0), (t_ref, h)):
        x = ref[...] * 2.0
        m = jnp.max(x, axis=1, keepdims=True)
        e = jnp.exp(x - m)
        p = e / jnp.sum(e, axis=1, keepdims=True)
        n = jnp.sqrt(jnp.sum(p * p, axis=1, keepdims=True))
        f = p / jnp.maximum(n, 1e-12)
        packed = _bf16_bits(f[:, :h]) | (_bf16_bits(f[:, h:]) << 16)
        o_ref[:, col:col + h] = lax.bitcast_convert_type(packed, jnp.int32)


def _build_table(student_out, teacher_out):
    n = student_out.shape[0]
    block = 2000
    grid = n // block
    return pl.pallas_call(
        _normalize_body,
        grid=(grid,),
        in_specs=[
            pl.BlockSpec((block, _D), lambda i: (i, 0)),
            pl.BlockSpec((block, _D), lambda i: (i, 0)),
        ],
        out_specs=pl.BlockSpec((block, _DD // 2), lambda i: (i, 0)),
        out_shape=jax.ShapeDtypeStruct((n, _DD // 2), jnp.int32),
    )(student_out, teacher_out)



def _edge_loss_body(num_edges, table, edges, outh,
                    idx_s, idx_d, rows_s0, rows_d0, rows_s1, rows_d1,
                    rows_s2, rows_d2, pmat, out_v,
                    sem_s0, sem_d0, sem_s1, sem_d1, sem_s2, sem_d2):
    info = plsc.get_sparse_core_info()
    nc = info.num_cores
    nw = nc * info.num_subcores
    epw = num_edges // nw
    nfull = epw // _CHUNK
    tail = epw - nfull * _CHUNK
    wid = lax.axis_index("s") * nc + lax.axis_index("c")
    base = wid * epw

    zeros = jnp.zeros((_L,), jnp.float32)
    iota = lax.iota(jnp.int32, _L)
    bufs = ((rows_s0, rows_d0, sem_s0, sem_d0),
            (rows_s1, rows_d1, sem_s1, sem_d1),
            (rows_s2, rows_d2, sem_s2, sem_d2))

    pltpu.sync_copy(edges.at[pl.ds(base, epw)], idx_s)
    pltpu.sync_copy(edges.at[pl.ds(num_edges + base, epw)], idx_d)

    def start(c, b, n_rows):
        rs, rd, ss, sd = bufs[b]
        pltpu.async_copy(table.at[idx_s.at[pl.ds(c * _CHUNK, n_rows)]],
                         rs.at[pl.ds(0, n_rows)], ss)
        pltpu.async_copy(table.at[idx_d.at[pl.ds(c * _CHUNK, n_rows)]],
                         rd.at[pl.ds(0, n_rows)], sd)

    def wait(b, n_rows):
        rs, rd, ss, sd = bufs[b]
        pltpu.make_async_copy(table.at[idx_s.at[pl.ds(0, n_rows)]],
                              rs.at[pl.ds(0, n_rows)], ss).wait()
        pltpu.make_async_copy(table.at[idx_d.at[pl.ds(0, n_rows)]],
                              rd.at[pl.ds(0, n_rows)], sd).wait()

    def compute(b, ngroups, lv):
        rs, rd, _, _ = bufs[b]

        def group_body(g, lv):
            @plsc.parallel_loop(0, _L, 1, unroll=2)
            def edge_body(e16):
                e = g * _L + e16
                acc = zeros
                for j in range(_DD // (2 * _L)):
                    sv = plsc.bitcast(rs[e, pl.ds(j * _L, _L)], jnp.bfloat16)
                    dv = plsc.bitcast(rd[e, pl.ds(j * _L, _L)], jnp.bfloat16)
                    pa, pb = plsc.unpack(
                        sv * dv, format=plsc.PackFormat.INTERLEAVED,
                        preferred_element_type=jnp.float32)
                    prod = pa + pb
                    if j < _D // (2 * _L):
                        acc = acc + prod
                    else:
                        acc = acc - prod
                pmat[e16, :] = acc
            diff = zeros
            for c in range(_L):
                diff = diff + plsc.load_gather(
                    pmat, [iota, jnp.full((_L,), c, jnp.int32)])
            return lv + diff * diff

        return lax.fori_loop(0, ngroups, group_body, lv)

    start(0, 0, _CHUNK)
    start(1, 1, _CHUNK)

    def triple_body(i, lv):
        for u in range(3):
            c = 3 * i + u

            @pl.when(c + 2 < nfull)
            def _():
                start(c + 2, (u + 2) % 3, _CHUNK)
            wait(u, _CHUNK)
            lv = compute(u, _CHUNK // _L, lv)
        return lv

    loss_vec = lax.fori_loop(0, nfull // 3, triple_body, zeros)

    start(nfull, nfull % 3, tail)
    izeros = jnp.zeros((_L,), jnp.int32)
    rs_t, rd_t, _, _ = bufs[nfull % 3]
    for r in range(tail, _L):
        for k in range(_DD // (2 * _L)):
            rs_t[r, pl.ds(k * _L, _L)] = izeros
            rd_t[r, pl.ds(k * _L, _L)] = izeros
    wait(nfull % 3, tail)
    loss_vec = compute(nfull % 3, 1, loss_vec)

    out_v[...] = loss_vec * (1.0 / num_edges)
    pltpu.sync_copy(out_v, outh.at[wid])


def _edge_loss(table, edges):
    num_edges = edges.shape[0] // 2
    info = plsc.get_sparse_core_info()
    nw = info.num_cores * info.num_subcores
    epw = num_edges // nw
    mesh = plsc.VectorSubcoreMesh(core_axis_name="c", subcore_axis_name="s")
    fn = pl.kernel(
        functools.partial(_edge_loss_body, num_edges),
        out_type=jax.ShapeDtypeStruct((nw, _L), jnp.float32),
        mesh=mesh,
        compiler_params=pltpu.CompilerParams(needs_layout_passes=False, use_tc_tiling_on_sc=False),
        scratch_types=[
            pltpu.VMEM((epw,), jnp.int32),
            pltpu.VMEM((epw,), jnp.int32),
            pltpu.VMEM((_CHUNK, _DD // 2), jnp.int32),
            pltpu.VMEM((_CHUNK, _DD // 2), jnp.int32),
            pltpu.VMEM((_CHUNK, _DD // 2), jnp.int32),
            pltpu.VMEM((_CHUNK, _DD // 2), jnp.int32),
            pltpu.VMEM((_CHUNK, _DD // 2), jnp.int32),
            pltpu.VMEM((_CHUNK, _DD // 2), jnp.int32),
            pltpu.VMEM((_L, _L), jnp.float32),
            pltpu.VMEM((_L,), jnp.float32),
            pltpu.SemaphoreType.DMA,
            pltpu.SemaphoreType.DMA,
            pltpu.SemaphoreType.DMA,
            pltpu.SemaphoreType.DMA,
            pltpu.SemaphoreType.DMA,
            pltpu.SemaphoreType.DMA,
        ],
    )
    return fn(table, edges)


def kernel(student_out, teacher_out, edge_index):
    table = _build_table(student_out, teacher_out)
    partials = _edge_loss(table, edge_index.reshape(-1))
    return jnp.sum(partials)

# --- scband reference (transcript-rebuilt; emitter-appended) ---
"""Pipeline reference for scband-simple-topology-loss-82325933130439 (READ-ONLY COPY).

The authoritative reference and input builder live on the scoring server;
editing this copy changes nothing except your own understanding.
"""

import jax, jax.numpy as jnp
import numpy as np

TEMPERATURE = 0.5
MAX_SAMPLES = 160000


def _softmax_l2(x):
    p = jax.nn.softmax(x / TEMPERATURE, axis=1)
    norm = jnp.sqrt(jnp.sum(p * p, axis=1, keepdims=True))
    return p / jnp.maximum(norm, 1e-12)


def setup_inputs(seed: int = 0) -> dict:
    key = jax.random.key(seed)
    k1, k2, k3 = jax.random.split(key, 3)
    student_out = jax.random.normal(k1, (10000, 256), dtype=jnp.float32)
    teacher_out = jax.random.normal(k2, (10000, 256), dtype=jnp.float32)
    edge_index = jax.random.randint(k3, (2, 160000), 0, 10000, dtype=jnp.int32)
    return {"student_out": student_out, "teacher_out": teacher_out, "edge_index": edge_index}


def reference(student_out, teacher_out, edge_index):
    src = edge_index[0]
    dst = edge_index[1]
    # num_edges (160000) <= max_samples (160000): no subsampling branch taken
    student_feat = _softmax_l2(student_out)
    teacher_feat = _softmax_l2(teacher_out)
    student_sim = jnp.sum(jnp.take(student_feat, src, axis=0) * jnp.take(student_feat, dst, axis=0), axis=1)
    teacher_sim = jnp.sum(jnp.take(teacher_feat, src, axis=0) * jnp.take(teacher_feat, dst, axis=0), axis=1)
    teacher_sim = jax.lax.stop_gradient(teacher_sim)
    loss = jnp.mean((student_sim - teacher_sim) ** 2)
    return loss

if __name__ == "__main__":
    import jax
    _d = setup_inputs()
    print(jax.jit(kernel)(*tuple(_d.values())))

</pallas_src>

<mosaic_0001>
#map = affine_map<(d0, d1) -> (0, 0)>
#map1 = affine_map<(d0, d1) -> (0)>
module attributes {stable_mosaic.version = 14 : i64} {
  func.func @_edge_loss_body(%arg0: i32, %arg1: i32, %arg2: memref<10000x256xi32, #tpu.memory_space<hbm>>, %arg3: memref<320000xi32, #tpu.memory_space<hbm>>, %arg4: memref<32x16xf32, #tpu.memory_space<hbm>>, %arg5: memref<5000xi32, #tpu.memory_space<vmem>>, %arg6: memref<5000xi32, #tpu.memory_space<vmem>>, %arg7: memref<64x256xi32, #tpu.memory_space<vmem>>, %arg8: memref<64x256xi32, #tpu.memory_space<vmem>>, %arg9: memref<64x256xi32, #tpu.memory_space<vmem>>, %arg10: memref<64x256xi32, #tpu.memory_space<vmem>>, %arg11: memref<64x256xi32, #tpu.memory_space<vmem>>, %arg12: memref<64x256xi32, #tpu.memory_space<vmem>>, %arg13: memref<16x16xf32, #tpu.memory_space<vmem>>, %arg14: memref<16xf32, #tpu.memory_space<vmem>>, %arg15: memref<!tpu.dma_semaphore, #tpu.memory_space<semaphore_mem>>, %arg16: memref<!tpu.dma_semaphore, #tpu.memory_space<semaphore_mem>>, %arg17: memref<!tpu.dma_semaphore, #tpu.memory_space<semaphore_mem>>, %arg18: memref<!tpu.dma_semaphore, #tpu.memory_space<semaphore_mem>>, %arg19: memref<!tpu.dma_semaphore, #tpu.memory_space<semaphore_mem>>, %arg20: memref<!tpu.dma_semaphore, #tpu.memory_space<semaphore_mem>>) attributes {dimension_semantics = [#tpu.dimension_semantics<core_parallel>, #tpu.dimension_semantics<subcore_parallel>], iteration_bounds = array<i64: 2, 16>, scalar_prefetch = 0 : i64, scratch_operands = 16 : i64, tpu.core_type = #tpu.core_type<sc_vector_subcore>, window_params = [{transform_indices = #map}, {transform_indices = #map1}, {transform_indices = #map}]} {
    %mul3A = arith.constant 2 : i32
    %mul3A_0 = arith.muli %arg1, %mul3A : i32
    %add3A = arith.addi %mul3A_0, %arg0 : i32
    %mul3A_1 = arith.constant 5000 : i32
    %mul3A_2 = arith.muli %add3A, %mul3A_1 : i32
    %broadcast_in_dim3A = arith.constant 0.000000e+00 : f32
    %broadcast_in_dim3A_3 = vector.broadcast %broadcast_in_dim3A : f32 to vector<16xf32>
    %iota3A = tpu.iota {dimensions = array<i32: 0>} : vector<16xi32>
    "tpu.region"() ({
      %run_scoped3A = tpu.sem_alloc : memref<!tpu.dma_semaphore, #tpu.memory_space<semaphore_mem>>
      %dma_start3A_1172 = tpu.memref_slice %arg3[%mul3A_2] : memref<320000xi32, #tpu.memory_space<hbm>> -> memref<5000xi32, #tpu.memory_space<hbm>>
      %dma_start3A_1173 = tpu.memref_slice %arg3[%mul3A_2] : memref<320000xi32, #tpu.memory_space<hbm>> -> memref<5000xi32, #tpu.memory_space<hbm>>
      tpu.enqueue_dma source(%dma_start3A_1173 : memref<5000xi32, #tpu.memory_space<hbm>>) target(%arg5 : memref<5000xi32, #tpu.memory_space<vmem>>) target_semaphore(%run_scoped3A : memref<!tpu.dma_semaphore, #tpu.memory_space<semaphore_mem>>)
      %dma_wait3A_1174 = tpu.memref_slice %arg3[%mul3A_2] : memref<320000xi32, #tpu.memory_space<hbm>> -> memref<5000xi32, #tpu.memory_space<hbm>>
      %dma_wait3A_1175 = tpu.memref_slice %arg3[%mul3A_2] : memref<320000xi32, #tpu.memory_space<hbm>> -> memref<5000xi32, #tpu.memory_space<hbm>>
      tpu.wait_dma2 semaphore(%run_scoped3A : memref<!tpu.dma_semaphore, #tpu.memory_space<semaphore_mem>>) src(%dma_wait3A_1175 : memref<5000xi32, #tpu.memory_space<hbm>>) dst(%arg5 : memref<5000xi32, #tpu.memory_space<vmem>>)
      tpu.yield
    }) : () -> ()
    %add3A_4 = arith.constant 160000 : i32
    %add3A_5 = arith.addi %add3A_4, %mul3A_2 : i32
    "tpu.region"() ({
      %run_scoped3A = tpu.sem_alloc : memref<!tpu.dma_semaphore, #tpu.memory_space<semaphore_mem>>
      %dma_start3A_1172 = tpu.memref_slice %arg3[%add3A_5] : memref<320000xi32, #tpu.memory_space<hbm>> -> memref<5000xi32, #tpu.memory_space<hbm>>
      %dma_start3A_1173 = tpu.memref_slice %arg3[%add3A_5] : memref<320000xi32, #tpu.memory_space<hbm>> -> memref<5000xi32, #tpu.memory_space<hbm>>
      tpu.enqueue_dma source(%dma_start3A_1173 : memref<5000xi32, #tpu.memory_space<hbm>>) target(%arg6 : memref<5000xi32, #tpu.memory_space<vmem>>) target_semaphore(%run_scoped3A : memref<!tpu.dma_semaphore, #tpu.memory_space<semaphore_mem>>)
      %dma_wait3A_1174 = tpu.memref_slice %arg3[%add3A_5] : memref<320000xi32, #tpu.memory_space<hbm>> -> memref<5000xi32, #tpu.memory_space<hbm>>
      %dma_wait3A_1175 = tpu.memref_slice %arg3[%add3A_5] : memref<320000xi32, #tpu.memory_space<hbm>> -> memref<5000xi32, #tpu.memory_space<hbm>>
      tpu.wait_dma2 semaphore(%run_scoped3A : memref<!tpu.dma_semaphore, #tpu.memory_space<semaphore_mem>>) src(%dma_wait3A_1175 : memref<5000xi32, #tpu.memory_space<hbm>>) dst(%arg6 : memref<5000xi32, #tpu.memory_space<vmem>>)
      tpu.yield
    }) : () -> ()
    %dma_start3A = arith.constant 0 : i32
    %dma_start3A_6 = arith.constant 0 : i32
    %dma_start3A_7 = tpu.memref_slice %arg7[%dma_start3A, %dma_start3A_6] : memref<64x256xi32, #tpu.memory_space<vmem>> -> memref<64x256xi32, #tpu.memory_space<vmem>>
    %dma_start3A_8 = arith.constant 0 : i32
    %dma_start3A_9 = tpu.memref_slice %arg5[%dma_start3A_8] : memref<5000xi32, #tpu.memory_space<vmem>> -> memref<64xi32, #tpu.memory_space<vmem>>
    %dma_start3A_10 = arith.constant 0 : i32
    %dma_start3A_11 = arith.constant 0 : i32
    %dma_start3A_12 = tpu.memref_slice %arg2[%dma_start3A_10, %dma_start3A_11] : memref<10000x256xi32, #tpu.memory_space<hbm>> -> memref<10000x256xi32, #tpu.memory_space<hbm>>
    tpu.enqueue_indirect_dma source(%dma_start3A_12 : memref<10000x256xi32, #tpu.memory_space<hbm>>) target(%dma_start3A_7 : memref<64x256xi32, #tpu.memory_space<vmem>>) offsets(%dma_start3A_9 : memref<64xi32, #tpu.memory_space<vmem>>) semaphore(%arg15 : memref<!tpu.dma_semaphore, #tpu.memory_space<semaphore_mem>>)
    %dma_start3A_13 = arith.constant 0 : i32
    %dma_start3A_14 = arith.constant 0 : i32
    %dma_start3A_15 = tpu.memref_slice %arg8[%dma_start3A_13, %dma_start3A_14] : memref<64x256xi32, #tpu.memory_space<vmem>> -> memref<64x256xi32, #tpu.memory_space<vmem>>
    %dma_start3A_16 = arith.constant 0 : i32
    %dma_start3A_17 = tpu.memref_slice %arg6[%dma_start3A_16] : memref<5000xi32, #tpu.memory_space<vmem>> -> memref<64xi32, #tpu.memory_space<vmem>>
    %dma_start3A_18 = arith.constant 0 : i32
    %dma_start3A_19 = arith.constant 0 : i32
    %dma_start3A_20 = tpu.memref_slice %arg2[%dma_start3A_18, %dma_start3A_19] : memref<10000x256xi32, #tpu.memory_space<hbm>> -> memref<10000x256xi32, #tpu.memory_space<hbm>>
    tpu.enqueue_indirect_dma source(%dma_start3A_20 : memref<10000x256xi32, #tpu.memory_space<hbm>>) target(%dma_start3A_15 : memref<64x256xi32, #tpu.memory_space<vmem>>) offsets(%dma_start3A_17 : memref<64xi32, #tpu.memory_space<vmem>>) semaphore(%arg16 : memref<!tpu.dma_semaphore, #tpu.memory_space<semaphore_mem>>)
    %dma_start3A_21 = arith.constant 0 : i32
    %dma_start3A_22 = arith.constant 0 : i32
    %dma_start3A_23 = tpu.memref_slice %arg9[%dma_start3A_21, %dma_start3A_22] : memref<64x256xi32, #tpu.memory_space<vmem>> -> memref<64x256xi32, #tpu.memory_space<vmem>>
    %dma_start3A_24 = arith.constant 64 : i32
    %dma_start3A_25 = tpu.memref_slice %arg5[%dma_start3A_24] : memref<5000xi32, #tpu.memory_space<vmem>> -> memref<64xi32, #tpu.memory_space<vmem>>
    %dma_start3A_26 = arith.constant 0 : i32
    %dma_start3A_27 = arith.constant 0 : i32
    %dma_start3A_28 = tpu.memref_slice %arg2[%dma_start3A_26, %dma_start3A_27] : memref<10000x256xi32, #tpu.memory_space<hbm>> -> memref<10000x256xi32, #tpu.memory_space<hbm>>
    tpu.enqueue_indirect_dma source(%dma_start3A_28 : memref<10000x256xi32, #tpu.memory_space<hbm>>) target(%dma_start3A_23 : memref<64x256xi32, #tpu.memory_space<vmem>>) offsets(%dma_start3A_25 : memref<64xi32, #tpu.memory_space<vmem>>) semaphore(%arg17 : memref<!tpu.dma_semaphore, #tpu.memory_space<semaphore_mem>>)
    %dma_start3A_29 = arith.constant 0 : i32
    %dma_start3A_30 = arith.constant 0 : i32
    %dma_start3A_31 = tpu.memref_slice %arg10[%dma_start3A_29, %dma_start3A_30] : memref<64x256xi32, #tpu.memory_space<vmem>> -> memref<64x256xi32, #tpu.memory_space<vmem>>
    %dma_start3A_32 = arith.constant 64 : i32
    %dma_start3A_33 = tpu.memref_slice %arg6[%dma_start3A_32] : memref<5000xi32, #tpu.memory_space<vmem>> -> memref<64xi32, #tpu.memory_space<vmem>>
    %dma_start3A_34 = arith.constant 0 : i32
    %dma_start3A_35 = arith.constant 0 : i32
    %dma_start3A_36 = tpu.memref_slice %arg2[%dma_start3A_34, %dma_start3A_35] : memref<10000x256xi32, #tpu.memory_space<hbm>> -> memref<10000x256xi32, #tpu.memory_space<hbm>>
    tpu.enqueue_indirect_dma source(%dma_start3A_36 : memref<10000x256xi32, #tpu.memory_space<hbm>>) target(%dma_start3A_31 : memref<64x256xi32, #tpu.memory_space<vmem>>) offsets(%dma_start3A_33 : memref<64xi32, #tpu.memory_space<vmem>>) semaphore(%arg18 : memref<!tpu.dma_semaphore, #tpu.memory_space<semaphore_mem>>)
    %scan3A = arith.constant 0 : i32
    %scan3A_37 = arith.constant 26 : i32
    %scan3A_38 = arith.addi %scan3A, %scan3A_37 : i32
    %scan3A_39 = arith.constant 1 : i32
    %scan3A_40 = scf.for %scan3A_1172 = %scan3A to %scan3A_38 step %scan3A_39 iter_args(%scan3A_1173 = %broadcast_in_dim3A_3) -> (vector<16xf32>)  : i32 {
      %mul3A_1174 = arith.constant 3 : i32
      %mul3A_1175 = arith.muli %mul3A_1174, %scan3A_1172 : i32
      %add3A_1176 = arith.constant 0 : i32
      %add3A_1177 = arith.addi %mul3A_1175, %add3A_1176 : i32
      %add3A_1178 = arith.constant 2 : i32
      %add3A_1179 = arith.addi %add3A_1177, %add3A_1178 : i32
      %lt3A = arith.constant 78 : i32
      %lt3A_1180 = arith.cmpi slt, %add3A_1179, %lt3A : i32
      %convert_element_type3A = arith.extui %lt3A_1180 : i1 to i32
      %cond3A = arith.constant 0 : i32
      %cond3A_1181 = arith.cmpi ne, %convert_element_type3A, %cond3A : i32
      scf.if %cond3A_1181 {
        %add3A_1270 = arith.constant 2 : i32
        %add3A_1271 = arith.addi %add3A_1177, %add3A_1270 : i32
        %mul3A_1272 = arith.constant 64 : i32
        %mul3A_1273 = arith.muli %add3A_1271, %mul3A_1272 : i32
        %dma_start3A_1274 = arith.constant 0 : i32
        %dma_start3A_1275 = arith.constant 0 : i32
        %dma_start3A_1276 = tpu.memref_slice %arg11[%dma_start3A_1274, %dma_start3A_1275] : memref<64x256xi32, #tpu.memory_space<vmem>> -> memref<64x256xi32, #tpu.memory_space<vmem>>
        %dma_start3A_1277 = tpu.memref_slice %arg5[%mul3A_1273] : memref<5000xi32, #tpu.memory_space<vmem>> -> memref<64xi32, #tpu.memory_space<vmem>>
        %dma_start3A_1278 = arith.constant 0 : i32
        %dma_start3A_1279 = arith.constant 0 : i32
        %dma_start3A_1280 = tpu.memref_slice %arg2[%dma_start3A_1278, %dma_start3A_1279] : memref<10000x256xi32, #tpu.memory_space<hbm>> -> memref<10000x256xi32, #tpu.memory_space<hbm>>
        tpu.enqueue_indirect_dma source(%dma_start3A_1280 : memref<10000x256xi32, #tpu.memory_space<hbm>>) target(%dma_start3A_1276 : memref<64x256xi32, #tpu.memory_space<vmem>>) offsets(%dma_start3A_1277 : memref<64xi32, #tpu.memory_space<vmem>>) semaphore(%arg19 : memref<!tpu.dma_semaphore, #tpu.memory_space<semaphore_mem>>)
        %mul3A_1281 = arith.constant 64 : i32
        %mul3A_1282 = arith.muli %add3A_1271, %mul3A_1281 : i32
        %dma_start3A_1283 = arith.constant 0 : i32
        %dma_start3A_1284 = arith.constant 0 : i32
        %dma_start3A_1285 = tpu.memref_slice %arg12[%dma_start3A_1283, %dma_start3A_1284] : memref<64x256xi32, #tpu.memory_space<vmem>> -> memref<64x256xi32, #tpu.memory_space<vmem>>
        %dma_start3A_1286 = tpu.memref_slice %arg6[%mul3A_1282] : memref<5000xi32, #tpu.memory_space<vmem>> -> memref<64xi32, #tpu.memory_space<vmem>>
        %dma_start3A_1287 = arith.constant 0 : i32
        %dma_start3A_1288 = arith.constant 0 : i32
        %dma_start3A_1289 = tpu.memref_slice %arg2[%dma_start3A_1287, %dma_start3A_1288] : memref<10000x256xi32, #tpu.memory_space<hbm>> -> memref<10000x256xi32, #tpu.memory_space<hbm>>
        tpu.enqueue_indirect_dma source(%dma_start3A_1289 : memref<10000x256xi32, #tpu.memory_space<hbm>>) target(%dma_start3A_1285 : memref<64x256xi32, #tpu.memory_space<vmem>>) offsets(%dma_start3A_1286 : memref<64xi32, #tpu.memory_space<vmem>>) semaphore(%arg20 : memref<!tpu.dma_semaphore, #tpu.memory_space<semaphore_mem>>)
      } else {
      }
      %dma_wait3A_1182 = arith.constant 0 : i32
      %dma_wait3A_1183 = arith.constant 0 : i32
      %dma_wait3A_1184 = tpu.memref_slice %arg7[%dma_wait3A_1182, %dma_wait3A_1183] : memref<64x256xi32, #tpu.memory_space<vmem>> -> memref<64x256xi32, #tpu.memory_space<vmem>>
      %dma_wait3A_1185 = arith.constant 0 : i32
      %dma_wait3A_1186 = tpu.memref_slice %arg5[%dma_wait3A_1185] : memref<5000xi32, #tpu.memory_space<vmem>> -> memref<64xi32, #tpu.memory_space<vmem>>
      %dma_wait3A_1187 = arith.constant 0 : i32
      %dma_wait3A_1188 = arith.constant 0 : i32
      %dma_wait3A_1189 = tpu.memref_slice %arg2[%dma_wait3A_1187, %dma_wait3A_1188] : memref<10000x256xi32, #tpu.memory_space<hbm>> -> memref<10000x256xi32, #tpu.memory_space<hbm>>
      tpu.wait_indirect_dma semaphore(%arg15 : memref<!tpu.dma_semaphore, #tpu.memory_space<semaphore_mem>>) src(%dma_wait3A_1189 : memref<10000x256xi32, #tpu.memory_space<hbm>>) dst(%dma_wait3A_1184 : memref<64x256xi32, #tpu.memory_space<vmem>>)
      %dma_wait3A_1190 = arith.constant 0 : i32
      %dma_wait3A_1191 = arith.constant 0 : i32
      %dma_wait3A_1192 = tpu.memref_slice %arg8[%dma_wait3A_1190, %dma_wait3A_1191] : memref<64x256xi32, #tpu.memory_space<vmem>> -> memref<64x256xi32, #tpu.memory_space<vmem>>
      %dma_wait3A_1193 = arith.constant 0 : i32
      %dma_wait3A_1194 = tpu.memref_slice %arg6[%dma_wait3A_1193] : memref<5000xi32, #tpu.memory_space<vmem>> -> memref<64xi32, #tpu.memory_space<vmem>>
      %dma_wait3A_1195 = arith.constant 0 : i32
      %dma_wait3A_1196 = arith.constant 0 : i32
      %dma_wait3A_1197 = tpu.memref_slice %arg2[%dma_wait3A_1195, %dma_wait3A_1196] : memref<10000x256xi32, #tpu.memory_space<hbm>> -> memref<10000x256xi32, #tpu.memory_space<hbm>>
      tpu.wait_indirect_dma semaphore(%arg16 : memref<!tpu.dma_semaphore, #tpu.memory_space<semaphore_mem>>) src(%dma_wait3A_1197 : memref<10000x256xi32, #tpu.memory_space<hbm>>) dst(%dma_wait3A_1192 : memref<64x256xi32, #tpu.memory_space<vmem>>)
      %scan3A_1198 = arith.constant 0 : i32
      %scan3A_1199 = arith.constant 4 : i32
      %scan3A_1200 = arith.addi %scan3A_1198, %scan3A_1199 : i32
      %scan3A_1201 = arith.constant 1 : i32
      %scan3A_1202 = scf.for %scan3A_1270 = %scan3A_1198 to %scan3A_1200 step %scan3A_1201 iter_args(%scan3A_1271 = %scan3A_1173) -> (vector<16xf32>)  : i32 {
        %parallel_loop3A_1272 = arith.constant 0 : i32
        %parallel_loop3A_1273 = arith.constant 16 : i32
        %parallel_loop3A_1274 = arith.constant 1 : i32
        scf.for %parallel_loop3A_1341 = %parallel_loop3A_1272 to %parallel_loop3A_1273 step %parallel_loop3A_1274  : i32 {
          %parallel_loop3A_1342 = arith.constant 16 : i32
          %parallel_loop3A_1343 = arith.muli %scan3A_1270, %parallel_loop3A_1342 : i32
          %parallel_loop3A_1344 = arith.addi %parallel_loop3A_1343, %parallel_loop3A_1341 : i32
          %parallel_loop3A_1345 = arith.index_cast %parallel_loop3A_1344 : i32 to index
          %parallel_loop3A_1346 = arith.constant 0 : index
          %parallel_loop3A_1347 = tpu.vector_load %arg7[%parallel_loop3A_1345, %parallel_loop3A_1346] {strides = array<i32>} : memref<64x256xi32, #tpu.memory_space<vmem>>, vector<16xi32>,
          %parallel_loop3A_1348 = vector.bitcast %parallel_loop3A_1347 : vector<16xi32> to vector<32xbf16>
          %parallel_loop3A_1349 = arith.index_cast %parallel_loop3A_1344 : i32 to index
          %parallel_loop3A_1350 = arith.constant 0 : index
          %parallel_loop3A_1351 = tpu.vector_load %arg8[%parallel_loop3A_1349, %parallel_loop3A_1350] {strides = array<i32>} : memref<64x256xi32, #tpu.memory_space<vmem>>, vector<16xi32>,
          %parallel_loop3A_1352 = vector.bitcast %parallel_loop3A_1351 : vector<16xi32> to vector<32xbf16>
          %parallel_loop3A_1353 = arith.mulf %parallel_loop3A_1348, %parallel_loop3A_1352 : vector<32xbf16>
          %parallel_loop3A_1354 = tpu.unpack_subelements %parallel_loop3A_1353, 0 {pack_format = #tpu.pack_format<interleaved>} : vector<32xbf16> -> vector<16xf32>
          %parallel_loop3A_1355 = tpu.unpack_subelements %parallel_loop3A_1353, 1 {pack_format = #tpu.pack_format<interleaved>} : vector<32xbf16> -> vector<16xf32>
          %parallel_loop3A_1356 = arith.addf %parallel_loop3A_1354, %parallel_loop3A_1355 : vector<16xf32>
          %parallel_loop3A_1357 = arith.addf %broadcast_in_dim3A_3, %parallel_loop3A_1356 : vector<16xf32>
          %parallel_loop3A_1358 = arith.index_cast %parallel_loop3A_1344 : i32 to index
          %parallel_loop3A_1359 = arith.constant 16 : index
          %parallel_loop3A_1360 = tpu.vector_load %arg7[%parallel_loop3A_1358, %parallel_loop3A_1359] {strides = array<i32>} : memref<64x256xi32, #tpu.memory_space<vmem>>, vector<16xi32>,
          %parallel_loop3A_1361 = vector.bitcast %parallel_loop3A_1360 : vector<16xi32> to vector<32xbf16>
          %parallel_loop3A_1362 = arith.index_cast %parallel_loop3A_1344 : i32 to index
          %parallel_loop3A_1363 = arith.constant 16 : index
          %parallel_loop3A_1364 = tpu.vector_load %arg8[%parallel_loop3A_1362, %parallel_loop3A_1363] {strides = array<i32>} : memref<64x256xi32, #tpu.memory_space<vmem>>, vector<16xi32>,
          %parallel_loop3A_1365 = vector.bitcast %parallel_loop3A_1364 : vector<16xi32> to vector<32xbf16>
          %parallel_loop3A_1366 = arith.mulf %parallel_loop3A_1361, %parallel_loop3A_1365 : vector<32xbf16>
          %parallel_loop3A_1367 = tpu.unpack_subelements %parallel_loop3A_1366, 0 {pack_format = #tpu.pack_format<interleaved>} : vector<32xbf16> -> vector<16xf32>
          %parallel_loop3A_1368 = tpu.unpack_subelements %parallel_loop3A_1366, 1 {pack_format = #tpu.pack_format<interleaved>} : vector<32xbf16> -> vector<16xf32>
          %parallel_loop3A_1369 = arith.addf %parallel_loop3A_1367, %parallel_loop3A_1368 : vector<16xf32>
          %parallel_loop3A_1370 = arith.addf %parallel_loop3A_1357, %parallel_loop3A_1369 : vector<16xf32>
          %parallel_loop3A_1371 = arith.index_cast %parallel_loop3A_1344 : i32 to index
          %parallel_loop3A_1372 = arith.constant 32 : index
          %parallel_loop3A_1373 = tpu.vector_load %arg7[%parallel_loop3A_1371, %parallel_loop3A_1372] {strides = array<i32>} : memref<64x256xi32, #tpu.memory_space<vmem>>, vector<16xi32>,
          %parallel_loop3A_1374 = vector.bitcast %parallel_loop3A_1373 : vector<16xi32> to vector<32xbf16>
          %parallel_loop3A_1375 = arith.index_cast %parallel_loop3A_1344 : i32 to index
          %parallel_loop3A_1376 = arith.constant 32 : index
          %parallel_loop3A_1377 = tpu.vector_load %arg8[%parallel_loop3A_1375, %parallel_loop3A_1376] {strides = array<i32>} : memref<64x256xi32, #tpu.memory_space<vmem>>, vector<16xi32>,
          %parallel_loop3A_1378 = vector.bitcast %parallel_loop3A_1377 : vector<16xi32> to vector<32xbf16>
          %parallel_loop3A_1379 = arith.mulf %parallel_loop3A_1374, %parallel_loop3A_1378 : vector<32xbf16>
          %parallel_loop3A_1380 = tpu.unpack_subelements %parallel_loop3A_1379, 0 {pack_format = #tpu.pack_format<interleaved>} : vector<32xbf16> -> vector<16xf32>
          %parallel_loop3A_1381 = tpu.unpack_subelements %parallel_loop3A_1379, 1 {pack_format = #tpu.pack_format<interleaved>} : vector<32xbf16> -> vector<16xf32>
          %parallel_loop3A_1382 = arith.addf %parallel_loop3A_1380, %parallel_loop3A_1381 : vector<16xf32>
          %parallel_loop3A_1383 = arith.addf %parallel_loop3A_1370, %parallel_loop3A_1382 : vector<16xf32>
          %parallel_loop3A_1384 = arith.index_cast %parallel_loop3A_1344 : i32 to index
          %parallel_loop3A_1385 = arith.constant 48 : index
          %parallel_loop3A_1386 = tpu.vector_load %arg7[%parallel_loop3A_1384, %parallel_loop3A_1385] {strides = array<i32>} : memref<64x256xi32, #tpu.memory_space<vmem>>, vector<16xi32>,
          %parallel_loop3A_1387 = vector.bitcast %parallel_loop3A_1386 : vector<16xi32> to vector<32xbf16>
          %parallel_loop3A_1388 = arith.index_cast %parallel_loop3A_1344 : i32 to index
          %parallel_loop3A_1389 = arith.constant 48 : index
          %parallel_loop3A_1390 = tpu.vector_load %arg8[%parallel_loop3A_1388, %parallel_loop3A_1389] {strides = array<i32>} : memref<64x256xi32, #tpu.memory_space<vmem>>, vector<16xi32>,
          %parallel_loop3A_1391 = vector.bitcast %parallel_loop3A_1390 : vector<16xi32> to vector<32xbf16>
          %parallel_loop3A_1392 = arith.mulf %parallel_loop3A_1387, %parallel_loop3A_1391 : vector<32xbf16>
          %parallel_loop3A_1393 = tpu.unpack_subelements %parallel_loop3A_1392, 0 {pack_format = #tpu.pack_format<interleaved>} : vector<32xbf16> -> vector<16xf32>
          %parallel_loop3A_1394 = tpu.unpack_subelements %parallel_loop3A_1392, 1 {pack_format = #tpu.pack_format<interleaved>} : vector<32xbf16> -> vector<16xf32>
          %parallel_loop3A_1395 = arith.addf %parallel_loop3A_1393, %parallel_loop3A_1394 : vector<16xf32>
          %parallel_loop3A_1396 = arith.addf %parallel_loop3A_1383, %parallel_loop3A_1395 : vector<16xf32>
          %parallel_loop3A_1397 = arith.index_cast %parallel_loop3A_1344 : i32 to index
          %parallel_loop3A_1398 = arith.constant 64 : index
          %parallel_loop3A_1399 = tpu.vector_load %arg7[%parallel_loop3A_1397, %parallel_loop3A_1398] {strides = array<i32>} : memref<64x256xi32, #tpu.memory_space<vmem>>, vector<16xi32>,
          %parallel_loop3A_1400 = vector.bitcast %parallel_loop3A_1399 : vector<16xi32> to vector<32xbf16>
          %parallel_loop3A_1401 = arith.index_cast %parallel_loop3A_1344 : i32 to index
          %parallel_loop3A_1402 = arith.constant 64 : index
          %parallel_loop3A_1403 = tpu.vector_load %arg8[%parallel_loop3A_1401, %parallel_loop3A_1402] {strides = array<i32>} : memref<64x256xi32, #tpu.memory_space<vmem>>, vector<16xi32>,
          %parallel_loop3A_1404 = vector.bitcast %parallel_loop3A_1403 : vector<16xi32> to vector<32xbf16>
          %parallel_loop3A_1405 = arith.mulf %parallel_loop3A_1400, %parallel_loop3A_1404 : vector<32xbf16>
          %parallel_loop3A_1406 = tpu.unpack_subelements %parallel_loop3A_1405, 0 {pack_format = #tpu.pack_format<interleaved>} : vector<32xbf16> -> vector<16xf32>
          %parallel_loop3A_1407 = tpu.unpack_subelements %parallel_loop3A_1405, 1 {pack_format = #tpu.pack_format<interleaved>} : vector<32xbf16> -> vector<16xf32>
          %parallel_loop3A_1408 = arith.addf %parallel_loop3A_1406, %parallel_loop3A_1407 : vector<16xf32>
          %parallel_loop3A_1409 = arith.addf %parallel_loop3A_1396, %parallel_loop3A_1408 : vector<16xf32>
          %parallel_loop3A_1410 = arith.index_cast %parallel_loop3A_1344 : i32 to index
          %parallel_loop3A_1411 = arith.constant 80 : index
          %parallel_loop3A_1412 = tpu.vector_load %arg7[%parallel_loop3A_1410, %parallel_loop3A_1411] {strides = array<i32>} : memref<64x256xi32, #tpu.memory_space<vmem>>, vector<16xi32>,
          %parallel_loop3A_1413 = vector.bitcast %parallel_loop3A_1412 : vector<16xi32> to vector<32xbf16>
          %parallel_loop3A_1414 = arith.index_cast %parallel_loop3A_1344 : i32 to index
          %parallel_loop3A_1415 = arith.constant 80 : index
          %parallel_loop3A_1416 = tpu.vector_load %arg8[%parallel_loop3A_1414, %parallel_loop3A_1415] {strides = array<i32>} : memref<64x256xi32, #tpu.memory_space<vmem>>, vector<16xi32>,
          %parallel_loop3A_1417 = vector.bitcast %parallel_loop3A_1416 : vector<16xi32> to vector<32xbf16>
          %parallel_loop3A_1418 = arith.mulf %parallel_loop3A_1413, %parallel_loop3A_1417 : vector<32xbf16>
          %parallel_loop3A_1419 = tpu.unpack_subelements %parallel_loop3A_1418, 0 {pack_format = #tpu.pack_format<interleaved>} : vector<32xbf16> -> vector<16xf32>
          %parallel_loop3A_1420 = tpu.unpack_subelements %parallel_loop3A_1418, 1 {pack_format = #tpu.pack_format<interleaved>} : vector<32xbf16> -> vector<16xf32>
          %parallel_loop3A_1421 = arith.addf %parallel_loop3A_1419, %parallel_loop3A_1420 : vector<16xf32>
          %parallel_loop3A_1422 = arith.addf %parallel_loop3A_1409, %parallel_loop3A_1421 : vector<16xf32>
          %parallel_loop3A_1423 = arith.index_cast %parallel_loop3A_1344 : i32 to index
          %parallel_loop3A_1424 = arith.constant 96 : index
          %parallel_loop3A_1425 = tpu.vector_load %arg7[%parallel_loop3A_1423, %parallel_loop3A_1424] {strides = array<i32>} : memref<64x256xi32, #tpu.memory_space<vmem>>, vector<16xi32>,
          %parallel_loop3A_1426 = vector.bitcast %parallel_loop3A_1425 : vector<16xi32> to vector<32xbf16>
          %parallel_loop3A_1427 = arith.index_cast %parallel_loop3A_1344 : i32 to index
          %parallel_loop3A_1428 = arith.constant 96 : index
          %parallel_loop3A_1429 = tpu.vector_load %arg8[%parallel_loop3A_1427, %parallel_loop3A_1428] {strides = array<i32>} : memref<64x256xi32, #tpu.memory_space<vmem>>, vector<16xi32>,
          %parallel_loop3A_1430 = vector.bitcast %parallel_loop3A_1429 : vector<16xi32> to vector<32xbf16>
          %parallel_loop3A_1431 = arith.mulf %parallel_loop3A_1426, %parallel_loop3A_1430 : vector<32xbf16>
          %parallel_loop3A_1432 = tpu.unpack_subelements %parallel_loop3A_1431, 0 {pack_format = #tpu.pack_format<interleaved>} : vector<32xbf16> -> vector<16xf32>
          %parallel_loop3A_1433 = tpu.unpack_subelements %parallel_loop3A_1431, 1 {pack_format = #tpu.pack_format<interleaved>} : vector<32xbf16> -> vector<16xf32>
          %parallel_loop3A_1434 = arith.addf %parallel_loop3A_1432, %parallel_loop3A_1433 : vector<16xf32>
          %parallel_loop3A_1435 = arith.addf %parallel_loop3A_1422, %parallel_loop3A_1434 : vector<16xf32>
          %parallel_loop3A_1436 = arith.index_cast %parallel_loop3A_1344 : i32 to index
          %parallel_loop3A_1437 = arith.constant 112 : index
          %parallel_loop3A_1438 = tpu.vector_load %arg7[%parallel_loop3A_1436, %parallel_loop3A_1437] {strides = array<i32>} : memref<64x256xi32, #tpu.memory_space<vmem>>, vector<16xi32>,
          %parallel_loop3A_1439 = vector.bitcast %parallel_loop3A_1438 : vector<16xi32> to vector<32xbf16>
          %parallel_loop3A_1440 = arith.index_cast %parallel_loop3A_1344 : i32 to index
          %parallel_loop3A_1441 = arith.constant 112 : index
          %parallel_loop3A_1442 = tpu.vector_load %arg8[%parallel_loop3A_1440, %parallel_loop3A_1441] {strides = array<i32>} : memref<64x256xi32, #tpu.memory_space<vmem>>, vector<16xi32>,
          %parallel_loop3A_1443 = vector.bitcast %parallel_loop3A_1442 : vector<16xi32> to vector<32xbf16>
          %parallel_loop3A_1444 = arith.mulf %parallel_loop3A_1439, %parallel_loop3A_1443 : vector<32xbf16>
          %parallel_loop3A_1445 = tpu.unpack_subelements %parallel_loop3A_1444, 0 {pack_format = #tpu.pack_format<interleaved>} : vector<32xbf16> -> vector<16xf32>
          %parallel_loop3A_1446 = tpu.unpack_subelements %parallel_loop3A_1444, 1 {pack_format = #tpu.pack_format<interleaved>} : vector<32xbf16> -> vector<16xf32>
          %parallel_loop3A_1447 = arith.addf %parallel_loop3A_1445, %parallel_loop3A_1446 : vector<16xf32>
          %parallel_loop3A_1448 = arith.addf %parallel_loop3A_1435, %parallel_loop3A_1447 : vector<16xf32>
          %parallel_loop3A_1449 = arith.index_cast %parallel_loop3A_1344 : i32 to index
          %parallel_loop3A_1450 = arith.constant 128 : index
          %parallel_loop3A_1451 = tpu.vector_load %arg7[%parallel_loop3A_1449, %parallel_loop3A_1450] {strides = array<i32>} : memref<64x256xi32, #tpu.memory_space<vmem>>, vector<16xi32>,
          %parallel_loop3A_1452 = vector.bitcast %parallel_loop3A_1451 : vector<16xi32> to vector<32xbf16>
          %parallel_loop3A_1453 = arith.index_cast %parallel_loop3A_1344 : i32 to index
          %parallel_loop3A_1454 = arith.constant 128 : index
          %parallel_loop3A_1455 = tpu.vector_load %arg8[%parallel_loop3A_1453, %parallel_loop3A_1454] {strides = array<i32>} : memref<64x256xi32, #tpu.memory_space<vmem>>, vector<16xi32>,
          %parallel_loop3A_1456 = vector.bitcast %parallel_loop3A_1455 : vector<16xi32> to vector<32xbf16>
          %parallel_loop3A_1457 = arith.mulf %parallel_loop3A_1452, %parallel_loop3A_1456 : vector<32xbf16>
          %parallel_loop3A_1458 = tpu.unpack_subelements %parallel_loop3A_1457, 0 {pack_format = #tpu.pack_format<interleaved>} : vector<32xbf16> -> vector<16xf32>
          %parallel_loop3A_1459 = tpu.unpack_subelements %parallel_loop3A_1457, 1 {pack_format = #tpu.pack_format<interleaved>} : vector<32xbf16> -> vector<16xf32>
          %parallel_loop3A_1460 = arith.addf %parallel_loop3A_1458, %parallel_loop3A_1459 : vector<16xf32>
          %parallel_loop3A_1461 = arith.subf %parallel_loop3A_1448, %parallel_loop3A_1460 : vector<16xf32>
          %parallel_loop3A_1462 = arith.index_cast %parallel_loop3A_1344 : i32 to index
          %parallel_loop3A_1463 = arith.constant 144 : index
          %parallel_loop3A_1464 = tpu.vector_load %arg7[%parallel_loop3A_1462, %parallel_loop3A_1463] {strides = array<i32>} : memref<64x256xi32, #tpu.memory_space<vmem>>, vector<16xi32>,
          %parallel_loop3A_1465 = vector.bitcast %parallel_loop3A_1464 : vector<16xi32> to vector<32xbf16>
          %parallel_loop3A_1466 = arith.index_cast %parallel_loop3A_1344 : i32 to index
          %parallel_loop3A_1467 = arith.constant 144 : index
          %parallel_loop3A_1468 = tpu.vector_load %arg8[%parallel_loop3A_1466, %parallel_loop3A_1467] {strides = array<i32>} : memref<64x256xi32, #tpu.memory_space<vmem>>, vector<16xi32>,
          %parallel_loop3A_1469 = vector.bitcast %parallel_loop3A_1468 : vector<16xi32> to vector<32xbf16>
          %parallel_loop3A_1470 = arith.mulf %parallel_loop3A_1465, %parallel_loop3A_1469 : vector<32xbf16>
          %parallel_loop3A_1471 = tpu.unpack_subelements %parallel_loop3A_1470, 0 {pack_format = #tpu.pack_format<interleaved>} : vector<32xbf16> -> vector<16xf32>
          %parallel_loop3A_1472 = tpu.unpack_subelements %parallel_loop3A_1470, 1 {pack_format = #tpu.pack_format<interleaved>} : vector<32xbf16> -> vector<16xf32>
          %parallel_loop3A_1473 = arith.addf %parallel_loop3A_1471, %parallel_loop3A_1472 : vector<16xf32>
          %parallel_loop3A_1474 = arith.subf %parallel_loop3A_1461, %parallel_loop3A_1473 : vector<16xf32>
          %parallel_loop3A_1475 = arith.index_cast %parallel_loop3A_1344 : i32 to index
          %parallel_loop3A_1476 = arith.constant 160 : index
          %parallel_loop3A_1477 = tpu.vector_load %arg7[%parallel_loop3A_1475, %parallel_loop3A_1476] {strides = array<i32>} : memref<64x256xi32, #tpu.memory_space<vmem>>, vector<16xi32>,
          %parallel_loop3A_1478 = vector.bitcast %parallel_loop3A_1477 : vector<16xi32> to vector<32xbf16>
          %parallel_loop3A_1479 = arith.index_cast %parallel_loop3A_1344 : i32 to index
          %parallel_loop3A_1480 = arith.constant 160 : index
          %parallel_loop3A_1481 = tpu.vector_load %arg8[%parallel_loop3A_1479, %parallel_loop3A_1480] {strides = array<i32>} : memref<64x256xi32, #tpu.memory_space<vmem>>, vector<16xi32>,
          %parallel_loop3A_1482 = vector.bitcast %parallel_loop3A_1481 : vector<16xi32> to vector<32xbf16>
          %parallel_loop3A_1483 = arith.mulf %parallel_loop3A_1478, %parallel_loop3A_1482 : vector<32xbf16>
          %parallel_loop3A_1484 = tpu.unpack_subelements %parallel_loop3A_1483, 0 {pack_format = #tpu.pack_format<interleaved>} : vector<32xbf16> -> vector<16xf32>
          %parallel_loop3A_1485 = tpu.unpack_subelements %parallel_loop3A_1483, 1 {pack_format = #tpu.pack_format<interleaved>} : vector<32xbf16> -> vector<16xf32>
          %parallel_loop3A_1486 = arith.addf %parallel_loop3A_1484, %parallel_loop3A_1485 : vector<16xf32>
          %parallel_loop3A_1487 = arith.subf %parallel_loop3A_1474, %parallel_loop3A_1486 : vector<16xf32>
          %parallel_loop3A_1488 = arith.index_cast %parallel_loop3A_1344 : i32 to index
          %parallel_loop3A_1489 = arith.constant 176 : index
          %parallel_loop3A_1490 = tpu.vector_load %arg7[%parallel_loop3A_1488, %parallel_loop3A_1489] {strides = array<i32>} : memref<64x256xi32, #tpu.memory_space<vmem>>, vector<16xi32>,
          %parallel_loop3A_1491 = vector.bitcast %parallel_loop3A_1490 : vector<16xi32> to vector<32xbf16>
          %parallel_loop3A_1492 = arith.index_cast %parallel_loop3A_1344 : i32 to index
          %parallel_loop3A_1493 = arith.constant 176 : index
          %parallel_loop3A_1494 = tpu.vector_load %arg8[%parallel_loop3A_1492, %parallel_loop3A_1493] {strides = array<i32>} : memref<64x256xi32, #tpu.memory_space<vmem>>, vector<16xi32>,
          %parallel_loop3A_1495 = vector.bitcast %parallel_loop3A_1494 : vector<16xi32> to vector<32xbf16>
          %parallel_loop3A_1496 = arith.mulf %parallel_loop3A_1491, %parallel_loop3A_1495 : vector<32xbf16>
          %parallel_loop3A_1497 = tpu.unpack_subelements %parallel_loop3A_1496, 0 {pack_format = #tpu.pack_format<interleaved>} : vector<32xbf16> -> vector<16xf32>
          %parallel_loop3A_1498 = tpu.unpack_subelements %parallel_loop3A_1496, 1 {pack_format = #tpu.pack_format<interleaved>} : vector<32xbf16> -> vector<16xf32>
          %parallel_loop3A_1499 = arith.addf %parallel_loop3A_1497, %parallel_loop3A_1498 : vector<16xf32>
          %parallel_loop3A_1500 = arith.subf %parallel_loop3A_1487, %parallel_loop3A_1499 : vector<16xf32>
          %parallel_loop3A_1501 = arith.index_cast %parallel_loop3A_1344 : i32 to index
          %parallel_loop3A_1502 = arith.constant 192 : index
          %parallel_loop3A_1503 = tpu.vector_load %arg7[%parallel_loop3A_1501, %parallel_loop3A_1502] {strides = array<i32>} : memref<64x256xi32, #tpu.memory_space<vmem>>, vector<16xi32>,
          %parallel_loop3A_1504 = vector.bitcast %parallel_loop3A_1503 : vector<16xi32> to vector<32xbf16>
          %parallel_loop3A_1505 = arith.index_cast %parallel_loop3A_1344 : i32 to index
          %parallel_loop3A_1506 = arith.constant 192 : index
          %parallel_loop3A_1507 = tpu.vector_load %arg8[%parallel_loop3A_1505, %parallel_loop3A_1506] {strides = array<i32>} : memref<64x256xi32, #tpu.memory_space<vmem>>, vector<16xi32>,
          %parallel_loop3A_1508 = vector.bitcast %parallel_loop3A_1507 : vector<16xi32> to vector<32xbf16>
          %parallel_loop3A_1509 = arith.mulf %parallel_loop3A_1504, %parallel_loop3A_1508 : vector<32xbf16>
          %parallel_loop3A_1510 = tpu.unpack_subelements %parallel_loop3A_1509, 0 {pack_format = #tpu.pack_format<interleaved>} : vector<32xbf16> -> vector<16xf32>
          %parallel_loop3A_1511 = tpu.unpack_subelements %parallel_loop3A_1509, 1 {pack_format = #tpu.pack_format<interleaved>} : vector<32xbf16> -> vector<16xf32>
          %parallel_loop3A_1512 = arith.addf %parallel_loop3A_1510, %parallel_loop3A_1511 : vector<16xf32>
          %parallel_loop3A_1513 = arith.subf %parallel_loop3A_1500, %parallel_loop3A_1512 : vector<16xf32>
          %parallel_loop3A_1514 = arith.index_cast %parallel_loop3A_1344 : i32 to index
          %parallel_loop3A_1515 = arith.constant 208 : index
          %parallel_loop3A_1516 = tpu.vector_load %arg7[%parallel_loop3A_1514, %parallel_loop3A_1515] {strides = array<i32>} : memref<64x256xi32, #tpu.memory_space<vmem>>, vector<16xi32>,
          %parallel_loop3A_1517 = vector.bitcast %parallel_loop3A_1516 : vector<16xi32> to vector<32xbf16>
          %parallel_loop3A_1518 = arith.index_cast %parallel_loop3A_1344 : i32 to index
          %parallel_loop3A_1519 = arith.constant 208 : index
          %parallel_loop3A_1520 = tpu.vector_load %arg8[%parallel_loop3A_1518, %parallel_loop3A_1519] {strides = array<i32>} : memref<64x256xi32, #tpu.memory_space<vmem>>, vector<16xi32>,
          %parallel_loop3A_1521 = vector.bitcast %parallel_loop3A_1520 : vector<16xi32> to vector<32xbf16>
          %parallel_loop3A_1522 = arith.mulf %parallel_loop3A_1517, %parallel_loop3A_1521 : vector<32xbf16>
          %parallel_loop3A_1523 = tpu.unpack_subelements %parallel_loop3A_1522, 0 {pack_format = #tpu.pack_format<interleaved>} : vector<32xbf16> -> vector<16xf32>
          %parallel_loop3A_1524 = tpu.unpack_subelements %parallel_loop3A_1522, 1 {pack_format = #tpu.pack_format<interleaved>} : vector<32xbf16> -> vector<16xf32>
          %parallel_loop3A_1525 = arith.addf %parallel_loop3A_1523, %parallel_loop3A_1524 : vector<16xf32>
          %parallel_loop3A_1526 = arith.subf %parallel_loop3A_1513, %parallel_loop3A_1525 : vector<16xf32>
          %parallel_loop3A_1527 = arith.index_cast %parallel_loop3A_1344 : i32 to index
          %parallel_loop3A_1528 = arith.constant 224 : index
          %parallel_loop3A_1529 = tpu.vector_load %arg7[%parallel_loop3A_1527, %parallel_loop3A_1528] {strides = array<i32>} : memref<64x256xi32, #tpu.memory_space<vmem>>, vector<16xi32>,
          %parallel_loop3A_1530 = vector.bitcast %parallel_loop3A_1529 : vector<16xi32> to vector<32xbf16>
          %parallel_loop3A_1531 = arith.index_cast %parallel_loop3A_1344 : i32 to index
          %parallel_loop3A_1532 = arith.constant 224 : index
          %parallel_loop3A_1533 = tpu.vector_load %arg8[%parallel_loop3A_1531, %parallel_loop3A_1532] {strides = array<i32>} : memref<64x256xi32, #tpu.memory_space<vmem>>, vector<16xi32>,
          %parallel_loop3A_1534 = vector.bitcast %parallel_loop3A_1533 : vector<16xi32> to vector<32xbf16>
          %parallel_loop3A_1535 = arith.mulf %parallel_loop3A_1530, %parallel_loop3A_1534 : vector<32xbf16>
          %parallel_loop3A_1536 = tpu.unpack_subelements %parallel_loop3A_1535, 0 {pack_format = #tpu.pack_format<interleaved>} : vector<32xbf16> -> vector<16xf32>
          %parallel_loop3A_1537 = tpu.unpack_subelements %parallel_loop3A_1535, 1 {pack_format = #tpu.pack_format<interleaved>} : vector<32xbf16> -> vector<16xf32>
          %parallel_loop3A_1538 = arith.addf %parallel_loop3A_1536, %parallel_loop3A_1537 : vector<16xf32>
          %parallel_loop3A_1539 = arith.subf %parallel_loop3A_1526, %parallel_loop3A_1538 : vector<16xf32>
          %parallel_loop3A_1540 = arith.index_cast %parallel_loop3A_1344 : i32 to index
          %parallel_loop3A_1541 = arith.constant 240 : index
          %parallel_loop3A_1542 = tpu.vector_load %arg7[%parallel_loop3A_1540, %parallel_loop3A_1541] {strides = array<i32>} : memref<64x256xi32, #tpu.memory_space<vmem>>, vector<16xi32>,
          %parallel_loop3A_1543 = vector.bitcast %parallel_loop3A_1542 : vector<16xi32> to vector<32xbf16>
          %parallel_loop3A_1544 = arith.index_cast %parallel_loop3A_1344 : i32 to index
          %parallel_loop3A_1545 = arith.constant 240 : index
          %parallel_loop3A_1546 = tpu.vector_load %arg8[%parallel_loop3A_1544, %parallel_loop3A_1545] {strides = array<i32>} : memref<64x256xi32, #tpu.memory_space<vmem>>, vector<16xi32>,
          %parallel_loop3A_1547 = vector.bitcast %parallel_loop3A_1546 : vector<16xi32> to vector<32xbf16>
          %parallel_loop3A_1548 = arith.mulf %parallel_loop3A_1543, %parallel_loop3A_1547 : vector<32xbf16>
          %parallel_loop3A_1549 = tpu.unpack_subelements %parallel_loop3A_1548, 0 {pack_format = #tpu.pack_format<interleaved>} : vector<32xbf16> -> vector<16xf32>
          %parallel_loop3A_1550 = tpu.unpack_subelements %parallel_loop3A_1548, 1 {pack_format = #tpu.pack_format<interleaved>} : vector<32xbf16> -> vector<16xf32>
          %parallel_loop3A_1551 = arith.addf %parallel_loop3A_1549, %parallel_loop3A_1550 : vector<16xf32>
          %parallel_loop3A_1552 = arith.subf %parallel_loop3A_1539, %parallel_loop3A_1551 : vector<16xf32>
          %parallel_loop3A_1553 = arith.index_cast %parallel_loop3A_1341 : i32 to index
          %parallel_loop3A_1554 = arith.constant 0 : index
          %parallel_loop3A_1555 = tpu.vector_load %arg13[%parallel_loop3A_1553, %parallel_loop3A_1554] {strides = array<i32>} : memref<16x16xf32, #tpu.memory_space<vmem>>, vector<16xf32>,
          tpu.vector_store %arg13[%parallel_loop3A_1553, %parallel_loop3A_1554], %parallel_loop3A_1552 {strides = array<i32>} : memref<16x16xf32, #tpu.memory_space<vmem>>, vector<16xf32>,
        } {sc.loop_unroll_factor = 2 : i64, sc.parallel_access}
        %broadcast_in_dim3A_1275 = arith.constant 0 : i32
        %broadcast_in_dim3A_1276 = vector.broadcast %broadcast_in_dim3A_1275 : i32 to vector<16xi32>
        %gather3A_1277 = tpu.vector_load_idx %arg13[%iota3A, %broadcast_in_dim3A_1276] : memref<16x16xf32, #tpu.memory_space<vmem>>[vector<16xi32>, vector<16xi32>], vector<16xf32>,
        %add3A_1278 = arith.addf %broadcast_in_dim3A_3, %gather3A_1277 : vector<16xf32>
        %broadcast_in_dim3A_1279 = arith.constant 1 : i32
        %broadcast_in_dim3A_1280 = vector.broadcast %broadcast_in_dim3A_1279 : i32 to vector<16xi32>
        %gather3A_1281 = tpu.vector_load_idx %arg13[%iota3A, %broadcast_in_dim3A_1280] : memref<16x16xf32, #tpu.memory_space<vmem>>[vector<16xi32>, vector<16xi32>], vector<16xf32>,
        %add3A_1282 = arith.addf %add3A_1278, %gather3A_1281 : vector<16xf32>
        %broadcast_in_dim3A_1283 = arith.constant 2 : i32
        %broadcast_in_dim3A_1284 = vector.broadcast %broadcast_in_dim3A_1283 : i32 to vector<16xi32>
        %gather3A_1285 = tpu.vector_load_idx %arg13[%iota3A, %broadcast_in_dim3A_1284] : memref<16x16xf32, #tpu.memory_space<vmem>>[vector<16xi32>, vector<16xi32>], vector<16xf32>,
        %add3A_1286 = arith.addf %add3A_1282, %gather3A_1285 : vector<16xf32>
        %broadcast_in_dim3A_1287 = arith.constant 3 : i32
        %broadcast_in_dim3A_1288 = vector.broadcast %broadcast_in_dim3A_1287 : i32 to vector<16xi32>
        %gather3A_1289 = tpu.vector_load_idx %arg13[%iota3A, %broadcast_in_dim3A_1288] : memref<16x16xf32, #tpu.memory_space<vmem>>[vector<16xi32>, vector<16xi32>], vector<16xf32>,
        %add3A_1290 = arith.addf %add3A_1286, %gather3A_1289 : vector<16xf32>
        %broadcast_in_dim3A_1291 = arith.constant 4 : i32
        %broadcast_in_dim3A_1292 = vector.broadcast %broadcast_in_dim3A_1291 : i32 to vector<16xi32>
        %gather3A_1293 = tpu.vector_load_idx %arg13[%iota3A, %broadcast_in_dim3A_1292] : memref<16x16xf32, #tpu.memory_space<vmem>>[vector<16xi32>, vector<16xi32>], vector<16xf32>,
        %add3A_1294 = arith.addf %add3A_1290, %gather3A_1293 : vector<16xf32>
        %broadcast_in_dim3A_1295 = arith.constant 5 : i32
        %broadcast_in_dim3A_1296 = vector.broadcast %broadcast_in_dim3A_1295 : i32 to vector<16xi32>
        %gather3A_1297 = tpu.vector_load_idx %arg13[%iota3A, %broadcast_in_dim3A_1296] : memref<16x16xf32, #tpu.memory_space<vmem>>[vector<16xi32>, vector<16xi32>], vector<16xf32>,
        %add3A_1298 = arith.addf %add3A_1294, %gather3A_1297 : vector<16xf32>
        %broadcast_in_dim3A_1299 = arith.constant 6 : i32
        %broadcast_in_dim3A_1300 = vector.broadcast %broadcast_in_dim3A_1299 : i32 to vector<16xi32>
        %gather3A_1301 = tpu.vector_load_idx %arg13[%iota3A, %broadcast_in_dim3A_1300] : memref<16x16xf32, #tpu.memory_space<vmem>>[vector<16xi32>, vector<16xi32>], vector<16xf32>,
        %add3A_1302 = arith.addf %add3A_1298, %gather3A_1301 : vector<16xf32>
        %broadcast_in_dim3A_1303 = arith.constant 7 : i32
        %broadcast_in_dim3A_1304 = vector.broadcast %broadcast_in_dim3A_1303 : i32 to vector<16xi32>
        %gather3A_1305 = tpu.vector_load_idx %arg13[%iota3A, %broadcast_in_dim3A_1304] : memref<16x16xf32, #tpu.memory_space<vmem>>[vector<16xi32>, vector<16xi32>], vector<16xf32>,
        %add3A_1306 = arith.addf %add3A_1302, %gather3A_1305 : vector<16xf32>
        %broadcast_in_dim3A_1307 = arith.constant 8 : i32
        %broadcast_in_dim3A_1308 = vector.broadcast %broadcast_in_dim3A_1307 : i32 to vector<16xi32>
        %gather3A_1309 = tpu.vector_load_idx %arg13[%iota3A, %broadcast_in_dim3A_1308] : memref<16x16xf32, #tpu.memory_space<vmem>>[vector<16xi32>, vector<16xi32>], vector<16xf32>,
        %add3A_1310 = arith.addf %add3A_1306, %gather3A_1309 : vector<16xf32>
        %broadcast_in_dim3A_1311 = arith.constant 9 : i32
        %broadcast_in_dim3A_1312 = vector.broadcast %broadcast_in_dim3A_1311 : i32 to vector<16xi32>
        %gather3A_1313 = tpu.vector_load_idx %arg13[%iota3A, %broadcast_in_dim3A_1312] : memref<16x16xf32, #tpu.memory_space<vmem>>[vector<16xi32>, vector<16xi32>], vector<16xf32>,
        %add3A_1314 = arith.addf %add3A_1310, %gather3A_1313 : vector<16xf32>
        %broadcast_in_dim3A_1315 = arith.constant 10 : i32
        %broadcast_in_dim3A_1316 = vector.broadcast %broadcast_in_dim3A_1315 : i32 to vector<16xi32>
        %gather3A_1317 = tpu.vector_load_idx %arg13[%iota3A, %broadcast_in_dim3A_1316] : memref<16x16xf32, #tpu.memory_space<vmem>>[vector<16xi32>, vector<16xi32>], vector<16xf32>,
        %add3A_1318 = arith.addf %add3A_1314, %gather3A_1317 : vector<16xf32>
        %broadcast_in_dim3A_1319 = arith.constant 11 : i32
        %broadcast_in_dim3A_1320 = vector.broadcast %broadcast_in_dim3A_1319 : i32 to vector<16xi32>
        %gather3A_1321 = tpu.vector_load_idx %arg13[%iota3A, %broadcast_in_dim3A_1320] : memref<16x16xf32, #tpu.memory_space<vmem>>[vector<16xi32>, vector<16xi32>], vector<16xf32>,
        %add3A_1322 = arith.addf %add3A_1318, %gather3A_1321 : vector<16xf32>
        %broadcast_in_dim3A_1323 = arith.constant 12 : i32
        %broadcast_in_dim3A_1324 = vector.broadcast %broadcast_in_dim3A_1323 : i32 to vector<16xi32>
        %gather3A_1325 = tpu.vector_load_idx %arg13[%iota3A, %broadcast_in_dim3A_1324] : memref<16x16xf32, #tpu.memory_space<vmem>>[vector<16xi32>, vector<16xi32>], vector<16xf32>,
        %add3A_1326 = arith.addf %add3A_1322, %gather3A_1325 : vector<16xf32>
        %broadcast_in_dim3A_1327 = arith.constant 13 : i32
        %broadcast_in_dim3A_1328 = vector.broadcast %broadcast_in_dim3A_1327 : i32 to vector<16xi32>
        %gather3A_1329 = tpu.vector_load_idx %arg13[%iota3A, %broadcast_in_dim3A_1328] : memref<16x16xf32, #tpu.memory_space<vmem>>[vector<16xi32>, vector<16xi32>], vector<16xf32>,
        %add3A_1330 = arith.addf %add3A_1326, %gather3A_1329 : vector<16xf32>
        %broadcast_in_dim3A_1331 = arith.constant 14 : i32
        %broadcast_in_dim3A_1332 = vector.broadcast %broadcast_in_dim3A_1331 : i32 to vector<16xi32>
        %gather3A_1333 = tpu.vector_load_idx %arg13[%iota3A, %broadcast_in_dim3A_1332] : memref<16x16xf32, #tpu.memory_space<vmem>>[vector<16xi32>, vector<16xi32>], vector<16xf32>,
        %add3A_1334 = arith.addf %add3A_1330, %gather3A_1333 : vector<16xf32>
        %broadcast_in_dim3A_1335 = arith.constant 15 : i32
        %broadcast_in_dim3A_1336 = vector.broadcast %broadcast_in_dim3A_1335 : i32 to vector<16xi32>
        %gather3A_1337 = tpu.vector_load_idx %arg13[%iota3A, %broadcast_in_dim3A_1336] : memref<16x16xf32, #tpu.memory_space<vmem>>[vector<16xi32>, vector<16xi32>], vector<16xf32>,
        %add3A_1338 = arith.addf %add3A_1334, %gather3A_1337 : vector<16xf32>
        %mul3A_1339 = arith.mulf %add3A_1338, %add3A_1338 : vector<16xf32>
        %add3A_1340 = arith.addf %scan3A_1271, %mul3A_1339 : vector<16xf32>
        scf.yield %add3A_1340 : vector<16xf32>
      }
      %scan3A_1203 = arith.constant 4 : i32
      %mul3A_1204 = arith.constant 3 : i32
      %mul3A_1205 = arith.muli %mul3A_1204, %scan3A_1172 : i32
      %add3A_1206 = arith.constant 1 : i32
      %add3A_1207 = arith.addi %mul3A_1205, %add3A_1206 : i32
      %add3A_1208 = arith.constant 2 : i32
      %add3A_1209 = arith.addi %add3A_1207, %add3A_1208 : i32
      %lt3A_1210 = arith.constant 78 : i32
      %lt3A_1211 = arith.cmpi slt, %add3A_1209, %lt3A_1210 : i32
      %convert_element_type3A_1212 = arith.extui %lt3A_1211 : i1 to i32
      %cond3A_1213 = arith.constant 0 : i32
      %cond3A_1214 = arith.cmpi ne, %convert_element_type3A_1212, %cond3A_1213 : i32
      scf.if %cond3A_1214 {
        %add3A_1270 = arith.constant 2 : i32
        %add3A_1271 = arith.addi %add3A_1207, %add3A_1270 : i32
        %mul3A_1272 = arith.constant 64 : i32
        %mul3A_1273 = arith.muli %add3A_1271, %mul3A_1272 : i32
        %dma_start3A_1274 = arith.constant 0 : i32
        %dma_start3A_1275 = arith.constant 0 : i32
        %dma_start3A_1276 = tpu.memref_slice %arg7[%dma_start3A_1274, %dma_start3A_1275] : memref<64x256xi32, #tpu.memory_space<vmem>> -> memref<64x256xi32, #tpu.memory_space<vmem>>
        %dma_start3A_1277 = tpu.memref_slice %arg5[%mul3A_1273] : memref<5000xi32, #tpu.memory_space<vmem>> -> memref<64xi32, #tpu.memory_space<vmem>>
        %dma_start3A_1278 = arith.constant 0 : i32
        %dma_start3A_1279 = arith.constant 0 : i32
        %dma_start3A_1280 = tpu.memref_slice %arg2[%dma_start3A_1278, %dma_start3A_1279] : memref<10000x256xi32, #tpu.memory_space<hbm>> -> memref<10000x256xi32, #tpu.memory_space<hbm>>
        tpu.enqueue_indirect_dma source(%dma_start3A_1280 : memref<10000x256xi32, #tpu.memory_space<hbm>>) target(%dma_start3A_1276 : memref<64x256xi32, #tpu.memory_space<vmem>>) offsets(%dma_start3A_1277 : memref<64xi32, #tpu.memory_space<vmem>>) semaphore(%arg15 : memref<!tpu.dma_semaphore, #tpu.memory_space<semaphore_mem>>)
        %mul3A_1281 = arith.constant 64 : i32
        %mul3A_1282 = arith.muli %add3A_1271, %mul3A_1281 : i32
        %dma_start3A_1283 = arith.constant 0 : i32
        %dma_start3A_1284 = arith.constant 0 : i32
        %dma_start3A_1285 = tpu.memref_slice %arg8[%dma_start3A_1283, %dma_start3A_1284] : memref<64x256xi32, #tpu.memory_space<vmem>> -> memref<64x256xi32, #tpu.memory_space<vmem>>
        %dma_start3A_1286 = tpu.memref_slice %arg6[%mul3A_1282] : memref<5000xi32, #tpu.memory_space<vmem>> -> memref<64xi32, #tpu.memory_space<vmem>>
        %dma_start3A_1287 = arith.constant 0 : i32
        %dma_start3A_1288 = arith.constant 0 : i32
        %dma_start3A_1289 = tpu.memref_slice %arg2[%dma_start3A_1287, %dma_start3A_1288] : memref<10000x256xi32, #tpu.memory_space<hbm>> -> memref<10000x256xi32, #tpu.memory_space<hbm>>
        tpu.enqueue_indirect_dma source(%dma_start3A_1289 : memref<10000x256xi32, #tpu.memory_space<hbm>>) target(%dma_start3A_1285 : memref<64x256xi32, #tpu.memory_space<vmem>>) offsets(%dma_start3A_1286 : memref<64xi32, #tpu.memory_space<vmem>>) semaphore(%arg16 : memref<!tpu.dma_semaphore, #tpu.memory_space<semaphore_mem>>)
      } else {
      }
      %dma_wait3A_1215 = arith.constant 0 : i32
      %dma_wait3A_1216 = arith.constant 0 : i32
      %dma_wait3A_1217 = tpu.memref_slice %arg9[%dma_wait3A_1215, %dma_wait3A_1216] : memref<64x256xi32, #tpu.memory_space<vmem>> -> memref<64x256xi32, #tpu.memory_space<vmem>>
      %dma_wait3A_1218 = arith.constant 0 : i32
      %dma_wait3A_1219 = tpu.memref_slice %arg5[%dma_wait3A_1218] : memref<5000xi32, #tpu.memory_space<vmem>> -> memref<64xi32, #tpu.memory_space<vmem>>
      %dma_wait3A_1220 = arith.constant 0 : i32
      %dma_wait3A_1221 = arith.constant 0 : i32
      %dma_wait3A_1222 = tpu.memref_slice %arg2[%dma_wait3A_1220, %dma_wait3A_1221] : memref<10000x256xi32, #tpu.memory_space<hbm>> -> memref<10000x256xi32, #tpu.memory_space<hbm>>
      tpu.wait_indirect_dma semaphore(%arg17 : memref<!tpu.dma_semaphore, #tpu.memory_space<semaphore_mem>>) src(%dma_wait3A_1222 : memref<10000x256xi32, #tpu.memory_space<hbm>>) dst(%dma_wait3A_1217 : memref<64x256xi32, #tpu.memory_space<vmem>>)
      %dma_wait3A_1223 = arith.constant 0 : i32
      %dma_wait3A_1224 = arith.constant 0 : i32
      %dma_wait3A_1225 = tpu.memref_slice %arg10[%dma_wait3A_1223, %dma_wait3A_1224] : memref<64x256xi32, #tpu.memory_space<vmem>> -> memref<64x256xi32, #tpu.memory_space<vmem>>
      %dma_wait3A_1226 = arith.constant 0 : i32
      %dma_wait3A_1227 = tpu.memref_slice %arg6[%dma_wait3A_1226] : memref<5000xi32, #tpu.memory_space<vmem>> -> memref<64xi32, #tpu.memory_space<vmem>>
      %dma_wait3A_1228 = arith.constant 0 : i32
      %dma_wait3A_1229 = arith.constant 0 : i32
      %dma_wait3A_1230 = tpu.memref_slice %arg2[%dma_wait3A_1228, %dma_wait3A_1229] : memref<10000x256xi32, #tpu.memory_space<hbm>> -> memref<10000x256xi32, #tpu.memory_space<hbm>>
      tpu.wait_indirect_dma semaphore(%arg18 : memref<!tpu.dma_semaphore, #tpu.memory_space<semaphore_mem>>) src(%dma_wait3A_1230 : memref<10000x256xi32, #tpu.memory_space<hbm>>) dst(%dma_wait3A_1225 : memref<64x256xi32, #tpu.memory_space<vmem>>)
      %scan3A_1231 = arith.constant 0 : i32
      %scan3A_1232 = arith.constant 4 : i32
      %scan3A_1233 = arith.addi %scan3A_1231, %scan3A_1232 : i32
      %scan3A_1234 = arith.constant 1 : i32
      %scan3A_1235 = scf.for %scan3A_1270 = %scan3A_1231 to %scan3A_1233 step %scan3A_1234 iter_args(%scan3A_1271 = %scan3A_1202) -> (vector<16xf32>)  : i32 {
        %parallel_loop3A_1272 = arith.constant 0 : i32
        %parallel_loop3A_1273 = arith.constant 16 : i32
        %parallel_loop3A_1274 = arith.constant 1 : i32
        scf.for %parallel_loop3A_1341 = %parallel_loop3A_1272 to %parallel_loop3A_1273 step %parallel_loop3A_1274  : i32 {
          %parallel_loop3A_1342 = arith.constant 16 : i32
          %parallel_loop3A_1343 = arith.muli %scan3A_1270, %parallel_loop3A_1342 : i32
          %parallel_loop3A_1344 = arith.addi %parallel_loop3A_1343, %parallel_loop3A_1341 : i32
          %parallel_loop3A_1345 = arith.index_cast %parallel_loop3A_1344 : i32 to index
          %parallel_loop3A_1346 = arith.constant 0 : index
          %parallel_loop3A_1347 = tpu.vector_load %arg9[%parallel_loop3A_1345, %parallel_loop3A_1346] {strides = array<i32>} : memref<64x256xi32, #tpu.memory_space<vmem>>, vector<16xi32>,
          %parallel_loop3A_1348 = vector.bitcast %parallel_loop3A_1347 : vector<16xi32> to vector<32xbf16>
          %parallel_loop3A_1349 = arith.index_cast %parallel_loop3A_1344 : i32 to index
          %parallel_loop3A_1350 = arith.constant 0 : index
          %parallel_loop3A_1351 = tpu.vector_load %arg10[%parallel_loop3A_1349, %parallel_loop3A_1350] {strides = array<i32>} : memref<64x256xi32, #tpu.memory_space<vmem>>, vector<16xi32>,
          %parallel_loop3A_1352 = vector.bitcast %parallel_loop3A_1351 : vector<16xi32> to vector<32xbf16>
          %parallel_loop3A_1353 = arith.mulf %parallel_loop3A_1348, %parallel_loop3A_1352 : vector<32xbf16>
          %parallel_loop3A_1354 = tpu.unpack_subelements %parallel_loop3A_1353, 0 {pack_format = #tpu.pack_format<interleaved>} : vector<32xbf16> -> vector<16xf32>
          %parallel_loop3A_1355 = tpu.unpack_subelements %parallel_loop3A_1353, 1 {pack_format = #tpu.pack_format<interleaved>} : vector<32xbf16> -> vector<16xf32>
          %parallel_loop3A_1356 = arith.addf %parallel_loop3A_1354, %parallel_loop3A_1355 : vector<16xf32>
          %parallel_loop3A_1357 = arith.addf %broadcast_in_dim3A_3, %parallel_loop3A_1356 : vector<16xf32>
          %parallel_loop3A_1358 = arith.index_cast %parallel_loop3A_1344 : i32 to index
          %parallel_loop3A_1359 = arith.constant 16 : index
          %parallel_loop3A_1360 = tpu.vector_load %arg9[%parallel_loop3A_1358, %parallel_loop3A_1359] {strides = array<i32>} : memref<64x256xi32, #tpu.memory_space<vmem>>, vector<16xi32>,
          %parallel_loop3A_1361 = vector.bitcast %parallel_loop3A_1360 : vector<16xi32> to vector<32xbf16>
          %parallel_loop3A_1362 = arith.index_cast %parallel_loop3A_1344 : i32 to index
          %parallel_loop3A_1363 = arith.constant 16 : index
          %parallel_loop3A_1364 = tpu.vector_load %arg10[%parallel_loop3A_1362, %parallel_loop3A_1363] {strides = array<i32>} : memref<64x256xi32, #tpu.memory_space<vmem>>, vector<16xi32>,
          %parallel_loop3A_1365 = vector.bitcast %parallel_loop3A_1364 : vector<16xi32> to vector<32xbf16>
          %parallel_loop3A_1366 = arith.mulf %parallel_loop3A_1361, %parallel_loop3A_1365 : vector<32xbf16>
          %parallel_loop3A_1367 = tpu.unpack_subelements %parallel_loop3A_1366, 0 {pack_format = #tpu.pack_format<interleaved>} : vector<32xbf16> -> vector<16xf32>
          %parallel_loop3A_1368 = tpu.unpack_subelements %parallel_loop3A_1366, 1 {pack_format = #tpu.pack_format<interleaved>} : vector<32xbf16> -> vector<16xf32>
          %parallel_loop3A_1369 = arith.addf %parallel_loop3A_1367, %parallel_loop3A_1368 : vector<16xf32>
          %parallel_loop3A_1370 = arith.addf %parallel_loop3A_1357, %parallel_loop3A_1369 : vector<16xf32>
          %parallel_loop3A_1371 = arith.index_cast %parallel_loop3A_1344 : i32 to index
          %parallel_loop3A_1372 = arith.constant 32 : index
          %parallel_loop3A_1373 = tpu.vector_load %arg9[%parallel_loop3A_1371, %parallel_loop3A_1372] {strides = array<i32>} : memref<64x256xi32, #tpu.memory_space<vmem>>, vector<16xi32>,
          %parallel_loop3A_1374 = vector.bitcast %parallel_loop3A_1373 : vector<16xi32> to vector<32xbf16>
          %parallel_loop3A_1375 = arith.index_cast %parallel_loop3A_1344 : i32 to index
          %parallel_loop3A_1376 = arith.constant 32 : index
          %parallel_loop3A_1377 = tpu.vector_load %arg10[%parallel_loop3A_1375, %parallel_loop3A_1376] {strides = array<i32>} : memref<64x256xi32, #tpu.memory_space<vmem>>, vector<16xi32>,
          %parallel_loop3A_1378 = vector.bitcast %parallel_loop3A_1377 : vector<16xi32> to vector<32xbf16>
          %parallel_loop3A_1379 = arith.mulf %parallel_loop3A_1374, %parallel_loop3A_1378 : vector<32xbf16>
          %parallel_loop3A_1380 = tpu.unpack_subelements %parallel_loop3A_1379, 0 {pack_format = #tpu.pack_format<interleaved>} : vector<32xbf16> -> vector<16xf32>
          %parallel_loop3A_1381 = tpu.unpack_subelements %parallel_loop3A_1379, 1 {pack_format = #tpu.pack_format<interleaved>} : vector<32xbf16> -> vector<16xf32>
          %parallel_loop3A_1382 = arith.addf %parallel_loop3A_1380, %parallel_loop3A_1381 : vector<16xf32>
          %parallel_loop3A_1383 = arith.addf %parallel_loop3A_1370, %parallel_loop3A_1382 : vector<16xf32>
          %parallel_loop3A_1384 = arith.index_cast %parallel_loop3A_1344 : i32 to index
          %parallel_loop3A_1385 = arith.constant 48 : index
          %parallel_loop3A_1386 = tpu.vector_load %arg9[%parallel_loop3A_1384, %parallel_loop3A_1385] {strides = array<i32>} : memref<64x256xi32, #tpu.memory_space<vmem>>, vector<16xi32>,
          %parallel_loop3A_1387 = vector.bitcast %parallel_loop3A_1386 : vector<16xi32> to vector<32xbf16>
          %parallel_loop3A_1388 = arith.index_cast %parallel_loop3A_1344 : i32 to index
          %parallel_loop3A_1389 = arith.constant 48 : index
          %parallel_loop3A_1390 = tpu.vector_load %arg10[%parallel_loop3A_1388, %parallel_loop3A_1389] {strides = array<i32>} : memref<64x256xi32, #tpu.memory_space<vmem>>, vector<16xi32>,
          %parallel_loop3A_1391 = vector.bitcast %parallel_loop3A_1390 : vector<16xi32> to vector<32xbf16>
          %parallel_loop3A_1392 = arith.mulf %parallel_loop3A_1387, %parallel_loop3A_1391 : vector<32xbf16>
          %parallel_loop3A_1393 = tpu.unpack_subelements %parallel_loop3A_1392, 0 {pack_format = #tpu.pack_format<interleaved>} : vector<32xbf16> -> vector<16xf32>
          %parallel_loop3A_1394 = tpu.unpack_subelements %parallel_loop3A_1392, 1 {pack_format = #tpu.pack_format<interleaved>} : vector<32xbf16> -> vector<16xf32>
          %parallel_loop3A_1395 = arith.addf %parallel_loop3A_1393, %parallel_loop3A_1394 : vector<16xf32>
          %parallel_loop3A_1396 = arith.addf %parallel_loop3A_1383, %parallel_loop3A_1395 : vector<16xf32>
          %parallel_loop3A_1397 = arith.index_cast %parallel_loop3A_1344 : i32 to index
          %parallel_loop3A_1398 = arith.constant 64 : index
          %parallel_loop3A_1399 = tpu.vector_load %arg9[%parallel_loop3A_1397, %parallel_loop3A_1398] {strides = array<i32>} : memref<64x256xi32, #tpu.memory_space<vmem>>, vector<16xi32>,
          %parallel_loop3A_1400 = vector.bitcast %parallel_loop3A_1399 : vector<16xi32> to vector<32xbf16>
          %parallel_loop3A_1401 = arith.index_cast %parallel_loop3A_1344 : i32 to index
          %parallel_loop3A_1402 = arith.constant 64 : index
          %parallel_loop3A_1403 = tpu.vector_load %arg10[%parallel_loop3A_1401, %parallel_loop3A_1402] {strides = array<i32>} : memref<64x256xi32, #tpu.memory_space<vmem>>, vector<16xi32>,
          %parallel_loop3A_1404 = vector.bitcast %parallel_loop3A_1403 : vector<16xi32> to vector<32xbf16>
          %parallel_loop3A_1405 = arith.mulf %parallel_loop3A_1400, %parallel_loop3A_1404 : vector<32xbf16>
          %parallel_loop3A_1406 = tpu.unpack_subelements %parallel_loop3A_1405, 0 {pack_format = #tpu.pack_format<interleaved>} : vector<32xbf16> -> vector<16xf32>
          %parallel_loop3A_1407 = tpu.unpack_subelements %parallel_loop3A_1405, 1 {pack_format = #tpu.pack_format<interleaved>} : vector<32xbf16> -> vector<16xf32>
          %parallel_loop3A_1408 = arith.addf %parallel_loop3A_1406, %parallel_loop3A_1407 : vector<16xf32>
          %parallel_loop3A_1409 = arith.addf %parallel_loop3A_1396, %parallel_loop3A_1408 : vector<16xf32>
          %parallel_loop3A_1410 = arith.index_cast %parallel_loop3A_1344 : i32 to index
          %parallel_loop3A_1411 = arith.constant 80 : index
          %parallel_loop3A_1412 = tpu.vector_load %arg9[%parallel_loop3A_1410, %parallel_loop3A_1411] {strides = array<i32>} : memref<64x256xi32, #tpu.memory_space<vmem>>, vector<16xi32>,
          %parallel_loop3A_1413 = vector.bitcast %parallel_loop3A_1412 : vector<16xi32> to vector<32xbf16>
          %parallel_loop3A_1414 = arith.index_cast %parallel_loop3A_1344 : i32 to index
          %parallel_loop3A_1415 = arith.constant 80 : index
          %parallel_loop3A_1416 = tpu.vector_load %arg10[%parallel_loop3A_1414, %parallel_loop3A_1415] {strides = array<i32>} : memref<64x256xi32, #tpu.memory_space<vmem>>, vector<16xi32>,
          %parallel_loop3A_1417 = vector.bitcast %parallel_loop3A_1416 : vector<16xi32> to vector<32xbf16>
          %parallel_loop3A_1418 = arith.mulf %parallel_loop3A_1413, %parallel_loop3A_1417 : vector<32xbf16>
          %parallel_loop3A_1419 = tpu.unpack_subelements %parallel_loop3A_1418, 0 {pack_format = #tpu.pack_format<interleaved>} : vector<32xbf16> -> vector<16xf32>
          %parallel_loop3A_1420 = tpu.unpack_subelements %parallel_loop3A_1418, 1 {pack_format = #tpu.pack_format<interleaved>} : vector<32xbf16> -> vector<16xf32>
          %parallel_loop3A_1421 = arith.addf %parallel_loop3A_1419, %parallel_loop3A_1420 : vector<16xf32>
          %parallel_loop3A_1422 = arith.addf %parallel_loop3A_1409, %parallel_loop3A_1421 : vector<16xf32>
          %parallel_loop3A_1423 = arith.index_cast %parallel_loop3A_1344 : i32 to index
          %parallel_loop3A_1424 = arith.constant 96 : index
          %parallel_loop3A_1425 = tpu.vector_load %arg9[%parallel_loop3A_1423, %parallel_loop3A_1424] {strides = array<i32>} : memref<64x256xi32, #tpu.memory_space<vmem>>, vector<16xi32>,
          %parallel_loop3A_1426 = vector.bitcast %parallel_loop3A_1425 : vector<16xi32> to vector<32xbf16>
          %parallel_loop3A_1427 = arith.index_cast %parallel_loop3A_1344 : i32 to index
          %parallel_loop3A_1428 = arith.constant 96 : index
          %parallel_loop3A_1429 = tpu.vector_load %arg10[%parallel_loop3A_1427, %parallel_loop3A_1428] {strides = array<i32>} : memref<64x256xi32, #tpu.memory_space<vmem>>, vector<16xi32>,
          %parallel_loop3A_1430 = vector.bitcast %parallel_loop3A_1429 : vector<16xi32> to vector<32xbf16>
          %parallel_loop3A_1431 = arith.mulf %parallel_loop3A_1426, %parallel_loop3A_1430 : vector<32xbf16>
          %parallel_loop3A_1432 = tpu.unpack_subelements %parallel_loop3A_1431, 0 {pack_format = #tpu.pack_format<interleaved>} : vector<32xbf16> -> vector<16xf32>
          %parallel_loop3A_1433 = tpu.unpack_subelements %parallel_loop3A_1431, 1 {pack_format = #tpu.pack_format<interleaved>} : vector<32xbf16> -> vector<16xf32>
          %parallel_loop3A_1434 = arith.addf %parallel_loop3A_1432, %parallel_loop3A_1433 : vector<16xf32>
          %parallel_loop3A_1435 = arith.addf %parallel_loop3A_1422, %parallel_loop3A_1434 : vector<16xf32>
          %parallel_loop3A_1436 = arith.index_cast %parallel_loop3A_1344 : i32 to index
          %parallel_loop3A_1437 = arith.constant 112 : index
          %parallel_loop3A_1438 = tpu.vector_load %arg9[%parallel_loop3A_1436, %parallel_loop3A_1437] {strides = array<i32>} : memref<64x256xi32, #tpu.memory_space<vmem>>, vector<16xi32>,
          %parallel_loop3A_1439 = vector.bitcast %parallel_loop3A_1438 : vector<16xi32> to vector<32xbf16>
          %parallel_loop3A_1440 = arith.index_cast %parallel_loop3A_1344 : i32 to index
          %parallel_loop3A_1441 = arith.constant 112 : index
          %parallel_loop3A_1442 = tpu.vector_load %arg10[%parallel_loop3A_1440, %parallel_loop3A_1441] {strides = array<i32>} : memref<64x256xi32, #tpu.memory_space<vmem>>, vector<16xi32>,
          %parallel_loop3A_1443 = vector.bitcast %parallel_loop3A_1442 : vector<16xi32> to vector<32xbf16>
          %parallel_loop3A_1444 = arith.mulf %parallel_loop3A_1439, %parallel_loop3A_1443 : vector<32xbf16>
          %parallel_loop3A_1445 = tpu.unpack_subelements %parallel_loop3A_1444, 0 {pack_format = #tpu.pack_format<interleaved>} : vector<32xbf16> -> vector<16xf32>
          %parallel_loop3A_1446 = tpu.unpack_subelements %parallel_loop3A_1444, 1 {pack_format = #tpu.pack_format<interleaved>} : vector<32xbf16> -> vector<16xf32>
          %parallel_loop3A_1447 = arith.addf %parallel_loop3A_1445, %parallel_loop3A_1446 : vector<16xf32>
          %parallel_loop3A_1448 = arith.addf %parallel_loop3A_1435, %parallel_loop3A_1447 : vector<16xf32>
          %parallel_loop3A_1449 = arith.index_cast %parallel_loop3A_1344 : i32 to index
          %parallel_loop3A_1450 = arith.constant 128 : index
          %parallel_loop3A_1451 = tpu.vector_load %arg9[%parallel_loop3A_1449, %parallel_loop3A_1450] {strides = array<i32>} : memref<64x256xi32, #tpu.memory_space<vmem>>, vector<16xi32>,
          %parallel_loop3A_1452 = vector.bitcast %parallel_loop3A_1451 : vector<16xi32> to vector<32xbf16>
          %parallel_loop3A_1453 = arith.index_cast %parallel_loop3A_1344 : i32 to index
          %parallel_loop3A_1454 = arith.constant 128 : index
          %parallel_loop3A_1455 = tpu.vector_load %arg10[%parallel_loop3A_1453, %parallel_loop3A_1454] {strides = array<i32>} : memref<64x256xi32, #tpu.memory_space<vmem>>, vector<16xi32>,
          %parallel_loop3A_1456 = vector.bitcast %parallel_loop3A_1455 : vector<16xi32> to vector<32xbf16>
          %parallel_loop3A_1457 = arith.mulf %parallel_loop3A_1452, %parallel_loop3A_1456 : vector<32xbf16>
          %parallel_loop3A_1458 = tpu.unpack_subelements %parallel_loop3A_1457, 0 {pack_format = #tpu.pack_format<interleaved>} : vector<32xbf16> -> vector<16xf32>
          %parallel_loop3A_1459 = tpu.unpack_subelements %parallel_loop3A_1457, 1 {pack_format = #tpu.pack_format<interleaved>} : vector<32xbf16> -> vector<16xf32>
          %parallel_loop3A_1460 = arith.addf %parallel_loop3A_1458, %parallel_loop3A_1459 : vector<16xf32>
          %parallel_loop3A_1461 = arith.subf %parallel_loop3A_1448, %parallel_loop3A_1460 : vector<16xf32>
          %parallel_loop3A_1462 = arith.index_cast %parallel_loop3A_1344 : i32 to index
          %parallel_loop3A_1463 = arith.constant 144 : index
          %parallel_loop3A_1464 = tpu.vector_load %arg9[%parallel_loop3A_1462, %parallel_loop3A_1463] {strides = array<i32>} : memref<64x256xi32, #tpu.memory_space<vmem>>, vector<16xi32>,
          %parallel_loop3A_1465 = vector.bitcast %parallel_loop3A_1464 : vector<16xi32> to vector<32xbf16>
          %parallel_loop3A_1466 = arith.index_cast %parallel_loop3A_1344 : i32 to index
          %parallel_loop3A_1467 = arith.constant 144 : index
          %parallel_loop3A_1468 = tpu.vector_load %arg10[%parallel_loop3A_1466, %parallel_loop3A_1467] {strides = array<i32>} : memref<64x256xi32, #tpu.memory_space<vmem>>, vector<16xi32>,
          %parallel_loop3A_1469 = vector.bitcast %parallel_loop3A_1468 : vector<16xi32> to vector<32xbf16>
          %parallel_loop3A_1470 = arith.mulf %parallel_loop3A_1465, %parallel_loop3A_1469 : vector<32xbf16>
          %parallel_loop3A_1471 = tpu.unpack_subelements %parallel_loop3A_1470, 0 {pack_format = #tpu.pack_format<interleaved>} : vector<32xbf16> -> vector<16xf32>
          %parallel_loop3A_1472 = tpu.unpack_subelements %parallel_loop3A_1470, 1 {pack_format = #tpu.pack_format<interleaved>} : vector<32xbf16> -> vector<16xf32>
          %parallel_loop3A_1473 = arith.addf %parallel_loop3A_1471, %parallel_loop3A_1472 : vector<16xf32>
          %parallel_loop3A_1474 = arith.subf %parallel_loop3A_1461, %parallel_loop3A_1473 : vector<16xf32>
          %parallel_loop3A_1475 = arith.index_cast %parallel_loop3A_1344 : i32 to index
          %parallel_loop3A_1476 = arith.constant 160 : index
          %parallel_loop3A_1477 = tpu.vector_load %arg9[%parallel_loop3A_1475, %parallel_loop3A_1476] {strides = array<i32>} : memref<64x256xi32, #tpu.memory_space<vmem>>, vector<16xi32>,
          %parallel_loop3A_1478 = vector.bitcast %parallel_loop3A_1477 : vector<16xi32> to vector<32xbf16>
          %parallel_loop3A_1479 = arith.index_cast %parallel_loop3A_1344 : i32 to index
          %parallel_loop3A_1480 = arith.constant 160 : index
          %parallel_loop3A_1481 = tpu.vector_load %arg10[%parallel_loop3A_1479, %parallel_loop3A_1480] {strides = array<i32>} : memref<64x256xi32, #tpu.memory_space<vmem>>, vector<16xi32>,
          %parallel_loop3A_1482 = vector.bitcast %parallel_loop3A_1481 : vector<16xi32> to vector<32xbf16>
          %parallel_loop3A_1483 = arith.mulf %parallel_loop3A_1478, %parallel_loop3A_1482 : vector<32xbf16>
          %parallel_loop3A_1484 = tpu.unpack_subelements %parallel_loop3A_1483, 0 {pack_format = #tpu.pack_format<interleaved>} : vector<32xbf16> -> vector<16xf32>
          %parallel_loop3A_1485 = tpu.unpack_subelements %parallel_loop3A_1483, 1 {pack_format = #tpu.pack_format<interleaved>} : vector<32xbf16> -> vector<16xf32>
          %parallel_loop3A_1486 = arith.addf %parallel_loop3A_1484, %parallel_loop3A_1485 : vector<16xf32>
          %parallel_loop3A_1487 = arith.subf %parallel_loop3A_1474, %parallel_loop3A_1486 : vector<16xf32>
          %parallel_loop3A_1488 = arith.index_cast %parallel_loop3A_1344 : i32 to index
          %parallel_loop3A_1489 = arith.constant 176 : index
          %parallel_loop3A_1490 = tpu.vector_load %arg9[%parallel_loop3A_1488, %parallel_loop3A_1489] {strides = array<i32>} : memref<64x256xi32, #tpu.memory_space<vmem>>, vector<16xi32>,
          %parallel_loop3A_1491 = vector.bitcast %parallel_loop3A_1490 : vector<16xi32> to vector<32xbf16>
          %parallel_loop3A_1492 = arith.index_cast %parallel_loop3A_1344 : i32 to index
          %parallel_loop3A_1493 = arith.constant 176 : index
          %parallel_loop3A_1494 = tpu.vector_load %arg10[%parallel_loop3A_1492, %parallel_loop3A_1493] {strides = array<i32>} : memref<64x256xi32, #tpu.memory_space<vmem>>, vector<16xi32>,
          %parallel_loop3A_1495 = vector.bitcast %parallel_loop3A_1494 : vector<16xi32> to vector<32xbf16>
          %parallel_loop3A_1496 = arith.mulf %parallel_loop3A_1491, %parallel_loop3A_1495 : vector<32xbf16>
          %parallel_loop3A_1497 = tpu.unpack_subelements %parallel_loop3A_1496, 0 {pack_format = #tpu.pack_format<interleaved>} : vector<32xbf16> -> vector<16xf32>
          %parallel_loop3A_1498 = tpu.unpack_subelements %parallel_loop3A_1496, 1 {pack_format = #tpu.pack_format<interleaved>} : vector<32xbf16> -> vector<16xf32>
          %parallel_loop3A_1499 = arith.addf %parallel_loop3A_1497, %parallel_loop3A_1498 : vector<16xf32>
          %parallel_loop3A_1500 = arith.subf %parallel_loop3A_1487, %parallel_loop3A_1499 : vector<16xf32>
          %parallel_loop3A_1501 = arith.index_cast %parallel_loop3A_1344 : i32 to index
          %parallel_loop3A_1502 = arith.constant 192 : index
          %parallel_loop3A_1503 = tpu.vector_load %arg9[%parallel_loop3A_1501, %parallel_loop3A_1502] {strides = array<i32>} : memref<64x256xi32, #tpu.memory_space<vmem>>, vector<16xi32>,
          %parallel_loop3A_1504 = vector.bitcast %parallel_loop3A_1503 : vector<16xi32> to vector<32xbf16>
          %parallel_loop3A_1505 = arith.index_cast %parallel_loop3A_1344 : i32 to index
          %parallel_loop3A_1506 = arith.constant 192 : index
          %parallel_loop3A_1507 = tpu.vector_load %arg10[%parallel_loop3A_1505, %parallel_loop3A_1506] {strides = array<i32>} : memref<64x256xi32, #tpu.memory_space<vmem>>, vector<16xi32>,
          %parallel_loop3A_1508 = vector.bitcast %parallel_loop3A_1507 : vector<16xi32> to vector<32xbf16>
          %parallel_loop3A_1509 = arith.mulf %parallel_loop3A_1504, %parallel_loop3A_1508 : vector<32xbf16>
          %parallel_loop3A_1510 = tpu.unpack_subelements %parallel_loop3A_1509, 0 {pack_format = #tpu.pack_format<interleaved>} : vector<32xbf16> -> vector<16xf32>
          %parallel_loop3A_1511 = tpu.unpack_subelements %parallel_loop3A_1509, 1 {pack_format = #tpu.pack_format<interleaved>} : vector<32xbf16> -> vector<16xf32>
          %parallel_loop3A_1512 = arith.addf %parallel_loop3A_1510, %parallel_loop3A_1511 : vector<16xf32>
          %parallel_loop3A_1513 = arith.subf %parallel_loop3A_1500, %parallel_loop3A_1512 : vector<16xf32>
          %parallel_loop3A_1514 = arith.index_cast %parallel_loop3A_1344 : i32 to index
          %parallel_loop3A_1515 = arith.constant 208 : index
          %parallel_loop3A_1516 = tpu.vector_load %arg9[%parallel_loop3A_1514, %parallel_loop3A_1515] {strides = array<i32>} : memref<64x256xi32, #tpu.memory_space<vmem>>, vector<16xi32>,
          %parallel_loop3A_1517 = vector.bitcast %parallel_loop3A_1516 : vector<16xi32> to vector<32xbf16>
          %parallel_loop3A_1518 = arith.index_cast %parallel_loop3A_1344 : i32 to index
          %parallel_loop3A_1519 = arith.constant 208 : index
          %parallel_loop3A_1520 = tpu.vector_load %arg10[%parallel_loop3A_1518, %parallel_loop3A_1519] {strides = array<i32>} : memref<64x256xi32, #tpu.memory_space<vmem>>, vector<16xi32>,
          %parallel_loop3A_1521 = vector.bitcast %parallel_loop3A_1520 : vector<16xi32> to vector<32xbf16>
          %parallel_loop3A_1522 = arith.mulf %parallel_loop3A_1517, %parallel_loop3A_1521 : vector<32xbf16>
          %parallel_loop3A_1523 = tpu.unpack_subelements %parallel_loop3A_1522, 0 {pack_format = #tpu.pack_format<interleaved>} : vector<32xbf16> -> vector<16xf32>
          %parallel_loop3A_1524 = tpu.unpack_subelements %parallel_loop3A_1522, 1 {pack_format = #tpu.pack_format<interleaved>} : vector<32xbf16> -> vector<16xf32>
          %parallel_loop3A_1525 = arith.addf %parallel_loop3A_1523, %parallel_loop3A_1524 : vector<16xf32>
          %parallel_loop3A_1526 = arith.subf %parallel_loop3A_1513, %parallel_loop3A_1525 : vector<16xf32>
          %parallel_loop3A_1527 = arith.index_cast %parallel_loop3A_1344 : i32 to index
          %parallel_loop3A_1528 = arith.constant 224 : index
          %parallel_loop3A_1529 = tpu.vector_load %arg9[%parallel_loop3A_1527, %parallel_loop3A_1528] {strides = array<i32>} : memref<64x256xi32, #tpu.memory_space<vmem>>, vector<16xi32>,
          %parallel_loop3A_1530 = vector.bitcast %parallel_loop3A_1529 : vector<16xi32> to vector<32xbf16>
          %parallel_loop3A_1531 = arith.index_cast %parallel_loop3A_1344 : i32 to index
          %parallel_loop3A_1532 = arith.constant 224 : index
          %parallel_loop3A_1533 = tpu.vector_load %arg10[%parallel_loop3A_1531, %parallel_loop3A_1532] {strides = array<i32>} : memref<64x256xi32, #tpu.memory_space<vmem>>, vector<16xi32>,
          %parallel_loop3A_1534 = vector.bitcast %parallel_loop3A_1533 : vector<16xi32> to vector<32xbf16>
          %parallel_loop3A_1535 = arith.mulf %parallel_loop3A_1530, %parallel_loop3A_1534 : vector<32xbf16>
          %parallel_loop3A_1536 = tpu.unpack_subelements %parallel_loop3A_1535, 0 {pack_format = #tpu.pack_format<interleaved>} : vector<32xbf16> -> vector<16xf32>
          %parallel_loop3A_1537 = tpu.unpack_subelements %parallel_loop3A_1535, 1 {pack_format = #tpu.pack_format<interleaved>} : vector<32xbf16> -> vector<16xf32>
          %parallel_loop3A_1538 = arith.addf %parallel_loop3A_1536, %parallel_loop3A_1537 : vector<16xf32>
          %parallel_loop3A_1539 = arith.subf %parallel_loop3A_1526, %parallel_loop3A_1538 : vector<16xf32>
          %parallel_loop3A_1540 = arith.index_cast %parallel_loop3A_1344 : i32 to index
          %parallel_loop3A_1541 = arith.constant 240 : index
          %parallel_loop3A_1542 = tpu.vector_load %arg9[%parallel_loop3A_1540, %parallel_loop3A_1541] {strides = array<i32>} : memref<64x256xi32, #tpu.memory_space<vmem>>, vector<16xi32>,
          %parallel_loop3A_1543 = vector.bitcast %parallel_loop3A_1542 : vector<16xi32> to vector<32xbf16>
          %parallel_loop3A_1544 = arith.index_cast %parallel_loop3A_1344 : i32 to index
          %parallel_loop3A_1545 = arith.constant 240 : index
          %parallel_loop3A_1546 = tpu.vector_load %arg10[%parallel_loop3A_1544, %parallel_loop3A_1545] {strides = array<i32>} : memref<64x256xi32, #tpu.memory_space<vmem>>, vector<16xi32>,
          %parallel_loop3A_1547 = vector.bitcast %parallel_loop3A_1546 : vector<16xi32> to vector<32xbf16>
          %parallel_loop3A_1548 = arith.mulf %parallel_loop3A_1543, %parallel_loop3A_1547 : vector<32xbf16>
          %parallel_loop3A_1549 = tpu.unpack_subelements %parallel_loop3A_1548, 0 {pack_format = #tpu.pack_format<interleaved>} : vector<32xbf16> -> vector<16xf32>
          %parallel_loop3A_1550 = tpu.unpack_subelements %parallel_loop3A_1548, 1 {pack_format = #tpu.pack_format<interleaved>} : vector<32xbf16> -> vector<16xf32>
          %parallel_loop3A_1551 = arith.addf %parallel_loop3A_1549, %parallel_loop3A_1550 : vector<16xf32>
          %parallel_loop3A_1552 = arith.subf %parallel_loop3A_1539, %parallel_loop3A_1551 : vector<16xf32>
          %parallel_loop3A_1553 = arith.index_cast %parallel_loop3A_1341 : i32 to index
          %parallel_loop3A_1554 = arith.constant 0 : index
          %parallel_loop3A_1555 = tpu.vector_load %arg13[%parallel_loop3A_1553, %parallel_loop3A_1554] {strides = array<i32>} : memref<16x16xf32, #tpu.memory_space<vmem>>, vector<16xf32>,
          tpu.vector_store %arg13[%parallel_loop3A_1553, %parallel_loop3A_1554], %parallel_loop3A_1552 {strides = array<i32>} : memref<16x16xf32, #tpu.memory_space<vmem>>, vector<16xf32>,
        } {sc.loop_unroll_factor = 2 : i64, sc.parallel_access}
        %broadcast_in_dim3A_1275 = arith.constant 0 : i32
        %broadcast_in_dim3A_1276 = vector.broadcast %broadcast_in_dim3A_1275 : i32 to vector<16xi32>
        %gather3A_1277 = tpu.vector_load_idx %arg13[%iota3A, %broadcast_in_dim3A_1276] : memref<16x16xf32, #tpu.memory_space<vmem>>[vector<16xi32>, vector<16xi32>], vector<16xf32>,
        %add3A_1278 = arith.addf %broadcast_in_dim3A_3, %gather3A_1277 : vector<16xf32>
        %broadcast_in_dim3A_1279 = arith.constant 1 : i32
        %broadcast_in_dim3A_1280 = vector.broadcast %broadcast_in_dim3A_1279 : i32 to vector<16xi32>
        %gather3A_1281 = tpu.vector_load_idx %arg13[%iota3A, %broadcast_in_dim3A_1280] : memref<16x16xf32, #tpu.memory_space<vmem>>[vector<16xi32>, vector<16xi32>], vector<16xf32>,
        %add3A_1282 = arith.addf %add3A_1278, %gather3A_1281 : vector<16xf32>
        %broadcast_in_dim3A_1283 = arith.constant 2 : i32
        %broadcast_in_dim3A_1284 = vector.broadcast %broadcast_in_dim3A_1283 : i32 to vector<16xi32>
        %gather3A_1285 = tpu.vector_load_idx %arg13[%iota3A, %broadcast_in_dim3A_1284] : memref<16x16xf32, #tpu.memory_space<vmem>>[vector<16xi32>, vector<16xi32>], vector<16xf32>,
        %add3A_1286 = arith.addf %add3A_1282, %gather3A_1285 : vector<16xf32>
        %broadcast_in_dim3A_1287 = arith.constant 3 : i32
        %broadcast_in_dim3A_1288 = vector.broadcast %broadcast_in_dim3A_1287 : i32 to vector<16xi32>
        %gather3A_1289 = tpu.vector_load_idx %arg13[%iota3A, %broadcast_in_dim3A_1288] : memref<16x16xf32, #tpu.memory_space<vmem>>[vector<16xi32>, vector<16xi32>], vector<16xf32>,
        %add3A_1290 = arith.addf %add3A_1286, %gather3A_1289 : vector<16xf32>
        %broadcast_in_dim3A_1291 = arith.constant 4 : i32
        %broadcast_in_dim3A_1292 = vector.broadcast %broadcast_in_dim3A_1291 : i32 to vector<16xi32>
        %gather3A_1293 = tpu.vector_load_idx %arg13[%iota3A, %broadcast_in_dim3A_1292] : memref<16x16xf32, #tpu.memory_space<vmem>>[vector<16xi32>, vector<16xi32>], vector<16xf32>,
        %add3A_1294 = arith.addf %add3A_1290, %gather3A_1293 : vector<16xf32>
        %broadcast_in_dim3A_1295 = arith.constant 5 : i32
        %broadcast_in_dim3A_1296 = vector.broadcast %broadcast_in_dim3A_1295 : i32 to vector<16xi32>
        %gather3A_1297 = tpu.vector_load_idx %arg13[%iota3A, %broadcast_in_dim3A_1296] : memref<16x16xf32, #tpu.memory_space<vmem>>[vector<16xi32>, vector<16xi32>], vector<16xf32>,
        %add3A_1298 = arith.addf %add3A_1294, %gather3A_1297 : vector<16xf32>
        %broadcast_in_dim3A_1299 = arith.constant 6 : i32
        %broadcast_in_dim3A_1300 = vector.broadcast %broadcast_in_dim3A_1299 : i32 to vector<16xi32>
        %gather3A_1301 = tpu.vector_load_idx %arg13[%iota3A, %broadcast_in_dim3A_1300] : memref<16x16xf32, #tpu.memory_space<vmem>>[vector<16xi32>, vector<16xi32>], vector<16xf32>,
        %add3A_1302 = arith.addf %add3A_1298, %gather3A_1301 : vector<16xf32>
        %broadcast_in_dim3A_1303 = arith.constant 7 : i32
        %broadcast_in_dim3A_1304 = vector.broadcast %broadcast_in_dim3A_1303 : i32 to vector<16xi32>
        %gather3A_1305 = tpu.vector_load_idx %arg13[%iota3A, %broadcast_in_dim3A_1304] : memref<16x16xf32, #tpu.memory_space<vmem>>[vector<16xi32>, vector<16xi32>], vector<16xf32>,
        %add3A_1306 = arith.addf %add3A_1302, %gather3A_1305 : vector<16xf32>
        %broadcast_in_dim3A_1307 = arith.constant 8 : i32
        %broadcast_in_dim3A_1308 = vector.broadcast %broadcast_in_dim3A_1307 : i32 to vector<16xi32>
        %gather3A_1309 = tpu.vector_load_idx %arg13[%iota3A, %broadcast_in_dim3A_1308] : memref<16x16xf32, #tpu.memory_space<vmem>>[vector<16xi32>, vector<16xi32>], vector<16xf32>,
        %add3A_1310 = arith.addf %add3A_1306, %gather3A_1309 : vector<16xf32>
        %broadcast_in_dim3A_1311 = arith.constant 9 : i32
        %broadcast_in_dim3A_1312 = vector.broadcast %broadcast_in_dim3A_1311 : i32 to vector<16xi32>
        %gather3A_1313 = tpu.vector_load_idx %arg13[%iota3A, %broadcast_in_dim3A_1312] : memref<16x16xf32, #tpu.memory_space<vmem>>[vector<16xi32>, vector<16xi32>], vector<16xf32>,
        %add3A_1314 = arith.addf %add3A_1310, %gather3A_1313 : vector<16xf32>
        %broadcast_in_dim3A_1315 = arith.constant 10 : i32
        %broadcast_in_dim3A_1316 = vector.broadcast %broadcast_in_dim3A_1315 : i32 to vector<16xi32>
        %gather3A_1317 = tpu.vector_load_idx %arg13[%iota3A, %broadcast_in_dim3A_1316] : memref<16x16xf32, #tpu.memory_space<vmem>>[vector<16xi32>, vector<16xi32>], vector<16xf32>,
        %add3A_1318 = arith.addf %add3A_1314, %gather3A_1317 : vector<16xf32>
        %broadcast_in_dim3A_1319 = arith.constant 11 : i32
        %broadcast_in_dim3A_1320 = vector.broadcast %broadcast_in_dim3A_1319 : i32 to vector<16xi32>
        %gather3A_1321 = tpu.vector_load_idx %arg13[%iota3A, %broadcast_in_dim3A_1320] : memref<16x16xf32, #tpu.memory_space<vmem>>[vector<16xi32>, vector<16xi32>], vector<16xf32>,
        %add3A_1322 = arith.addf %add3A_1318, %gather3A_1321 : vector<16xf32>
        %broadcast_in_dim3A_1323 = arith.constant 12 : i32
        %broadcast_in_dim3A_1324 = vector.broadcast %broadcast_in_dim3A_1323 : i32 to vector<16xi32>
        %gather3A_1325 = tpu.vector_load_idx %arg13[%iota3A, %broadcast_in_dim3A_1324] : memref<16x16xf32, #tpu.memory_space<vmem>>[vector<16xi32>, vector<16xi32>], vector<16xf32>,
        %add3A_1326 = arith.addf %add3A_1322, %gather3A_1325 : vector<16xf32>
        %broadcast_in_dim3A_1327 = arith.constant 13 : i32
        %broadcast_in_dim3A_1328 = vector.broadcast %broadcast_in_dim3A_1327 : i32 to vector<16xi32>
        %gather3A_1329 = tpu.vector_load_idx %arg13[%iota3A, %broadcast_in_dim3A_1328] : memref<16x16xf32, #tpu.memory_space<vmem>>[vector<16xi32>, vector<16xi32>], vector<16xf32>,
        %add3A_1330 = arith.addf %add3A_1326, %gather3A_1329 : vector<16xf32>
        %broadcast_in_dim3A_1331 = arith.constant 14 : i32
        %broadcast_in_dim3A_1332 = vector.broadcast %broadcast_in_dim3A_1331 : i32 to vector<16xi32>
        %gather3A_1333 = tpu.vector_load_idx %arg13[%iota3A, %broadcast_in_dim3A_1332] : memref<16x16xf32, #tpu.memory_space<vmem>>[vector<16xi32>, vector<16xi32>], vector<16xf32>,
        %add3A_1334 = arith.addf %add3A_1330, %gather3A_1333 : vector<16xf32>
        %broadcast_in_dim3A_1335 = arith.constant 15 : i32
        %broadcast_in_dim3A_1336 = vector.broadcast %broadcast_in_dim3A_1335 : i32 to vector<16xi32>
        %gather3A_1337 = tpu.vector_load_idx %arg13[%iota3A, %broadcast_in_dim3A_1336] : memref<16x16xf32, #tpu.memory_space<vmem>>[vector<16xi32>, vector<16xi32>], vector<16xf32>,
        %add3A_1338 = arith.addf %add3A_1334, %gather3A_1337 : vector<16xf32>
        %mul3A_1339 = arith.mulf %add3A_1338, %add3A_1338 : vector<16xf32>
        %add3A_1340 = arith.addf %scan3A_1271, %mul3A_1339 : vector<16xf32>
        scf.yield %add3A_1340 : vector<16xf32>
      }
      %scan3A_1236 = arith.constant 4 : i32
      %mul3A_1237 = arith.constant 3 : i32
      %mul3A_1238 = arith.muli %mul3A_1237, %scan3A_1172 : i32
      %add3A_1239 = arith.constant 2 : i32
      %add3A_1240 = arith.addi %mul3A_1238, %add3A_1239 : i32
      %add3A_1241 = arith.constant 2 : i32
      %add3A_1242 = arith.addi %add3A_1240, %add3A_1241 : i32
      %lt3A_1243 = arith.constant 78 : i32
      %lt3A_1244 = arith.cmpi slt, %add3A_1242, %lt3A_1243 : i32
      %convert_element_type3A_1245 = arith.extui %lt3A_1244 : i1 to i32
      %cond3A_1246 = arith.constant 0 : i32
      %cond3A_1247 = arith.cmpi ne, %convert_element_type3A_1245, %cond3A_1246 : i32
      scf.if %cond3A_1247 {
        %add3A_1270 = arith.constant 2 : i32
        %add3A_1271 = arith.addi %add3A_1240, %add3A_1270 : i32
        %mul3A_1272 = arith.constant 64 : i32
        %mul3A_1273 = arith.muli %add3A_1271, %mul3A_1272 : i32
        %dma_start3A_1274 = arith.constant 0 : i32
        %dma_start3A_1275 = arith.constant 0 : i32
        %dma_start3A_1276 = tpu.memref_slice %arg9[%dma_start3A_1274, %dma_start3A_1275] : memref<64x256xi32, #tpu.memory_space<vmem>> -> memref<64x256xi32, #tpu.memory_space<vmem>>
        %dma_start3A_1277 = tpu.memref_slice %arg5[%mul3A_1273] : memref<5000xi32, #tpu.memory_space<vmem>> -> memref<64xi32, #tpu.memory_space<vmem>>
        %dma_start3A_1278 = arith.constant 0 : i32
        %dma_start3A_1279 = arith.constant 0 : i32
        %dma_start3A_1280 = tpu.memref_slice %arg2[%dma_start3A_1278, %dma_start3A_1279] : memref<10000x256xi32, #tpu.memory_space<hbm>> -> memref<10000x256xi32, #tpu.memory_space<hbm>>
        tpu.enqueue_indirect_dma source(%dma_start3A_1280 : memref<10000x256xi32, #tpu.memory_space<hbm>>) target(%dma_start3A_1276 : memref<64x256xi32, #tpu.memory_space<vmem>>) offsets(%dma_start3A_1277 : memref<64xi32, #tpu.memory_space<vmem>>) semaphore(%arg17 : memref<!tpu.dma_semaphore, #tpu.memory_space<semaphore_mem>>)
        %mul3A_1281 = arith.constant 64 : i32
        %mul3A_1282 = arith.muli %add3A_1271, %mul3A_1281 : i32
        %dma_start3A_1283 = arith.constant 0 : i32
        %dma_start3A_1284 = arith.constant 0 : i32
        %dma_start3A_1285 = tpu.memref_slice %arg10[%dma_start3A_1283, %dma_start3A_1284] : memref<64x256xi32, #tpu.memory_space<vmem>> -> memref<64x256xi32, #tpu.memory_space<vmem>>
        %dma_start3A_1286 = tpu.memref_slice %arg6[%mul3A_1282] : memref<5000xi32, #tpu.memory_space<vmem>> -> memref<64xi32, #tpu.memory_space<vmem>>
        %dma_start3A_1287 = arith.constant 0 : i32
        %dma_start3A_1288 = arith.constant 0 : i32
        %dma_start3A_1289 = tpu.memref_slice %arg2[%dma_start3A_1287, %dma_start3A_1288] : memref<10000x256xi32, #tpu.memory_space<hbm>> -> memref<10000x256xi32, #tpu.memory_space<hbm>>
        tpu.enqueue_indirect_dma source(%dma_start3A_1289 : memref<10000x256xi32, #tpu.memory_space<hbm>>) target(%dma_start3A_1285 : memref<64x256xi32, #tpu.memory_space<vmem>>) offsets(%dma_start3A_1286 : memref<64xi32, #tpu.memory_space<vmem>>) semaphore(%arg18 : memref<!tpu.dma_semaphore, #tpu.memory_space<semaphore_mem>>)
      } else {
      }
      %dma_wait3A_1248 = arith.constant 0 : i32
      %dma_wait3A_1249 = arith.constant 0 : i32
      %dma_wait3A_1250 = tpu.memref_slice %arg11[%dma_wait3A_1248, %dma_wait3A_1249] : memref<64x256xi32, #tpu.memory_space<vmem>> -> memref<64x256xi32, #tpu.memory_space<vmem>>
      %dma_wait3A_1251 = arith.constant 0 : i32
      %dma_wait3A_1252 = tpu.memref_slice %arg5[%dma_wait3A_1251] : memref<5000xi32, #tpu.memory_space<vmem>> -> memref<64xi32, #tpu.memory_space<vmem>>
      %dma_wait3A_1253 = arith.constant 0 : i32
      %dma_wait3A_1254 = arith.constant 0 : i32
      %dma_wait3A_1255 = tpu.memref_slice %arg2[%dma_wait3A_1253, %dma_wait3A_1254] : memref<10000x256xi32, #tpu.memory_space<hbm>> -> memref<10000x256xi32, #tpu.memory_space<hbm>>
      tpu.wait_indirect_dma semaphore(%arg19 : memref<!tpu.dma_semaphore, #tpu.memory_space<semaphore_mem>>) src(%dma_wait3A_1255 : memref<10000x256xi32, #tpu.memory_space<hbm>>) dst(%dma_wait3A_1250 : memref<64x256xi32, #tpu.memory_space<vmem>>)
      %dma_wait3A_1256 = arith.constant 0 : i32
      %dma_wait3A_1257 = arith.constant 0 : i32
      %dma_wait3A_1258 = tpu.memref_slice %arg12[%dma_wait3A_1256, %dma_wait3A_1257] : memref<64x256xi32, #tpu.memory_space<vmem>> -> memref<64x256xi32, #tpu.memory_space<vmem>>
      %dma_wait3A_1259 = arith.constant 0 : i32
      %dma_wait3A_1260 = tpu.memref_slice %arg6[%dma_wait3A_1259] : memref<5000xi32, #tpu.memory_space<vmem>> -> memref<64xi32, #tpu.memory_space<vmem>>
      %dma_wait3A_1261 = arith.constant 0 : i32
      %dma_wait3A_1262 = arith.constant 0 : i32
      %dma_wait3A_1263 = tpu.memref_slice %arg2[%dma_wait3A_1261, %dma_wait3A_1262] : memref<10000x256xi32, #tpu.memory_space<hbm>> -> memref<10000x256xi32, #tpu.memory_space<hbm>>
      tpu.wait_indirect_dma semaphore(%arg20 : memref<!tpu.dma_semaphore, #tpu.memory_space<semaphore_mem>>) src(%dma_wait3A_1263 : memref<10000x256xi32, #tpu.memory_space<hbm>>) dst(%dma_wait3A_1258 : memref<64x256xi32, #tpu.memory_space<vmem>>)
      %scan3A_1264 = arith.constant 0 : i32
      %scan3A_1265 = arith.constant 4 : i32
      %scan3A_1266 = arith.addi %scan3A_1264, %scan3A_1265 : i32
      %scan3A_1267 = arith.constant 1 : i32
      %scan3A_1268 = scf.for %scan3A_1270 = %scan3A_1264 to %scan3A_1266 step %scan3A_1267 iter_args(%scan3A_1271 = %scan3A_1235) -> (vector<16xf32>)  : i32 {
        %parallel_loop3A_1272 = arith.constant 0 : i32
        %parallel_loop3A_1273 = arith.constant 16 : i32
        %parallel_loop3A_1274 = arith.constant 1 : i32
        scf.for %parallel_loop3A_1341 = %parallel_loop3A_1272 to %parallel_loop3A_1273 step %parallel_loop3A_1274  : i32 {
          %parallel_loop3A_1342 = arith.constant 16 : i32
          %parallel_loop3A_1343 = arith.muli %scan3A_1270, %parallel_loop3A_1342 : i32
          %parallel_loop3A_1344 = arith.addi %parallel_loop3A_1343, %parallel_loop3A_1341 : i32
          %parallel_loop3A_1345 = arith.index_cast %parallel_loop3A_1344 : i32 to index
          %parallel_loop3A_1346 = arith.constant 0 : index
          %parallel_loop3A_1347 = tpu.vector_load %arg11[%parallel_loop3A_1345, %parallel_loop3A_1346] {strides = array<i32>} : memref<64x256xi32, #tpu.memory_space<vmem>>, vector<16xi32>,
          %parallel_loop3A_1348 = vector.bitcast %parallel_loop3A_1347 : vector<16xi32> to vector<32xbf16>
          %parallel_loop3A_1349 = arith.index_cast %parallel_loop3A_1344 : i32 to index
          %parallel_loop3A_1350 = arith.constant 0 : index
          %parallel_loop3A_1351 = tpu.vector_load %arg12[%parallel_loop3A_1349, %parallel_loop3A_1350] {strides = array<i32>} : memref<64x256xi32, #tpu.memory_space<vmem>>, vector<16xi32>,
          %parallel_loop3A_1352 = vector.bitcast %parallel_loop3A_1351 : vector<16xi32> to vector<32xbf16>
          %parallel_loop3A_1353 = arith.mulf %parallel_loop3A_1348, %parallel_loop3A_1352 : vector<32xbf16>
          %parallel_loop3A_1354 = tpu.unpack_subelements %parallel_loop3A_1353, 0 {pack_format = #tpu.pack_format<interleaved>} : vector<32xbf16> -> vector<16xf32>
          %parallel_loop3A_1355 = tpu.unpack_subelements %parallel_loop3A_1353, 1 {pack_format = #tpu.pack_format<interleaved>} : vector<32xbf16> -> vector<16xf32>
          %parallel_loop3A_1356 = arith.addf %parallel_loop3A_1354, %parallel_loop3A_1355 : vector<16xf32>
          %parallel_loop3A_1357 = arith.addf %broadcast_in_dim3A_3, %parallel_loop3A_1356 : vector<16xf32>
          %parallel_loop3A_1358 = arith.index_cast %parallel_loop3A_1344 : i32 to index
          %parallel_loop3A_1359 = arith.constant 16 : index
          %parallel_loop3A_1360 = tpu.vector_load %arg11[%parallel_loop3A_1358, %parallel_loop3A_1359] {strides = array<i32>} : memref<64x256xi32, #tpu.memory_space<vmem>>, vector<16xi32>,
          %parallel_loop3A_1361 = vector.bitcast %parallel_loop3A_1360 : vector<16xi32> to vector<32xbf16>
          %parallel_loop3A_1362 = arith.index_cast %parallel_loop3A_1344 : i32 to index
          %parallel_loop3A_1363 = arith.constant 16 : index
          %parallel_loop3A_1364 = tpu.vector_load %arg12[%parallel_loop3A_1362, %parallel_loop3A_1363] {strides = array<i32>} : memref<64x256xi32, #tpu.memory_space<vmem>>, vector<16xi32>,
          %parallel_loop3A_1365 = vector.bitcast %parallel_loop3A_1364 : vector<16xi32> to vector<32xbf16>
          %parallel_loop3A_1366 = arith.mulf %parallel_loop3A_1361, %parallel_loop3A_1365 : vector<32xbf16>
          %parallel_loop3A_1367 = tpu.unpack_subelements %parallel_loop3A_1366, 0 {pack_format = #tpu.pack_format<interleaved>} : vector<32xbf16> -> vector<16xf32>
          %parallel_loop3A_1368 = tpu.unpack_subelements %parallel_loop3A_1366, 1 {pack_format = #tpu.pack_format<interleaved>} : vector<32xbf16> -> vector<16xf32>
          %parallel_loop3A_1369 = arith.addf %parallel_loop3A_1367, %parallel_loop3A_1368 : vector<16xf32>
          %parallel_loop3A_1370 = arith.addf %parallel_loop3A_1357, %parallel_loop3A_1369 : vector<16xf32>
          %parallel_loop3A_1371 = arith.index_cast %parallel_loop3A_1344 : i32 to index
          %parallel_loop3A_1372 = arith.constant 32 : index
          %parallel_loop3A_1373 = tpu.vector_load %arg11[%parallel_loop3A_1371, %parallel_loop3A_1372] {strides = array<i32>} : memref<64x256xi32, #tpu.memory_space<vmem>>, vector<16xi32>,
          %parallel_loop3A_1374 = vector.bitcast %parallel_loop3A_1373 : vector<16xi32> to vector<32xbf16>
          %parallel_loop3A_1375 = arith.index_cast %parallel_loop3A_1344 : i32 to index
          %parallel_loop3A_1376 = arith.constant 32 : index
          %parallel_loop3A_1377 = tpu.vector_load %arg12[%parallel_loop3A_1375, %parallel_loop3A_1376] {strides = array<i32>} : memref<64x256xi32, #tpu.memory_space<vmem>>, vector<16xi32>,
          %parallel_loop3A_1378 = vector.bitcast %parallel_loop3A_1377 : vector<16xi32> to vector<32xbf16>
          %parallel_loop3A_1379 = arith.mulf %parallel_loop3A_1374, %parallel_loop3A_1378 : vector<32xbf16>
          %parallel_loop3A_1380 = tpu.unpack_subelements %parallel_loop3A_1379, 0 {pack_format = #tpu.pack_format<interleaved>} : vector<32xbf16> -> vector<16xf32>
          %parallel_loop3A_1381 = tpu.unpack_subelements %parallel_loop3A_1379, 1 {pack_format = #tpu.pack_format<interleaved>} : vector<32xbf16> -> vector<16xf32>
          %parallel_loop3A_1382 = arith.addf %parallel_loop3A_1380, %parallel_loop3A_1381 : vector<16xf32>
          %parallel_loop3A_1383 = arith.addf %parallel_loop3A_1370, %parallel_loop3A_1382 : vector<16xf32>
          %parallel_loop3A_1384 = arith.index_cast %parallel_loop3A_1344 : i32 to index
          %parallel_loop3A_1385 = arith.constant 48 : index
          %parallel_loop3A_1386 = tpu.vector_load %arg11[%parallel_loop3A_1384, %parallel_loop3A_1385] {strides = array<i32>} : memref<64x256xi32, #tpu.memory_space<vmem>>, vector<16xi32>,
          %parallel_loop3A_1387 = vector.bitcast %parallel_loop3A_1386 : vector<16xi32> to vector<32xbf16>
          %parallel_loop3A_1388 = arith.index_cast %parallel_loop3A_1344 : i32 to index
          %parallel_loop3A_1389 = arith.constant 48 : index
          %parallel_loop3A_1390 = tpu.vector_load %arg12[%parallel_loop3A_1388, %parallel_loop3A_1389] {strides = array<i32>} : memref<64x256xi32, #tpu.memory_space<vmem>>, vector<16xi32>,
          %parallel_loop3A_1391 = vector.bitcast %parallel_loop3A_1390 : vector<16xi32> to vector<32xbf16>
          %parallel_loop3A_1392 = arith.mulf %parallel_loop3A_1387, %parallel_loop3A_1391 : vector<32xbf16>
          %parallel_loop3A_1393 = tpu.unpack_subelements %parallel_loop3A_1392, 0 {pack_format = #tpu.pack_format<interleaved>} : vector<32xbf16> -> vector<16xf32>
          %parallel_loop3A_1394 = tpu.unpack_subelements %parallel_loop3A_1392, 1 {pack_format = #tpu.pack_format<interleaved>} : vector<32xbf16> -> vector<16xf32>
          %parallel_loop3A_1395 = arith.addf %parallel_loop3A_1393, %parallel_loop3A_1394 : vector<16xf32>
          %parallel_loop3A_1396 = arith.addf %parallel_loop3A_1383, %parallel_loop3A_1395 : vector<16xf32>
          %parallel_loop3A_1397 = arith.index_cast %parallel_loop3A_1344 : i32 to index
          %parallel_loop3A_1398 = arith.constant 64 : index
          %parallel_loop3A_1399 = tpu.vector_load %arg11[%parallel_loop3A_1397, %parallel_loop3A_1398] {strides = array<i32>} : memref<64x256xi32, #tpu.memory_space<vmem>>, vector<16xi32>,
          %parallel_loop3A_1400 = vector.bitcast %parallel_loop3A_1399 : vector<16xi32> to vector<32xbf16>
          %parallel_loop3A_1401 = arith.index_cast %parallel_loop3A_1344 : i32 to index
          %parallel_loop3A_1402 = arith.constant 64 : index
          %parallel_loop3A_1403 = tpu.vector_load %arg12[%parallel_loop3A_1401, %parallel_loop3A_1402] {strides = array<i32>} : memref<64x256xi32, #tpu.memory_space<vmem>>, vector<16xi32>,
          %parallel_loop3A_1404 = vector.bitcast %parallel_loop3A_1403 : vector<16xi32> to vector<32xbf16>
          %parallel_loop3A_1405 = arith.mulf %parallel_loop3A_1400, %parallel_loop3A_1404 : vector<32xbf16>
          %parallel_loop3A_1406 = tpu.unpack_subelements %parallel_loop3A_1405, 0 {pack_format = #tpu.pack_format<interleaved>} : vector<32xbf16> -> vector<16xf32>
          %parallel_loop3A_1407 = tpu.unpack_subelements %parallel_loop3A_1405, 1 {pack_format = #tpu.pack_format<interleaved>} : vector<32xbf16> -> vector<16xf32>
          %parallel_loop3A_1408 = arith.addf %parallel_loop3A_1406, %parallel_loop3A_1407 : vector<16xf32>
          %parallel_loop3A_1409 = arith.addf %parallel_loop3A_1396, %parallel_loop3A_1408 : vector<16xf32>
          %parallel_loop3A_1410 = arith.index_cast %parallel_loop3A_1344 : i32 to index
          %parallel_loop3A_1411 = arith.constant 80 : index
          %parallel_loop3A_1412 = tpu.vector_load %arg11[%parallel_loop3A_1410, %parallel_loop3A_1411] {strides = array<i32>} : memref<64x256xi32, #tpu.memory_space<vmem>>, vector<16xi32>,
          %parallel_loop3A_1413 = vector.bitcast %parallel_loop3A_1412 : vector<16xi32> to vector<32xbf16>
          %parallel_loop3A_1414 = arith.index_cast %parallel_loop3A_1344 : i32 to index
          %parallel_loop3A_1415 = arith.constant 80 : index
          %parallel_loop3A_1416 = tpu.vector_load %arg12[%parallel_loop3A_1414, %parallel_loop3A_1415] {strides = array<i32>} : memref<64x256xi32, #tpu.memory_space<vmem>>, vector<16xi32>,
          %parallel_loop3A_1417 = vector.bitcast %parallel_loop3A_1416 : vector<16xi32> to vector<32xbf16>
          %parallel_loop3A_1418 = arith.mulf %parallel_loop3A_1413, %parallel_loop3A_1417 : vector<32xbf16>
          %parallel_loop3A_1419 = tpu.unpack_subelements %parallel_loop3A_1418, 0 {pack_format = #tpu.pack_format<interleaved>} : vector<32xbf16> -> vector<16xf32>
          %parallel_loop3A_1420 = tpu.unpack_subelements %parallel_loop3A_1418, 1 {pack_format = #tpu.pack_format<interleaved>} : vector<32xbf16> -> vector<16xf32>
          %parallel_loop3A_1421 = arith.addf %parallel_loop3A_1419, %parallel_loop3A_1420 : vector<16xf32>
          %parallel_loop3A_1422 = arith.addf %parallel_loop3A_1409, %parallel_loop3A_1421 : vector<16xf32>
          %parallel_loop3A_1423 = arith.index_cast %parallel_loop3A_1344 : i32 to index
          %parallel_loop3A_1424 = arith.constant 96 : index
          %parallel_loop3A_1425 = tpu.vector_load %arg11[%parallel_loop3A_1423, %parallel_loop3A_1424] {strides = array<i32>} : memref<64x256xi32, #tpu.memory_space<vmem>>, vector<16xi32>,
          %parallel_loop3A_1426 = vector.bitcast %parallel_loop3A_1425 : vector<16xi32> to vector<32xbf16>
          %parallel_loop3A_1427 = arith.index_cast %parallel_loop3A_1344 : i32 to index
          %parallel_loop3A_1428 = arith.constant 96 : index
          %parallel_loop3A_1429 = tpu.vector_load %arg12[%parallel_loop3A_1427, %parallel_loop3A_1428] {strides = array<i32>} : memref<64x256xi32, #tpu.memory_space<vmem>>, vector<16xi32>,
          %parallel_loop3A_1430 = vector.bitcast %parallel_loop3A_1429 : vector<16xi32> to vector<32xbf16>
          %parallel_loop3A_1431 = arith.mulf %parallel_loop3A_1426, %parallel_loop3A_1430 : vector<32xbf16>
          %parallel_loop3A_1432 = tpu.unpack_subelements %parallel_loop3A_1431, 0 {pack_format = #tpu.pack_format<interleaved>} : vector<32xbf16> -> vector<16xf32>
          %parallel_loop3A_1433 = tpu.unpack_subelements %parallel_loop3A_1431, 1 {pack_format = #tpu.pack_format<interleaved>} : vector<32xbf16> -> vector<16xf32>
          %parallel_loop3A_1434 = arith.addf %parallel_loop3A_1432, %parallel_loop3A_1433 : vector<16xf32>
          %parallel_loop3A_1435 = arith.addf %parallel_loop3A_1422, %parallel_loop3A_1434 : vector<16xf32>
          %parallel_loop3A_1436 = arith.index_cast %parallel_loop3A_1344 : i32 to index
          %parallel_loop3A_1437 = arith.constant 112 : index
          %parallel_loop3A_1438 = tpu.vector_load %arg11[%parallel_loop3A_1436, %parallel_loop3A_1437] {strides = array<i32>} : memref<64x256xi32, #tpu.memory_space<vmem>>, vector<16xi32>,
          %parallel_loop3A_1439 = vector.bitcast %parallel_loop3A_1438 : vector<16xi32> to vector<32xbf16>
          %parallel_loop3A_1440 = arith.index_cast %parallel_loop3A_1344 : i32 to index
          %parallel_loop3A_1441 = arith.constant 112 : index
          %parallel_loop3A_1442 = tpu.vector_load %arg12[%parallel_loop3A_1440, %parallel_loop3A_1441] {strides = array<i32>} : memref<64x256xi32, #tpu.memory_space<vmem>>, vector<16xi32>,
          %parallel_loop3A_1443 = vector.bitcast %parallel_loop3A_1442 : vector<16xi32> to vector<32xbf16>
          %parallel_loop3A_1444 = arith.mulf %parallel_loop3A_1439, %parallel_loop3A_1443 : vector<32xbf16>
          %parallel_loop3A_1445 = tpu.unpack_subelements %parallel_loop3A_1444, 0 {pack_format = #tpu.pack_format<interleaved>} : vector<32xbf16> -> vector<16xf32>
          %parallel_loop3A_1446 = tpu.unpack_subelements %parallel_loop3A_1444, 1 {pack_format = #tpu.pack_format<interleaved>} : vector<32xbf16> -> vector<16xf32>
          %parallel_loop3A_1447 = arith.addf %parallel_loop3A_1445, %parallel_loop3A_1446 : vector<16xf32>
          %parallel_loop3A_1448 = arith.addf %parallel_loop3A_1435, %parallel_loop3A_1447 : vector<16xf32>
          %parallel_loop3A_1449 = arith.index_cast %parallel_loop3A_1344 : i32 to index
          %parallel_loop3A_1450 = arith.constant 128 : index
          %parallel_loop3A_1451 = tpu.vector_load %arg11[%parallel_loop3A_1449, %parallel_loop3A_1450] {strides = array<i32>} : memref<64x256xi32, #tpu.memory_space<vmem>>, vector<16xi32>,
          %parallel_loop3A_1452 = vector.bitcast %parallel_loop3A_1451 : vector<16xi32> to vector<32xbf16>
          %parallel_loop3A_1453 = arith.index_cast %parallel_loop3A_1344 : i32 to index
          %parallel_loop3A_1454 = arith.constant 128 : index
          %parallel_loop3A_1455 = tpu.vector_load %arg12[%parallel_loop3A_1453, %parallel_loop3A_1454] {strides = array<i32>} : memref<64x256xi32, #tpu.memory_space<vmem>>, vector<16xi32>,
          %parallel_loop3A_1456 = vector.bitcast %parallel_loop3A_1455 : vector<16xi32> to vector<32xbf16>
          %parallel_loop3A_1457 = arith.mulf %parallel_loop3A_1452, %parallel_loop3A_1456 : vector<32xbf16>
          %parallel_loop3A_1458 = tpu.unpack_subelements %parallel_loop3A_1457, 0 {pack_format = #tpu.pack_format<interleaved>} : vector<32xbf16> -> vector<16xf32>
          %parallel_loop3A_1459 = tpu.unpack_subelements %parallel_loop3A_1457, 1 {pack_format = #tpu.pack_format<interleaved>} : vector<32xbf16> -> vector<16xf32>
          %parallel_loop3A_1460 = arith.addf %parallel_loop3A_1458, %parallel_loop3A_1459 : vector<16xf32>
          %parallel_loop3A_1461 = arith.subf %parallel_loop3A_1448, %parallel_loop3A_1460 : vector<16xf32>
          %parallel_loop3A_1462 = arith.index_cast %parallel_loop3A_1344 : i32 to index
          %parallel_loop3A_1463 = arith.constant 144 : index
          %parallel_loop3A_1464 = tpu.vector_load %arg11[%parallel_loop3A_1462, %parallel_loop3A_1463] {strides = array<i32>} : memref<64x256xi32, #tpu.memory_space<vmem>>, vector<16xi32>,
          %parallel_loop3A_1465 = vector.bitcast %parallel_loop3A_1464 : vector<16xi32> to vector<32xbf16>
          %parallel_loop3A_1466 = arith.index_cast %parallel_loop3A_1344 : i32 to index
          %parallel_loop3A_1467 = arith.constant 144 : index
          %parallel_loop3A_1468 = tpu.vector_load %arg12[%parallel_loop3A_1466, %parallel_loop3A_1467] {strides = array<i32>} : memref<64x256xi32, #tpu.memory_space<vmem>>, vector<16xi32>,
          %parallel_loop3A_1469 = vector.bitcast %parallel_loop3A_1468 : vector<16xi32> to vector<32xbf16>
          %parallel_loop3A_1470 = arith.mulf %parallel_loop3A_1465, %parallel_loop3A_1469 : vector<32xbf16>
          %parallel_loop3A_1471 = tpu.unpack_subelements %parallel_loop3A_1470, 0 {pack_format = #tpu.pack_format<interleaved>} : vector<32xbf16> -> vector<16xf32>
          %parallel_loop3A_1472 = tpu.unpack_subelements %parallel_loop3A_1470, 1 {pack_format = #tpu.pack_format<interleaved>} : vector<32xbf16> -> vector<16xf32>
          %parallel_loop3A_1473 = arith.addf %parallel_loop3A_1471, %parallel_loop3A_1472 : vector<16xf32>
          %parallel_loop3A_1474 = arith.subf %parallel_loop3A_1461, %parallel_loop3A_1473 : vector<16xf32>
          %parallel_loop3A_1475 = arith.index_cast %parallel_loop3A_1344 : i32 to index
          %parallel_loop3A_1476 = arith.constant 160 : index
          %parallel_loop3A_1477 = tpu.vector_load %arg11[%parallel_loop3A_1475, %parallel_loop3A_1476] {strides = array<i32>} : memref<64x256xi32, #tpu.memory_space<vmem>>, vector<16xi32>,
          %parallel_loop3A_1478 = vector.bitcast %parallel_loop3A_1477 : vector<16xi32> to vector<32xbf16>
          %parallel_loop3A_1479 = arith.index_cast %parallel_loop3A_1344 : i32 to index
          %parallel_loop3A_1480 = arith.constant 160 : index
          %parallel_loop3A_1481 = tpu.vector_load %arg12[%parallel_loop3A_1479, %parallel_loop3A_1480] {strides = array<i32>} : memref<64x256xi32, #tpu.memory_space<vmem>>, vector<16xi32>,
          %parallel_loop3A_1482 = vector.bitcast %parallel_loop3A_1481 : vector<16xi32> to vector<32xbf16>
          %parallel_loop3A_1483 = arith.mulf %parallel_loop3A_1478, %parallel_loop3A_1482 : vector<32xbf16>
          %parallel_loop3A_1484 = tpu.unpack_subelements %parallel_loop3A_1483, 0 {pack_format = #tpu.pack_format<interleaved>} : vector<32xbf16> -> vector<16xf32>
          %parallel_loop3A_1485 = tpu.unpack_subelements %parallel_loop3A_1483, 1 {pack_format = #tpu.pack_format<interleaved>} : vector<32xbf16> -> vector<16xf32>
          %parallel_loop3A_1486 = arith.addf %parallel_loop3A_1484, %parallel_loop3A_1485 : vector<16xf32>
          %parallel_loop3A_1487 = arith.subf %parallel_loop3A_1474, %parallel_loop3A_1486 : vector<16xf32>
          %parallel_loop3A_1488 = arith.index_cast %parallel_loop3A_1344 : i32 to index
          %parallel_loop3A_1489 = arith.constant 176 : index
          %parallel_loop3A_1490 = tpu.vector_load %arg11[%parallel_loop3A_1488, %parallel_loop3A_1489] {strides = array<i32>} : memref<64x256xi32, #tpu.memory_space<vmem>>, vector<16xi32>,
          %parallel_loop3A_1491 = vector.bitcast %parallel_loop3A_1490 : vector<16xi32> to vector<32xbf16>
          %parallel_loop3A_1492 = arith.index_cast %parallel_loop3A_1344 : i32 to index
          %parallel_loop3A_1493 = arith.constant 176 : index
          %parallel_loop3A_1494 = tpu.vector_load %arg12[%parallel_loop3A_1492, %parallel_loop3A_1493] {strides = array<i32>} : memref<64x256xi32, #tpu.memory_space<vmem>>, vector<16xi32>,
          %parallel_loop3A_1495 = vector.bitcast %parallel_loop3A_1494 : vector<16xi32> to vector<32xbf16>
          %parallel_loop3A_1496 = arith.mulf %parallel_loop3A_1491, %parallel_loop3A_1495 : vector<32xbf16>
          %parallel_loop3A_1497 = tpu.unpack_subelements %parallel_loop3A_1496, 0 {pack_format = #tpu.pack_format<interleaved>} : vector<32xbf16> -> vector<16xf32>
          %parallel_loop3A_1498 = tpu.unpack_subelements %parallel_loop3A_1496, 1 {pack_format = #tpu.pack_format<interleaved>} : vector<32xbf16> -> vector<16xf32>
          %parallel_loop3A_1499 = arith.addf %parallel_loop3A_1497, %parallel_loop3A_1498 : vector<16xf32>
          %parallel_loop3A_1500 = arith.subf %parallel_loop3A_1487, %parallel_loop3A_1499 : vector<16xf32>
          %parallel_loop3A_1501 = arith.index_cast %parallel_loop3A_1344 : i32 to index
          %parallel_loop3A_1502 = arith.constant 192 : index
          %parallel_loop3A_1503 = tpu.vector_load %arg11[%parallel_loop3A_1501, %parallel_loop3A_1502] {strides = array<i32>} : memref<64x256xi32, #tpu.memory_space<vmem>>, vector<16xi32>,
          %parallel_loop3A_1504 = vector.bitcast %parallel_loop3A_1503 : vector<16xi32> to vector<32xbf16>
          %parallel_loop3A_1505 = arith.index_cast %parallel_loop3A_1344 : i32 to index
          %parallel_loop3A_1506 = arith.constant 192 : index
          %parallel_loop3A_1507 = tpu.vector_load %arg12[%parallel_loop3A_1505, %parallel_loop3A_1506] {strides = array<i32>} : memref<64x256xi32, #tpu.memory_space<vmem>>, vector<16xi32>,
          %parallel_loop3A_1508 = vector.bitcast %parallel_loop3A_1507 : vector<16xi32> to vector<32xbf16>
          %parallel_loop3A_1509 = arith.mulf %parallel_loop3A_1504, %parallel_loop3A_1508 : vector<32xbf16>
          %parallel_loop3A_1510 = tpu.unpack_subelements %parallel_loop3A_1509, 0 {pack_format = #tpu.pack_format<interleaved>} : vector<32xbf16> -> vector<16xf32>
          %parallel_loop3A_1511 = tpu.unpack_subelements %parallel_loop3A_1509, 1 {pack_format = #tpu.pack_format<interleaved>} : vector<32xbf16> -> vector<16xf32>
          %parallel_loop3A_1512 = arith.addf %parallel_loop3A_1510, %parallel_loop3A_1511 : vector<16xf32>
          %parallel_loop3A_1513 = arith.subf %parallel_loop3A_1500, %parallel_loop3A_1512 : vector<16xf32>
          %parallel_loop3A_1514 = arith.index_cast %parallel_loop3A_1344 : i32 to index
          %parallel_loop3A_1515 = arith.constant 208 : index
          %parallel_loop3A_1516 = tpu.vector_load %arg11[%parallel_loop3A_1514, %parallel_loop3A_1515] {strides = array<i32>} : memref<64x256xi32, #tpu.memory_space<vmem>>, vector<16xi32>,
          %parallel_loop3A_1517 = vector.bitcast %parallel_loop3A_1516 : vector<16xi32> to vector<32xbf16>
          %parallel_loop3A_1518 = arith.index_cast %parallel_loop3A_1344 : i32 to index
          %parallel_loop3A_1519 = arith.constant 208 : index
          %parallel_loop3A_1520 = tpu.vector_load %arg12[%parallel_loop3A_1518, %parallel_loop3A_1519] {strides = array<i32>} : memref<64x256xi32, #tpu.memory_space<vmem>>, vector<16xi32>,
          %parallel_loop3A_1521 = vector.bitcast %parallel_loop3A_1520 : vector<16xi32> to vector<32xbf16>
          %parallel_loop3A_1522 = arith.mulf %parallel_loop3A_1517, %parallel_loop3A_1521 : vector<32xbf16>
          %parallel_loop3A_1523 = tpu.unpack_subelements %parallel_loop3A_1522, 0 {pack_format = #tpu.pack_format<interleaved>} : vector<32xbf16> -> vector<16xf32>
          %parallel_loop3A_1524 = tpu.unpack_subelements %parallel_loop3A_1522, 1 {pack_format = #tpu.pack_format<interleaved>} : vector<32xbf16> -> vector<16xf32>
          %parallel_loop3A_1525 = arith.addf %parallel_loop3A_1523, %parallel_loop3A_1524 : vector<16xf32>
          %parallel_loop3A_1526 = arith.subf %parallel_loop3A_1513, %parallel_loop3A_1525 : vector<16xf32>
          %parallel_loop3A_1527 = arith.index_cast %parallel_loop3A_1344 : i32 to index
          %parallel_loop3A_1528 = arith.constant 224 : index
          %parallel_loop3A_1529 = tpu.vector_load %arg11[%parallel_loop3A_1527, %parallel_loop3A_1528] {strides = array<i32>} : memref<64x256xi32, #tpu.memory_space<vmem>>, vector<16xi32>,
          %parallel_loop3A_1530 = vector.bitcast %parallel_loop3A_1529 : vector<16xi32> to vector<32xbf16>
          %parallel_loop3A_1531 = arith.index_cast %parallel_loop3A_1344 : i32 to index
          %parallel_loop3A_1532 = arith.constant 224 : index
          %parallel_loop3A_1533 = tpu.vector_load %arg12[%parallel_loop3A_1531, %parallel_loop3A_1532] {strides = array<i32>} : memref<64x256xi32, #tpu.memory_space<vmem>>, vector<16xi32>,
          %parallel_loop3A_1534 = vector.bitcast %parallel_loop3A_1533 : vector<16xi32> to vector<32xbf16>
          %parallel_loop3A_1535 = arith.mulf %parallel_loop3A_1530, %parallel_loop3A_1534 : vector<32xbf16>
          %parallel_loop3A_1536 = tpu.unpack_subelements %parallel_loop3A_1535, 0 {pack_format = #tpu.pack_format<interleaved>} : vector<32xbf16> -> vector<16xf32>
          %parallel_loop3A_1537 = tpu.unpack_subelements %parallel_loop3A_1535, 1 {pack_format = #tpu.pack_format<interleaved>} : vector<32xbf16> -> vector<16xf32>
          %parallel_loop3A_1538 = arith.addf %parallel_loop3A_1536, %parallel_loop3A_1537 : vector<16xf32>
          %parallel_loop3A_1539 = arith.subf %parallel_loop3A_1526, %parallel_loop3A_1538 : vector<16xf32>
          %parallel_loop3A_1540 = arith.index_cast %parallel_loop3A_1344 : i32 to index
          %parallel_loop3A_1541 = arith.constant 240 : index
          %parallel_loop3A_1542 = tpu.vector_load %arg11[%parallel_loop3A_1540, %parallel_loop3A_1541] {strides = array<i32>} : memref<64x256xi32, #tpu.memory_space<vmem>>, vector<16xi32>,
          %parallel_loop3A_1543 = vector.bitcast %parallel_loop3A_1542 : vector<16xi32> to vector<32xbf16>
          %parallel_loop3A_1544 = arith.index_cast %parallel_loop3A_1344 : i32 to index
          %parallel_loop3A_1545 = arith.constant 240 : index
          %parallel_loop3A_1546 = tpu.vector_load %arg12[%parallel_loop3A_1544, %parallel_loop3A_1545] {strides = array<i32>} : memref<64x256xi32, #tpu.memory_space<vmem>>, vector<16xi32>,
          %parallel_loop3A_1547 = vector.bitcast %parallel_loop3A_1546 : vector<16xi32> to vector<32xbf16>
          %parallel_loop3A_1548 = arith.mulf %parallel_loop3A_1543, %parallel_loop3A_1547 : vector<32xbf16>
          %parallel_loop3A_1549 = tpu.unpack_subelements %parallel_loop3A_1548, 0 {pack_format = #tpu.pack_format<interleaved>} : vector<32xbf16> -> vector<16xf32>
          %parallel_loop3A_1550 = tpu.unpack_subelements %parallel_loop3A_1548, 1 {pack_format = #tpu.pack_format<interleaved>} : vector<32xbf16> -> vector<16xf32>
          %parallel_loop3A_1551 = arith.addf %parallel_loop3A_1549, %parallel_loop3A_1550 : vector<16xf32>
          %parallel_loop3A_1552 = arith.subf %parallel_loop3A_1539, %parallel_loop3A_1551 : vector<16xf32>
          %parallel_loop3A_1553 = arith.index_cast %parallel_loop3A_1341 : i32 to index
          %parallel_loop3A_1554 = arith.constant 0 : index
          %parallel_loop3A_1555 = tpu.vector_load %arg13[%parallel_loop3A_1553, %parallel_loop3A_1554] {strides = array<i32>} : memref<16x16xf32, #tpu.memory_space<vmem>>, vector<16xf32>,
          tpu.vector_store %arg13[%parallel_loop3A_1553, %parallel_loop3A_1554], %parallel_loop3A_1552 {strides = array<i32>} : memref<16x16xf32, #tpu.memory_space<vmem>>, vector<16xf32>,
        } {sc.loop_unroll_factor = 2 : i64, sc.parallel_access}
        %broadcast_in_dim3A_1275 = arith.constant 0 : i32
        %broadcast_in_dim3A_1276 = vector.broadcast %broadcast_in_dim3A_1275 : i32 to vector<16xi32>
        %gather3A_1277 = tpu.vector_load_idx %arg13[%iota3A, %broadcast_in_dim3A_1276] : memref<16x16xf32, #tpu.memory_space<vmem>>[vector<16xi32>, vector<16xi32>], vector<16xf32>,
        %add3A_1278 = arith.addf %broadcast_in_dim3A_3, %gather3A_1277 : vector<16xf32>
        %broadcast_in_dim3A_1279 = arith.constant 1 : i32
        %broadcast_in_dim3A_1280 = vector.broadcast %broadcast_in_dim3A_1279 : i32 to vector<16xi32>
        %gather3A_1281 = tpu.vector_load_idx %arg13[%iota3A, %broadcast_in_dim3A_1280] : memref<16x16xf32, #tpu.memory_space<vmem>>[vector<16xi32>, vector<16xi32>], vector<16xf32>,
        %add3A_1282 = arith.addf %add3A_1278, %gather3A_1281 : vector<16xf32>
        %broadcast_in_dim3A_1283 = arith.constant 2 : i32
        %broadcast_in_dim3A_1284 = vector.broadcast %broadcast_in_dim3A_1283 : i32 to vector<16xi32>
        %gather3A_1285 = tpu.vector_load_idx %arg13[%iota3A, %broadcast_in_dim3A_1284] : memref<16x16xf32, #tpu.memory_space<vmem>>[vector<16xi32>, vector<16xi32>], vector<16xf32>,
        %add3A_1286 = arith.addf %add3A_1282, %gather3A_1285 : vector<16xf32>
        %broadcast_in_dim3A_1287 = arith.constant 3 : i32
        %broadcast_in_dim3A_1288 = vector.broadcast %broadcast_in_dim3A_1287 : i32 to vector<16xi32>
        %gather3A_1289 = tpu.vector_load_idx %arg13[%iota3A, %broadcast_in_dim3A_1288] : memref<16x16xf32, #tpu.memory_space<vmem>>[vector<16xi32>, vector<16xi32>], vector<16xf32>,
        %add3A_1290 = arith.addf %add3A_1286, %gather3A_1289 : vector<16xf32>
        %broadcast_in_dim3A_1291 = arith.constant 4 : i32
        %broadcast_in_dim3A_1292 = vector.broadcast %broadcast_in_dim3A_1291 : i32 to vector<16xi32>
        %gather3A_1293 = tpu.vector_load_idx %arg13[%iota3A, %broadcast_in_dim3A_1292] : memref<16x16xf32, #tpu.memory_space<vmem>>[vector<16xi32>, vector<16xi32>], vector<16xf32>,
        %add3A_1294 = arith.addf %add3A_1290, %gather3A_1293 : vector<16xf32>
        %broadcast_in_dim3A_1295 = arith.constant 5 : i32
        %broadcast_in_dim3A_1296 = vector.broadcast %broadcast_in_dim3A_1295 : i32 to vector<16xi32>
        %gather3A_1297 = tpu.vector_load_idx %arg13[%iota3A, %broadcast_in_dim3A_1296] : memref<16x16xf32, #tpu.memory_space<vmem>>[vector<16xi32>, vector<16xi32>], vector<16xf32>,
        %add3A_1298 = arith.addf %add3A_1294, %gather3A_1297 : vector<16xf32>
        %broadcast_in_dim3A_1299 = arith.constant 6 : i32
        %broadcast_in_dim3A_1300 = vector.broadcast %broadcast_in_dim3A_1299 : i32 to vector<16xi32>
        %gather3A_1301 = tpu.vector_load_idx %arg13[%iota3A, %broadcast_in_dim3A_1300] : memref<16x16xf32, #tpu.memory_space<vmem>>[vector<16xi32>, vector<16xi32>], vector<16xf32>,
        %add3A_1302 = arith.addf %add3A_1298, %gather3A_1301 : vector<16xf32>
        %broadcast_in_dim3A_1303 = arith.constant 7 : i32
        %broadcast_in_dim3A_1304 = vector.broadcast %broadcast_in_dim3A_1303 : i32 to vector<16xi32>
        %gather3A_1305 = tpu.vector_load_idx %arg13[%iota3A, %broadcast_in_dim3A_1304] : memref<16x16xf32, #tpu.memory_space<vmem>>[vector<16xi32>, vector<16xi32>], vector<16xf32>,
        %add3A_1306 = arith.addf %add3A_1302, %gather3A_1305 : vector<16xf32>
        %broadcast_in_dim3A_1307 = arith.constant 8 : i32
        %broadcast_in_dim3A_1308 = vector.broadcast %broadcast_in_dim3A_1307 : i32 to vector<16xi32>
        %gather3A_1309 = tpu.vector_load_idx %arg13[%iota3A, %broadcast_in_dim3A_1308] : memref<16x16xf32, #tpu.memory_space<vmem>>[vector<16xi32>, vector<16xi32>], vector<16xf32>,
        %add3A_1310 = arith.addf %add3A_1306, %gather3A_1309 : vector<16xf32>
        %broadcast_in_dim3A_1311 = arith.constant 9 : i32
        %broadcast_in_dim3A_1312 = vector.broadcast %broadcast_in_dim3A_1311 : i32 to vector<16xi32>
        %gather3A_1313 = tpu.vector_load_idx %arg13[%iota3A, %broadcast_in_dim3A_1312] : memref<16x16xf32, #tpu.memory_space<vmem>>[vector<16xi32>, vector<16xi32>], vector<16xf32>,
        %add3A_1314 = arith.addf %add3A_1310, %gather3A_1313 : vector<16xf32>
        %broadcast_in_dim3A_1315 = arith.constant 10 : i32
        %broadcast_in_dim3A_1316 = vector.broadcast %broadcast_in_dim3A_1315 : i32 to vector<16xi32>
        %gather3A_1317 = tpu.vector_load_idx %arg13[%iota3A, %broadcast_in_dim3A_1316] : memref<16x16xf32, #tpu.memory_space<vmem>>[vector<16xi32>, vector<16xi32>], vector<16xf32>,
        %add3A_1318 = arith.addf %add3A_1314, %gather3A_1317 : vector<16xf32>
        %broadcast_in_dim3A_1319 = arith.constant 11 : i32
        %broadcast_in_dim3A_1320 = vector.broadcast %broadcast_in_dim3A_1319 : i32 to vector<16xi32>
        %gather3A_1321 = tpu.vector_load_idx %arg13[%iota3A, %broadcast_in_dim3A_1320] : memref<16x16xf32, #tpu.memory_space<vmem>>[vector<16xi32>, vector<16xi32>], vector<16xf32>,
        %add3A_1322 = arith.addf %add3A_1318, %gather3A_1321 : vector<16xf32>
        %broadcast_in_dim3A_1323 = arith.constant 12 : i32
        %broadcast_in_dim3A_1324 = vector.broadcast %broadcast_in_dim3A_1323 : i32 to vector<16xi32>
        %gather3A_1325 = tpu.vector_load_idx %arg13[%iota3A, %broadcast_in_dim3A_1324] : memref<16x16xf32, #tpu.memory_space<vmem>>[vector<16xi32>, vector<16xi32>], vector<16xf32>,
        %add3A_1326 = arith.addf %add3A_1322, %gather3A_1325 : vector<16xf32>
        %broadcast_in_dim3A_1327 = arith.constant 13 : i32
        %broadcast_in_dim3A_1328 = vector.broadcast %broadcast_in_dim3A_1327 : i32 to vector<16xi32>
        %gather3A_1329 = tpu.vector_load_idx %arg13[%iota3A, %broadcast_in_dim3A_1328] : memref<16x16xf32, #tpu.memory_space<vmem>>[vector<16xi32>, vector<16xi32>], vector<16xf32>,
        %add3A_1330 = arith.addf %add3A_1326, %gather3A_1329 : vector<16xf32>
        %broadcast_in_dim3A_1331 = arith.constant 14 : i32
        %broadcast_in_dim3A_1332 = vector.broadcast %broadcast_in_dim3A_1331 : i32 to vector<16xi32>
        %gather3A_1333 = tpu.vector_load_idx %arg13[%iota3A, %broadcast_in_dim3A_1332] : memref<16x16xf32, #tpu.memory_space<vmem>>[vector<16xi32>, vector<16xi32>], vector<16xf32>,
        %add3A_1334 = arith.addf %add3A_1330, %gather3A_1333 : vector<16xf32>
        %broadcast_in_dim3A_1335 = arith.constant 15 : i32
        %broadcast_in_dim3A_1336 = vector.broadcast %broadcast_in_dim3A_1335 : i32 to vector<16xi32>
        %gather3A_1337 = tpu.vector_load_idx %arg13[%iota3A, %broadcast_in_dim3A_1336] : memref<16x16xf32, #tpu.memory_space<vmem>>[vector<16xi32>, vector<16xi32>], vector<16xf32>,
        %add3A_1338 = arith.addf %add3A_1334, %gather3A_1337 : vector<16xf32>
        %mul3A_1339 = arith.mulf %add3A_1338, %add3A_1338 : vector<16xf32>
        %add3A_1340 = arith.addf %scan3A_1271, %mul3A_1339 : vector<16xf32>
        scf.yield %add3A_1340 : vector<16xf32>
      }
      %scan3A_1269 = arith.constant 4 : i32
      scf.yield %scan3A_1268 : vector<16xf32>
    }
    %scan3A_41 = arith.constant 26 : i32
    %dma_start3A_42 = arith.constant 0 : i32
    %dma_start3A_43 = arith.constant 0 : i32
    %dma_start3A_44 = tpu.memref_slice %arg7[%dma_start3A_42, %dma_start3A_43] : memref<64x256xi32, #tpu.memory_space<vmem>> -> memref<8x256xi32, #tpu.memory_space<vmem>>
    %dma_start3A_45 = arith.constant 4992 : i32
    %dma_start3A_46 = tpu.memref_slice %arg5[%dma_start3A_45] : memref<5000xi32, #tpu.memory_space<vmem>> -> memref<8xi32, #tpu.memory_space<vmem>>
    %dma_start3A_47 = arith.constant 0 : i32
    %dma_start3A_48 = arith.constant 0 : i32
    %dma_start3A_49 = tpu.memref_slice %arg2[%dma_start3A_47, %dma_start3A_48] : memref<10000x256xi32, #tpu.memory_space<hbm>> -> memref<10000x256xi32, #tpu.memory_space<hbm>>
    tpu.enqueue_indirect_dma source(%dma_start3A_49 : memref<10000x256xi32, #tpu.memory_space<hbm>>) target(%dma_start3A_44 : memref<8x256xi32, #tpu.memory_space<vmem>>) offsets(%dma_start3A_46 : memref<8xi32, #tpu.memory_space<vmem>>) semaphore(%arg15 : memref<!tpu.dma_semaphore, #tpu.memory_space<semaphore_mem>>)
    %dma_start3A_50 = arith.constant 0 : i32
    %dma_start3A_51 = arith.constant 0 : i32
    %dma_start3A_52 = tpu.memref_slice %arg8[%dma_start3A_50, %dma_start3A_51] : memref<64x256xi32, #tpu.memory_space<vmem>> -> memref<8x256xi32, #tpu.memory_space<vmem>>
    %dma_start3A_53 = arith.constant 4992 : i32
    %dma_start3A_54 = tpu.memref_slice %arg6[%dma_start3A_53] : memref<5000xi32, #tpu.memory_space<vmem>> -> memref<8xi32, #tpu.memory_space<vmem>>
    %dma_start3A_55 = arith.constant 0 : i32
    %dma_start3A_56 = arith.constant 0 : i32
    %dma_start3A_57 = tpu.memref_slice %arg2[%dma_start3A_55, %dma_start3A_56] : memref<10000x256xi32, #tpu.memory_space<hbm>> -> memref<10000x256xi32, #tpu.memory_space<hbm>>
    tpu.enqueue_indirect_dma source(%dma_start3A_57 : memref<10000x256xi32, #tpu.memory_space<hbm>>) target(%dma_start3A_52 : memref<8x256xi32, #tpu.memory_space<vmem>>) offsets(%dma_start3A_54 : memref<8xi32, #tpu.memory_space<vmem>>) semaphore(%arg16 : memref<!tpu.dma_semaphore, #tpu.memory_space<semaphore_mem>>)
    %broadcast_in_dim3A_58 = arith.constant 0 : i32
    %broadcast_in_dim3A_59 = vector.broadcast %broadcast_in_dim3A_58 : i32 to vector<16xi32>
    %swap3A = arith.constant 8 : i32
    %swap3A_60 = arith.index_cast %swap3A : i32 to index
    %swap3A_61 = arith.constant 0 : index
    %swap3A_62 = tpu.vector_load %arg7[%swap3A_60, %swap3A_61] {strides = array<i32>} : memref<64x256xi32, #tpu.memory_space<vmem>>, vector<16xi32>,
    tpu.vector_store %arg7[%swap3A_60, %swap3A_61], %broadcast_in_dim3A_59 {strides = array<i32>} : memref<64x256xi32, #tpu.memory_space<vmem>>, vector<16xi32>,
    %swap3A_63 = arith.constant 8 : i32
    %swap3A_64 = arith.index_cast %swap3A_63 : i32 to index
    %swap3A_65 = arith.constant 0 : index
    %swap3A_66 = tpu.vector_load %arg8[%swap3A_64, %swap3A_65] {strides = array<i32>} : memref<64x256xi32, #tpu.memory_space<vmem>>, vector<16xi32>,
    tpu.vector_store %arg8[%swap3A_64, %swap3A_65], %broadcast_in_dim3A_59 {strides = array<i32>} : memref<64x256xi32, #tpu.memory_space<vmem>>, vector<16xi32>,
    %swap3A_67 = arith.constant 8 : i32
    %swap3A_68 = arith.index_cast %swap3A_67 : i32 to index
    %swap3A_69 = arith.constant 16 : index
    %swap3A_70 = tpu.vector_load %arg7[%swap3A_68, %swap3A_69] {strides = array<i32>} : memref<64x256xi32, #tpu.memory_space<vmem>>, vector<16xi32>,
    tpu.vector_store %arg7[%swap3A_68, %swap3A_69], %broadcast_in_dim3A_59 {strides = array<i32>} : memref<64x256xi32, #tpu.memory_space<vmem>>, vector<16xi32>,
    %swap3A_71 = arith.constant 8 : i32
    %swap3A_72 = arith.index_cast %swap3A_71 : i32 to index
    %swap3A_73 = arith.constant 16 : index
    %swap3A_74 = tpu.vector_load %arg8[%swap3A_72, %swap3A_73] {strides = array<i32>} : memref<64x256xi32, #tpu.memory_space<vmem>>, vector<16xi32>,
    tpu.vector_store %arg8[%swap3A_72, %swap3A_73], %broadcast_in_dim3A_59 {strides = array<i32>} : memref<64x256xi32, #tpu.memory_space<vmem>>, vector<16xi32>,
    %swap3A_75 = arith.constant 8 : i32
    %swap3A_76 = arith.index_cast %swap3A_75 : i32 to index
    %swap3A_77 = arith.constant 32 : index
    %swap3A_78 = tpu.vector_load %arg7[%swap3A_76, %swap3A_77] {strides = array<i32>} : memref<64x256xi32, #tpu.memory_space<vmem>>, vector<16xi32>,
    tpu.vector_store %arg7[%swap3A_76, %swap3A_77], %broadcast_in_dim3A_59 {strides = array<i32>} : memref<64x256xi32, #tpu.memory_space<vmem>>, vector<16xi32>,
    %swap3A_79 = arith.constant 8 : i32
    %swap3A_80 = arith.index_cast %swap3A_79 : i32 to index
    %swap3A_81 = arith.constant 32 : index
    %swap3A_82 = tpu.vector_load %arg8[%swap3A_80, %swap3A_81] {strides = array<i32>} : memref<64x256xi32, #tpu.memory_space<vmem>>, vector<16xi32>,
    tpu.vector_store %arg8[%swap3A_80, %swap3A_81], %broadcast_in_dim3A_59 {strides = array<i32>} : memref<64x256xi32, #tpu.memory_space<vmem>>, vector<16xi32>,
    %swap3A_83 = arith.constant 8 : i32
    %swap3A_84 = arith.index_cast %swap3A_83 : i32 to index
    %swap3A_85 = arith.constant 48 : index
    %swap3A_86 = tpu.vector_load %arg7[%swap3A_84, %swap3A_85] {strides = array<i32>} : memref<64x256xi32, #tpu.memory_space<vmem>>, vector<16xi32>,
    tpu.vector_store %arg7[%swap3A_84, %swap3A_85], %broadcast_in_dim3A_59 {strides = array<i32>} : memref<64x256xi32, #tpu.memory_space<vmem>>, vector<16xi32>,
    %swap3A_87 = arith.constant 8 : i32
    %swap3A_88 = arith.index_cast %swap3A_87 : i32 to index
    %swap3A_89 = arith.constant 48 : index
    %swap3A_90 = tpu.vector_load %arg8[%swap3A_88, %swap3A_89] {strides = array<i32>} : memref<64x256xi32, #tpu.memory_space<vmem>>, vector<16xi32>,
    tpu.vector_store %arg8[%swap3A_88, %swap3A_89], %broadcast_in_dim3A_59 {strides = array<i32>} : memref<64x256xi32, #tpu.memory_space<vmem>>, vector<16xi32>,
    %swap3A_91 = arith.constant 8 : i32
    %swap3A_92 = arith.index_cast %swap3A_91 : i32 to index
    %swap3A_93 = arith.constant 64 : index
    %swap3A_94 = tpu.vector_load %arg7[%swap3A_92, %swap3A_93] {strides = array<i32>} : memref<64x256xi32, #tpu.memory_space<vmem>>, vector<16xi32>,
    tpu.vector_store %arg7[%swap3A_92, %swap3A_93], %broadcast_in_dim3A_59 {strides = array<i32>} : memref<64x256xi32, #tpu.memory_space<vmem>>, vector<16xi32>,
    %swap3A_95 = arith.constant 8 : i32
    %swap3A_96 = arith.index_cast %swap3A_95 : i32 to index
    %swap3A_97 = arith.constant 64 : index
    %swap3A_98 = tpu.vector_load %arg8[%swap3A_96, %swap3A_97] {strides = array<i32>} : memref<64x256xi32, #tpu.memory_space<vmem>>, vector<16xi32>,
    tpu.vector_store %arg8[%swap3A_96, %swap3A_97], %broadcast_in_dim3A_59 {strides = array<i32>} : memref<64x256xi32, #tpu.memory_space<vmem>>, vector<16xi32>,
    %swap3A_99 = arith.constant 8 : i32
    %swap3A_100 = arith.index_cast %swap3A_99 : i32 to index
    %swap3A_101 = arith.constant 80 : index
    %swap3A_102 = tpu.vector_load %arg7[%swap3A_100, %swap3A_101] {strides = array<i32>} : memref<64x256xi32, #tpu.memory_space<vmem>>, vector<16xi32>,
    tpu.vector_store %arg7[%swap3A_100, %swap3A_101], %broadcast_in_dim3A_59 {strides = array<i32>} : memref<64x256xi32, #tpu.memory_space<vmem>>, vector<16xi32>,
    %swap3A_103 = arith.constant 8 : i32
    %swap3A_104 = arith.index_cast %swap3A_103 : i32 to index
    %swap3A_105 = arith.constant 80 : index
    %swap3A_106 = tpu.vector_load %arg8[%swap3A_104, %swap3A_105] {strides = array<i32>} : memref<64x256xi32, #tpu.memory_space<vmem>>, vector<16xi32>,
    tpu.vector_store %arg8[%swap3A_104, %swap3A_105], %broadcast_in_dim3A_59 {strides = array<i32>} : memref<64x256xi32, #tpu.memory_space<vmem>>, vector<16xi32>,
    %swap3A_107 = arith.constant 8 : i32
    %swap3A_108 = arith.index_cast %swap3A_107 : i32 to index
    %swap3A_109 = arith.constant 96 : index
    %swap3A_110 = tpu.vector_load %arg7[%swap3A_108, %swap3A_109] {strides = array<i32>} : memref<64x256xi32, #tpu.memory_space<vmem>>, vector<16xi32>,
    tpu.vector_store %arg7[%swap3A_108, %swap3A_109], %broadcast_in_dim3A_59 {strides = array<i32>} : memref<64x256xi32, #tpu.memory_space<vmem>>, vector<16xi32>,
    %swap3A_111 = arith.constant 8 : i32
    %swap3A_112 = arith.index_cast %swap3A_111 : i32 to index
    %swap3A_113 = arith.constant 96 : index
    %swap3A_114 = tpu.vector_load %arg8[%swap3A_112, %swap3A_113] {strides = array<i32>} : memref<64x256xi32, #tpu.memory_space<vmem>>, vector<16xi32>,
    tpu.vector_store %arg8[%swap3A_112, %swap3A_113], %broadcast_in_dim3A_59 {strides = array<i32>} : memref<64x256xi32, #tpu.memory_space<vmem>>, vector<16xi32>,
    %swap3A_115 = arith.constant 8 : i32
    %swap3A_116 = arith.index_cast %swap3A_115 : i32 to index
    %swap3A_117 = arith.constant 112 : index
    %swap3A_118 = tpu.vector_load %arg7[%swap3A_116, %swap3A_117] {strides = array<i32>} : memref<64x256xi32, #tpu.memory_space<vmem>>, vector<16xi32>,
    tpu.vector_store %arg7[%swap3A_116, %swap3A_117], %broadcast_in_dim3A_59 {strides = array<i32>} : memref<64x256xi32, #tpu.memory_space<vmem>>, vector<16xi32>,
    %swap3A_119 = arith.constant 8 : i32
    %swap3A_120 = arith.index_cast %swap3A_119 : i32 to index
    %swap3A_121 = arith.constant 112 : index
    %swap3A_122 = tpu.vector_load %arg8[%swap3A_120, %swap3A_121] {strides = array<i32>} : memref<64x256xi32, #tpu.memory_space<vmem>>, vector<16xi32>,
    tpu.vector_store %arg8[%swap3A_120, %swap3A_121], %broadcast_in_dim3A_59 {strides = array<i32>} : memref<64x256xi32, #tpu.memory_space<vmem>>, vector<16xi32>,
    %swap3A_123 = arith.constant 8 : i32
    %swap3A_124 = arith.index_cast %swap3A_123 : i32 to index
    %swap3A_125 = arith.constant 128 : index
    %swap3A_126 = tpu.vector_load %arg7[%swap3A_124, %swap3A_125] {strides = array<i32>} : memref<64x256xi32, #tpu.memory_space<vmem>>, vector<16xi32>,
    tpu.vector_store %arg7[%swap3A_124, %swap3A_125], %broadcast_in_dim3A_59 {strides = array<i32>} : memref<64x256xi32, #tpu.memory_space<vmem>>, vector<16xi32>,
    %swap3A_127 = arith.constant 8 : i32
    %swap3A_128 = arith.index_cast %swap3A_127 : i32 to index
    %swap3A_129 = arith.constant 128 : index
    %swap3A_130 = tpu.vector_load %arg8[%swap3A_128, %swap3A_129] {strides = array<i32>} : memref<64x256xi32, #tpu.memory_space<vmem>>, vector<16xi32>,
    tpu.vector_store %arg8[%swap3A_128, %swap3A_129], %broadcast_in_dim3A_59 {strides = array<i32>} : memref<64x256xi32, #tpu.memory_space<vmem>>, vector<16xi32>,
    %swap3A_131 = arith.constant 8 : i32
    %swap3A_132 = arith.index_cast %swap3A_131 : i32 to index
    %swap3A_133 = arith.constant 144 : index
    %swap3A_134 = tpu.vector_load %arg7[%swap3A_132, %swap3A_133] {strides = array<i32>} : memref<64x256xi32, #tpu.memory_space<vmem>>, vector<16xi32>,
    tpu.vector_store %arg7[%swap3A_132, %swap3A_133], %broadcast_in_dim3A_59 {strides = array<i32>} : memref<64x256xi32, #tpu.memory_space<vmem>>, vector<16xi32>,
    %swap3A_135 = arith.constant 8 : i32
    %swap3A_136 = arith.index_cast %swap3A_135 : i32 to index
    %swap3A_137 = arith.constant 144 : index
    %swap3A_138 = tpu.vector_load %arg8[%swap3A_136, %swap3A_137] {strides = array<i32>} : memref<64x256xi32, #tpu.memory_space<vmem>>, vector<16xi32>,
    tpu.vector_store %arg8[%swap3A_136, %swap3A_137], %broadcast_in_dim3A_59 {strides = array<i32>} : memref<64x256xi32, #tpu.memory_space<vmem>>, vector<16xi32>,
    %swap3A_139 = arith.constant 8 : i32
    %swap3A_140 = arith.index_cast %swap3A_139 : i32 to index
    %swap3A_141 = arith.constant 160 : index
    %swap3A_142 = tpu.vector_load %arg7[%swap3A_140, %swap3A_141] {strides = array<i32>} : memref<64x256xi32, #tpu.memory_space<vmem>>, vector<16xi32>,
    tpu.vector_store %arg7[%swap3A_140, %swap3A_141], %broadcast_in_dim3A_59 {strides = array<i32>} : memref<64x256xi32, #tpu.memory_space<vmem>>, vector<16xi32>,
    %swap3A_143 = arith.constant 8 : i32
    %swap3A_144 = arith.index_cast %swap3A_143 : i32 to index
    %swap3A_145 = arith.constant 160 : index
    %swap3A_146 = tpu.vector_load %arg8[%swap3A_144, %swap3A_145] {strides = array<i32>} : memref<64x256xi32, #tpu.memory_space<vmem>>, vector<16xi32>,
    tpu.vector_store %arg8[%swap3A_144, %swap3A_145], %broadcast_in_dim3A_59 {strides = array<i32>} : memref<64x256xi32, #tpu.memory_space<vmem>>, vector<16xi32>,
    %swap3A_147 = arith.constant 8 : i32
    %swap3A_148 = arith.index_cast %swap3A_147 : i32 to index
    %swap3A_149 = arith.constant 176 : index
    %swap3A_150 = tpu.vector_load %arg7[%swap3A_148, %swap3A_149] {strides = array<i32>} : memref<64x256xi32, #tpu.memory_space<vmem>>, vector<16xi32>,
    tpu.vector_store %arg7[%swap3A_148, %swap3A_149], %broadcast_in_dim3A_59 {strides = array<i32>} : memref<64x256xi32, #tpu.memory_space<vmem>>, vector<16xi32>,
    %swap3A_151 = arith.constant 8 : i32
    %swap3A_152 = arith.index_cast %swap3A_151 : i32 to index
    %swap3A_153 = arith.constant 176 : index
    %swap3A_154 = tpu.vector_load %arg8[%swap3A_152, %swap3A_153] {strides = array<i32>} : memref<64x256xi32, #tpu.memory_space<vmem>>, vector<16xi32>,
    tpu.vector_store %arg8[%swap3A_152, %swap3A_153], %broadcast_in_dim3A_59 {strides = array<i32>} : memref<64x256xi32, #tpu.memory_space<vmem>>, vector<16xi32>,
    %swap3A_155 = arith.constant 8 : i32
    %swap3A_156 = arith.index_cast %swap3A_155 : i32 to index
    %swap3A_157 = arith.constant 192 : index
    %swap3A_158 = tpu.vector_load %arg7[%swap3A_156, %swap3A_157] {strides = array<i32>} : memref<64x256xi32, #tpu.memory_space<vmem>>, vector<16xi32>,
    tpu.vector_store %arg7[%swap3A_156, %swap3A_157], %broadcast_in_dim3A_59 {strides = array<i32>} : memref<64x256xi32, #tpu.memory_space<vmem>>, vector<16xi32>,
    %swap3A_159 = arith.constant 8 : i32
    %swap3A_160 = arith.index_cast %swap3A_159 : i32 to index
    %swap3A_161 = arith.constant 192 : index
    %swap3A_162 = tpu.vector_load %arg8[%swap3A_160, %swap3A_161] {strides = array<i32>} : memref<64x256xi32, #tpu.memory_space<vmem>>, vector<16xi32>,
    tpu.vector_store %arg8[%swap3A_160, %swap3A_161], %broadcast_in_dim3A_59 {strides = array<i32>} : memref<64x256xi32, #tpu.memory_space<vmem>>, vector<16xi32>,
    %swap3A_163 = arith.constant 8 : i32
    %swap3A_164 = arith.index_cast %swap3A_163 : i32 to index
    %swap3A_165 = arith.constant 208 : index
    %swap3A_166 = tpu.vector_load %arg7[%swap3A_164, %swap3A_165] {strides = array<i32>} : memref<64x256xi32, #tpu.memory_space<vmem>>, vector<16xi32>,
    tpu.vector_store %arg7[%swap3A_164, %swap3A_165], %broadcast_in_dim3A_59 {strides = array<i32>} : memref<64x256xi32, #tpu.memory_space<vmem>>, vector<16xi32>,
    %swap3A_167 = arith.constant 8 : i32
    %swap3A_168 = arith.index_cast %swap3A_167 : i32 to index
    %swap3A_169 = arith.constant 208 : index
    %swap3A_170 = tpu.vector_load %arg8[%swap3A_168, %swap3A_169] {strides = array<i32>} : memref<64x256xi32, #tpu.memory_space<vmem>>, vector<16xi32>,
    tpu.vector_store %arg8[%swap3A_168, %swap3A_169], %broadcast_in_dim3A_59 {strides = array<i32>} : memref<64x256xi32, #tpu.memory_space<vmem>>, vector<16xi32>,
    %swap3A_171 = arith.constant 8 : i32
    %swap3A_172 = arith.index_cast %swap3A_171 : i32 to index
    %swap3A_173 = arith.constant 224 : index
    %swap3A_174 = tpu.vector_load %arg7[%swap3A_172, %swap3A_173] {strides = array<i32>} : memref<64x256xi32, #tpu.memory_space<vmem>>, vector<16xi32>,
    tpu.vector_store %arg7[%swap3A_172, %swap3A_173], %broadcast_in_dim3A_59 {strides = array<i32>} : memref<64x256xi32, #tpu.memory_space<vmem>>, vector<16xi32>,
    %swap3A_175 = arith.constant 8 : i32
    %swap3A_176 = arith.index_cast %swap3A_175 : i32 to index
    %swap3A_177 = arith.constant 224 : index
    %swap3A_178 = tpu.vector_load %arg8[%swap3A_176, %swap3A_177] {strides = array<i32>} : memref<64x256xi32, #tpu.memory_space<vmem>>, vector<16xi32>,
    tpu.vector_store %arg8[%swap3A_176, %swap3A_177], %broadcast_in_dim3A_59 {strides = array<i32>} : memref<64x256xi32, #tpu.memory_space<vmem>>, vector<16xi32>,
    %swap3A_179 = arith.constant 8 : i32
    %swap3A_180 = arith.index_cast %swap3A_179 : i32 to index
    %swap3A_181 = arith.constant 240 : index
    %swap3A_182 = tpu.vector_load %arg7[%swap3A_180, %swap3A_181] {strides = array<i32>} : memref<64x256xi32, #tpu.memory_space<vmem>>, vector<16xi32>,
    tpu.vector_store %arg7[%swap3A_180, %swap3A_181], %broadcast_in_dim3A_59 {strides = array<i32>} : memref<64x256xi32, #tpu.memory_space<vmem>>, vector<16xi32>,
    %swap3A_183 = arith.constant 8 : i32
    %swap3A_184 = arith.index_cast %swap3A_183 : i32 to index
    %swap3A_185 = arith.constant 240 : index
    %swap3A_186 = tpu.vector_load %arg8[%swap3A_184, %swap3A_185] {strides = array<i32>} : memref<64x256xi32, #tpu.memory_space<vmem>>, vector<16xi32>,
    tpu.vector_store %arg8[%swap3A_184, %swap3A_185], %broadcast_in_dim3A_59 {strides = array<i32>} : memref<64x256xi32, #tpu.memory_space<vmem>>, vector<16xi32>,
    %swap3A_187 = arith.constant 9 : i32
    %swap3A_188 = arith.index_cast %swap3A_187 : i32 to index
    %swap3A_189 = arith.constant 0 : index
    %swap3A_190 = tpu.vector_load %arg7[%swap3A_188, %swap3A_189] {strides = array<i32>} : memref<64x256xi32, #tpu.memory_space<vmem>>, vector<16xi32>,
    tpu.vector_store %arg7[%swap3A_188, %swap3A_189], %broadcast_in_dim3A_59 {strides = array<i32>} : memref<64x256xi32, #tpu.memory_space<vmem>>, vector<16xi32>,
    %swap3A_191 = arith.constant 9 : i32
    %swap3A_192 = arith.index_cast %swap3A_191 : i32 to index
    %swap3A_193 = arith.constant 0 : index
    %swap3A_194 = tpu.vector_load %arg8[%swap3A_192, %swap3A_193] {strides = array<i32>} : memref<64x256xi32, #tpu.memory_space<vmem>>, vector<16xi32>,
    tpu.vector_store %arg8[%swap3A_192, %swap3A_193], %broadcast_in_dim3A_59 {strides = array<i32>} : memref<64x256xi32, #tpu.memory_space<vmem>>, vector<16xi32>,
    %swap3A_195 = arith.constant 9 : i32
    %swap3A_196 = arith.index_cast %swap3A_195 : i32 to index
    %swap3A_197 = arith.constant 16 : index
    %swap3A_198 = tpu.vector_load %arg7[%swap3A_196, %swap3A_197] {strides = array<i32>} : memref<64x256xi32, #tpu.memory_space<vmem>>, vector<16xi32>,
    tpu.vector_store %arg7[%swap3A_196, %swap3A_197], %broadcast_in_dim3A_59 {strides = array<i32>} : memref<64x256xi32, #tpu.memory_space<vmem>>, vector<16xi32>,
    %swap3A_199 = arith.constant 9 : i32
    %swap3A_200 = arith.index_cast %swap3A_199 : i32 to index
    %swap3A_201 = arith.constant 16 : index
    %swap3A_202 = tpu.vector_load %arg8[%swap3A_200, %swap3A_201] {strides = array<i32>} : memref<64x256xi32, #tpu.memory_space<vmem>>, vector<16xi32>,
    tpu.vector_store %arg8[%swap3A_200, %swap3A_201], %broadcast_in_dim3A_59 {strides = array<i32>} : memref<64x256xi32, #tpu.memory_space<vmem>>, vector<16xi32>,
    %swap3A_203 = arith.constant 9 : i32
    %swap3A_204 = arith.index_cast %swap3A_203 : i32 to index
    %swap3A_205 = arith.constant 32 : index
    %swap3A_206 = tpu.vector_load %arg7[%swap3A_204, %swap3A_205] {strides = array<i32>} : memref<64x256xi32, #tpu.memory_space<vmem>>, vector<16xi32>,
    tpu.vector_store %arg7[%swap3A_204, %swap3A_205], %broadcast_in_dim3A_59 {strides = array<i32>} : memref<64x256xi32, #tpu.memory_space<vmem>>, vector<16xi32>,
    %swap3A_207 = arith.constant 9 : i32
    %swap3A_208 = arith.index_cast %swap3A_207 : i32 to index
    %swap3A_209 = arith.constant 32 : index
    %swap3A_210 = tpu.vector_load %arg8[%swap3A_208, %swap3A_209] {strides = array<i32>} : memref<64x256xi32, #tpu.memory_space<vmem>>, vector<16xi32>,
    tpu.vector_store %arg8[%swap3A_208, %swap3A_209], %broadcast_in_dim3A_59 {strides = array<i32>} : memref<64x256xi32, #tpu.memory_space<vmem>>, vector<16xi32>,
    %swap3A_211 = arith.constant 9 : i32
    %swap3A_212 = arith.index_cast %swap3A_211 : i32 to index
    %swap3A_213 = arith.constant 48 : index
    %swap3A_214 = tpu.vector_load %arg7[%swap3A_212, %swap3A_213] {strides = array<i32>} : memref<64x256xi32, #tpu.memory_space<vmem>>, vector<16xi32>,
    tpu.vector_store %arg7[%swap3A_212, %swap3A_213], %broadcast_in_dim3A_59 {strides = array<i32>} : memref<64x256xi32, #tpu.memory_space<vmem>>, vector<16xi32>,
    %swap3A_215 = arith.constant 9 : i32
    %swap3A_216 = arith.index_cast %swap3A_215 : i32 to index
    %swap3A_217 = arith.constant 48 : index
    %swap3A_218 = tpu.vector_load %arg8[%swap3A_216, %swap3A_217] {strides = array<i32>} : memref<64x256xi32, #tpu.memory_space<vmem>>, vector<16xi32>,
    tpu.vector_store %arg8[%swap3A_216, %swap3A_217], %broadcast_in_dim3A_59 {strides = array<i32>} : memref<64x256xi32, #tpu.memory_space<vmem>>, vector<16xi32>,
    %swap3A_219 = arith.constant 9 : i32
    %swap3A_220 = arith.index_cast %swap3A_219 : i32 to index
    %swap3A_221 = arith.constant 64 : index
    %swap3A_222 = tpu.vector_load %arg7[%swap3A_220, %swap3A_221] {strides = array<i32>} : memref<64x256xi32, #tpu.memory_space<vmem>>, vector<16xi32>,
    tpu.vector_store %arg7[%swap3A_220, %swap3A_221], %broadcast_in_dim3A_59 {strides = array<i32>} : memref<64x256xi32, #tpu.memory_space<vmem>>, vector<16xi32>,
    %swap3A_223 = arith.constant 9 : i32
    %swap3A_224 = arith.index_cast %swap3A_223 : i32 to index
    %swap3A_225 = arith.constant 64 : index
    %swap3A_226 = tpu.vector_load %arg8[%swap3A_224, %swap3A_225] {strides = array<i32>} : memref<64x256xi32, #tpu.memory_space<vmem>>, vector<16xi32>,
    tpu.vector_store %arg8[%swap3A_224, %swap3A_225], %broadcast_in_dim3A_59 {strides = array<i32>} : memref<64x256xi32, #tpu.memory_space<vmem>>, vector<16xi32>,
    %swap3A_227 = arith.constant 9 : i32
    %swap3A_228 = arith.index_cast %swap3A_227 : i32 to index
    %swap3A_229 = arith.constant 80 : index
    %swap3A_230 = tpu.vector_load %arg7[%swap3A_228, %swap3A_229] {strides = array<i32>} : memref<64x256xi32, #tpu.memory_space<vmem>>, vector<16xi32>,
    tpu.vector_store %arg7[%swap3A_228, %swap3A_229], %broadcast_in_dim3A_59 {strides = array<i32>} : memref<64x256xi32, #tpu.memory_space<vmem>>, vector<16xi32>,
    %swap3A_231 = arith.constant 9 : i32
    %swap3A_232 = arith.index_cast %swap3A_231 : i32 to index
    %swap3A_233 = arith.constant 80 : index
    %swap3A_234 = tpu.vector_load %arg8[%swap3A_232, %swap3A_233] {strides = array<i32>} : memref<64x256xi32, #tpu.memory_space<vmem>>, vector<16xi32>,
    tpu.vector_store %arg8[%swap3A_232, %swap3A_233], %broadcast_in_dim3A_59 {strides = array<i32>} : memref<64x256xi32, #tpu.memory_space<vmem>>, vector<16xi32>,
    %swap3A_235 = arith.constant 9 : i32
    %swap3A_236 = arith.index_cast %swap3A_235 : i32 to index
    %swap3A_237 = arith.constant 96 : index
    %swap3A_238 = tpu.vector_load %arg7[%swap3A_236, %swap3A_237] {strides = array<i32>} : memref<64x256xi32, #tpu.memory_space<vmem>>, vector<16xi32>,
    tpu.vector_store %arg7[%swap3A_236, %swap3A_237], %broadcast_in_dim3A_59 {strides = array<i32>} : memref<64x256xi32, #tpu.memory_space<vmem>>, vector<16xi32>,
    %swap3A_239 = arith.constant 9 : i32
    %swap3A_240 = arith.index_cast %swap3A_239 : i32 to index
    %swap3A_241 = arith.constant 96 : index
    %swap3A_242 = tpu.vector_load %arg8[%swap3A_240, %swap3A_241] {strides = array<i32>} : memref<64x256xi32, #tpu.memory_space<vmem>>, vector<16xi32>,
    tpu.vector_store %arg8[%swap3A_240, %swap3A_241], %broadcast_in_dim3A_59 {strides = array<i32>} : memref<64x256xi32, #tpu.memory_space<vmem>>, vector<16xi32>,
    %swap3A_243 = arith.constant 9 : i32
    %swap3A_244 = arith.index_cast %swap3A_243 : i32 to index
    %swap3A_245 = arith.constant 112 : index
    %swap3A_246 = tpu.vector_load %arg7[%swap3A_244, %swap3A_245] {strides = array<i32>} : memref<64x256xi32, #tpu.memory_space<vmem>>, vector<16xi32>,
    tpu.vector_store %arg7[%swap3A_244, %swap3A_245], %broadcast_in_dim3A_59 {strides = array<i32>} : memref<64x256xi32, #tpu.memory_space<vmem>>, vector<16xi32>,
    %swap3A_247 = arith.constant 9 : i32
    %swap3A_248 = arith.index_cast %swap3A_247 : i32 to index
    %swap3A_249 = arith.constant 112 : index
    %swap3A_250 = tpu.vector_load %arg8[%swap3A_248, %swap3A_249] {strides = array<i32>} : memref<64x256xi32, #tpu.memory_space<vmem>>, vector<16xi32>,
    tpu.vector_store %arg8[%swap3A_248, %swap3A_249], %broadcast_in_dim3A_59 {strides = array<i32>} : memref<64x256xi32, #tpu.memory_space<vmem>>, vector<16xi32>,
    %swap3A_251 = arith.constant 9 : i32
    %swap3A_252 = arith.index_cast %swap3A_251 : i32 to index
    %swap3A_253 = arith.constant 128 : index
    %swap3A_254 = tpu.vector_load %arg7[%swap3A_252, %swap3A_253] {strides = array<i32>} : memref<64x256xi32, #tpu.memory_space<vmem>>, vector<16xi32>,
    tpu.vector_store %arg7[%swap3A_252, %swap3A_253], %broadcast_in_dim3A_59 {strides = array<i32>} : memref<64x256xi32, #tpu.memory_space<vmem>>, vector<16xi32>,
    %swap3A_255 = arith.constant 9 : i32
    %swap3A_256 = arith.index_cast %swap3A_255 : i32 to index
    %swap3A_257 = arith.constant 128 : index
    %swap3A_258 = tpu.vector_load %arg8[%swap3A_256, %swap3A_257] {strides = array<i32>} : memref<64x256xi32, #tpu.memory_space<vmem>>, vector<16xi32>,
    tpu.vector_store %arg8[%swap3A_256, %swap3A_257], %broadcast_in_dim3A_59 {strides = array<i32>} : memref<64x256xi32, #tpu.memory_space<vmem>>, vector<16xi32>,
    %swap3A_259 = arith.constant 9 : i32
    %swap3A_260 = arith.index_cast %swap3A_259 : i32 to index
    %swap3A_261 = arith.constant 144 : index
    %swap3A_262 = tpu.vector_load %arg7[%swap3A_260, %swap3A_261] {strides = array<i32>} : memref<64x256xi32, #tpu.memory_space<vmem>>, vector<16xi32>,
    tpu.vector_store %arg7[%swap3A_260, %swap3A_261], %broadcast_in_dim3A_59 {strides = array<i32>} : memref<64x256xi32, #tpu.memory_space<vmem>>, vector<16xi32>,
    %swap3A_263 = arith.constant 9 : i32
    %swap3A_264 = arith.index_cast %swap3A_263 : i32 to index
    %swap3A_265 = arith.constant 144 : index
    %swap3A_266 = tpu.vector_load %arg8[%swap3A_264, %swap3A_265] {strides = array<i32>} : memref<64x256xi32, #tpu.memory_space<vmem>>, vector<16xi32>,
    tpu.vector_store %arg8[%swap3A_264, %swap3A_265], %broadcast_in_dim3A_59 {strides = array<i32>} : memref<64x256xi32, #tpu.memory_space<vmem>>, vector<16xi32>,
    %swap3A_267 = arith.constant 9 : i32
    %swap3A_268 = arith.index_cast %swap3A_267 : i32 to index
    %swap3A_269 = arith.constant 160 : index
    %swap3A_270 = tpu.vector_load %arg7[%swap3A_268, %swap3A_269] {strides = array<i32>} : memref<64x256xi32, #tpu.memory_space<vmem>>, vector<16xi32>,
    tpu.vector_store %arg7[%swap3A_268, %swap3A_269], %broadcast_in_dim3A_59 {strides = array<i32>} : memref<64x256xi32, #tpu.memory_space<vmem>>, vector<16xi32>,
    %swap3A_271 = arith.constant 9 : i32
    %swap3A_272 = arith.index_cast %swap3A_271 : i32 to index
    %swap3A_273 = arith.constant 160 : index
    %swap3A_274 = tpu.vector_load %arg8[%swap3A_272, %swap3A_273] {strides = array<i32>} : memref<64x256xi32, #tpu.memory_space<vmem>>, vector<16xi32>,
    tpu.vector_store %arg8[%swap3A_272, %swap3A_273], %broadcast_in_dim3A_59 {strides = array<i32>} : memref<64x256xi32, #tpu.memory_space<vmem>>, vector<16xi32>,
    %swap3A_275 = arith.constant 9 : i32
    %swap3A_276 = arith.index_cast %swap3A_275 : i32 to index
    %swap3A_277 = arith.constant 176 : index
    %swap3A_278 = tpu.vector_load %arg7[%swap3A_276, %swap3A_277] {strides = array<i32>} : memref<64x256xi32, #tpu.memory_space<vmem>>, vector<16xi32>,
    tpu.vector_store %arg7[%swap3A_276, %swap3A_277], %broadcast_in_dim3A_59 {strides = array<i32>} : memref<64x256xi32, #tpu.memory_space<vmem>>, vector<16xi32>,
    %swap3A_279 = arith.constant 9 : i32
    %swap3A_280 = arith.index_cast %swap3A_279 : i32 to index
    %swap3A_281 = arith.constant 176 : index
    %swap3A_282 = tpu.vector_load %arg8[%swap3A_280, %swap3A_281] {strides = array<i32>} : memref<64x256xi32, #tpu.memory_space<vmem>>, vector<16xi32>,
    tpu.vector_store %arg8[%swap3A_280, %swap3A_281], %broadcast_in_dim3A_59 {strides = array<i32>} : memref<64x256xi32, #tpu.memory_space<vmem>>, vector<16xi32>,
    %swap3A_283 = arith.constant 9 : i32
    %swap3A_284 = arith.index_cast %swap3A_283 : i32 to index
    %swap3A_285 = arith.constant 192 : index
    %swap3A_286 = tpu.vector_load %arg7[%swap3A_284, %swap3A_285] {strides = array<i32>} : memref<64x256xi32, #tpu.memory_space<vmem>>, vector<16xi32>,
    tpu.vector_store %arg7[%swap3A_284, %swap3A_285], %broadcast_in_dim3A_59 {strides = array<i32>} : memref<64x256xi32, #tpu.memory_space<vmem>>, vector<16xi32>,
    %swap3A_287 = arith.constant 9 : i32
    %swap3A_288 = arith.index_cast %swap3A_287 : i32 to index
    %swap3A_289 = arith.constant 192 : index
    %swap3A_290 = tpu.vector_load %arg8[%swap3A_288, %swap3A_289] {strides = array<i32>} : memref<64x256xi32, #tpu.memory_space<vmem>>, vector<16xi32>,
    tpu.vector_store %arg8[%swap3A_288, %swap3A_289], %broadcast_in_dim3A_59 {strides = array<i32>} : memref<64x256xi32, #tpu.memory_space<vmem>>, vector<16xi32>,
    %swap3A_291 = arith.constant 9 : i32
    %swap3A_292 = arith.index_cast %swap3A_291 : i32 to index
    %swap3A_293 = arith.constant 208 : index
    %swap3A_294 = tpu.vector_load %arg7[%swap3A_292, %swap3A_293] {strides = array<i32>} : memref<64x256xi32, #tpu.memory_space<vmem>>, vector<16xi32>,
    tpu.vector_store %arg7[%swap3A_292, %swap3A_293], %broadcast_in_dim3A_59 {strides = array<i32>} : memref<64x256xi32, #tpu.memory_space<vmem>>, vector<16xi32>,
    %swap3A_295 = arith.constant 9 : i32
    %swap3A_296 = arith.index_cast %swap3A_295 : i32 to index
    %swap3A_297 = arith.constant 208 : index
    %swap3A_298 = tpu.vector_load %arg8[%swap3A_296, %swap3A_297] {strides = array<i32>} : memref<64x256xi32, #tpu.memory_space<vmem>>, vector<16xi32>,
    tpu.vector_store %arg8[%swap3A_296, %swap3A_297], %broadcast_in_dim3A_59 {strides = array<i32>} : memref<64x256xi32, #tpu.memory_space<vmem>>, vector<16xi32>,
    %swap3A_299 = arith.constant 9 : i32
    %swap3A_300 = arith.index_cast %swap3A_299 : i32 to index
    %swap3A_301 = arith.constant 224 : index
    %swap3A_302 = tpu.vector_load %arg7[%swap3A_300, %swap3A_301] {strides = array<i32>} : memref<64x256xi32, #tpu.memory_space<vmem>>, vector<16xi32>,
    tpu.vector_store %arg7[%swap3A_300, %swap3A_301], %broadcast_in_dim3A_59 {strides = array<i32>} : memref<64x256xi32, #tpu.memory_space<vmem>>, vector<16xi32>,
    %swap3A_303 = arith.constant 9 : i32
    %swap3A_304 = arith.index_cast %swap3A_303 : i32 to index
    %swap3A_305 = arith.constant 224 : index
    %swap3A_306 = tpu.vector_load %arg8[%swap3A_304, %swap3A_305] {strides = array<i32>} : memref<64x256xi32, #tpu.memory_space<vmem>>, vector<16xi32>,
    tpu.vector_store %arg8[%swap3A_304, %swap3A_305], %broadcast_in_dim3A_59 {strides = array<i32>} : memref<64x256xi32, #tpu.memory_space<vmem>>, vector<16xi32>,
    %swap3A_307 = arith.constant 9 : i32
    %swap3A_308 = arith.index_cast %swap3A_307 : i32 to index
    %swap3A_309 = arith.constant 240 : index
    %swap3A_310 = tpu.vector_load %arg7[%swap3A_308, %swap3A_309] {strides = array<i32>} : memref<64x256xi32, #tpu.memory_space<vmem>>, vector<16xi32>,
    tpu.vector_store %arg7[%swap3A_308, %swap3A_309], %broadcast_in_dim3A_59 {strides = array<i32>} : memref<64x256xi32, #tpu.memory_space<vmem>>, vector<16xi32>,
    %swap3A_311 = arith.constant 9 : i32
    %swap3A_312 = arith.index_cast %swap3A_311 : i32 to index
    %swap3A_313 = arith.constant 240 : index
    %swap3A_314 = tpu.vector_load %arg8[%swap3A_312, %swap3A_313] {strides = array<i32>} : memref<64x256xi32, #tpu.memory_space<vmem>>, vector<16xi32>,
    tpu.vector_store %arg8[%swap3A_312, %swap3A_313], %broadcast_in_dim3A_59 {strides = array<i32>} : memref<64x256xi32, #tpu.memory_space<vmem>>, vector<16xi32>,
    %swap3A_315 = arith.constant 10 : i32
    %swap3A_316 = arith.index_cast %swap3A_315 : i32 to index
    %swap3A_317 = arith.constant 0 : index
    %swap3A_318 = tpu.vector_load %arg7[%swap3A_316, %swap3A_317] {strides = array<i32>} : memref<64x256xi32, #tpu.memory_space<vmem>>, vector<16xi32>,
    tpu.vector_store %arg7[%swap3A_316, %swap3A_317], %broadcast_in_dim3A_59 {strides = array<i32>} : memref<64x256xi32, #tpu.memory_space<vmem>>, vector<16xi32>,
    %swap3A_319 = arith.constant 10 : i32
    %swap3A_320 = arith.index_cast %swap3A_319 : i32 to index
    %swap3A_321 = arith.constant 0 : index
    %swap3A_322 = tpu.vector_load %arg8[%swap3A_320, %swap3A_321] {strides = array<i32>} : memref<64x256xi32, #tpu.memory_space<vmem>>, vector<16xi32>,
    tpu.vector_store %arg8[%swap3A_320, %swap3A_321], %broadcast_in_dim3A_59 {strides = array<i32>} : memref<64x256xi32, #tpu.memory_space<vmem>>, vector<16xi32>,
    %swap3A_323 = arith.constant 10 : i32
    %swap3A_324 = arith.index_cast %swap3A_323 : i32 to index
    %swap3A_325 = arith.constant 16 : index
    %swap3A_326 = tpu.vector_load %arg7[%swap3A_324, %swap3A_325] {strides = array<i32>} : memref<64x256xi32, #tpu.memory_space<vmem>>, vector<16xi32>,
    tpu.vector_store %arg7[%swap3A_324, %swap3A_325], %broadcast_in_dim3A_59 {strides = array<i32>} : memref<64x256xi32, #tpu.memory_space<vmem>>, vector<16xi32>,
    %swap3A_327 = arith.constant 10 : i32
    %swap3A_328 = arith.index_cast %swap3A_327 : i32 to index
    %swap3A_329 = arith.constant 16 : index
    %swap3A_330 = tpu.vector_load %arg8[%swap3A_328, %swap3A_329] {strides = array<i32>} : memref<64x256xi32, #tpu.memory_space<vmem>>, vector<16xi32>,
    tpu.vector_store %arg8[%swap3A_328, %swap3A_329], %broadcast_in_dim3A_59 {strides = array<i32>} : memref<64x256xi32, #tpu.memory_space<vmem>>, vector<16xi32>,
    %swap3A_331 = arith.constant 10 : i32
    %swap3A_332 = arith.index_cast %swap3A_331 : i32 to index
    %swap3A_333 = arith.constant 32 : index
    %swap3A_334 = tpu.vector_load %arg7[%swap3A_332, %swap3A_333] {strides = array<i32>} : memref<64x256xi32, #tpu.memory_space<vmem>>, vector<16xi32>,
    tpu.vector_store %arg7[%swap3A_332, %swap3A_333], %broadcast_in_dim3A_59 {strides = array<i32>} : memref<64x256xi32, #tpu.memory_space<vmem>>, vector<16xi32>,
    %swap3A_335 = arith.constant 10 : i32
    %swap3A_336 = arith.index_cast %swap3A_335 : i32 to index
    %swap3A_337 = arith.constant 32 : index
    %swap3A_338 = tpu.vector_load %arg8[%swap3A_336, %swap3A_337] {strides = array<i32>} : memref<64x256xi32, #tpu.memory_space<vmem>>, vector<16xi32>,
    tpu.vector_store %arg8[%swap3A_336, %swap3A_337], %broadcast_in_dim3A_59 {strides = array<i32>} : memref<64x256xi32, #tpu.memory_space<vmem>>, vector<16xi32>,
    %swap3A_339 = arith.constant 10 : i32
    %swap3A_340 = arith.index_cast %swap3A_339 : i32 to index
    %swap3A_341 = arith.constant 48 : index
    %swap3A_342 = tpu.vector_load %arg7[%swap3A_340, %swap3A_341] {strides = array<i32>} : memref<64x256xi32, #tpu.memory_space<vmem>>, vector<16xi32>,
    tpu.vector_store %arg7[%swap3A_340, %swap3A_341], %broadcast_in_dim3A_59 {strides = array<i32>} : memref<64x256xi32, #tpu.memory_space<vmem>>, vector<16xi32>,
    %swap3A_343 = arith.constant 10 : i32
    %swap3A_344 = arith.index_cast %swap3A_343 : i32 to index
    %swap3A_345 = arith.constant 48 : index
    %swap3A_346 = tpu.vector_load %arg8[%swap3A_344, %swap3A_345] {strides = array<i32>} : memref<64x256xi32, #tpu.memory_space<vmem>>, vector<16xi32>,
    tpu.vector_store %arg8[%swap3A_344, %swap3A_345], %broadcast_in_dim3A_59 {strides = array<i32>} : memref<64x256xi32, #tpu.memory_space<vmem>>, vector<16xi32>,
    %swap3A_347 = arith.constant 10 : i32
    %swap3A_348 = arith.index_cast %swap3A_347 : i32 to index
    %swap3A_349 = arith.constant 64 : index
    %swap3A_350 = tpu.vector_load %arg7[%swap3A_348, %swap3A_349] {strides = array<i32>} : memref<64x256xi32, #tpu.memory_space<vmem>>, vector<16xi32>,
    tpu.vector_store %arg7[%swap3A_348, %swap3A_349], %broadcast_in_dim3A_59 {strides = array<i32>} : memref<64x256xi32, #tpu.memory_space<vmem>>, vector<16xi32>,
    %swap3A_351 = arith.constant 10 : i32
    %swap3A_352 = arith.index_cast %swap3A_351 : i32 to index
    %swap3A_353 = arith.constant 64 : index
    %swap3A_354 = tpu.vector_load %arg8[%swap3A_352, %swap3A_353] {strides = array<i32>} : memref<64x256xi32, #tpu.memory_space<vmem>>, vector<16xi32>,
    tpu.vector_store %arg8[%swap3A_352, %swap3A_353], %broadcast_in_dim3A_59 {strides = array<i32>} : memref<64x256xi32, #tpu.memory_space<vmem>>, vector<16xi32>,
    %swap3A_355 = arith.constant 10 : i32
    %swap3A_356 = arith.index_cast %swap3A_355 : i32 to index
    %swap3A_357 = arith.constant 80 : index
    %swap3A_358 = tpu.vector_load %arg7[%swap3A_356, %swap3A_357] {strides = array<i32>} : memref<64x256xi32, #tpu.memory_space<vmem>>, vector<16xi32>,
    tpu.vector_store %arg7[%swap3A_356, %swap3A_357], %broadcast_in_dim3A_59 {strides = array<i32>} : memref<64x256xi32, #tpu.memory_space<vmem>>, vector<16xi32>,
    %swap3A_359 = arith.constant 10 : i32
    %swap3A_360 = arith.index_cast %swap3A_359 : i32 to index
    %swap3A_361 = arith.constant 80 : index
    %swap3A_362 = tpu.vector_load %arg8[%swap3A_360, %swap3A_361] {strides = array<i32>} : memref<64x256xi32, #tpu.memory_space<vmem>>, vector<16xi32>,
    tpu.vector_store %arg8[%swap3A_360, %swap3A_361], %broadcast_in_dim3A_59 {strides = array<i32>} : memref<64x256xi32, #tpu.memory_space<vmem>>, vector<16xi32>,
    %swap3A_363 = arith.constant 10 : i32
    %swap3A_364 = arith.index_cast %swap3A_363 : i32 to index
    %swap3A_365 = arith.constant 96 : index
    %swap3A_366 = tpu.vector_load %arg7[%swap3A_364, %swap3A_365] {strides = array<i32>} : memref<64x256xi32, #tpu.memory_space<vmem>>, vector<16xi32>,
    tpu.vector_store %arg7[%swap3A_364, %swap3A_365], %broadcast_in_dim3A_59 {strides = array<i32>} : memref<64x256xi32, #tpu.memory_space<vmem>>, vector<16xi32>,
    %swap3A_367 = arith.constant 10 : i32
    %swap3A_368 = arith.index_cast %swap3A_367 : i32 to index
    %swap3A_369 = arith.constant 96 : index
    %swap3A_370 = tpu.vector_load %arg8[%swap3A_368, %swap3A_369] {strides = array<i32>} : memref<64x256xi32, #tpu.memory_space<vmem>>, vector<16xi32>,
    tpu.vector_store %arg8[%swap3A_368, %swap3A_369], %broadcast_in_dim3A_59 {strides = array<i32>} : memref<64x256xi32, #tpu.memory_space<vmem>>, vector<16xi32>,
    %swap3A_371 = arith.constant 10 : i32
    %swap3A_372 = arith.index_cast %swap3A_371 : i32 to index
    %swap3A_373 = arith.constant 112 : index
    %swap3A_374 = tpu.vector_load %arg7[%swap3A_372, %swap3A_373] {strides = array<i32>} : memref<64x256xi32, #tpu.memory_space<vmem>>, vector<16xi32>,
    tpu.vector_store %arg7[%swap3A_372, %swap3A_373], %broadcast_in_dim3A_59 {strides = array<i32>} : memref<64x256xi32, #tpu.memory_space<vmem>>, vector<16xi32>,
    %swap3A_375 = arith.constant 10 : i32
    %swap3A_376 = arith.index_cast %swap3A_375 : i32 to index
    %swap3A_377 = arith.constant 112 : index
    %swap3A_378 = tpu.vector_load %arg8[%swap3A_376, %swap3A_377] {strides = array<i32>} : memref<64x256xi32, #tpu.memory_space<vmem>>, vector<16xi32>,
    tpu.vector_store %arg8[%swap3A_376, %swap3A_377], %broadcast_in_dim3A_59 {strides = array<i32>} : memref<64x256xi32, #tpu.memory_space<vmem>>, vector<16xi32>,
    %swap3A_379 = arith.constant 10 : i32
    %swap3A_380 = arith.index_cast %swap3A_379 : i32 to index
    %swap3A_381 = arith.constant 128 : index
    %swap3A_382 = tpu.vector_load %arg7[%swap3A_380, %swap3A_381] {strides = array<i32>} : memref<64x256xi32, #tpu.memory_space<vmem>>, vector<16xi32>,
    tpu.vector_store %arg7[%swap3A_380, %swap3A_381], %broadcast_in_dim3A_59 {strides = array<i32>} : memref<64x256xi32, #tpu.memory_space<vmem>>, vector<16xi32>,
    %swap3A_383 = arith.constant 10 : i32
    %swap3A_384 = arith.index_cast %swap3A_383 : i32 to index
    %swap3A_385 = arith.constant 128 : index
    %swap3A_386 = tpu.vector_load %arg8[%swap3A_384, %swap3A_385] {strides = array<i32>} : memref<64x256xi32, #tpu.memory_space<vmem>>, vector<16xi32>,
    tpu.vector_store %arg8[%swap3A_384, %swap3A_385], %broadcast_in_dim3A_59 {strides = array<i32>} : memref<64x256xi32, #tpu.memory_space<vmem>>, vector<16xi32>,
    %swap3A_387 = arith.constant 10 : i32
    %swap3A_388 = arith.index_cast %swap3A_387 : i32 to index
    %swap3A_389 = arith.constant 144 : index
    %swap3A_390 = tpu.vector_load %arg7[%swap3A_388, %swap3A_389] {strides = array<i32>} : memref<64x256xi32, #tpu.memory_space<vmem>>, vector<16xi32>,
    tpu.vector_store %arg7[%swap3A_388, %swap3A_389], %broadcast_in_dim3A_59 {strides = array<i32>} : memref<64x256xi32, #tpu.memory_space<vmem>>, vector<16xi32>,
    %swap3A_391 = arith.constant 10 : i32
    %swap3A_392 = arith.index_cast %swap3A_391 : i32 to index
    %swap3A_393 = arith.constant 144 : index
    %swap3A_394 = tpu.vector_load %arg8[%swap3A_392, %swap3A_393] {strides = array<i32>} : memref<64x256xi32, #tpu.memory_space<vmem>>, vector<16xi32>,
    tpu.vector_store %arg8[%swap3A_392, %swap3A_393], %broadcast_in_dim3A_59 {strides = array<i32>} : memref<64x256xi32, #tpu.memory_space<vmem>>, vector<16xi32>,
    %swap3A_395 = arith.constant 10 : i32
    %swap3A_396 = arith.index_cast %swap3A_395 : i32 to index
    %swap3A_397 = arith.constant 160 : index
    %swap3A_398 = tpu.vector_load %arg7[%swap3A_396, %swap3A_397] {strides = array<i32>} : memref<64x256xi32, #tpu.memory_space<vmem>>, vector<16xi32>,
    tpu.vector_store %arg7[%swap3A_396, %swap3A_397], %broadcast_in_dim3A_59 {strides = array<i32>} : memref<64x256xi32, #tpu.memory_space<vmem>>, vector<16xi32>,
    %swap3A_399 = arith.constant 10 : i32
    %swap3A_400 = arith.index_cast %swap3A_399 : i32 to index
    %swap3A_401 = arith.constant 160 : index
    %swap3A_402 = tpu.vector_load %arg8[%swap3A_400, %swap3A_401] {strides = array<i32>} : memref<64x256xi32, #tpu.memory_space<vmem>>, vector<16xi32>,
    tpu.vector_store %arg8[%swap3A_400, %swap3A_401], %broadcast_in_dim3A_59 {strides = array<i32>} : memref<64x256xi32, #tpu.memory_space<vmem>>, vector<16xi32>,
    %swap3A_403 = arith.constant 10 : i32
    %swap3A_404 = arith.index_cast %swap3A_403 : i32 to index
    %swap3A_405 = arith.constant 176 : index
    %swap3A_406 = tpu.vector_load %arg7[%swap3A_404, %swap3A_405] {strides = array<i32>} : memref<64x256xi32, #tpu.memory_space<vmem>>, vector<16xi32>,
    tpu.vector_store %arg7[%swap3A_404, %swap3A_405], %broadcast_in_dim3A_59 {strides = array<i32>} : memref<64x256xi32, #tpu.memory_space<vmem>>, vector<16xi32>,
    %swap3A_407 = arith.constant 10 : i32
    %swap3A_408 = arith.index_cast %swap3A_407 : i32 to index
    %swap3A_409 = arith.constant 176 : index
    %swap3A_410 = tpu.vector_load %arg8[%swap3A_408, %swap3A_409] {strides = array<i32>} : memref<64x256xi32, #tpu.memory_space<vmem>>, vector<16xi32>,
    tpu.vector_store %arg8[%swap3A_408, %swap3A_409], %broadcast_in_dim3A_59 {strides = array<i32>} : memref<64x256xi32, #tpu.memory_space<vmem>>, vector<16xi32>,
    %swap3A_411 = arith.constant 10 : i32
    %swap3A_412 = arith.index_cast %swap3A_411 : i32 to index
    %swap3A_413 = arith.constant 192 : index
    %swap3A_414 = tpu.vector_load %arg7[%swap3A_412, %swap3A_413] {strides = array<i32>} : memref<64x256xi32, #tpu.memory_space<vmem>>, vector<16xi32>,
    tpu.vector_store %arg7[%swap3A_412, %swap3A_413], %broadcast_in_dim3A_59 {strides = array<i32>} : memref<64x256xi32, #tpu.memory_space<vmem>>, vector<16xi32>,
    %swap3A_415 = arith.constant 10 : i32
    %swap3A_416 = arith.index_cast %swap3A_415 : i32 to index
    %swap3A_417 = arith.constant 192 : index
    %swap3A_418 = tpu.vector_load %arg8[%swap3A_416, %swap3A_417] {strides = array<i32>} : memref<64x256xi32, #tpu.memory_space<vmem>>, vector<16xi32>,
    tpu.vector_store %arg8[%swap3A_416, %swap3A_417], %broadcast_in_dim3A_59 {strides = array<i32>} : memref<64x256xi32, #tpu.memory_space<vmem>>, vector<16xi32>,
    %swap3A_419 = arith.constant 10 : i32
    %swap3A_420 = arith.index_cast %swap3A_419 : i32 to index
    %swap3A_421 = arith.constant 208 : index
    %swap3A_422 = tpu.vector_load %arg7[%swap3A_420, %swap3A_421] {strides = array<i32>} : memref<64x256xi32, #tpu.memory_space<vmem>>, vector<16xi32>,
    tpu.vector_store %arg7[%swap3A_420, %swap3A_421], %broadcast_in_dim3A_59 {strides = array<i32>} : memref<64x256xi32, #tpu.memory_space<vmem>>, vector<16xi32>,
    %swap3A_423 = arith.constant 10 : i32
    %swap3A_424 = arith.index_cast %swap3A_423 : i32 to index
    %swap3A_425 = arith.constant 208 : index
    %swap3A_426 = tpu.vector_load %arg8[%swap3A_424, %swap3A_425] {strides = array<i32>} : memref<64x256xi32, #tpu.memory_space<vmem>>, vector<16xi32>,
    tpu.vector_store %arg8[%swap3A_424, %swap3A_425], %broadcast_in_dim3A_59 {strides = array<i32>} : memref<64x256xi32, #tpu.memory_space<vmem>>, vector<16xi32>,
    %swap3A_427 = arith.constant 10 : i32
    %swap3A_428 = arith.index_cast %swap3A_427 : i32 to index
    %swap3A_429 = arith.constant 224 : index
    %swap3A_430 = tpu.vector_load %arg7[%swap3A_428, %swap3A_429] {strides = array<i32>} : memref<64x256xi32, #tpu.memory_space<vmem>>, vector<16xi32>,
    tpu.vector_store %arg7[%swap3A_428, %swap3A_429], %broadcast_in_dim3A_59 {strides = array<i32>} : memref<64x256xi32, #tpu.memory_space<vmem>>, vector<16xi32>,
    %swap3A_431 = arith.constant 10 : i32
    %swap3A_432 = arith.index_cast %swap3A_431 : i32 to index
    %swap3A_433 = arith.constant 224 : index
    %swap3A_434 = tpu.vector_load %arg8[%swap3A_432, %swap3A_433] {strides = array<i32>} : memref<64x256xi32, #tpu.memory_space<vmem>>, vector<16xi32>,
    tpu.vector_store %arg8[%swap3A_432, %swap3A_433], %broadcast_in_dim3A_59 {strides = array<i32>} : memref<64x256xi32, #tpu.memory_space<vmem>>, vector<16xi32>,
    %swap3A_435 = arith.constant 10 : i32
    %swap3A_436 = arith.index_cast %swap3A_435 : i32 to index
    %swap3A_437 = arith.constant 240 : index
    %swap3A_438 = tpu.vector_load %arg7[%swap3A_436, %swap3A_437] {strides = array<i32>} : memref<64x256xi32, #tpu.memory_space<vmem>>, vector<16xi32>,
    tpu.vector_store %arg7[%swap3A_436, %swap3A_437], %broadcast_in_dim3A_59 {strides = array<i32>} : memref<64x256xi32, #tpu.memory_space<vmem>>, vector<16xi32>,
    %swap3A_439 = arith.constant 10 : i32
    %swap3A_440 = arith.index_cast %swap3A_439 : i32 to index
    %swap3A_441 = arith.constant 240 : index
    %swap3A_442 = tpu.vector_load %arg8[%swap3A_440, %swap3A_441] {strides = array<i32>} : memref<64x256xi32, #tpu.memory_space<vmem>>, vector<16xi32>,
    tpu.vector_store %arg8[%swap3A_440, %swap3A_441], %broadcast_in_dim3A_59 {strides = array<i32>} : memref<64x256xi32, #tpu.memory_space<vmem>>, vector<16xi32>,
    %swap3A_443 = arith.constant 11 : i32
    %swap3A_444 = arith.index_cast %swap3A_443 : i32 to index
    %swap3A_445 = arith.constant 0 : index
    %swap3A_446 = tpu.vector_load %arg7[%swap3A_444, %swap3A_445] {strides = array<i32>} : memref<64x256xi32, #tpu.memory_space<vmem>>, vector<16xi32>,
    tpu.vector_store %arg7[%swap3A_444, %swap3A_445], %broadcast_in_dim3A_59 {strides = array<i32>} : memref<64x256xi32, #tpu.memory_space<vmem>>, vector<16xi32>,
    %swap3A_447 = arith.constant 11 : i32
    %swap3A_448 = arith.index_cast %swap3A_447 : i32 to index
    %swap3A_449 = arith.constant 0 : index
    %swap3A_450 = tpu.vector_load %arg8[%swap3A_448, %swap3A_449] {strides = array<i32>} : memref<64x256xi32, #tpu.memory_space<vmem>>, vector<16xi32>,
    tpu.vector_store %arg8[%swap3A_448, %swap3A_449], %broadcast_in_dim3A_59 {strides = array<i32>} : memref<64x256xi32, #tpu.memory_space<vmem>>, vector<16xi32>,
    %swap3A_451 = arith.constant 11 : i32
    %swap3A_452 = arith.index_cast %swap3A_451 : i32 to index
    %swap3A_453 = arith.constant 16 : index
    %swap3A_454 = tpu.vector_load %arg7[%swap3A_452, %swap3A_453] {strides = array<i32>} : memref<64x256xi32, #tpu.memory_space<vmem>>, vector<16xi32>,
    tpu.vector_store %arg7[%swap3A_452, %swap3A_453], %broadcast_in_dim3A_59 {strides = array<i32>} : memref<64x256xi32, #tpu.memory_space<vmem>>, vector<16xi32>,
    %swap3A_455 = arith.constant 11 : i32
    %swap3A_456 = arith.index_cast %swap3A_455 : i32 to index
    %swap3A_457 = arith.constant 16 : index
    %swap3A_458 = tpu.vector_load %arg8[%swap3A_456, %swap3A_457] {strides = array<i32>} : memref<64x256xi32, #tpu.memory_space<vmem>>, vector<16xi32>,
    tpu.vector_store %arg8[%swap3A_456, %swap3A_457], %broadcast_in_dim3A_59 {strides = array<i32>} : memref<64x256xi32, #tpu.memory_space<vmem>>, vector<16xi32>,
    %swap3A_459 = arith.constant 11 : i32
    %swap3A_460 = arith.index_cast %swap3A_459 : i32 to index
    %swap3A_461 = arith.constant 32 : index
    %swap3A_462 = tpu.vector_load %arg7[%swap3A_460, %swap3A_461] {strides = array<i32>} : memref<64x256xi32, #tpu.memory_space<vmem>>, vector<16xi32>,
    tpu.vector_store %arg7[%swap3A_460, %swap3A_461], %broadcast_in_dim3A_59 {strides = array<i32>} : memref<64x256xi32, #tpu.memory_space<vmem>>, vector<16xi32>,
    %swap3A_463 = arith.constant 11 : i32
    %swap3A_464 = arith.index_cast %swap3A_463 : i32 to index
    %swap3A_465 = arith.constant 32 : index
    %swap3A_466 = tpu.vector_load %arg8[%swap3A_464, %swap3A_465] {strides = array<i32>} : memref<64x256xi32, #tpu.memory_space<vmem>>, vector<16xi32>,
    tpu.vector_store %arg8[%swap3A_464, %swap3A_465], %broadcast_in_dim3A_59 {strides = array<i32>} : memref<64x256xi32, #tpu.memory_space<vmem>>, vector<16xi32>,
    %swap3A_467 = arith.constant 11 : i32
    %swap3A_468 = arith.index_cast %swap3A_467 : i32 to index
    %swap3A_469 = arith.constant 48 : index
    %swap3A_470 = tpu.vector_load %arg7[%swap3A_468, %swap3A_469] {strides = array<i32>} : memref<64x256xi32, #tpu.memory_space<vmem>>, vector<16xi32>,
    tpu.vector_store %arg7[%swap3A_468, %swap3A_469], %broadcast_in_dim3A_59 {strides = array<i32>} : memref<64x256xi32, #tpu.memory_space<vmem>>, vector<16xi32>,
    %swap3A_471 = arith.constant 11 : i32
    %swap3A_472 = arith.index_cast %swap3A_471 : i32 to index
    %swap3A_473 = arith.constant 48 : index
    %swap3A_474 = tpu.vector_load %arg8[%swap3A_472, %swap3A_473] {strides = array<i32>} : memref<64x256xi32, #tpu.memory_space<vmem>>, vector<16xi32>,
    tpu.vector_store %arg8[%swap3A_472, %swap3A_473], %broadcast_in_dim3A_59 {strides = array<i32>} : memref<64x256xi32, #tpu.memory_space<vmem>>, vector<16xi32>,
    %swap3A_475 = arith.constant 11 : i32
    %swap3A_476 = arith.index_cast %swap3A_475 : i32 to index
    %swap3A_477 = arith.constant 64 : index
    %swap3A_478 = tpu.vector_load %arg7[%swap3A_476, %swap3A_477] {strides = array<i32>} : memref<64x256xi32, #tpu.memory_space<vmem>>, vector<16xi32>,
    tpu.vector_store %arg7[%swap3A_476, %swap3A_477], %broadcast_in_dim3A_59 {strides = array<i32>} : memref<64x256xi32, #tpu.memory_space<vmem>>, vector<16xi32>,
    %swap3A_479 = arith.constant 11 : i32
    %swap3A_480 = arith.index_cast %swap3A_479 : i32 to index
    %swap3A_481 = arith.constant 64 : index
    %swap3A_482 = tpu.vector_load %arg8[%swap3A_480, %swap3A_481] {strides = array<i32>} : memref<64x256xi32, #tpu.memory_space<vmem>>, vector<16xi32>,
    tpu.vector_store %arg8[%swap3A_480, %swap3A_481], %broadcast_in_dim3A_59 {strides = array<i32>} : memref<64x256xi32, #tpu.memory_space<vmem>>, vector<16xi32>,
    %swap3A_483 = arith.constant 11 : i32
    %swap3A_484 = arith.index_cast %swap3A_483 : i32 to index
    %swap3A_485 = arith.constant 80 : index
    %swap3A_486 = tpu.vector_load %arg7[%swap3A_484, %swap3A_485] {strides = array<i32>} : memref<64x256xi32, #tpu.memory_space<vmem>>, vector<16xi32>,
    tpu.vector_store %arg7[%swap3A_484, %swap3A_485], %broadcast_in_dim3A_59 {strides = array<i32>} : memref<64x256xi32, #tpu.memory_space<vmem>>, vector<16xi32>,
    %swap3A_487 = arith.constant 11 : i32
    %swap3A_488 = arith.index_cast %swap3A_487 : i32 to index
    %swap3A_489 = arith.constant 80 : index
    %swap3A_490 = tpu.vector_load %arg8[%swap3A_488, %swap3A_489] {strides = array<i32>} : memref<64x256xi32, #tpu.memory_space<vmem>>, vector<16xi32>,
    tpu.vector_store %arg8[%swap3A_488, %swap3A_489], %broadcast_in_dim3A_59 {strides = array<i32>} : memref<64x256xi32, #tpu.memory_space<vmem>>, vector<16xi32>,
    %swap3A_491 = arith.constant 11 : i32
    %swap3A_492 = arith.index_cast %swap3A_491 : i32 to index
    %swap3A_493 = arith.constant 96 : index
    %swap3A_494 = tpu.vector_load %arg7[%swap3A_492, %swap3A_493] {strides = array<i32>} : memref<64x256xi32, #tpu.memory_space<vmem>>, vector<16xi32>,
    tpu.vector_store %arg7[%swap3A_492, %swap3A_493], %broadcast_in_dim3A_59 {strides = array<i32>} : memref<64x256xi32, #tpu.memory_space<vmem>>, vector<16xi32>,
    %swap3A_495 = arith.constant 11 : i32
    %swap3A_496 = arith.index_cast %swap3A_495 : i32 to index
    %swap3A_497 = arith.constant 96 : index
    %swap3A_498 = tpu.vector_load %arg8[%swap3A_496, %swap3A_497] {strides = array<i32>} : memref<64x256xi32, #tpu.memory_space<vmem>>, vector<16xi32>,
    tpu.vector_store %arg8[%swap3A_496, %swap3A_497], %broadcast_in_dim3A_59 {strides = array<i32>} : memref<64x256xi32, #tpu.memory_space<vmem>>, vector<16xi32>,
    %swap3A_499 = arith.constant 11 : i32
    %swap3A_500 = arith.index_cast %swap3A_499 : i32 to index
    %swap3A_501 = arith.constant 112 : index
    %swap3A_502 = tpu.vector_load %arg7[%swap3A_500, %swap3A_501] {strides = array<i32>} : memref<64x256xi32, #tpu.memory_space<vmem>>, vector<16xi32>,
    tpu.vector_store %arg7[%swap3A_500, %swap3A_501], %broadcast_in_dim3A_59 {strides = array<i32>} : memref<64x256xi32, #tpu.memory_space<vmem>>, vector<16xi32>,
    %swap3A_503 = arith.constant 11 : i32
    %swap3A_504 = arith.index_cast %swap3A_503 : i32 to index
    %swap3A_505 = arith.constant 112 : index
    %swap3A_506 = tpu.vector_load %arg8[%swap3A_504, %swap3A_505] {strides = array<i32>} : memref<64x256xi32, #tpu.memory_space<vmem>>, vector<16xi32>,
    tpu.vector_store %arg8[%swap3A_504, %swap3A_505], %broadcast_in_dim3A_59 {strides = array<i32>} : memref<64x256xi32, #tpu.memory_space<vmem>>, vector<16xi32>,
    %swap3A_507 = arith.constant 11 : i32
    %swap3A_508 = arith.index_cast %swap3A_507 : i32 to index
    %swap3A_509 = arith.constant 128 : index
    %swap3A_510 = tpu.vector_load %arg7[%swap3A_508, %swap3A_509] {strides = array<i32>} : memref<64x256xi32, #tpu.memory_space<vmem>>, vector<16xi32>,
    tpu.vector_store %arg7[%swap3A_508, %swap3A_509], %broadcast_in_dim3A_59 {strides = array<i32>} : memref<64x256xi32, #tpu.memory_space<vmem>>, vector<16xi32>,
    %swap3A_511 = arith.constant 11 : i32
    %swap3A_512 = arith.index_cast %swap3A_511 : i32 to index
    %swap3A_513 = arith.constant 128 : index
    %swap3A_514 = tpu.vector_load %arg8[%swap3A_512, %swap3A_513] {strides = array<i32>} : memref<64x256xi32, #tpu.memory_space<vmem>>, vector<16xi32>,
    tpu.vector_store %arg8[%swap3A_512, %swap3A_513], %broadcast_in_dim3A_59 {strides = array<i32>} : memref<64x256xi32, #tpu.memory_space<vmem>>, vector<16xi32>,
    %swap3A_515 = arith.constant 11 : i32
    %swap3A_516 = arith.index_cast %swap3A_515 : i32 to index
    %swap3A_517 = arith.constant 144 : index
    %swap3A_518 = tpu.vector_load %arg7[%swap3A_516, %swap3A_517] {strides = array<i32>} : memref<64x256xi32, #tpu.memory_space<vmem>>, vector<16xi32>,
    tpu.vector_store %arg7[%swap3A_516, %swap3A_517], %broadcast_in_dim3A_59 {strides = array<i32>} : memref<64x256xi32, #tpu.memory_space<vmem>>, vector<16xi32>,
    %swap3A_519 = arith.constant 11 : i32
    %swap3A_520 = arith.index_cast %swap3A_519 : i32 to index
    %swap3A_521 = arith.constant 144 : index
    %swap3A_522 = tpu.vector_load %arg8[%swap3A_520, %swap3A_521] {strides = array<i32>} : memref<64x256xi32, #tpu.memory_space<vmem>>, vector<16xi32>,
    tpu.vector_store %arg8[%swap3A_520, %swap3A_521], %broadcast_in_dim3A_59 {strides = array<i32>} : memref<64x256xi32, #tpu.memory_space<vmem>>, vector<16xi32>,
    %swap3A_523 = arith.constant 11 : i32
    %swap3A_524 = arith.index_cast %swap3A_523 : i32 to index
    %swap3A_525 = arith.constant 160 : index
    %swap3A_526 = tpu.vector_load %arg7[%swap3A_524, %swap3A_525] {strides = array<i32>} : memref<64x256xi32, #tpu.memory_space<vmem>>, vector<16xi32>,
    tpu.vector_store %arg7[%swap3A_524, %swap3A_525], %broadcast_in_dim3A_59 {strides = array<i32>} : memref<64x256xi32, #tpu.memory_space<vmem>>, vector<16xi32>,
    %swap3A_527 = arith.constant 11 : i32
    %swap3A_528 = arith.index_cast %swap3A_527 : i32 to index
    %swap3A_529 = arith.constant 160 : index
    %swap3A_530 = tpu.vector_load %arg8[%swap3A_528, %swap3A_529] {strides = array<i32>} : memref<64x256xi32, #tpu.memory_space<vmem>>, vector<16xi32>,
    tpu.vector_store %arg8[%swap3A_528, %swap3A_529], %broadcast_in_dim3A_59 {strides = array<i32>} : memref<64x256xi32, #tpu.memory_space<vmem>>, vector<16xi32>,
    %swap3A_531 = arith.constant 11 : i32
    %swap3A_532 = arith.index_cast %swap3A_531 : i32 to index
    %swap3A_533 = arith.constant 176 : index
    %swap3A_534 = tpu.vector_load %arg7[%swap3A_532, %swap3A_533] {strides = array<i32>} : memref<64x256xi32, #tpu.memory_space<vmem>>, vector<16xi32>,
    tpu.vector_store %arg7[%swap3A_532, %swap3A_533], %broadcast_in_dim3A_59 {strides = array<i32>} : memref<64x256xi32, #tpu.memory_space<vmem>>, vector<16xi32>,
    %swap3A_535 = arith.constant 11 : i32
    %swap3A_536 = arith.index_cast %swap3A_535 : i32 to index
    %swap3A_537 = arith.constant 176 : index
    %swap3A_538 = tpu.vector_load %arg8[%swap3A_536, %swap3A_537] {strides = array<i32>} : memref<64x256xi32, #tpu.memory_space<vmem>>, vector<16xi32>,
    tpu.vector_store %arg8[%swap3A_536, %swap3A_537], %broadcast_in_dim3A_59 {strides = array<i32>} : memref<64x256xi32, #tpu.memory_space<vmem>>, vector<16xi32>,
    %swap3A_539 = arith.constant 11 : i32
    %swap3A_540 = arith.index_cast %swap3A_539 : i32 to index
    %swap3A_541 = arith.constant 192 : index
    %swap3A_542 = tpu.vector_load %arg7[%swap3A_540, %swap3A_541] {strides = array<i32>} : memref<64x256xi32, #tpu.memory_space<vmem>>, vector<16xi32>,
    tpu.vector_store %arg7[%swap3A_540, %swap3A_541], %broadcast_in_dim3A_59 {strides = array<i32>} : memref<64x256xi32, #tpu.memory_space<vmem>>, vector<16xi32>,
    %swap3A_543 = arith.constant 11 : i32
    %swap3A_544 = arith.index_cast %swap3A_543 : i32 to index
    %swap3A_545 = arith.constant 192 : index
    %swap3A_546 = tpu.vector_load %arg8[%swap3A_544, %swap3A_545] {strides = array<i32>} : memref<64x256xi32, #tpu.memory_space<vmem>>, vector<16xi32>,
    tpu.vector_store %arg8[%swap3A_544, %swap3A_545], %broadcast_in_dim3A_59 {strides = array<i32>} : memref<64x256xi32, #tpu.memory_space<vmem>>, vector<16xi32>,
    %swap3A_547 = arith.constant 11 : i32
    %swap3A_548 = arith.index_cast %swap3A_547 : i32 to index
    %swap3A_549 = arith.constant 208 : index
    %swap3A_550 = tpu.vector_load %arg7[%swap3A_548, %swap3A_549] {strides = array<i32>} : memref<64x256xi32, #tpu.memory_space<vmem>>, vector<16xi32>,
    tpu.vector_store %arg7[%swap3A_548, %swap3A_549], %broadcast_in_dim3A_59 {strides = array<i32>} : memref<64x256xi32, #tpu.memory_space<vmem>>, vector<16xi32>,
    %swap3A_551 = arith.constant 11 : i32
    %swap3A_552 = arith.index_cast %swap3A_551 : i32 to index
    %swap3A_553 = arith.constant 208 : index
    %swap3A_554 = tpu.vector_load %arg8[%swap3A_552, %swap3A_553] {strides = array<i32>} : memref<64x256xi32, #tpu.memory_space<vmem>>, vector<16xi32>,
    tpu.vector_store %arg8[%swap3A_552, %swap3A_553], %broadcast_in_dim3A_59 {strides = array<i32>} : memref<64x256xi32, #tpu.memory_space<vmem>>, vector<16xi32>,
    %swap3A_555 = arith.constant 11 : i32
    %swap3A_556 = arith.index_cast %swap3A_555 : i32 to index
    %swap3A_557 = arith.constant 224 : index
    %swap3A_558 = tpu.vector_load %arg7[%swap3A_556, %swap3A_557] {strides = array<i32>} : memref<64x256xi32, #tpu.memory_space<vmem>>, vector<16xi32>,
    tpu.vector_store %arg7[%swap3A_556, %swap3A_557], %broadcast_in_dim3A_59 {strides = array<i32>} : memref<64x256xi32, #tpu.memory_space<vmem>>, vector<16xi32>,
    %swap3A_559 = arith.constant 11 : i32
    %swap3A_560 = arith.index_cast %swap3A_559 : i32 to index
    %swap3A_561 = arith.constant 224 : index
    %swap3A_562 = tpu.vector_load %arg8[%swap3A_560, %swap3A_561] {strides = array<i32>} : memref<64x256xi32, #tpu.memory_space<vmem>>, vector<16xi32>,
    tpu.vector_store %arg8[%swap3A_560, %swap3A_561], %broadcast_in_dim3A_59 {strides = array<i32>} : memref<64x256xi32, #tpu.memory_space<vmem>>, vector<16xi32>,
    %swap3A_563 = arith.constant 11 : i32
    %swap3A_564 = arith.index_cast %swap3A_563 : i32 to index
    %swap3A_565 = arith.constant 240 : index
    %swap3A_566 = tpu.vector_load %arg7[%swap3A_564, %swap3A_565] {strides = array<i32>} : memref<64x256xi32, #tpu.memory_space<vmem>>, vector<16xi32>,
    tpu.vector_store %arg7[%swap3A_564, %swap3A_565], %broadcast_in_dim3A_59 {strides = array<i32>} : memref<64x256xi32, #tpu.memory_space<vmem>>, vector<16xi32>,
    %swap3A_567 = arith.constant 11 : i32
    %swap3A_568 = arith.index_cast %swap3A_567 : i32 to index
    %swap3A_569 = arith.constant 240 : index
    %swap3A_570 = tpu.vector_load %arg8[%swap3A_568, %swap3A_569] {strides = array<i32>} : memref<64x256xi32, #tpu.memory_space<vmem>>, vector<16xi32>,
    tpu.vector_store %arg8[%swap3A_568, %swap3A_569], %broadcast_in_dim3A_59 {strides = array<i32>} : memref<64x256xi32, #tpu.memory_space<vmem>>, vector<16xi32>,
    %swap3A_571 = arith.constant 12 : i32
    %swap3A_572 = arith.index_cast %swap3A_571 : i32 to index
    %swap3A_573 = arith.constant 0 : index
    %swap3A_574 = tpu.vector_load %arg7[%swap3A_572, %swap3A_573] {strides = array<i32>} : memref<64x256xi32, #tpu.memory_space<vmem>>, vector<16xi32>,
    tpu.vector_store %arg7[%swap3A_572, %swap3A_573], %broadcast_in_dim3A_59 {strides = array<i32>} : memref<64x256xi32, #tpu.memory_space<vmem>>, vector<16xi32>,
    %swap3A_575 = arith.constant 12 : i32
    %swap3A_576 = arith.index_cast %swap3A_575 : i32 to index
    %swap3A_577 = arith.constant 0 : index
    %swap3A_578 = tpu.vector_load %arg8[%swap3A_576, %swap3A_577] {strides = array<i32>} : memref<64x256xi32, #tpu.memory_space<vmem>>, vector<16xi32>,
    tpu.vector_store %arg8[%swap3A_576, %swap3A_577], %broadcast_in_dim3A_59 {strides = array<i32>} : memref<64x256xi32, #tpu.memory_space<vmem>>, vector<16xi32>,
    %swap3A_579 = arith.constant 12 : i32
    %swap3A_580 = arith.index_cast %swap3A_579 : i32 to index
    %swap3A_581 = arith.constant 16 : index
    %swap3A_582 = tpu.vector_load %arg7[%swap3A_580, %swap3A_581] {strides = array<i32>} : memref<64x256xi32, #tpu.memory_space<vmem>>, vector<16xi32>,
    tpu.vector_store %arg7[%swap3A_580, %swap3A_581], %broadcast_in_dim3A_59 {strides = array<i32>} : memref<64x256xi32, #tpu.memory_space<vmem>>, vector<16xi32>,
    %swap3A_583 = arith.constant 12 : i32
    %swap3A_584 = arith.index_cast %swap3A_583 : i32 to index
    %swap3A_585 = arith.constant 16 : index
    %swap3A_586 = tpu.vector_load %arg8[%swap3A_584, %swap3A_585] {strides = array<i32>} : memref<64x256xi32, #tpu.memory_space<vmem>>, vector<16xi32>,
    tpu.vector_store %arg8[%swap3A_584, %swap3A_585], %broadcast_in_dim3A_59 {strides = array<i32>} : memref<64x256xi32, #tpu.memory_space<vmem>>, vector<16xi32>,
    %swap3A_587 = arith.constant 12 : i32
    %swap3A_588 = arith.index_cast %swap3A_587 : i32 to index
    %swap3A_589 = arith.constant 32 : index
    %swap3A_590 = tpu.vector_load %arg7[%swap3A_588, %swap3A_589] {strides = array<i32>} : memref<64x256xi32, #tpu.memory_space<vmem>>, vector<16xi32>,
    tpu.vector_store %arg7[%swap3A_588, %swap3A_589], %broadcast_in_dim3A_59 {strides = array<i32>} : memref<64x256xi32, #tpu.memory_space<vmem>>, vector<16xi32>,
    %swap3A_591 = arith.constant 12 : i32
    %swap3A_592 = arith.index_cast %swap3A_591 : i32 to index
    %swap3A_593 = arith.constant 32 : index
    %swap3A_594 = tpu.vector_load %arg8[%swap3A_592, %swap3A_593] {strides = array<i32>} : memref<64x256xi32, #tpu.memory_space<vmem>>, vector<16xi32>,
    tpu.vector_store %arg8[%swap3A_592, %swap3A_593], %broadcast_in_dim3A_59 {strides = array<i32>} : memref<64x256xi32, #tpu.memory_space<vmem>>, vector<16xi32>,
    %swap3A_595 = arith.constant 12 : i32
    %swap3A_596 = arith.index_cast %swap3A_595 : i32 to index
    %swap3A_597 = arith.constant 48 : index
    %swap3A_598 = tpu.vector_load %arg7[%swap3A_596, %swap3A_597] {strides = array<i32>} : memref<64x256xi32, #tpu.memory_space<vmem>>, vector<16xi32>,
    tpu.vector_store %arg7[%swap3A_596, %swap3A_597], %broadcast_in_dim3A_59 {strides = array<i32>} : memref<64x256xi32, #tpu.memory_space<vmem>>, vector<16xi32>,
    %swap3A_599 = arith.constant 12 : i32
    %swap3A_600 = arith.index_cast %swap3A_599 : i32 to index
    %swap3A_601 = arith.constant 48 : index
    %swap3A_602 = tpu.vector_load %arg8[%swap3A_600, %swap3A_601] {strides = array<i32>} : memref<64x256xi32, #tpu.memory_space<vmem>>, vector<16xi32>,
    tpu.vector_store %arg8[%swap3A_600, %swap3A_601], %broadcast_in_dim3A_59 {strides = array<i32>} : memref<64x256xi32, #tpu.memory_space<vmem>>, vector<16xi32>,
    %swap3A_603 = arith.constant 12 : i32
    %swap3A_604 = arith.index_cast %swap3A_603 : i32 to index
    %swap3A_605 = arith.constant 64 : index
    %swap3A_606 = tpu.vector_load %arg7[%swap3A_604, %swap3A_605] {strides = array<i32>} : memref<64x256xi32, #tpu.memory_space<vmem>>, vector<16xi32>,
    tpu.vector_store %arg7[%swap3A_604, %swap3A_605], %broadcast_in_dim3A_59 {strides = array<i32>} : memref<64x256xi32, #tpu.memory_space<vmem>>, vector<16xi32>,
    %swap3A_607 = arith.constant 12 : i32
    %swap3A_608 = arith.index_cast %swap3A_607 : i32 to index
    %swap3A_609 = arith.constant 64 : index
    %swap3A_610 = tpu.vector_load %arg8[%swap3A_608, %swap3A_609] {strides = array<i32>} : memref<64x256xi32, #tpu.memory_space<vmem>>, vector<16xi32>,
    tpu.vector_store %arg8[%swap3A_608, %swap3A_609], %broadcast_in_dim3A_59 {strides = array<i32>} : memref<64x256xi32, #tpu.memory_space<vmem>>, vector<16xi32>,
    %swap3A_611 = arith.constant 12 : i32
    %swap3A_612 = arith.index_cast %swap3A_611 : i32 to index
    %swap3A_613 = arith.constant 80 : index
    %swap3A_614 = tpu.vector_load %arg7[%swap3A_612, %swap3A_613] {strides = array<i32>} : memref<64x256xi32, #tpu.memory_space<vmem>>, vector<16xi32>,
    tpu.vector_store %arg7[%swap3A_612, %swap3A_613], %broadcast_in_dim3A_59 {strides = array<i32>} : memref<64x256xi32, #tpu.memory_space<vmem>>, vector<16xi32>,
    %swap3A_615 = arith.constant 12 : i32
    %swap3A_616 = arith.index_cast %swap3A_615 : i32 to index
    %swap3A_617 = arith.constant 80 : index
    %swap3A_618 = tpu.vector_load %arg8[%swap3A_616, %swap3A_617] {strides = array<i32>} : memref<64x256xi32, #tpu.memory_space<vmem>>, vector<16xi32>,
    tpu.vector_store %arg8[%swap3A_616, %swap3A_617], %broadcast_in_dim3A_59 {strides = array<i32>} : memref<64x256xi32, #tpu.memory_space<vmem>>, vector<16xi32>,
    %swap3A_619 = arith.constant 12 : i32
    %swap3A_620 = arith.index_cast %swap3A_619 : i32 to index
    %swap3A_621 = arith.constant 96 : index
    %swap3A_622 = tpu.vector_load %arg7[%swap3A_620, %swap3A_621] {strides = array<i32>} : memref<64x256xi32, #tpu.memory_space<vmem>>, vector<16xi32>,
    tpu.vector_store %arg7[%swap3A_620, %swap3A_621], %broadcast_in_dim3A_59 {strides = array<i32>} : memref<64x256xi32, #tpu.memory_space<vmem>>, vector<16xi32>,
    %swap3A_623 = arith.constant 12 : i32
    %swap3A_624 = arith.index_cast %swap3A_623 : i32 to index
    %swap3A_625 = arith.constant 96 : index
    %swap3A_626 = tpu.vector_load %arg8[%swap3A_624, %swap3A_625] {strides = array<i32>} : memref<64x256xi32, #tpu.memory_space<vmem>>, vector<16xi32>,
    tpu.vector_store %arg8[%swap3A_624, %swap3A_625], %broadcast_in_dim3A_59 {strides = array<i32>} : memref<64x256xi32, #tpu.memory_space<vmem>>, vector<16xi32>,
    %swap3A_627 = arith.constant 12 : i32
    %swap3A_628 = arith.index_cast %swap3A_627 : i32 to index
    %swap3A_629 = arith.constant 112 : index
    %swap3A_630 = tpu.vector_load %arg7[%swap3A_628, %swap3A_629] {strides = array<i32>} : memref<64x256xi32, #tpu.memory_space<vmem>>, vector<16xi32>,
    tpu.vector_store %arg7[%swap3A_628, %swap3A_629], %broadcast_in_dim3A_59 {strides = array<i32>} : memref<64x256xi32, #tpu.memory_space<vmem>>, vector<16xi32>,
    %swap3A_631 = arith.constant 12 : i32
    %swap3A_632 = arith.index_cast %swap3A_631 : i32 to index
    %swap3A_633 = arith.constant 112 : index
    %swap3A_634 = tpu.vector_load %arg8[%swap3A_632, %swap3A_633] {strides = array<i32>} : memref<64x256xi32, #tpu.memory_space<vmem>>, vector<16xi32>,
    tpu.vector_store %arg8[%swap3A_632, %swap3A_633], %broadcast_in_dim3A_59 {strides = array<i32>} : memref<64x256xi32, #tpu.memory_space<vmem>>, vector<16xi32>,
    %swap3A_635 = arith.constant 12 : i32
    %swap3A_636 = arith.index_cast %swap3A_635 : i32 to index
    %swap3A_637 = arith.constant 128 : index
    %swap3A_638 = tpu.vector_load %arg7[%swap3A_636, %swap3A_637] {strides = array<i32>} : memref<64x256xi32, #tpu.memory_space<vmem>>, vector<16xi32>,
    tpu.vector_store %arg7[%swap3A_636, %swap3A_637], %broadcast_in_dim3A_59 {strides = array<i32>} : memref<64x256xi32, #tpu.memory_space<vmem>>, vector<16xi32>,
    %swap3A_639 = arith.constant 12 : i32
    %swap3A_640 = arith.index_cast %swap3A_639 : i32 to index
    %swap3A_641 = arith.constant 128 : index
    %swap3A_642 = tpu.vector_load %arg8[%swap3A_640, %swap3A_641] {strides = array<i32>} : memref<64x256xi32, #tpu.memory_space<vmem>>, vector<16xi32>,
    tpu.vector_store %arg8[%swap3A_640, %swap3A_641], %broadcast_in_dim3A_59 {strides = array<i32>} : memref<64x256xi32, #tpu.memory_space<vmem>>, vector<16xi32>,
    %swap3A_643 = arith.constant 12 : i32
    %swap3A_644 = arith.index_cast %swap3A_643 : i32 to index
    %swap3A_645 = arith.constant 144 : index
    %swap3A_646 = tpu.vector_load %arg7[%swap3A_644, %swap3A_645] {strides = array<i32>} : memref<64x256xi32, #tpu.memory_space<vmem>>, vector<16xi32>,
    tpu.vector_store %arg7[%swap3A_644, %swap3A_645], %broadcast_in_dim3A_59 {strides = array<i32>} : memref<64x256xi32, #tpu.memory_space<vmem>>, vector<16xi32>,
    %swap3A_647 = arith.constant 12 : i32
    %swap3A_648 = arith.index_cast %swap3A_647 : i32 to index
    %swap3A_649 = arith.constant 144 : index
    %swap3A_650 = tpu.vector_load %arg8[%swap3A_648, %swap3A_649] {strides = array<i32>} : memref<64x256xi32, #tpu.memory_space<vmem>>, vector<16xi32>,
    tpu.vector_store %arg8[%swap3A_648, %swap3A_649], %broadcast_in_dim3A_59 {strides = array<i32>} : memref<64x256xi32, #tpu.memory_space<vmem>>, vector<16xi32>,
    %swap3A_651 = arith.constant 12 : i32
    %swap3A_652 = arith.index_cast %swap3A_651 : i32 to index
    %swap3A_653 = arith.constant 160 : index
    %swap3A_654 = tpu.vector_load %arg7[%swap3A_652, %swap3A_653] {strides = array<i32>} : memref<64x256xi32, #tpu.memory_space<vmem>>, vector<16xi32>,
    tpu.vector_store %arg7[%swap3A_652, %swap3A_653], %broadcast_in_dim3A_59 {strides = array<i32>} : memref<64x256xi32, #tpu.memory_space<vmem>>, vector<16xi32>,
    %swap3A_655 = arith.constant 12 : i32
    %swap3A_656 = arith.index_cast %swap3A_655 : i32 to index
    %swap3A_657 = arith.constant 160 : index
    %swap3A_658 = tpu.vector_load %arg8[%swap3A_656, %swap3A_657] {strides = array<i32>} : memref<64x256xi32, #tpu.memory_space<vmem>>, vector<16xi32>,
    tpu.vector_store %arg8[%swap3A_656, %swap3A_657], %broadcast_in_dim3A_59 {strides = array<i32>} : memref<64x256xi32, #tpu.memory_space<vmem>>, vector<16xi32>,
    %swap3A_659 = arith.constant 12 : i32
    %swap3A_660 = arith.index_cast %swap3A_659 : i32 to index
    %swap3A_661 = arith.constant 176 : index
    %swap3A_662 = tpu.vector_load %arg7[%swap3A_660, %swap3A_661] {strides = array<i32>} : memref<64x256xi32, #tpu.memory_space<vmem>>, vector<16xi32>,
    tpu.vector_store %arg7[%swap3A_660, %swap3A_661], %broadcast_in_dim3A_59 {strides = array<i32>} : memref<64x256xi32, #tpu.memory_space<vmem>>, vector<16xi32>,
    %swap3A_663 = arith.constant 12 : i32
    %swap3A_664 = arith.index_cast %swap3A_663 : i32 to index
    %swap3A_665 = arith.constant 176 : index
    %swap3A_666 = tpu.vector_load %arg8[%swap3A_664, %swap3A_665] {strides = array<i32>} : memref<64x256xi32, #tpu.memory_space<vmem>>, vector<16xi32>,
    tpu.vector_store %arg8[%swap3A_664, %swap3A_665], %broadcast_in_dim3A_59 {strides = array<i32>} : memref<64x256xi32, #tpu.memory_space<vmem>>, vector<16xi32>,
    %swap3A_667 = arith.constant 12 : i32
    %swap3A_668 = arith.index_cast %swap3A_667 : i32 to index
    %swap3A_669 = arith.constant 192 : index
    %swap3A_670 = tpu.vector_load %arg7[%swap3A_668, %swap3A_669] {strides = array<i32>} : memref<64x256xi32, #tpu.memory_space<vmem>>, vector<16xi32>,
    tpu.vector_store %arg7[%swap3A_668, %swap3A_669], %broadcast_in_dim3A_59 {strides = array<i32>} : memref<64x256xi32, #tpu.memory_space<vmem>>, vector<16xi32>,
    %swap3A_671 = arith.constant 12 : i32
    %swap3A_672 = arith.index_cast %swap3A_671 : i32 to index
    %swap3A_673 = arith.constant 192 : index
    %swap3A_674 = tpu.vector_load %arg8[%swap3A_672, %swap3A_673] {strides = array<i32>} : memref<64x256xi32, #tpu.memory_space<vmem>>, vector<16xi32>,
    tpu.vector_store %arg8[%swap3A_672, %swap3A_673], %broadcast_in_dim3A_59 {strides = array<i32>} : memref<64x256xi32, #tpu.memory_space<vmem>>, vector<16xi32>,
    %swap3A_675 = arith.constant 12 : i32
    %swap3A_676 = arith.index_cast %swap3A_675 : i32 to index
    %swap3A_677 = arith.constant 208 : index
    %swap3A_678 = tpu.vector_load %arg7[%swap3A_676, %swap3A_677] {strides = array<i32>} : memref<64x256xi32, #tpu.memory_space<vmem>>, vector<16xi32>,
    tpu.vector_store %arg7[%swap3A_676, %swap3A_677], %broadcast_in_dim3A_59 {strides = array<i32>} : memref<64x256xi32, #tpu.memory_space<vmem>>, vector<16xi32>,
    %swap3A_679 = arith.constant 12 : i32
    %swap3A_680 = arith.index_cast %swap3A_679 : i32 to index
    %swap3A_681 = arith.constant 208 : index
    %swap3A_682 = tpu.vector_load %arg8[%swap3A_680, %swap3A_681] {strides = array<i32>} : memref<64x256xi32, #tpu.memory_space<vmem>>, vector<16xi32>,
    tpu.vector_store %arg8[%swap3A_680, %swap3A_681], %broadcast_in_dim3A_59 {strides = array<i32>} : memref<64x256xi32, #tpu.memory_space<vmem>>, vector<16xi32>,
    %swap3A_683 = arith.constant 12 : i32
    %swap3A_684 = arith.index_cast %swap3A_683 : i32 to index
    %swap3A_685 = arith.constant 224 : index
    %swap3A_686 = tpu.vector_load %arg7[%swap3A_684, %swap3A_685] {strides = array<i32>} : memref<64x256xi32, #tpu.memory_space<vmem>>, vector<16xi32>,
    tpu.vector_store %arg7[%swap3A_684, %swap3A_685], %broadcast_in_dim3A_59 {strides = array<i32>} : memref<64x256xi32, #tpu.memory_space<vmem>>, vector<16xi32>,
    %swap3A_687 = arith.constant 12 : i32
    %swap3A_688 = arith.index_cast %swap3A_687 : i32 to index
    %swap3A_689 = arith.constant 224 : index
    %swap3A_690 = tpu.vector_load %arg8[%swap3A_688, %swap3A_689] {strides = array<i32>} : memref<64x256xi32, #tpu.memory_space<vmem>>, vector<16xi32>,
    tpu.vector_store %arg8[%swap3A_688, %swap3A_689], %broadcast_in_dim3A_59 {strides = array<i32>} : memref<64x256xi32, #tpu.memory_space<vmem>>, vector<16xi32>,
    %swap3A_691 = arith.constant 12 : i32
    %swap3A_692 = arith.index_cast %swap3A_691 : i32 to index
    %swap3A_693 = arith.constant 240 : index
    %swap3A_694 = tpu.vector_load %arg7[%swap3A_692, %swap3A_693] {strides = array<i32>} : memref<64x256xi32, #tpu.memory_space<vmem>>, vector<16xi32>,
    tpu.vector_store %arg7[%swap3A_692, %swap3A_693], %broadcast_in_dim3A_59 {strides = array<i32>} : memref<64x256xi32, #tpu.memory_space<vmem>>, vector<16xi32>,
    %swap3A_695 = arith.constant 12 : i32
    %swap3A_696 = arith.index_cast %swap3A_695 : i32 to index
    %swap3A_697 = arith.constant 240 : index
    %swap3A_698 = tpu.vector_load %arg8[%swap3A_696, %swap3A_697] {strides = array<i32>} : memref<64x256xi32, #tpu.memory_space<vmem>>, vector<16xi32>,
    tpu.vector_store %arg8[%swap3A_696, %swap3A_697], %broadcast_in_dim3A_59 {strides = array<i32>} : memref<64x256xi32, #tpu.memory_space<vmem>>, vector<16xi32>,
    %swap3A_699 = arith.constant 13 : i32
    %swap3A_700 = arith.index_cast %swap3A_699 : i32 to index
    %swap3A_701 = arith.constant 0 : index
    %swap3A_702 = tpu.vector_load %arg7[%swap3A_700, %swap3A_701] {strides = array<i32>} : memref<64x256xi32, #tpu.memory_space<vmem>>, vector<16xi32>,
    tpu.vector_store %arg7[%swap3A_700, %swap3A_701], %broadcast_in_dim3A_59 {strides = array<i32>} : memref<64x256xi32, #tpu.memory_space<vmem>>, vector<16xi32>,
    %swap3A_703 = arith.constant 13 : i32
    %swap3A_704 = arith.index_cast %swap3A_703 : i32 to index
    %swap3A_705 = arith.constant 0 : index
    %swap3A_706 = tpu.vector_load %arg8[%swap3A_704, %swap3A_705] {strides = array<i32>} : memref<64x256xi32, #tpu.memory_space<vmem>>, vector<16xi32>,
    tpu.vector_store %arg8[%swap3A_704, %swap3A_705], %broadcast_in_dim3A_59 {strides = array<i32>} : memref<64x256xi32, #tpu.memory_space<vmem>>, vector<16xi32>,
    %swap3A_707 = arith.constant 13 : i32
    %swap3A_708 = arith.index_cast %swap3A_707 : i32 to index
    %swap3A_709 = arith.constant 16 : index
    %swap3A_710 = tpu.vector_load %arg7[%swap3A_708, %swap3A_709] {strides = array<i32>} : memref<64x256xi32, #tpu.memory_space<vmem>>, vector<16xi32>,
    tpu.vector_store %arg7[%swap3A_708, %swap3A_709], %broadcast_in_dim3A_59 {strides = array<i32>} : memref<64x256xi32, #tpu.memory_space<vmem>>, vector<16xi32>,
    %swap3A_711 = arith.constant 13 : i32
    %swap3A_712 = arith.index_cast %swap3A_711 : i32 to index
    %swap3A_713 = arith.constant 16 : index
    %swap3A_714 = tpu.vector_load %arg8[%swap3A_712, %swap3A_713] {strides = array<i32>} : memref<64x256xi32, #tpu.memory_space<vmem>>, vector<16xi32>,
    tpu.vector_store %arg8[%swap3A_712, %swap3A_713], %broadcast_in_dim3A_59 {strides = array<i32>} : memref<64x256xi32, #tpu.memory_space<vmem>>, vector<16xi32>,
    %swap3A_715 = arith.constant 13 : i32
    %swap3A_716 = arith.index_cast %swap3A_715 : i32 to index
    %swap3A_717 = arith.constant 32 : index
    %swap3A_718 = tpu.vector_load %arg7[%swap3A_716, %swap3A_717] {strides = array<i32>} : memref<64x256xi32, #tpu.memory_space<vmem>>, vector<16xi32>,
    tpu.vector_store %arg7[%swap3A_716, %swap3A_717], %broadcast_in_dim3A_59 {strides = array<i32>} : memref<64x256xi32, #tpu.memory_space<vmem>>, vector<16xi32>,
    %swap3A_719 = arith.constant 13 : i32
    %swap3A_720 = arith.index_cast %swap3A_719 : i32 to index
    %swap3A_721 = arith.constant 32 : index
    %swap3A_722 = tpu.vector_load %arg8[%swap3A_720, %swap3A_721] {strides = array<i32>} : memref<64x256xi32, #tpu.memory_space<vmem>>, vector<16xi32>,
    tpu.vector_store %arg8[%swap3A_720, %swap3A_721], %broadcast_in_dim3A_59 {strides = array<i32>} : memref<64x256xi32, #tpu.memory_space<vmem>>, vector<16xi32>,
    %swap3A_723 = arith.constant 13 : i32
    %swap3A_724 = arith.index_cast %swap3A_723 : i32 to index
    %swap3A_725 = arith.constant 48 : index
    %swap3A_726 = tpu.vector_load %arg7[%swap3A_724, %swap3A_725] {strides = array<i32>} : memref<64x256xi32, #tpu.memory_space<vmem>>, vector<16xi32>,
    tpu.vector_store %arg7[%swap3A_724, %swap3A_725], %broadcast_in_dim3A_59 {strides = array<i32>} : memref<64x256xi32, #tpu.memory_space<vmem>>, vector<16xi32>,
    %swap3A_727 = arith.constant 13 : i32
    %swap3A_728 = arith.index_cast %swap3A_727 : i32 to index
    %swap3A_729 = arith.constant 48 : index
    %swap3A_730 = tpu.vector_load %arg8[%swap3A_728, %swap3A_729] {strides = array<i32>} : memref<64x256xi32, #tpu.memory_space<vmem>>, vector<16xi32>,
    tpu.vector_store %arg8[%swap3A_728, %swap3A_729], %broadcast_in_dim3A_59 {strides = array<i32>} : memref<64x256xi32, #tpu.memory_space<vmem>>, vector<16xi32>,
    %swap3A_731 = arith.constant 13 : i32
    %swap3A_732 = arith.index_cast %swap3A_731 : i32 to index
    %swap3A_733 = arith.constant 64 : index
    %swap3A_734 = tpu.vector_load %arg7[%swap3A_732, %swap3A_733] {strides = array<i32>} : memref<64x256xi32, #tpu.memory_space<vmem>>, vector<16xi32>,
    tpu.vector_store %arg7[%swap3A_732, %swap3A_733], %broadcast_in_dim3A_59 {strides = array<i32>} : memref<64x256xi32, #tpu.memory_space<vmem>>, vector<16xi32>,
    %swap3A_735 = arith.constant 13 : i32
    %swap3A_736 = arith.index_cast %swap3A_735 : i32 to index
    %swap3A_737 = arith.constant 64 : index
    %swap3A_738 = tpu.vector_load %arg8[%swap3A_736, %swap3A_737] {strides = array<i32>} : memref<64x256xi32, #tpu.memory_space<vmem>>, vector<16xi32>,
    tpu.vector_store %arg8[%swap3A_736, %swap3A_737], %broadcast_in_dim3A_59 {strides = array<i32>} : memref<64x256xi32, #tpu.memory_space<vmem>>, vector<16xi32>,
    %swap3A_739 = arith.constant 13 : i32
    %swap3A_740 = arith.index_cast %swap3A_739 : i32 to index
    %swap3A_741 = arith.constant 80 : index
    %swap3A_742 = tpu.vector_load %arg7[%swap3A_740, %swap3A_741] {strides = array<i32>} : memref<64x256xi32, #tpu.memory_space<vmem>>, vector<16xi32>,
    tpu.vector_store %arg7[%swap3A_740, %swap3A_741], %broadcast_in_dim3A_59 {strides = array<i32>} : memref<64x256xi32, #tpu.memory_space<vmem>>, vector<16xi32>,
    %swap3A_743 = arith.constant 13 : i32
    %swap3A_744 = arith.index_cast %swap3A_743 : i32 to index
    %swap3A_745 = arith.constant 80 : index
    %swap3A_746 = tpu.vector_load %arg8[%swap3A_744, %swap3A_745] {strides = array<i32>} : memref<64x256xi32, #tpu.memory_space<vmem>>, vector<16xi32>,
    tpu.vector_store %arg8[%swap3A_744, %swap3A_745], %broadcast_in_dim3A_59 {strides = array<i32>} : memref<64x256xi32, #tpu.memory_space<vmem>>, vector<16xi32>,
    %swap3A_747 = arith.constant 13 : i32
    %swap3A_748 = arith.index_cast %swap3A_747 : i32 to index
    %swap3A_749 = arith.constant 96 : index
    %swap3A_750 = tpu.vector_load %arg7[%swap3A_748, %swap3A_749] {strides = array<i32>} : memref<64x256xi32, #tpu.memory_space<vmem>>, vector<16xi32>,
    tpu.vector_store %arg7[%swap3A_748, %swap3A_749], %broadcast_in_dim3A_59 {strides = array<i32>} : memref<64x256xi32, #tpu.memory_space<vmem>>, vector<16xi32>,
    %swap3A_751 = arith.constant 13 : i32
    %swap3A_752 = arith.index_cast %swap3A_751 : i32 to index
    %swap3A_753 = arith.constant 96 : index
    %swap3A_754 = tpu.vector_load %arg8[%swap3A_752, %swap3A_753] {strides = array<i32>} : memref<64x256xi32, #tpu.memory_space<vmem>>, vector<16xi32>,
    tpu.vector_store %arg8[%swap3A_752, %swap3A_753], %broadcast_in_dim3A_59 {strides = array<i32>} : memref<64x256xi32, #tpu.memory_space<vmem>>, vector<16xi32>,
    %swap3A_755 = arith.constant 13 : i32
    %swap3A_756 = arith.index_cast %swap3A_755 : i32 to index
    %swap3A_757 = arith.constant 112 : index
    %swap3A_758 = tpu.vector_load %arg7[%swap3A_756, %swap3A_757] {strides = array<i32>} : memref<64x256xi32, #tpu.memory_space<vmem>>, vector<16xi32>,
    tpu.vector_store %arg7[%swap3A_756, %swap3A_757], %broadcast_in_dim3A_59 {strides = array<i32>} : memref<64x256xi32, #tpu.memory_space<vmem>>, vector<16xi32>,
    %swap3A_759 = arith.constant 13 : i32
    %swap3A_760 = arith.index_cast %swap3A_759 : i32 to index
    %swap3A_761 = arith.constant 112 : index
    %swap3A_762 = tpu.vector_load %arg8[%swap3A_760, %swap3A_761] {strides = array<i32>} : memref<64x256xi32, #tpu.memory_space<vmem>>, vector<16xi32>,
    tpu.vector_store %arg8[%swap3A_760, %swap3A_761], %broadcast_in_dim3A_59 {strides = array<i32>} : memref<64x256xi32, #tpu.memory_space<vmem>>, vector<16xi32>,
    %swap3A_763 = arith.constant 13 : i32
    %swap3A_764 = arith.index_cast %swap3A_763 : i32 to index
    %swap3A_765 = arith.constant 128 : index
    %swap3A_766 = tpu.vector_load %arg7[%swap3A_764, %swap3A_765] {strides = array<i32>} : memref<64x256xi32, #tpu.memory_space<vmem>>, vector<16xi32>,
    tpu.vector_store %arg7[%swap3A_764, %swap3A_765], %broadcast_in_dim3A_59 {strides = array<i32>} : memref<64x256xi32, #tpu.memory_space<vmem>>, vector<16xi32>,
    %swap3A_767 = arith.constant 13 : i32
    %swap3A_768 = arith.index_cast %swap3A_767 : i32 to index
    %swap3A_769 = arith.constant 128 : index
    %swap3A_770 = tpu.vector_load %arg8[%swap3A_768, %swap3A_769] {strides = array<i32>} : memref<64x256xi32, #tpu.memory_space<vmem>>, vector<16xi32>,
    tpu.vector_store %arg8[%swap3A_768, %swap3A_769], %broadcast_in_dim3A_59 {strides = array<i32>} : memref<64x256xi32, #tpu.memory_space<vmem>>, vector<16xi32>,
    %swap3A_771 = arith.constant 13 : i32
    %swap3A_772 = arith.index_cast %swap3A_771 : i32 to index
    %swap3A_773 = arith.constant 144 : index
    %swap3A_774 = tpu.vector_load %arg7[%swap3A_772, %swap3A_773] {strides = array<i32>} : memref<64x256xi32, #tpu.memory_space<vmem>>, vector<16xi32>,
    tpu.vector_store %arg7[%swap3A_772, %swap3A_773], %broadcast_in_dim3A_59 {strides = array<i32>} : memref<64x256xi32, #tpu.memory_space<vmem>>, vector<16xi32>,
    %swap3A_775 = arith.constant 13 : i32
    %swap3A_776 = arith.index_cast %swap3A_775 : i32 to index
    %swap3A_777 = arith.constant 144 : index
    %swap3A_778 = tpu.vector_load %arg8[%swap3A_776, %swap3A_777] {strides = array<i32>} : memref<64x256xi32, #tpu.memory_space<vmem>>, vector<16xi32>,
    tpu.vector_store %arg8[%swap3A_776, %swap3A_777], %broadcast_in_dim3A_59 {strides = array<i32>} : memref<64x256xi32, #tpu.memory_space<vmem>>, vector<16xi32>,
    %swap3A_779 = arith.constant 13 : i32
    %swap3A_780 = arith.index_cast %swap3A_779 : i32 to index
    %swap3A_781 = arith.constant 160 : index
    %swap3A_782 = tpu.vector_load %arg7[%swap3A_780, %swap3A_781] {strides = array<i32>} : memref<64x256xi32, #tpu.memory_space<vmem>>, vector<16xi32>,
    tpu.vector_store %arg7[%swap3A_780, %swap3A_781], %broadcast_in_dim3A_59 {strides = array<i32>} : memref<64x256xi32, #tpu.memory_space<vmem>>, vector<16xi32>,
    %swap3A_783 = arith.constant 13 : i32
    %swap3A_784 = arith.index_cast %swap3A_783 : i32 to index
    %swap3A_785 = arith.constant 160 : index
    %swap3A_786 = tpu.vector_load %arg8[%swap3A_784, %swap3A_785] {strides = array<i32>} : memref<64x256xi32, #tpu.memory_space<vmem>>, vector<16xi32>,
    tpu.vector_store %arg8[%swap3A_784, %swap3A_785], %broadcast_in_dim3A_59 {strides = array<i32>} : memref<64x256xi32, #tpu.memory_space<vmem>>, vector<16xi32>,
    %swap3A_787 = arith.constant 13 : i32
    %swap3A_788 = arith.index_cast %swap3A_787 : i32 to index
    %swap3A_789 = arith.constant 176 : index
    %swap3A_790 = tpu.vector_load %arg7[%swap3A_788, %swap3A_789] {strides = array<i32>} : memref<64x256xi32, #tpu.memory_space<vmem>>, vector<16xi32>,
    tpu.vector_store %arg7[%swap3A_788, %swap3A_789], %broadcast_in_dim3A_59 {strides = array<i32>} : memref<64x256xi32, #tpu.memory_space<vmem>>, vector<16xi32>,
    %swap3A_791 = arith.constant 13 : i32
    %swap3A_792 = arith.index_cast %swap3A_791 : i32 to index
    %swap3A_793 = arith.constant 176 : index
    %swap3A_794 = tpu.vector_load %arg8[%swap3A_792, %swap3A_793] {strides = array<i32>} : memref<64x256xi32, #tpu.memory_space<vmem>>, vector<16xi32>,
    tpu.vector_store %arg8[%swap3A_792, %swap3A_793], %broadcast_in_dim3A_59 {strides = array<i32>} : memref<64x256xi32, #tpu.memory_space<vmem>>, vector<16xi32>,
    %swap3A_795 = arith.constant 13 : i32
    %swap3A_796 = arith.index_cast %swap3A_795 : i32 to index
    %swap3A_797 = arith.constant 192 : index
    %swap3A_798 = tpu.vector_load %arg7[%swap3A_796, %swap3A_797] {strides = array<i32>} : memref<64x256xi32, #tpu.memory_space<vmem>>, vector<16xi32>,
    tpu.vector_store %arg7[%swap3A_796, %swap3A_797], %broadcast_in_dim3A_59 {strides = array<i32>} : memref<64x256xi32, #tpu.memory_space<vmem>>, vector<16xi32>,
    %swap3A_799 = arith.constant 13 : i32
    %swap3A_800 = arith.index_cast %swap3A_799 : i32 to index
    %swap3A_801 = arith.constant 192 : index
    %swap3A_802 = tpu.vector_load %arg8[%swap3A_800, %swap3A_801] {strides = array<i32>} : memref<64x256xi32, #tpu.memory_space<vmem>>, vector<16xi32>,
    tpu.vector_store %arg8[%swap3A_800, %swap3A_801], %broadcast_in_dim3A_59 {strides = array<i32>} : memref<64x256xi32, #tpu.memory_space<vmem>>, vector<16xi32>,
    %swap3A_803 = arith.constant 13 : i32
    %swap3A_804 = arith.index_cast %swap3A_803 : i32 to index
    %swap3A_805 = arith.constant 208 : index
    %swap3A_806 = tpu.vector_load %arg7[%swap3A_804, %swap3A_805] {strides = array<i32>} : memref<64x256xi32, #tpu.memory_space<vmem>>, vector<16xi32>,
    tpu.vector_store %arg7[%swap3A_804, %swap3A_805], %broadcast_in_dim3A_59 {strides = array<i32>} : memref<64x256xi32, #tpu.memory_space<vmem>>, vector<16xi32>,
    %swap3A_807 = arith.constant 13 : i32
    %swap3A_808 = arith.index_cast %swap3A_807 : i32 to index
    %swap3A_809 = arith.constant 208 : index
    %swap3A_810 = tpu.vector_load %arg8[%swap3A_808, %swap3A_809] {strides = array<i32>} : memref<64x256xi32, #tpu.memory_space<vmem>>, vector<16xi32>,
    tpu.vector_store %arg8[%swap3A_808, %swap3A_809], %broadcast_in_dim3A_59 {strides = array<i32>} : memref<64x256xi32, #tpu.memory_space<vmem>>, vector<16xi32>,
    %swap3A_811 = arith.constant 13 : i32
    %swap3A_812 = arith.index_cast %swap3A_811 : i32 to index
    %swap3A_813 = arith.constant 224 : index
    %swap3A_814 = tpu.vector_load %arg7[%swap3A_812, %swap3A_813] {strides = array<i32>} : memref<64x256xi32, #tpu.memory_space<vmem>>, vector<16xi32>,
    tpu.vector_store %arg7[%swap3A_812, %swap3A_813], %broadcast_in_dim3A_59 {strides = array<i32>} : memref<64x256xi32, #tpu.memory_space<vmem>>, vector<16xi32>,
    %swap3A_815 = arith.constant 13 : i32
    %swap3A_816 = arith.index_cast %swap3A_815 : i32 to index
    %swap3A_817 = arith.constant 224 : index
    %swap3A_818 = tpu.vector_load %arg8[%swap3A_816, %swap3A_817] {strides = array<i32>} : memref<64x256xi32, #tpu.memory_space<vmem>>, vector<16xi32>,
    tpu.vector_store %arg8[%swap3A_816, %swap3A_817], %broadcast_in_dim3A_59 {strides = array<i32>} : memref<64x256xi32, #tpu.memory_space<vmem>>, vector<16xi32>,
    %swap3A_819 = arith.constant 13 : i32
    %swap3A_820 = arith.index_cast %swap3A_819 : i32 to index
    %swap3A_821 = arith.constant 240 : index
    %swap3A_822 = tpu.vector_load %arg7[%swap3A_820, %swap3A_821] {strides = array<i32>} : memref<64x256xi32, #tpu.memory_space<vmem>>, vector<16xi32>,
    tpu.vector_store %arg7[%swap3A_820, %swap3A_821], %broadcast_in_dim3A_59 {strides = array<i32>} : memref<64x256xi32, #tpu.memory_space<vmem>>, vector<16xi32>,
    %swap3A_823 = arith.constant 13 : i32
    %swap3A_824 = arith.index_cast %swap3A_823 : i32 to index
    %swap3A_825 = arith.constant 240 : index
    %swap3A_826 = tpu.vector_load %arg8[%swap3A_824, %swap3A_825] {strides = array<i32>} : memref<64x256xi32, #tpu.memory_space<vmem>>, vector<16xi32>,
    tpu.vector_store %arg8[%swap3A_824, %swap3A_825], %broadcast_in_dim3A_59 {strides = array<i32>} : memref<64x256xi32, #tpu.memory_space<vmem>>, vector<16xi32>,
    %swap3A_827 = arith.constant 14 : i32
    %swap3A_828 = arith.index_cast %swap3A_827 : i32 to index
    %swap3A_829 = arith.constant 0 : index
    %swap3A_830 = tpu.vector_load %arg7[%swap3A_828, %swap3A_829] {strides = array<i32>} : memref<64x256xi32, #tpu.memory_space<vmem>>, vector<16xi32>,
    tpu.vector_store %arg7[%swap3A_828, %swap3A_829], %broadcast_in_dim3A_59 {strides = array<i32>} : memref<64x256xi32, #tpu.memory_space<vmem>>, vector<16xi32>,
    %swap3A_831 = arith.constant 14 : i32
    %swap3A_832 = arith.index_cast %swap3A_831 : i32 to index
    %swap3A_833 = arith.constant 0 : index
    %swap3A_834 = tpu.vector_load %arg8[%swap3A_832, %swap3A_833] {strides = array<i32>} : memref<64x256xi32, #tpu.memory_space<vmem>>, vector<16xi32>,
    tpu.vector_store %arg8[%swap3A_832, %swap3A_833], %broadcast_in_dim3A_59 {strides = array<i32>} : memref<64x256xi32, #tpu.memory_space<vmem>>, vector<16xi32>,
    %swap3A_835 = arith.constant 14 : i32
    %swap3A_836 = arith.index_cast %swap3A_835 : i32 to index
    %swap3A_837 = arith.constant 16 : index
    %swap3A_838 = tpu.vector_load %arg7[%swap3A_836, %swap3A_837] {strides = array<i32>} : memref<64x256xi32, #tpu.memory_space<vmem>>, vector<16xi32>,
    tpu.vector_store %arg7[%swap3A_836, %swap3A_837], %broadcast_in_dim3A_59 {strides = array<i32>} : memref<64x256xi32, #tpu.memory_space<vmem>>, vector<16xi32>,
    %swap3A_839 = arith.constant 14 : i32
    %swap3A_840 = arith.index_cast %swap3A_839 : i32 to index
    %swap3A_841 = arith.constant 16 : index
    %swap3A_842 = tpu.vector_load %arg8[%swap3A_840, %swap3A_841] {strides = array<i32>} : memref<64x256xi32, #tpu.memory_space<vmem>>, vector<16xi32>,
    tpu.vector_store %arg8[%swap3A_840, %swap3A_841], %broadcast_in_dim3A_59 {strides = array<i32>} : memref<64x256xi32, #tpu.memory_space<vmem>>, vector<16xi32>,
    %swap3A_843 = arith.constant 14 : i32
    %swap3A_844 = arith.index_cast %swap3A_843 : i32 to index
    %swap3A_845 = arith.constant 32 : index
    %swap3A_846 = tpu.vector_load %arg7[%swap3A_844, %swap3A_845] {strides = array<i32>} : memref<64x256xi32, #tpu.memory_space<vmem>>, vector<16xi32>,
    tpu.vector_store %arg7[%swap3A_844, %swap3A_845], %broadcast_in_dim3A_59 {strides = array<i32>} : memref<64x256xi32, #tpu.memory_space<vmem>>, vector<16xi32>,
    %swap3A_847 = arith.constant 14 : i32
    %swap3A_848 = arith.index_cast %swap3A_847 : i32 to index
    %swap3A_849 = arith.constant 32 : index
    %swap3A_850 = tpu.vector_load %arg8[%swap3A_848, %swap3A_849] {strides = array<i32>} : memref<64x256xi32, #tpu.memory_space<vmem>>, vector<16xi32>,
    tpu.vector_store %arg8[%swap3A_848, %swap3A_849], %broadcast_in_dim3A_59 {strides = array<i32>} : memref<64x256xi32, #tpu.memory_space<vmem>>, vector<16xi32>,
    %swap3A_851 = arith.constant 14 : i32
    %swap3A_852 = arith.index_cast %swap3A_851 : i32 to index
    %swap3A_853 = arith.constant 48 : index
    %swap3A_854 = tpu.vector_load %arg7[%swap3A_852, %swap3A_853] {strides = array<i32>} : memref<64x256xi32, #tpu.memory_space<vmem>>, vector<16xi32>,
    tpu.vector_store %arg7[%swap3A_852, %swap3A_853], %broadcast_in_dim3A_59 {strides = array<i32>} : memref<64x256xi32, #tpu.memory_space<vmem>>, vector<16xi32>,
    %swap3A_855 = arith.constant 14 : i32
    %swap3A_856 = arith.index_cast %swap3A_855 : i32 to index
    %swap3A_857 = arith.constant 48 : index
    %swap3A_858 = tpu.vector_load %arg8[%swap3A_856, %swap3A_857] {strides = array<i32>} : memref<64x256xi32, #tpu.memory_space<vmem>>, vector<16xi32>,
    tpu.vector_store %arg8[%swap3A_856, %swap3A_857], %broadcast_in_dim3A_59 {strides = array<i32>} : memref<64x256xi32, #tpu.memory_space<vmem>>, vector<16xi32>,
    %swap3A_859 = arith.constant 14 : i32
    %swap3A_860 = arith.index_cast %swap3A_859 : i32 to index
    %swap3A_861 = arith.constant 64 : index
    %swap3A_862 = tpu.vector_load %arg7[%swap3A_860, %swap3A_861] {strides = array<i32>} : memref<64x256xi32, #tpu.memory_space<vmem>>, vector<16xi32>,
    tpu.vector_store %arg7[%swap3A_860, %swap3A_861], %broadcast_in_dim3A_59 {strides = array<i32>} : memref<64x256xi32, #tpu.memory_space<vmem>>, vector<16xi32>,
    %swap3A_863 = arith.constant 14 : i32
    %swap3A_864 = arith.index_cast %swap3A_863 : i32 to index
    %swap3A_865 = arith.constant 64 : index
    %swap3A_866 = tpu.vector_load %arg8[%swap3A_864, %swap3A_865] {strides = array<i32>} : memref<64x256xi32, #tpu.memory_space<vmem>>, vector<16xi32>,
    tpu.vector_store %arg8[%swap3A_864, %swap3A_865], %broadcast_in_dim3A_59 {strides = array<i32>} : memref<64x256xi32, #tpu.memory_space<vmem>>, vector<16xi32>,
    %swap3A_867 = arith.constant 14 : i32
    %swap3A_868 = arith.index_cast %swap3A_867 : i32 to index
    %swap3A_869 = arith.constant 80 : index
    %swap3A_870 = tpu.vector_load %arg7[%swap3A_868, %swap3A_869] {strides = array<i32>} : memref<64x256xi32, #tpu.memory_space<vmem>>, vector<16xi32>,
    tpu.vector_store %arg7[%swap3A_868, %swap3A_869], %broadcast_in_dim3A_59 {strides = array<i32>} : memref<64x256xi32, #tpu.memory_space<vmem>>, vector<16xi32>,
    %swap3A_871 = arith.constant 14 : i32
    %swap3A_872 = arith.index_cast %swap3A_871 : i32 to index
    %swap3A_873 = arith.constant 80 : index
    %swap3A_874 = tpu.vector_load %arg8[%swap3A_872, %swap3A_873] {strides = array<i32>} : memref<64x256xi32, #tpu.memory_space<vmem>>, vector<16xi32>,
    tpu.vector_store %arg8[%swap3A_872, %swap3A_873], %broadcast_in_dim3A_59 {strides = array<i32>} : memref<64x256xi32, #tpu.memory_space<vmem>>, vector<16xi32>,
    %swap3A_875 = arith.constant 14 : i32
    %swap3A_876 = arith.index_cast %swap3A_875 : i32 to index
    %swap3A_877 = arith.constant 96 : index
    %swap3A_878 = tpu.vector_load %arg7[%swap3A_876, %swap3A_877] {strides = array<i32>} : memref<64x256xi32, #tpu.memory_space<vmem>>, vector<16xi32>,
    tpu.vector_store %arg7[%swap3A_876, %swap3A_877], %broadcast_in_dim3A_59 {strides = array<i32>} : memref<64x256xi32, #tpu.memory_space<vmem>>, vector<16xi32>,
    %swap3A_879 = arith.constant 14 : i32
    %swap3A_880 = arith.index_cast %swap3A_879 : i32 to index
    %swap3A_881 = arith.constant 96 : index
    %swap3A_882 = tpu.vector_load %arg8[%swap3A_880, %swap3A_881] {strides = array<i32>} : memref<64x256xi32, #tpu.memory_space<vmem>>, vector<16xi32>,
    tpu.vector_store %arg8[%swap3A_880, %swap3A_881], %broadcast_in_dim3A_59 {strides = array<i32>} : memref<64x256xi32, #tpu.memory_space<vmem>>, vector<16xi32>,
    %swap3A_883 = arith.constant 14 : i32
    %swap3A_884 = arith.index_cast %swap3A_883 : i32 to index
    %swap3A_885 = arith.constant 112 : index
    %swap3A_886 = tpu.vector_load %arg7[%swap3A_884, %swap3A_885] {strides = array<i32>} : memref<64x256xi32, #tpu.memory_space<vmem>>, vector<16xi32>,
    tpu.vector_store %arg7[%swap3A_884, %swap3A_885], %broadcast_in_dim3A_59 {strides = array<i32>} : memref<64x256xi32, #tpu.memory_space<vmem>>, vector<16xi32>,
    %swap3A_887 = arith.constant 14 : i32
    %swap3A_888 = arith.index_cast %swap3A_887 : i32 to index
    %swap3A_889 = arith.constant 112 : index
    %swap3A_890 = tpu.vector_load %arg8[%swap3A_888, %swap3A_889] {strides = array<i32>} : memref<64x256xi32, #tpu.memory_space<vmem>>, vector<16xi32>,
    tpu.vector_store %arg8[%swap3A_888, %swap3A_889], %broadcast_in_dim3A_59 {strides = array<i32>} : memref<64x256xi32, #tpu.memory_space<vmem>>, vector<16xi32>,
    %swap3A_891 = arith.constant 14 : i32
    %swap3A_892 = arith.index_cast %swap3A_891 : i32 to index
    %swap3A_893 = arith.constant 128 : index
    %swap3A_894 = tpu.vector_load %arg7[%swap3A_892, %swap3A_893] {strides = array<i32>} : memref<64x256xi32, #tpu.memory_space<vmem>>, vector<16xi32>,
    tpu.vector_store %arg7[%swap3A_892, %swap3A_893], %broadcast_in_dim3A_59 {strides = array<i32>} : memref<64x256xi32, #tpu.memory_space<vmem>>, vector<16xi32>,
    %swap3A_895 = arith.constant 14 : i32
    %swap3A_896 = arith.index_cast %swap3A_895 : i32 to index
    %swap3A_897 = arith.constant 128 : index
    %swap3A_898 = tpu.vector_load %arg8[%swap3A_896, %swap3A_897] {strides = array<i32>} : memref<64x256xi32, #tpu.memory_space<vmem>>, vector<16xi32>,
    tpu.vector_store %arg8[%swap3A_896, %swap3A_897], %broadcast_in_dim3A_59 {strides = array<i32>} : memref<64x256xi32, #tpu.memory_space<vmem>>, vector<16xi32>,
    %swap3A_899 = arith.constant 14 : i32
    %swap3A_900 = arith.index_cast %swap3A_899 : i32 to index
    %swap3A_901 = arith.constant 144 : index
    %swap3A_902 = tpu.vector_load %arg7[%swap3A_900, %swap3A_901] {strides = array<i32>} : memref<64x256xi32, #tpu.memory_space<vmem>>, vector<16xi32>,
    tpu.vector_store %arg7[%swap3A_900, %swap3A_901], %broadcast_in_dim3A_59 {strides = array<i32>} : memref<64x256xi32, #tpu.memory_space<vmem>>, vector<16xi32>,
    %swap3A_903 = arith.constant 14 : i32
    %swap3A_904 = arith.index_cast %swap3A_903 : i32 to index
    %swap3A_905 = arith.constant 144 : index
    %swap3A_906 = tpu.vector_load %arg8[%swap3A_904, %swap3A_905] {strides = array<i32>} : memref<64x256xi32, #tpu.memory_space<vmem>>, vector<16xi32>,
    tpu.vector_store %arg8[%swap3A_904, %swap3A_905], %broadcast_in_dim3A_59 {strides = array<i32>} : memref<64x256xi32, #tpu.memory_space<vmem>>, vector<16xi32>,
    %swap3A_907 = arith.constant 14 : i32
    %swap3A_908 = arith.index_cast %swap3A_907 : i32 to index
    %swap3A_909 = arith.constant 160 : index
    %swap3A_910 = tpu.vector_load %arg7[%swap3A_908, %swap3A_909] {strides = array<i32>} : memref<64x256xi32, #tpu.memory_space<vmem>>, vector<16xi32>,
    tpu.vector_store %arg7[%swap3A_908, %swap3A_909], %broadcast_in_dim3A_59 {strides = array<i32>} : memref<64x256xi32, #tpu.memory_space<vmem>>, vector<16xi32>,
    %swap3A_911 = arith.constant 14 : i32
    %swap3A_912 = arith.index_cast %swap3A_911 : i32 to index
    %swap3A_913 = arith.constant 160 : index
    %swap3A_914 = tpu.vector_load %arg8[%swap3A_912, %swap3A_913] {strides = array<i32>} : memref<64x256xi32, #tpu.memory_space<vmem>>, vector<16xi32>,
    tpu.vector_store %arg8[%swap3A_912, %swap3A_913], %broadcast_in_dim3A_59 {strides = array<i32>} : memref<64x256xi32, #tpu.memory_space<vmem>>, vector<16xi32>,
    %swap3A_915 = arith.constant 14 : i32
    %swap3A_916 = arith.index_cast %swap3A_915 : i32 to index
    %swap3A_917 = arith.constant 176 : index
    %swap3A_918 = tpu.vector_load %arg7[%swap3A_916, %swap3A_917] {strides = array<i32>} : memref<64x256xi32, #tpu.memory_space<vmem>>, vector<16xi32>,
    tpu.vector_store %arg7[%swap3A_916, %swap3A_917], %broadcast_in_dim3A_59 {strides = array<i32>} : memref<64x256xi32, #tpu.memory_space<vmem>>, vector<16xi32>,
    %swap3A_919 = arith.constant 14 : i32
    %swap3A_920 = arith.index_cast %swap3A_919 : i32 to index
    %swap3A_921 = arith.constant 176 : index
    %swap3A_922 = tpu.vector_load %arg8[%swap3A_920, %swap3A_921] {strides = array<i32>} : memref<64x256xi32, #tpu.memory_space<vmem>>, vector<16xi32>,
    tpu.vector_store %arg8[%swap3A_920, %swap3A_921], %broadcast_in_dim3A_59 {strides = array<i32>} : memref<64x256xi32, #tpu.memory_space<vmem>>, vector<16xi32>,
    %swap3A_923 = arith.constant 14 : i32
    %swap3A_924 = arith.index_cast %swap3A_923 : i32 to index
    %swap3A_925 = arith.constant 192 : index
    %swap3A_926 = tpu.vector_load %arg7[%swap3A_924, %swap3A_925] {strides = array<i32>} : memref<64x256xi32, #tpu.memory_space<vmem>>, vector<16xi32>,
    tpu.vector_store %arg7[%swap3A_924, %swap3A_925], %broadcast_in_dim3A_59 {strides = array<i32>} : memref<64x256xi32, #tpu.memory_space<vmem>>, vector<16xi32>,
    %swap3A_927 = arith.constant 14 : i32
    %swap3A_928 = arith.index_cast %swap3A_927 : i32 to index
    %swap3A_929 = arith.constant 192 : index
    %swap3A_930 = tpu.vector_load %arg8[%swap3A_928, %swap3A_929] {strides = array<i32>} : memref<64x256xi32, #tpu.memory_space<vmem>>, vector<16xi32>,
    tpu.vector_store %arg8[%swap3A_928, %swap3A_929], %broadcast_in_dim3A_59 {strides = array<i32>} : memref<64x256xi32, #tpu.memory_space<vmem>>, vector<16xi32>,
    %swap3A_931 = arith.constant 14 : i32
    %swap3A_932 = arith.index_cast %swap3A_931 : i32 to index
    %swap3A_933 = arith.constant 208 : index
    %swap3A_934 = tpu.vector_load %arg7[%swap3A_932, %swap3A_933] {strides = array<i32>} : memref<64x256xi32, #tpu.memory_space<vmem>>, vector<16xi32>,
    tpu.vector_store %arg7[%swap3A_932, %swap3A_933], %broadcast_in_dim3A_59 {strides = array<i32>} : memref<64x256xi32, #tpu.memory_space<vmem>>, vector<16xi32>,
    %swap3A_935 = arith.constant 14 : i32
    %swap3A_936 = arith.index_cast %swap3A_935 : i32 to index
    %swap3A_937 = arith.constant 208 : index
    %swap3A_938 = tpu.vector_load %arg8[%swap3A_936, %swap3A_937] {strides = array<i32>} : memref<64x256xi32, #tpu.memory_space<vmem>>, vector<16xi32>,
    tpu.vector_store %arg8[%swap3A_936, %swap3A_937], %broadcast_in_dim3A_59 {strides = array<i32>} : memref<64x256xi32, #tpu.memory_space<vmem>>, vector<16xi32>,
    %swap3A_939 = arith.constant 14 : i32
    %swap3A_940 = arith.index_cast %swap3A_939 : i32 to index
    %swap3A_941 = arith.constant 224 : index
    %swap3A_942 = tpu.vector_load %arg7[%swap3A_940, %swap3A_941] {strides = array<i32>} : memref<64x256xi32, #tpu.memory_space<vmem>>, vector<16xi32>,
    tpu.vector_store %arg7[%swap3A_940, %swap3A_941], %broadcast_in_dim3A_59 {strides = array<i32>} : memref<64x256xi32, #tpu.memory_space<vmem>>, vector<16xi32>,
    %swap3A_943 = arith.constant 14 : i32
    %swap3A_944 = arith.index_cast %swap3A_943 : i32 to index
    %swap3A_945 = arith.constant 224 : index
    %swap3A_946 = tpu.vector_load %arg8[%swap3A_944, %swap3A_945] {strides = array<i32>} : memref<64x256xi32, #tpu.memory_space<vmem>>, vector<16xi32>,
    tpu.vector_store %arg8[%swap3A_944, %swap3A_945], %broadcast_in_dim3A_59 {strides = array<i32>} : memref<64x256xi32, #tpu.memory_space<vmem>>, vector<16xi32>,
    %swap3A_947 = arith.constant 14 : i32
    %swap3A_948 = arith.index_cast %swap3A_947 : i32 to index
    %swap3A_949 = arith.constant 240 : index
    %swap3A_950 = tpu.vector_load %arg7[%swap3A_948, %swap3A_949] {strides = array<i32>} : memref<64x256xi32, #tpu.memory_space<vmem>>, vector<16xi32>,
    tpu.vector_store %arg7[%swap3A_948, %swap3A_949], %broadcast_in_dim3A_59 {strides = array<i32>} : memref<64x256xi32, #tpu.memory_space<vmem>>, vector<16xi32>,
    %swap3A_951 = arith.constant 14 : i32
    %swap3A_952 = arith.index_cast %swap3A_951 : i32 to index
    %swap3A_953 = arith.constant 240 : index
    %swap3A_954 = tpu.vector_load %arg8[%swap3A_952, %swap3A_953] {strides = array<i32>} : memref<64x256xi32, #tpu.memory_space<vmem>>, vector<16xi32>,
    tpu.vector_store %arg8[%swap3A_952, %swap3A_953], %broadcast_in_dim3A_59 {strides = array<i32>} : memref<64x256xi32, #tpu.memory_space<vmem>>, vector<16xi32>,
    %swap3A_955 = arith.constant 15 : i32
    %swap3A_956 = arith.index_cast %swap3A_955 : i32 to index
    %swap3A_957 = arith.constant 0 : index
    %swap3A_958 = tpu.vector_load %arg7[%swap3A_956, %swap3A_957] {strides = array<i32>} : memref<64x256xi32, #tpu.memory_space<vmem>>, vector<16xi32>,
    tpu.vector_store %arg7[%swap3A_956, %swap3A_957], %broadcast_in_dim3A_59 {strides = array<i32>} : memref<64x256xi32, #tpu.memory_space<vmem>>, vector<16xi32>,
    %swap3A_959 = arith.constant 15 : i32
    %swap3A_960 = arith.index_cast %swap3A_959 : i32 to index
    %swap3A_961 = arith.constant 0 : index
    %swap3A_962 = tpu.vector_load %arg8[%swap3A_960, %swap3A_961] {strides = array<i32>} : memref<64x256xi32, #tpu.memory_space<vmem>>, vector<16xi32>,
    tpu.vector_store %arg8[%swap3A_960, %swap3A_961], %broadcast_in_dim3A_59 {strides = array<i32>} : memref<64x256xi32, #tpu.memory_space<vmem>>, vector<16xi32>,
    %swap3A_963 = arith.constant 15 : i32
    %swap3A_964 = arith.index_cast %swap3A_963 : i32 to index
    %swap3A_965 = arith.constant 16 : index
    %swap3A_966 = tpu.vector_load %arg7[%swap3A_964, %swap3A_965] {strides = array<i32>} : memref<64x256xi32, #tpu.memory_space<vmem>>, vector<16xi32>,
    tpu.vector_store %arg7[%swap3A_964, %swap3A_965], %broadcast_in_dim3A_59 {strides = array<i32>} : memref<64x256xi32, #tpu.memory_space<vmem>>, vector<16xi32>,
    %swap3A_967 = arith.constant 15 : i32
    %swap3A_968 = arith.index_cast %swap3A_967 : i32 to index
    %swap3A_969 = arith.constant 16 : index
    %swap3A_970 = tpu.vector_load %arg8[%swap3A_968, %swap3A_969] {strides = array<i32>} : memref<64x256xi32, #tpu.memory_space<vmem>>, vector<16xi32>,
    tpu.vector_store %arg8[%swap3A_968, %swap3A_969], %broadcast_in_dim3A_59 {strides = array<i32>} : memref<64x256xi32, #tpu.memory_space<vmem>>, vector<16xi32>,
    %swap3A_971 = arith.constant 15 : i32
    %swap3A_972 = arith.index_cast %swap3A_971 : i32 to index
    %swap3A_973 = arith.constant 32 : index
    %swap3A_974 = tpu.vector_load %arg7[%swap3A_972, %swap3A_973] {strides = array<i32>} : memref<64x256xi32, #tpu.memory_space<vmem>>, vector<16xi32>,
    tpu.vector_store %arg7[%swap3A_972, %swap3A_973], %broadcast_in_dim3A_59 {strides = array<i32>} : memref<64x256xi32, #tpu.memory_space<vmem>>, vector<16xi32>,
    %swap3A_975 = arith.constant 15 : i32
    %swap3A_976 = arith.index_cast %swap3A_975 : i32 to index
    %swap3A_977 = arith.constant 32 : index
    %swap3A_978 = tpu.vector_load %arg8[%swap3A_976, %swap3A_977] {strides = array<i32>} : memref<64x256xi32, #tpu.memory_space<vmem>>, vector<16xi32>,
    tpu.vector_store %arg8[%swap3A_976, %swap3A_977], %broadcast_in_dim3A_59 {strides = array<i32>} : memref<64x256xi32, #tpu.memory_space<vmem>>, vector<16xi32>,
    %swap3A_979 = arith.constant 15 : i32
    %swap3A_980 = arith.index_cast %swap3A_979 : i32 to index
    %swap3A_981 = arith.constant 48 : index
    %swap3A_982 = tpu.vector_load %arg7[%swap3A_980, %swap3A_981] {strides = array<i32>} : memref<64x256xi32, #tpu.memory_space<vmem>>, vector<16xi32>,
    tpu.vector_store %arg7[%swap3A_980, %swap3A_981], %broadcast_in_dim3A_59 {strides = array<i32>} : memref<64x256xi32, #tpu.memory_space<vmem>>, vector<16xi32>,
    %swap3A_983 = arith.constant 15 : i32
    %swap3A_984 = arith.index_cast %swap3A_983 : i32 to index
    %swap3A_985 = arith.constant 48 : index
    %swap3A_986 = tpu.vector_load %arg8[%swap3A_984, %swap3A_985] {strides = array<i32>} : memref<64x256xi32, #tpu.memory_space<vmem>>, vector<16xi32>,
    tpu.vector_store %arg8[%swap3A_984, %swap3A_985], %broadcast_in_dim3A_59 {strides = array<i32>} : memref<64x256xi32, #tpu.memory_space<vmem>>, vector<16xi32>,
    %swap3A_987 = arith.constant 15 : i32
    %swap3A_988 = arith.index_cast %swap3A_987 : i32 to index
    %swap3A_989 = arith.constant 64 : index
    %swap3A_990 = tpu.vector_load %arg7[%swap3A_988, %swap3A_989] {strides = array<i32>} : memref<64x256xi32, #tpu.memory_space<vmem>>, vector<16xi32>,
    tpu.vector_store %arg7[%swap3A_988, %swap3A_989], %broadcast_in_dim3A_59 {strides = array<i32>} : memref<64x256xi32, #tpu.memory_space<vmem>>, vector<16xi32>,
    %swap3A_991 = arith.constant 15 : i32
    %swap3A_992 = arith.index_cast %swap3A_991 : i32 to index
    %swap3A_993 = arith.constant 64 : index
    %swap3A_994 = tpu.vector_load %arg8[%swap3A_992, %swap3A_993] {strides = array<i32>} : memref<64x256xi32, #tpu.memory_space<vmem>>, vector<16xi32>,
    tpu.vector_store %arg8[%swap3A_992, %swap3A_993], %broadcast_in_dim3A_59 {strides = array<i32>} : memref<64x256xi32, #tpu.memory_space<vmem>>, vector<16xi32>,
    %swap3A_995 = arith.constant 15 : i32
    %swap3A_996 = arith.index_cast %swap3A_995 : i32 to index
    %swap3A_997 = arith.constant 80 : index
    %swap3A_998 = tpu.vector_load %arg7[%swap3A_996, %swap3A_997] {strides = array<i32>} : memref<64x256xi32, #tpu.memory_space<vmem>>, vector<16xi32>,
    tpu.vector_store %arg7[%swap3A_996, %swap3A_997], %broadcast_in_dim3A_59 {strides = array<i32>} : memref<64x256xi32, #tpu.memory_space<vmem>>, vector<16xi32>,
    %swap3A_999 = arith.constant 15 : i32
    %swap3A_1000 = arith.index_cast %swap3A_999 : i32 to index
    %swap3A_1001 = arith.constant 80 : index
    %swap3A_1002 = tpu.vector_load %arg8[%swap3A_1000, %swap3A_1001] {strides = array<i32>} : memref<64x256xi32, #tpu.memory_space<vmem>>, vector<16xi32>,
    tpu.vector_store %arg8[%swap3A_1000, %swap3A_1001], %broadcast_in_dim3A_59 {strides = array<i32>} : memref<64x256xi32, #tpu.memory_space<vmem>>, vector<16xi32>,
    %swap3A_1003 = arith.constant 15 : i32
    %swap3A_1004 = arith.index_cast %swap3A_1003 : i32 to index
    %swap3A_1005 = arith.constant 96 : index
    %swap3A_1006 = tpu.vector_load %arg7[%swap3A_1004, %swap3A_1005] {strides = array<i32>} : memref<64x256xi32, #tpu.memory_space<vmem>>, vector<16xi32>,
    tpu.vector_store %arg7[%swap3A_1004, %swap3A_1005], %broadcast_in_dim3A_59 {strides = array<i32>} : memref<64x256xi32, #tpu.memory_space<vmem>>, vector<16xi32>,
    %swap3A_1007 = arith.constant 15 : i32
    %swap3A_1008 = arith.index_cast %swap3A_1007 : i32 to index
    %swap3A_1009 = arith.constant 96 : index
    %swap3A_1010 = tpu.vector_load %arg8[%swap3A_1008, %swap3A_1009] {strides = array<i32>} : memref<64x256xi32, #tpu.memory_space<vmem>>, vector<16xi32>,
    tpu.vector_store %arg8[%swap3A_1008, %swap3A_1009], %broadcast_in_dim3A_59 {strides = array<i32>} : memref<64x256xi32, #tpu.memory_space<vmem>>, vector<16xi32>,
    %swap3A_1011 = arith.constant 15 : i32
    %swap3A_1012 = arith.index_cast %swap3A_1011 : i32 to index
    %swap3A_1013 = arith.constant 112 : index
    %swap3A_1014 = tpu.vector_load %arg7[%swap3A_1012, %swap3A_1013] {strides = array<i32>} : memref<64x256xi32, #tpu.memory_space<vmem>>, vector<16xi32>,
    tpu.vector_store %arg7[%swap3A_1012, %swap3A_1013], %broadcast_in_dim3A_59 {strides = array<i32>} : memref<64x256xi32, #tpu.memory_space<vmem>>, vector<16xi32>,
    %swap3A_1015 = arith.constant 15 : i32
    %swap3A_1016 = arith.index_cast %swap3A_1015 : i32 to index
    %swap3A_1017 = arith.constant 112 : index
    %swap3A_1018 = tpu.vector_load %arg8[%swap3A_1016, %swap3A_1017] {strides = array<i32>} : memref<64x256xi32, #tpu.memory_space<vmem>>, vector<16xi32>,
    tpu.vector_store %arg8[%swap3A_1016, %swap3A_1017], %broadcast_in_dim3A_59 {strides = array<i32>} : memref<64x256xi32, #tpu.memory_space<vmem>>, vector<16xi32>,
    %swap3A_1019 = arith.constant 15 : i32
    %swap3A_1020 = arith.index_cast %swap3A_1019 : i32 to index
    %swap3A_1021 = arith.constant 128 : index
    %swap3A_1022 = tpu.vector_load %arg7[%swap3A_1020, %swap3A_1021] {strides = array<i32>} : memref<64x256xi32, #tpu.memory_space<vmem>>, vector<16xi32>,
    tpu.vector_store %arg7[%swap3A_1020, %swap3A_1021], %broadcast_in_dim3A_59 {strides = array<i32>} : memref<64x256xi32, #tpu.memory_space<vmem>>, vector<16xi32>,
    %swap3A_1023 = arith.constant 15 : i32
    %swap3A_1024 = arith.index_cast %swap3A_1023 : i32 to index
    %swap3A_1025 = arith.constant 128 : index
    %swap3A_1026 = tpu.vector_load %arg8[%swap3A_1024, %swap3A_1025] {strides = array<i32>} : memref<64x256xi32, #tpu.memory_space<vmem>>, vector<16xi32>,
    tpu.vector_store %arg8[%swap3A_1024, %swap3A_1025], %broadcast_in_dim3A_59 {strides = array<i32>} : memref<64x256xi32, #tpu.memory_space<vmem>>, vector<16xi32>,
    %swap3A_1027 = arith.constant 15 : i32
    %swap3A_1028 = arith.index_cast %swap3A_1027 : i32 to index
    %swap3A_1029 = arith.constant 144 : index
    %swap3A_1030 = tpu.vector_load %arg7[%swap3A_1028, %swap3A_1029] {strides = array<i32>} : memref<64x256xi32, #tpu.memory_space<vmem>>, vector<16xi32>,
    tpu.vector_store %arg7[%swap3A_1028, %swap3A_1029], %broadcast_in_dim3A_59 {strides = array<i32>} : memref<64x256xi32, #tpu.memory_space<vmem>>, vector<16xi32>,
    %swap3A_1031 = arith.constant 15 : i32
    %swap3A_1032 = arith.index_cast %swap3A_1031 : i32 to index
    %swap3A_1033 = arith.constant 144 : index
    %swap3A_1034 = tpu.vector_load %arg8[%swap3A_1032, %swap3A_1033] {strides = array<i32>} : memref<64x256xi32, #tpu.memory_space<vmem>>, vector<16xi32>,
    tpu.vector_store %arg8[%swap3A_1032, %swap3A_1033], %broadcast_in_dim3A_59 {strides = array<i32>} : memref<64x256xi32, #tpu.memory_space<vmem>>, vector<16xi32>,
    %swap3A_1035 = arith.constant 15 : i32
    %swap3A_1036 = arith.index_cast %swap3A_1035 : i32 to index
    %swap3A_1037 = arith.constant 160 : index
    %swap3A_1038 = tpu.vector_load %arg7[%swap3A_1036, %swap3A_1037] {strides = array<i32>} : memref<64x256xi32, #tpu.memory_space<vmem>>, vector<16xi32>,
    tpu.vector_store %arg7[%swap3A_1036, %swap3A_1037], %broadcast_in_dim3A_59 {strides = array<i32>} : memref<64x256xi32, #tpu.memory_space<vmem>>, vector<16xi32>,
    %swap3A_1039 = arith.constant 15 : i32
    %swap3A_1040 = arith.index_cast %swap3A_1039 : i32 to index
    %swap3A_1041 = arith.constant 160 : index
    %swap3A_1042 = tpu.vector_load %arg8[%swap3A_1040, %swap3A_1041] {strides = array<i32>} : memref<64x256xi32, #tpu.memory_space<vmem>>, vector<16xi32>,
    tpu.vector_store %arg8[%swap3A_1040, %swap3A_1041], %broadcast_in_dim3A_59 {strides = array<i32>} : memref<64x256xi32, #tpu.memory_space<vmem>>, vector<16xi32>,
    %swap3A_1043 = arith.constant 15 : i32
    %swap3A_1044 = arith.index_cast %swap3A_1043 : i32 to index
    %swap3A_1045 = arith.constant 176 : index
    %swap3A_1046 = tpu.vector_load %arg7[%swap3A_1044, %swap3A_1045] {strides = array<i32>} : memref<64x256xi32, #tpu.memory_space<vmem>>, vector<16xi32>,
    tpu.vector_store %arg7[%swap3A_1044, %swap3A_1045], %broadcast_in_dim3A_59 {strides = array<i32>} : memref<64x256xi32, #tpu.memory_space<vmem>>, vector<16xi32>,
    %swap3A_1047 = arith.constant 15 : i32
    %swap3A_1048 = arith.index_cast %swap3A_1047 : i32 to index
    %swap3A_1049 = arith.constant 176 : index
    %swap3A_1050 = tpu.vector_load %arg8[%swap3A_1048, %swap3A_1049] {strides = array<i32>} : memref<64x256xi32, #tpu.memory_space<vmem>>, vector<16xi32>,
    tpu.vector_store %arg8[%swap3A_1048, %swap3A_1049], %broadcast_in_dim3A_59 {strides = array<i32>} : memref<64x256xi32, #tpu.memory_space<vmem>>, vector<16xi32>,
    %swap3A_1051 = arith.constant 15 : i32
    %swap3A_1052 = arith.index_cast %swap3A_1051 : i32 to index
    %swap3A_1053 = arith.constant 192 : index
    %swap3A_1054 = tpu.vector_load %arg7[%swap3A_1052, %swap3A_1053] {strides = array<i32>} : memref<64x256xi32, #tpu.memory_space<vmem>>, vector<16xi32>,
    tpu.vector_store %arg7[%swap3A_1052, %swap3A_1053], %broadcast_in_dim3A_59 {strides = array<i32>} : memref<64x256xi32, #tpu.memory_space<vmem>>, vector<16xi32>,
    %swap3A_1055 = arith.constant 15 : i32
    %swap3A_1056 = arith.index_cast %swap3A_1055 : i32 to index
    %swap3A_1057 = arith.constant 192 : index
    %swap3A_1058 = tpu.vector_load %arg8[%swap3A_1056, %swap3A_1057] {strides = array<i32>} : memref<64x256xi32, #tpu.memory_space<vmem>>, vector<16xi32>,
    tpu.vector_store %arg8[%swap3A_1056, %swap3A_1057], %broadcast_in_dim3A_59 {strides = array<i32>} : memref<64x256xi32, #tpu.memory_space<vmem>>, vector<16xi32>,
    %swap3A_1059 = arith.constant 15 : i32
    %swap3A_1060 = arith.index_cast %swap3A_1059 : i32 to index
    %swap3A_1061 = arith.constant 208 : index
    %swap3A_1062 = tpu.vector_load %arg7[%swap3A_1060, %swap3A_1061] {strides = array<i32>} : memref<64x256xi32, #tpu.memory_space<vmem>>, vector<16xi32>,
    tpu.vector_store %arg7[%swap3A_1060, %swap3A_1061], %broadcast_in_dim3A_59 {strides = array<i32>} : memref<64x256xi32, #tpu.memory_space<vmem>>, vector<16xi32>,
    %swap3A_1063 = arith.constant 15 : i32
    %swap3A_1064 = arith.index_cast %swap3A_1063 : i32 to index
    %swap3A_1065 = arith.constant 208 : index
    %swap3A_1066 = tpu.vector_load %arg8[%swap3A_1064, %swap3A_1065] {strides = array<i32>} : memref<64x256xi32, #tpu.memory_space<vmem>>, vector<16xi32>,
    tpu.vector_store %arg8[%swap3A_1064, %swap3A_1065], %broadcast_in_dim3A_59 {strides = array<i32>} : memref<64x256xi32, #tpu.memory_space<vmem>>, vector<16xi32>,
    %swap3A_1067 = arith.constant 15 : i32
    %swap3A_1068 = arith.index_cast %swap3A_1067 : i32 to index
    %swap3A_1069 = arith.constant 224 : index
    %swap3A_1070 = tpu.vector_load %arg7[%swap3A_1068, %swap3A_1069] {strides = array<i32>} : memref<64x256xi32, #tpu.memory_space<vmem>>, vector<16xi32>,
    tpu.vector_store %arg7[%swap3A_1068, %swap3A_1069], %broadcast_in_dim3A_59 {strides = array<i32>} : memref<64x256xi32, #tpu.memory_space<vmem>>, vector<16xi32>,
    %swap3A_1071 = arith.constant 15 : i32
    %swap3A_1072 = arith.index_cast %swap3A_1071 : i32 to index
    %swap3A_1073 = arith.constant 224 : index
    %swap3A_1074 = tpu.vector_load %arg8[%swap3A_1072, %swap3A_1073] {strides = array<i32>} : memref<64x256xi32, #tpu.memory_space<vmem>>, vector<16xi32>,
    tpu.vector_store %arg8[%swap3A_1072, %swap3A_1073], %broadcast_in_dim3A_59 {strides = array<i32>} : memref<64x256xi32, #tpu.memory_space<vmem>>, vector<16xi32>,
    %swap3A_1075 = arith.constant 15 : i32
    %swap3A_1076 = arith.index_cast %swap3A_1075 : i32 to index
    %swap3A_1077 = arith.constant 240 : index
    %swap3A_1078 = tpu.vector_load %arg7[%swap3A_1076, %swap3A_1077] {strides = array<i32>} : memref<64x256xi32, #tpu.memory_space<vmem>>, vector<16xi32>,
    tpu.vector_store %arg7[%swap3A_1076, %swap3A_1077], %broadcast_in_dim3A_59 {strides = array<i32>} : memref<64x256xi32, #tpu.memory_space<vmem>>, vector<16xi32>,
    %swap3A_1079 = arith.constant 15 : i32
    %swap3A_1080 = arith.index_cast %swap3A_1079 : i32 to index
    %swap3A_1081 = arith.constant 240 : index
    %swap3A_1082 = tpu.vector_load %arg8[%swap3A_1080, %swap3A_1081] {strides = array<i32>} : memref<64x256xi32, #tpu.memory_space<vmem>>, vector<16xi32>,
    tpu.vector_store %arg8[%swap3A_1080, %swap3A_1081], %broadcast_in_dim3A_59 {strides = array<i32>} : memref<64x256xi32, #tpu.memory_space<vmem>>, vector<16xi32>,
    %dma_wait3A = arith.constant 0 : i32
    %dma_wait3A_1083 = arith.constant 0 : i32
    %dma_wait3A_1084 = tpu.memref_slice %arg7[%dma_wait3A, %dma_wait3A_1083] : memref<64x256xi32, #tpu.memory_space<vmem>> -> memref<8x256xi32, #tpu.memory_space<vmem>>
    %dma_wait3A_1085 = arith.constant 0 : i32
    %dma_wait3A_1086 = tpu.memref_slice %arg5[%dma_wait3A_1085] : memref<5000xi32, #tpu.memory_space<vmem>> -> memref<8xi32, #tpu.memory_space<vmem>>
    %dma_wait3A_1087 = arith.constant 0 : i32
    %dma_wait3A_1088 = arith.constant 0 : i32
    %dma_wait3A_1089 = tpu.memref_slice %arg2[%dma_wait3A_1087, %dma_wait3A_1088] : memref<10000x256xi32, #tpu.memory_space<hbm>> -> memref<10000x256xi32, #tpu.memory_space<hbm>>
    tpu.wait_indirect_dma semaphore(%arg15 : memref<!tpu.dma_semaphore, #tpu.memory_space<semaphore_mem>>) src(%dma_wait3A_1089 : memref<10000x256xi32, #tpu.memory_space<hbm>>) dst(%dma_wait3A_1084 : memref<8x256xi32, #tpu.memory_space<vmem>>)
    %dma_wait3A_1090 = arith.constant 0 : i32
    %dma_wait3A_1091 = arith.constant 0 : i32
    %dma_wait3A_1092 = tpu.memref_slice %arg8[%dma_wait3A_1090, %dma_wait3A_1091] : memref<64x256xi32, #tpu.memory_space<vmem>> -> memref<8x256xi32, #tpu.memory_space<vmem>>
    %dma_wait3A_1093 = arith.constant 0 : i32
    %dma_wait3A_1094 = tpu.memref_slice %arg6[%dma_wait3A_1093] : memref<5000xi32, #tpu.memory_space<vmem>> -> memref<8xi32, #tpu.memory_space<vmem>>
    %dma_wait3A_1095 = arith.constant 0 : i32
    %dma_wait3A_1096 = arith.constant 0 : i32
    %dma_wait3A_1097 = tpu.memref_slice %arg2[%dma_wait3A_1095, %dma_wait3A_1096] : memref<10000x256xi32, #tpu.memory_space<hbm>> -> memref<10000x256xi32, #tpu.memory_space<hbm>>
    tpu.wait_indirect_dma semaphore(%arg16 : memref<!tpu.dma_semaphore, #tpu.memory_space<semaphore_mem>>) src(%dma_wait3A_1097 : memref<10000x256xi32, #tpu.memory_space<hbm>>) dst(%dma_wait3A_1092 : memref<8x256xi32, #tpu.memory_space<vmem>>)
    %scan3A_1098 = arith.constant 0 : i32
    %parallel_loop3A = arith.constant 0 : i32
    %parallel_loop3A_1099 = arith.constant 16 : i32
    %parallel_loop3A_1100 = arith.constant 1 : i32
    scf.for %parallel_loop3A_1172 = %parallel_loop3A to %parallel_loop3A_1099 step %parallel_loop3A_1100  : i32 {
      %parallel_loop3A_1173 = arith.constant 16 : i32
      %parallel_loop3A_1174 = arith.muli %scan3A_1098, %parallel_loop3A_1173 : i32
      %parallel_loop3A_1175 = arith.addi %parallel_loop3A_1174, %parallel_loop3A_1172 : i32
      %parallel_loop3A_1176 = arith.index_cast %parallel_loop3A_1175 : i32 to index
      %parallel_loop3A_1177 = arith.constant 0 : index
      %parallel_loop3A_1178 = tpu.vector_load %arg7[%parallel_loop3A_1176, %parallel_loop3A_1177] {strides = array<i32>} : memref<64x256xi32, #tpu.memory_space<vmem>>, vector<16xi32>,
      %parallel_loop3A_1179 = vector.bitcast %parallel_loop3A_1178 : vector<16xi32> to vector<32xbf16>
      %parallel_loop3A_1180 = arith.index_cast %parallel_loop3A_1175 : i32 to index
      %parallel_loop3A_1181 = arith.constant 0 : index
      %parallel_loop3A_1182 = tpu.vector_load %arg8[%parallel_loop3A_1180, %parallel_loop3A_1181] {strides = array<i32>} : memref<64x256xi32, #tpu.memory_space<vmem>>, vector<16xi32>,
      %parallel_loop3A_1183 = vector.bitcast %parallel_loop3A_1182 : vector<16xi32> to vector<32xbf16>
      %parallel_loop3A_1184 = arith.mulf %parallel_loop3A_1179, %parallel_loop3A_1183 : vector<32xbf16>
      %parallel_loop3A_1185 = tpu.unpack_subelements %parallel_loop3A_1184, 0 {pack_format = #tpu.pack_format<interleaved>} : vector<32xbf16> -> vector<16xf32>
      %parallel_loop3A_1186 = tpu.unpack_subelements %parallel_loop3A_1184, 1 {pack_format = #tpu.pack_format<interleaved>} : vector<32xbf16> -> vector<16xf32>
      %parallel_loop3A_1187 = arith.addf %parallel_loop3A_1185, %parallel_loop3A_1186 : vector<16xf32>
      %parallel_loop3A_1188 = arith.addf %broadcast_in_dim3A_3, %parallel_loop3A_1187 : vector<16xf32>
      %parallel_loop3A_1189 = arith.index_cast %parallel_loop3A_1175 : i32 to index
      %parallel_loop3A_1190 = arith.constant 16 : index
      %parallel_loop3A_1191 = tpu.vector_load %arg7[%parallel_loop3A_1189, %parallel_loop3A_1190] {strides = array<i32>} : memref<64x256xi32, #tpu.memory_space<vmem>>, vector<16xi32>,
      %parallel_loop3A_1192 = vector.bitcast %parallel_loop3A_1191 : vector<16xi32> to vector<32xbf16>
      %parallel_loop3A_1193 = arith.index_cast %parallel_loop3A_1175 : i32 to index
      %parallel_loop3A_1194 = arith.constant 16 : index
      %parallel_loop3A_1195 = tpu.vector_load %arg8[%parallel_loop3A_1193, %parallel_loop3A_1194] {strides = array<i32>} : memref<64x256xi32, #tpu.memory_space<vmem>>, vector<16xi32>,
      %parallel_loop3A_1196 = vector.bitcast %parallel_loop3A_1195 : vector<16xi32> to vector<32xbf16>
      %parallel_loop3A_1197 = arith.mulf %parallel_loop3A_1192, %parallel_loop3A_1196 : vector<32xbf16>
      %parallel_loop3A_1198 = tpu.unpack_subelements %parallel_loop3A_1197, 0 {pack_format = #tpu.pack_format<interleaved>} : vector<32xbf16> -> vector<16xf32>
      %parallel_loop3A_1199 = tpu.unpack_subelements %parallel_loop3A_1197, 1 {pack_format = #tpu.pack_format<interleaved>} : vector<32xbf16> -> vector<16xf32>
      %parallel_loop3A_1200 = arith.addf %parallel_loop3A_1198, %parallel_loop3A_1199 : vector<16xf32>
      %parallel_loop3A_1201 = arith.addf %parallel_loop3A_1188, %parallel_loop3A_1200 : vector<16xf32>
      %parallel_loop3A_1202 = arith.index_cast %parallel_loop3A_1175 : i32 to index
      %parallel_loop3A_1203 = arith.constant 32 : index
      %parallel_loop3A_1204 = tpu.vector_load %arg7[%parallel_loop3A_1202, %parallel_loop3A_1203] {strides = array<i32>} : memref<64x256xi32, #tpu.memory_space<vmem>>, vector<16xi32>,
      %parallel_loop3A_1205 = vector.bitcast %parallel_loop3A_1204 : vector<16xi32> to vector<32xbf16>
      %parallel_loop3A_1206 = arith.index_cast %parallel_loop3A_1175 : i32 to index
      %parallel_loop3A_1207 = arith.constant 32 : index
      %parallel_loop3A_1208 = tpu.vector_load %arg8[%parallel_loop3A_1206, %parallel_loop3A_1207] {strides = array<i32>} : memref<64x256xi32, #tpu.memory_space<vmem>>, vector<16xi32>,
      %parallel_loop3A_1209 = vector.bitcast %parallel_loop3A_1208 : vector<16xi32> to vector<32xbf16>
      %parallel_loop3A_1210 = arith.mulf %parallel_loop3A_1205, %parallel_loop3A_1209 : vector<32xbf16>
      %parallel_loop3A_1211 = tpu.unpack_subelements %parallel_loop3A_1210, 0 {pack_format = #tpu.pack_format<interleaved>} : vector<32xbf16> -> vector<16xf32>
      %parallel_loop3A_1212 = tpu.unpack_subelements %parallel_loop3A_1210, 1 {pack_format = #tpu.pack_format<interleaved>} : vector<32xbf16> -> vector<16xf32>
      %parallel_loop3A_1213 = arith.addf %parallel_loop3A_1211, %parallel_loop3A_1212 : vector<16xf32>
      %parallel_loop3A_1214 = arith.addf %parallel_loop3A_1201, %parallel_loop3A_1213 : vector<16xf32>
      %parallel_loop3A_1215 = arith.index_cast %parallel_loop3A_1175 : i32 to index
      %parallel_loop3A_1216 = arith.constant 48 : index
      %parallel_loop3A_1217 = tpu.vector_load %arg7[%parallel_loop3A_1215, %parallel_loop3A_1216] {strides = array<i32>} : memref<64x256xi32, #tpu.memory_space<vmem>>, vector<16xi32>,
      %parallel_loop3A_1218 = vector.bitcast %parallel_loop3A_1217 : vector<16xi32> to vector<32xbf16>
      %parallel_loop3A_1219 = arith.index_cast %parallel_loop3A_1175 : i32 to index
      %parallel_loop3A_1220 = arith.constant 48 : index
      %parallel_loop3A_1221 = tpu.vector_load %arg8[%parallel_loop3A_1219, %parallel_loop3A_1220] {strides = array<i32>} : memref<64x256xi32, #tpu.memory_space<vmem>>, vector<16xi32>,
      %parallel_loop3A_1222 = vector.bitcast %parallel_loop3A_1221 : vector<16xi32> to vector<32xbf16>
      %parallel_loop3A_1223 = arith.mulf %parallel_loop3A_1218, %parallel_loop3A_1222 : vector<32xbf16>
      %parallel_loop3A_1224 = tpu.unpack_subelements %parallel_loop3A_1223, 0 {pack_format = #tpu.pack_format<interleaved>} : vector<32xbf16> -> vector<16xf32>
      %parallel_loop3A_1225 = tpu.unpack_subelements %parallel_loop3A_1223, 1 {pack_format = #tpu.pack_format<interleaved>} : vector<32xbf16> -> vector<16xf32>
      %parallel_loop3A_1226 = arith.addf %parallel_loop3A_1224, %parallel_loop3A_1225 : vector<16xf32>
      %parallel_loop3A_1227 = arith.addf %parallel_loop3A_1214, %parallel_loop3A_1226 : vector<16xf32>
      %parallel_loop3A_1228 = arith.index_cast %parallel_loop3A_1175 : i32 to index
      %parallel_loop3A_1229 = arith.constant 64 : index
      %parallel_loop3A_1230 = tpu.vector_load %arg7[%parallel_loop3A_1228, %parallel_loop3A_1229] {strides = array<i32>} : memref<64x256xi32, #tpu.memory_space<vmem>>, vector<16xi32>,
      %parallel_loop3A_1231 = vector.bitcast %parallel_loop3A_1230 : vector<16xi32> to vector<32xbf16>
      %parallel_loop3A_1232 = arith.index_cast %parallel_loop3A_1175 : i32 to index
      %parallel_loop3A_1233 = arith.constant 64 : index
      %parallel_loop3A_1234 = tpu.vector_load %arg8[%parallel_loop3A_1232, %parallel_loop3A_1233] {strides = array<i32>} : memref<64x256xi32, #tpu.memory_space<vmem>>, vector<16xi32>,
      %parallel_loop3A_1235 = vector.bitcast %parallel_loop3A_1234 : vector<16xi32> to vector<32xbf16>
      %parallel_loop3A_1236 = arith.mulf %parallel_loop3A_1231, %parallel_loop3A_1235 : vector<32xbf16>
      %parallel_loop3A_1237 = tpu.unpack_subelements %parallel_loop3A_1236, 0 {pack_format = #tpu.pack_format<interleaved>} : vector<32xbf16> -> vector<16xf32>
      %parallel_loop3A_1238 = tpu.unpack_subelements %parallel_loop3A_1236, 1 {pack_format = #tpu.pack_format<interleaved>} : vector<32xbf16> -> vector<16xf32>
      %parallel_loop3A_1239 = arith.addf %parallel_loop3A_1237, %parallel_loop3A_1238 : vector<16xf32>
      %parallel_loop3A_1240 = arith.addf %parallel_loop3A_1227, %parallel_loop3A_1239 : vector<16xf32>
      %parallel_loop3A_1241 = arith.index_cast %parallel_loop3A_1175 : i32 to index
      %parallel_loop3A_1242 = arith.constant 80 : index
      %parallel_loop3A_1243 = tpu.vector_load %arg7[%parallel_loop3A_1241, %parallel_loop3A_1242] {strides = array<i32>} : memref<64x256xi32, #tpu.memory_space<vmem>>, vector<16xi32>,
      %parallel_loop3A_1244 = vector.bitcast %parallel_loop3A_1243 : vector<16xi32> to vector<32xbf16>
      %parallel_loop3A_1245 = arith.index_cast %parallel_loop3A_1175 : i32 to index
      %parallel_loop3A_1246 = arith.constant 80 : index
      %parallel_loop3A_1247 = tpu.vector_load %arg8[%parallel_loop3A_1245, %parallel_loop3A_1246] {strides = array<i32>} : memref<64x256xi32, #tpu.memory_space<vmem>>, vector<16xi32>,
      %parallel_loop3A_1248 = vector.bitcast %parallel_loop3A_1247 : vector<16xi32> to vector<32xbf16>
      %parallel_loop3A_1249 = arith.mulf %parallel_loop3A_1244, %parallel_loop3A_1248 : vector<32xbf16>
      %parallel_loop3A_1250 = tpu.unpack_subelements %parallel_loop3A_1249, 0 {pack_format = #tpu.pack_format<interleaved>} : vector<32xbf16> -> vector<16xf32>
      %parallel_loop3A_1251 = tpu.unpack_subelements %parallel_loop3A_1249, 1 {pack_format = #tpu.pack_format<interleaved>} : vector<32xbf16> -> vector<16xf32>
      %parallel_loop3A_1252 = arith.addf %parallel_loop3A_1250, %parallel_loop3A_1251 : vector<16xf32>
      %parallel_loop3A_1253 = arith.addf %parallel_loop3A_1240, %parallel_loop3A_1252 : vector<16xf32>
      %parallel_loop3A_1254 = arith.index_cast %parallel_loop3A_1175 : i32 to index
      %parallel_loop3A_1255 = arith.constant 96 : index
      %parallel_loop3A_1256 = tpu.vector_load %arg7[%parallel_loop3A_1254, %parallel_loop3A_1255] {strides = array<i32>} : memref<64x256xi32, #tpu.memory_space<vmem>>, vector<16xi32>,
      %parallel_loop3A_1257 = vector.bitcast %parallel_loop3A_1256 : vector<16xi32> to vector<32xbf16>
      %parallel_loop3A_1258 = arith.index_cast %parallel_loop3A_1175 : i32 to index
      %parallel_loop3A_1259 = arith.constant 96 : index
      %parallel_loop3A_1260 = tpu.vector_load %arg8[%parallel_loop3A_1258, %parallel_loop3A_1259] {strides = array<i32>} : memref<64x256xi32, #tpu.memory_space<vmem>>, vector<16xi32>,
      %parallel_loop3A_1261 = vector.bitcast %parallel_loop3A_1260 : vector<16xi32> to vector<32xbf16>
      %parallel_loop3A_1262 = arith.mulf %parallel_loop3A_1257, %parallel_loop3A_1261 : vector<32xbf16>
      %parallel_loop3A_1263 = tpu.unpack_subelements %parallel_loop3A_1262, 0 {pack_format = #tpu.pack_format<interleaved>} : vector<32xbf16> -> vector<16xf32>
      %parallel_loop3A_1264 = tpu.unpack_subelements %parallel_loop3A_1262, 1 {pack_format = #tpu.pack_format<interleaved>} : vector<32xbf16> -> vector<16xf32>
      %parallel_loop3A_1265 = arith.addf %parallel_loop3A_1263, %parallel_loop3A_1264 : vector<16xf32>
      %parallel_loop3A_1266 = arith.addf %parallel_loop3A_1253, %parallel_loop3A_1265 : vector<16xf32>
      %parallel_loop3A_1267 = arith.index_cast %parallel_loop3A_1175 : i32 to index
      %parallel_loop3A_1268 = arith.constant 112 : index
      %parallel_loop3A_1269 = tpu.vector_load %arg7[%parallel_loop3A_1267, %parallel_loop3A_1268] {strides = array<i32>} : memref<64x256xi32, #tpu.memory_space<vmem>>, vector<16xi32>,
      %parallel_loop3A_1270 = vector.bitcast %parallel_loop3A_1269 : vector<16xi32> to vector<32xbf16>
      %parallel_loop3A_1271 = arith.index_cast %parallel_loop3A_1175 : i32 to index
      %parallel_loop3A_1272 = arith.constant 112 : index
      %parallel_loop3A_1273 = tpu.vector_load %arg8[%parallel_loop3A_1271, %parallel_loop3A_1272] {strides = array<i32>} : memref<64x256xi32, #tpu.memory_space<vmem>>, vector<16xi32>,
      %parallel_loop3A_1274 = vector.bitcast %parallel_loop3A_1273 : vector<16xi32> to vector<32xbf16>
      %parallel_loop3A_1275 = arith.mulf %parallel_loop3A_1270, %parallel_loop3A_1274 : vector<32xbf16>
      %parallel_loop3A_1276 = tpu.unpack_subelements %parallel_loop3A_1275, 0 {pack_format = #tpu.pack_format<interleaved>} : vector<32xbf16> -> vector<16xf32>
      %parallel_loop3A_1277 = tpu.unpack_subelements %parallel_loop3A_1275, 1 {pack_format = #tpu.pack_format<interleaved>} : vector<32xbf16> -> vector<16xf32>
      %parallel_loop3A_1278 = arith.addf %parallel_loop3A_1276, %parallel_loop3A_1277 : vector<16xf32>
      %parallel_loop3A_1279 = arith.addf %parallel_loop3A_1266, %parallel_loop3A_1278 : vector<16xf32>
      %parallel_loop3A_1280 = arith.index_cast %parallel_loop3A_1175 : i32 to index
      %parallel_loop3A_1281 = arith.constant 128 : index
      %parallel_loop3A_1282 = tpu.vector_load %arg7[%parallel_loop3A_1280, %parallel_loop3A_1281] {strides = array<i32>} : memref<64x256xi32, #tpu.memory_space<vmem>>, vector<16xi32>,
      %parallel_loop3A_1283 = vector.bitcast %parallel_loop3A_1282 : vector<16xi32> to vector<32xbf16>
      %parallel_loop3A_1284 = arith.index_cast %parallel_loop3A_1175 : i32 to index
      %parallel_loop3A_1285 = arith.constant 128 : index
      %parallel_loop3A_1286 = tpu.vector_load %arg8[%parallel_loop3A_1284, %parallel_loop3A_1285] {strides = array<i32>} : memref<64x256xi32, #tpu.memory_space<vmem>>, vector<16xi32>,
      %parallel_loop3A_1287 = vector.bitcast %parallel_loop3A_1286 : vector<16xi32> to vector<32xbf16>
      %parallel_loop3A_1288 = arith.mulf %parallel_loop3A_1283, %parallel_loop3A_1287 : vector<32xbf16>
      %parallel_loop3A_1289 = tpu.unpack_subelements %parallel_loop3A_1288, 0 {pack_format = #tpu.pack_format<interleaved>} : vector<32xbf16> -> vector<16xf32>
      %parallel_loop3A_1290 = tpu.unpack_subelements %parallel_loop3A_1288, 1 {pack_format = #tpu.pack_format<interleaved>} : vector<32xbf16> -> vector<16xf32>
      %parallel_loop3A_1291 = arith.addf %parallel_loop3A_1289, %parallel_loop3A_1290 : vector<16xf32>
      %parallel_loop3A_1292 = arith.subf %parallel_loop3A_1279, %parallel_loop3A_1291 : vector<16xf32>
      %parallel_loop3A_1293 = arith.index_cast %parallel_loop3A_1175 : i32 to index
      %parallel_loop3A_1294 = arith.constant 144 : index
      %parallel_loop3A_1295 = tpu.vector_load %arg7[%parallel_loop3A_1293, %parallel_loop3A_1294] {strides = array<i32>} : memref<64x256xi32, #tpu.memory_space<vmem>>, vector<16xi32>,
      %parallel_loop3A_1296 = vector.bitcast %parallel_loop3A_1295 : vector<16xi32> to vector<32xbf16>
      %parallel_loop3A_1297 = arith.index_cast %parallel_loop3A_1175 : i32 to index
      %parallel_loop3A_1298 = arith.constant 144 : index
      %parallel_loop3A_1299 = tpu.vector_load %arg8[%parallel_loop3A_1297, %parallel_loop3A_1298] {strides = array<i32>} : memref<64x256xi32, #tpu.memory_space<vmem>>, vector<16xi32>,
      %parallel_loop3A_1300 = vector.bitcast %parallel_loop3A_1299 : vector<16xi32> to vector<32xbf16>
      %parallel_loop3A_1301 = arith.mulf %parallel_loop3A_1296, %parallel_loop3A_1300 : vector<32xbf16>
      %parallel_loop3A_1302 = tpu.unpack_subelements %parallel_loop3A_1301, 0 {pack_format = #tpu.pack_format<interleaved>} : vector<32xbf16> -> vector<16xf32>
      %parallel_loop3A_1303 = tpu.unpack_subelements %parallel_loop3A_1301, 1 {pack_format = #tpu.pack_format<interleaved>} : vector<32xbf16> -> vector<16xf32>
      %parallel_loop3A_1304 = arith.addf %parallel_loop3A_1302, %parallel_loop3A_1303 : vector<16xf32>
      %parallel_loop3A_1305 = arith.subf %parallel_loop3A_1292, %parallel_loop3A_1304 : vector<16xf32>
      %parallel_loop3A_1306 = arith.index_cast %parallel_loop3A_1175 : i32 to index
      %parallel_loop3A_1307 = arith.constant 160 : index
      %parallel_loop3A_1308 = tpu.vector_load %arg7[%parallel_loop3A_1306, %parallel_loop3A_1307] {strides = array<i32>} : memref<64x256xi32, #tpu.memory_space<vmem>>, vector<16xi32>,
      %parallel_loop3A_1309 = vector.bitcast %parallel_loop3A_1308 : vector<16xi32> to vector<32xbf16>
      %parallel_loop3A_1310 = arith.index_cast %parallel_loop3A_1175 : i32 to index
      %parallel_loop3A_1311 = arith.constant 160 : index
      %parallel_loop3A_1312 = tpu.vector_load %arg8[%parallel_loop3A_1310, %parallel_loop3A_1311] {strides = array<i32>} : memref<64x256xi32, #tpu.memory_space<vmem>>, vector<16xi32>,
      %parallel_loop3A_1313 = vector.bitcast %parallel_loop3A_1312 : vector<16xi32> to vector<32xbf16>
      %parallel_loop3A_1314 = arith.mulf %parallel_loop3A_1309, %parallel_loop3A_1313 : vector<32xbf16>
      %parallel_loop3A_1315 = tpu.unpack_subelements %parallel_loop3A_1314, 0 {pack_format = #tpu.pack_format<interleaved>} : vector<32xbf16> -> vector<16xf32>
      %parallel_loop3A_1316 = tpu.unpack_subelements %parallel_loop3A_1314, 1 {pack_format = #tpu.pack_format<interleaved>} : vector<32xbf16> -> vector<16xf32>
      %parallel_loop3A_1317 = arith.addf %parallel_loop3A_1315, %parallel_loop3A_1316 : vector<16xf32>
      %parallel_loop3A_1318 = arith.subf %parallel_loop3A_1305, %parallel_loop3A_1317 : vector<16xf32>
      %parallel_loop3A_1319 = arith.index_cast %parallel_loop3A_1175 : i32 to index
      %parallel_loop3A_1320 = arith.constant 176 : index
      %parallel_loop3A_1321 = tpu.vector_load %arg7[%parallel_loop3A_1319, %parallel_loop3A_1320] {strides = array<i32>} : memref<64x256xi32, #tpu.memory_space<vmem>>, vector<16xi32>,
      %parallel_loop3A_1322 = vector.bitcast %parallel_loop3A_1321 : vector<16xi32> to vector<32xbf16>
      %parallel_loop3A_1323 = arith.index_cast %parallel_loop3A_1175 : i32 to index
      %parallel_loop3A_1324 = arith.constant 176 : index
      %parallel_loop3A_1325 = tpu.vector_load %arg8[%parallel_loop3A_1323, %parallel_loop3A_1324] {strides = array<i32>} : memref<64x256xi32, #tpu.memory_space<vmem>>, vector<16xi32>,
      %parallel_loop3A_1326 = vector.bitcast %parallel_loop3A_1325 : vector<16xi32> to vector<32xbf16>
      %parallel_loop3A_1327 = arith.mulf %parallel_loop3A_1322, %parallel_loop3A_1326 : vector<32xbf16>
      %parallel_loop3A_1328 = tpu.unpack_subelements %parallel_loop3A_1327, 0 {pack_format = #tpu.pack_format<interleaved>} : vector<32xbf16> -> vector<16xf32>
      %parallel_loop3A_1329 = tpu.unpack_subelements %parallel_loop3A_1327, 1 {pack_format = #tpu.pack_format<interleaved>} : vector<32xbf16> -> vector<16xf32>
      %parallel_loop3A_1330 = arith.addf %parallel_loop3A_1328, %parallel_loop3A_1329 : vector<16xf32>
      %parallel_loop3A_1331 = arith.subf %parallel_loop3A_1318, %parallel_loop3A_1330 : vector<16xf32>
      %parallel_loop3A_1332 = arith.index_cast %parallel_loop3A_1175 : i32 to index
      %parallel_loop3A_1333 = arith.constant 192 : index
      %parallel_loop3A_1334 = tpu.vector_load %arg7[%parallel_loop3A_1332, %parallel_loop3A_1333] {strides = array<i32>} : memref<64x256xi32, #tpu.memory_space<vmem>>, vector<16xi32>,
      %parallel_loop3A_1335 = vector.bitcast %parallel_loop3A_1334 : vector<16xi32> to vector<32xbf16>
      %parallel_loop3A_1336 = arith.index_cast %parallel_loop3A_1175 : i32 to index
      %parallel_loop3A_1337 = arith.constant 192 : index
      %parallel_loop3A_1338 = tpu.vector_load %arg8[%parallel_loop3A_1336, %parallel_loop3A_1337] {strides = array<i32>} : memref<64x256xi32, #tpu.memory_space<vmem>>, vector<16xi32>,
      %parallel_loop3A_1339 = vector.bitcast %parallel_loop3A_1338 : vector<16xi32> to vector<32xbf16>
      %parallel_loop3A_1340 = arith.mulf %parallel_loop3A_1335, %parallel_loop3A_1339 : vector<32xbf16>
      %parallel_loop3A_1341 = tpu.unpack_subelements %parallel_loop3A_1340, 0 {pack_format = #tpu.pack_format<interleaved>} : vector<32xbf16> -> vector<16xf32>
      %parallel_loop3A_1342 = tpu.unpack_subelements %parallel_loop3A_1340, 1 {pack_format = #tpu.pack_format<interleaved>} : vector<32xbf16> -> vector<16xf32>
      %parallel_loop3A_1343 = arith.addf %parallel_loop3A_1341, %parallel_loop3A_1342 : vector<16xf32>
      %parallel_loop3A_1344 = arith.subf %parallel_loop3A_1331, %parallel_loop3A_1343 : vector<16xf32>
      %parallel_loop3A_1345 = arith.index_cast %parallel_loop3A_1175 : i32 to index
      %parallel_loop3A_1346 = arith.constant 208 : index
      %parallel_loop3A_1347 = tpu.vector_load %arg7[%parallel_loop3A_1345, %parallel_loop3A_1346] {strides = array<i32>} : memref<64x256xi32, #tpu.memory_space<vmem>>, vector<16xi32>,
      %parallel_loop3A_1348 = vector.bitcast %parallel_loop3A_1347 : vector<16xi32> to vector<32xbf16>
      %parallel_loop3A_1349 = arith.index_cast %parallel_loop3A_1175 : i32 to index
      %parallel_loop3A_1350 = arith.constant 208 : index
      %parallel_loop3A_1351 = tpu.vector_load %arg8[%parallel_loop3A_1349, %parallel_loop3A_1350] {strides = array<i32>} : memref<64x256xi32, #tpu.memory_space<vmem>>, vector<16xi32>,
      %parallel_loop3A_1352 = vector.bitcast %parallel_loop3A_1351 : vector<16xi32> to vector<32xbf16>
      %parallel_loop3A_1353 = arith.mulf %parallel_loop3A_1348, %parallel_loop3A_1352 : vector<32xbf16>
      %parallel_loop3A_1354 = tpu.unpack_subelements %parallel_loop3A_1353, 0 {pack_format = #tpu.pack_format<interleaved>} : vector<32xbf16> -> vector<16xf32>
      %parallel_loop3A_1355 = tpu.unpack_subelements %parallel_loop3A_1353, 1 {pack_format = #tpu.pack_format<interleaved>} : vector<32xbf16> -> vector<16xf32>
      %parallel_loop3A_1356 = arith.addf %parallel_loop3A_1354, %parallel_loop3A_1355 : vector<16xf32>
      %parallel_loop3A_1357 = arith.subf %parallel_loop3A_1344, %parallel_loop3A_1356 : vector<16xf32>
      %parallel_loop3A_1358 = arith.index_cast %parallel_loop3A_1175 : i32 to index
      %parallel_loop3A_1359 = arith.constant 224 : index
      %parallel_loop3A_1360 = tpu.vector_load %arg7[%parallel_loop3A_1358, %parallel_loop3A_1359] {strides = array<i32>} : memref<64x256xi32, #tpu.memory_space<vmem>>, vector<16xi32>,
      %parallel_loop3A_1361 = vector.bitcast %parallel_loop3A_1360 : vector<16xi32> to vector<32xbf16>
      %parallel_loop3A_1362 = arith.index_cast %parallel_loop3A_1175 : i32 to index
      %parallel_loop3A_1363 = arith.constant 224 : index
      %parallel_loop3A_1364 = tpu.vector_load %arg8[%parallel_loop3A_1362, %parallel_loop3A_1363] {strides = array<i32>} : memref<64x256xi32, #tpu.memory_space<vmem>>, vector<16xi32>,
      %parallel_loop3A_1365 = vector.bitcast %parallel_loop3A_1364 : vector<16xi32> to vector<32xbf16>
      %parallel_loop3A_1366 = arith.mulf %parallel_loop3A_1361, %parallel_loop3A_1365 : vector<32xbf16>
      %parallel_loop3A_1367 = tpu.unpack_subelements %parallel_loop3A_1366, 0 {pack_format = #tpu.pack_format<interleaved>} : vector<32xbf16> -> vector<16xf32>
      %parallel_loop3A_1368 = tpu.unpack_subelements %parallel_loop3A_1366, 1 {pack_format = #tpu.pack_format<interleaved>} : vector<32xbf16> -> vector<16xf32>
      %parallel_loop3A_1369 = arith.addf %parallel_loop3A_1367, %parallel_loop3A_1368 : vector<16xf32>
      %parallel_loop3A_1370 = arith.subf %parallel_loop3A_1357, %parallel_loop3A_1369 : vector<16xf32>
      %parallel_loop3A_1371 = arith.index_cast %parallel_loop3A_1175 : i32 to index
      %parallel_loop3A_1372 = arith.constant 240 : index
      %parallel_loop3A_1373 = tpu.vector_load %arg7[%parallel_loop3A_1371, %parallel_loop3A_1372] {strides = array<i32>} : memref<64x256xi32, #tpu.memory_space<vmem>>, vector<16xi32>,
      %parallel_loop3A_1374 = vector.bitcast %parallel_loop3A_1373 : vector<16xi32> to vector<32xbf16>
      %parallel_loop3A_1375 = arith.index_cast %parallel_loop3A_1175 : i32 to index
      %parallel_loop3A_1376 = arith.constant 240 : index
      %parallel_loop3A_1377 = tpu.vector_load %arg8[%parallel_loop3A_1375, %parallel_loop3A_1376] {strides = array<i32>} : memref<64x256xi32, #tpu.memory_space<vmem>>, vector<16xi32>,
      %parallel_loop3A_1378 = vector.bitcast %parallel_loop3A_1377 : vector<16xi32> to vector<32xbf16>
      %parallel_loop3A_1379 = arith.mulf %parallel_loop3A_1374, %parallel_loop3A_1378 : vector<32xbf16>
      %parallel_loop3A_1380 = tpu.unpack_subelements %parallel_loop3A_1379, 0 {pack_format = #tpu.pack_format<interleaved>} : vector<32xbf16> -> vector<16xf32>
      %parallel_loop3A_1381 = tpu.unpack_subelements %parallel_loop3A_1379, 1 {pack_format = #tpu.pack_format<interleaved>} : vector<32xbf16> -> vector<16xf32>
      %parallel_loop3A_1382 = arith.addf %parallel_loop3A_1380, %parallel_loop3A_1381 : vector<16xf32>
      %parallel_loop3A_1383 = arith.subf %parallel_loop3A_1370, %parallel_loop3A_1382 : vector<16xf32>
      %parallel_loop3A_1384 = arith.index_cast %parallel_loop3A_1172 : i32 to index
      %parallel_loop3A_1385 = arith.constant 0 : index
      %parallel_loop3A_1386 = tpu.vector_load %arg13[%parallel_loop3A_1384, %parallel_loop3A_1385] {strides = array<i32>} : memref<16x16xf32, #tpu.memory_space<vmem>>, vector<16xf32>,
      tpu.vector_store %arg13[%parallel_loop3A_1384, %parallel_loop3A_1385], %parallel_loop3A_1383 {strides = array<i32>} : memref<16x16xf32, #tpu.memory_space<vmem>>, vector<16xf32>,
    } {sc.loop_unroll_factor = 2 : i64, sc.parallel_access}
    %broadcast_in_dim3A_1101 = arith.constant 0 : i32
    %broadcast_in_dim3A_1102 = vector.broadcast %broadcast_in_dim3A_1101 : i32 to vector<16xi32>
    %gather3A = tpu.vector_load_idx %arg13[%iota3A, %broadcast_in_dim3A_1102] : memref<16x16xf32, #tpu.memory_space<vmem>>[vector<16xi32>, vector<16xi32>], vector<16xf32>,
    %add3A_1103 = arith.addf %broadcast_in_dim3A_3, %gather3A : vector<16xf32>
    %broadcast_in_dim3A_1104 = arith.constant 1 : i32
    %broadcast_in_dim3A_1105 = vector.broadcast %broadcast_in_dim3A_1104 : i32 to vector<16xi32>
    %gather3A_1106 = tpu.vector_load_idx %arg13[%iota3A, %broadcast_in_dim3A_1105] : memref<16x16xf32, #tpu.memory_space<vmem>>[vector<16xi32>, vector<16xi32>], vector<16xf32>,
    %add3A_1107 = arith.addf %add3A_1103, %gather3A_1106 : vector<16xf32>
    %broadcast_in_dim3A_1108 = arith.constant 2 : i32
    %broadcast_in_dim3A_1109 = vector.broadcast %broadcast_in_dim3A_1108 : i32 to vector<16xi32>
    %gather3A_1110 = tpu.vector_load_idx %arg13[%iota3A, %broadcast_in_dim3A_1109] : memref<16x16xf32, #tpu.memory_space<vmem>>[vector<16xi32>, vector<16xi32>], vector<16xf32>,
    %add3A_1111 = arith.addf %add3A_1107, %gather3A_1110 : vector<16xf32>
    %broadcast_in_dim3A_1112 = arith.constant 3 : i32
    %broadcast_in_dim3A_1113 = vector.broadcast %broadcast_in_dim3A_1112 : i32 to vector<16xi32>
    %gather3A_1114 = tpu.vector_load_idx %arg13[%iota3A, %broadcast_in_dim3A_1113] : memref<16x16xf32, #tpu.memory_space<vmem>>[vector<16xi32>, vector<16xi32>], vector<16xf32>,
    %add3A_1115 = arith.addf %add3A_1111, %gather3A_1114 : vector<16xf32>
    %broadcast_in_dim3A_1116 = arith.constant 4 : i32
    %broadcast_in_dim3A_1117 = vector.broadcast %broadcast_in_dim3A_1116 : i32 to vector<16xi32>
    %gather3A_1118 = tpu.vector_load_idx %arg13[%iota3A, %broadcast_in_dim3A_1117] : memref<16x16xf32, #tpu.memory_space<vmem>>[vector<16xi32>, vector<16xi32>], vector<16xf32>,
    %add3A_1119 = arith.addf %add3A_1115, %gather3A_1118 : vector<16xf32>
    %broadcast_in_dim3A_1120 = arith.constant 5 : i32
    %broadcast_in_dim3A_1121 = vector.broadcast %broadcast_in_dim3A_1120 : i32 to vector<16xi32>
    %gather3A_1122 = tpu.vector_load_idx %arg13[%iota3A, %broadcast_in_dim3A_1121] : memref<16x16xf32, #tpu.memory_space<vmem>>[vector<16xi32>, vector<16xi32>], vector<16xf32>,
    %add3A_1123 = arith.addf %add3A_1119, %gather3A_1122 : vector<16xf32>
    %broadcast_in_dim3A_1124 = arith.constant 6 : i32
    %broadcast_in_dim3A_1125 = vector.broadcast %broadcast_in_dim3A_1124 : i32 to vector<16xi32>
    %gather3A_1126 = tpu.vector_load_idx %arg13[%iota3A, %broadcast_in_dim3A_1125] : memref<16x16xf32, #tpu.memory_space<vmem>>[vector<16xi32>, vector<16xi32>], vector<16xf32>,
    %add3A_1127 = arith.addf %add3A_1123, %gather3A_1126 : vector<16xf32>
    %broadcast_in_dim3A_1128 = arith.constant 7 : i32
    %broadcast_in_dim3A_1129 = vector.broadcast %broadcast_in_dim3A_1128 : i32 to vector<16xi32>
    %gather3A_1130 = tpu.vector_load_idx %arg13[%iota3A, %broadcast_in_dim3A_1129] : memref<16x16xf32, #tpu.memory_space<vmem>>[vector<16xi32>, vector<16xi32>], vector<16xf32>,
    %add3A_1131 = arith.addf %add3A_1127, %gather3A_1130 : vector<16xf32>
    %broadcast_in_dim3A_1132 = arith.constant 8 : i32
    %broadcast_in_dim3A_1133 = vector.broadcast %broadcast_in_dim3A_1132 : i32 to vector<16xi32>
    %gather3A_1134 = tpu.vector_load_idx %arg13[%iota3A, %broadcast_in_dim3A_1133] : memref<16x16xf32, #tpu.memory_space<vmem>>[vector<16xi32>, vector<16xi32>], vector<16xf32>,
    %add3A_1135 = arith.addf %add3A_1131, %gather3A_1134 : vector<16xf32>
    %broadcast_in_dim3A_1136 = arith.constant 9 : i32
    %broadcast_in_dim3A_1137 = vector.broadcast %broadcast_in_dim3A_1136 : i32 to vector<16xi32>
    %gather3A_1138 = tpu.vector_load_idx %arg13[%iota3A, %broadcast_in_dim3A_1137] : memref<16x16xf32, #tpu.memory_space<vmem>>[vector<16xi32>, vector<16xi32>], vector<16xf32>,
    %add3A_1139 = arith.addf %add3A_1135, %gather3A_1138 : vector<16xf32>
    %broadcast_in_dim3A_1140 = arith.constant 10 : i32
    %broadcast_in_dim3A_1141 = vector.broadcast %broadcast_in_dim3A_1140 : i32 to vector<16xi32>
    %gather3A_1142 = tpu.vector_load_idx %arg13[%iota3A, %broadcast_in_dim3A_1141] : memref<16x16xf32, #tpu.memory_space<vmem>>[vector<16xi32>, vector<16xi32>], vector<16xf32>,
    %add3A_1143 = arith.addf %add3A_1139, %gather3A_1142 : vector<16xf32>
    %broadcast_in_dim3A_1144 = arith.constant 11 : i32
    %broadcast_in_dim3A_1145 = vector.broadcast %broadcast_in_dim3A_1144 : i32 to vector<16xi32>
    %gather3A_1146 = tpu.vector_load_idx %arg13[%iota3A, %broadcast_in_dim3A_1145] : memref<16x16xf32, #tpu.memory_space<vmem>>[vector<16xi32>, vector<16xi32>], vector<16xf32>,
    %add3A_1147 = arith.addf %add3A_1143, %gather3A_1146 : vector<16xf32>
    %broadcast_in_dim3A_1148 = arith.constant 12 : i32
    %broadcast_in_dim3A_1149 = vector.broadcast %broadcast_in_dim3A_1148 : i32 to vector<16xi32>
    %gather3A_1150 = tpu.vector_load_idx %arg13[%iota3A, %broadcast_in_dim3A_1149] : memref<16x16xf32, #tpu.memory_space<vmem>>[vector<16xi32>, vector<16xi32>], vector<16xf32>,
    %add3A_1151 = arith.addf %add3A_1147, %gather3A_1150 : vector<16xf32>
    %broadcast_in_dim3A_1152 = arith.constant 13 : i32
    %broadcast_in_dim3A_1153 = vector.broadcast %broadcast_in_dim3A_1152 : i32 to vector<16xi32>
    %gather3A_1154 = tpu.vector_load_idx %arg13[%iota3A, %broadcast_in_dim3A_1153] : memref<16x16xf32, #tpu.memory_space<vmem>>[vector<16xi32>, vector<16xi32>], vector<16xf32>,
    %add3A_1155 = arith.addf %add3A_1151, %gather3A_1154 : vector<16xf32>
    %broadcast_in_dim3A_1156 = arith.constant 14 : i32
    %broadcast_in_dim3A_1157 = vector.broadcast %broadcast_in_dim3A_1156 : i32 to vector<16xi32>
    %gather3A_1158 = tpu.vector_load_idx %arg13[%iota3A, %broadcast_in_dim3A_1157] : memref<16x16xf32, #tpu.memory_space<vmem>>[vector<16xi32>, vector<16xi32>], vector<16xf32>,
    %add3A_1159 = arith.addf %add3A_1155, %gather3A_1158 : vector<16xf32>
    %broadcast_in_dim3A_1160 = arith.constant 15 : i32
    %broadcast_in_dim3A_1161 = vector.broadcast %broadcast_in_dim3A_1160 : i32 to vector<16xi32>
    %gather3A_1162 = tpu.vector_load_idx %arg13[%iota3A, %broadcast_in_dim3A_1161] : memref<16x16xf32, #tpu.memory_space<vmem>>[vector<16xi32>, vector<16xi32>], vector<16xf32>,
    %add3A_1163 = arith.addf %add3A_1159, %gather3A_1162 : vector<16xf32>
    %mul3A_1164 = arith.mulf %add3A_1163, %add3A_1163 : vector<16xf32>
    %add3A_1165 = arith.addf %scan3A_40, %mul3A_1164 : vector<16xf32>
    %scan3A_1166 = arith.constant 1 : i32
    %mul3A_1167 = arith.constant 6.250000e-06 : f32
    %mul3A_1168 = vector.broadcast %mul3A_1167 : f32 to vector<16xf32>
    %mul3A_1169 = arith.mulf %add3A_1165, %mul3A_1168 : vector<16xf32>
    %swap3A_1170 = arith.constant 0 : index
    %swap3A_1171 = tpu.vector_load %arg14[%swap3A_1170] {strides = array<i32>} : memref<16xf32, #tpu.memory_space<vmem>>, vector<16xf32>,
    tpu.vector_store %arg14[%swap3A_1170], %mul3A_1169 {strides = array<i32>} : memref<16xf32, #tpu.memory_space<vmem>>, vector<16xf32>,
    "tpu.region"() ({
      %run_scoped3A = tpu.sem_alloc : memref<!tpu.dma_semaphore, #tpu.memory_space<semaphore_mem>>
      %dma_start3A_1172 = arith.constant 0 : i32
      %dma_start3A_1173 = tpu.memref_slice %arg4[%add3A, %dma_start3A_1172] : memref<32x16xf32, #tpu.memory_space<hbm>> -> memref<1x16xf32, #tpu.memory_space<hbm>>
      %dma_start3A_1174 = tpu.memref_squeeze %dma_start3A_1173 : memref<1x16xf32, #tpu.memory_space<hbm>> -> memref<16xf32, #tpu.memory_space<hbm>>
      %dma_start3A_1175 = arith.constant 0 : i32
      %dma_start3A_1176 = tpu.memref_slice %arg4[%add3A, %dma_start3A_1175] : memref<32x16xf32, #tpu.memory_space<hbm>> -> memref<1x16xf32, #tpu.memory_space<hbm>>
      %dma_start3A_1177 = tpu.memref_squeeze %dma_start3A_1176 : memref<1x16xf32, #tpu.memory_space<hbm>> -> memref<16xf32, #tpu.memory_space<hbm>>
      tpu.enqueue_dma source(%arg14 : memref<16xf32, #tpu.memory_space<vmem>>) target(%dma_start3A_1177 : memref<16xf32, #tpu.memory_space<hbm>>) target_semaphore(%run_scoped3A : memref<!tpu.dma_semaphore, #tpu.memory_space<semaphore_mem>>)
      %dma_wait3A_1178 = arith.constant 0 : i32
      %dma_wait3A_1179 = tpu.memref_slice %arg4[%add3A, %dma_wait3A_1178] : memref<32x16xf32, #tpu.memory_space<hbm>> -> memref<1x16xf32, #tpu.memory_space<hbm>>
      %dma_wait3A_1180 = tpu.memref_squeeze %dma_wait3A_1179 : memref<1x16xf32, #tpu.memory_space<hbm>> -> memref<16xf32, #tpu.memory_space<hbm>>
      %dma_wait3A_1181 = arith.constant 0 : i32
      %dma_wait3A_1182 = tpu.memref_slice %arg4[%add3A, %dma_wait3A_1181] : memref<32x16xf32, #tpu.memory_space<hbm>> -> memref<1x16xf32, #tpu.memory_space<hbm>>
      %dma_wait3A_1183 = tpu.memref_squeeze %dma_wait3A_1182 : memref<1x16xf32, #tpu.memory_space<hbm>> -> memref<16xf32, #tpu.memory_space<hbm>>
      tpu.wait_dma2 semaphore(%run_scoped3A : memref<!tpu.dma_semaphore, #tpu.memory_space<semaphore_mem>>) src(%arg14 : memref<16xf32, #tpu.memory_space<vmem>>) dst(%dma_wait3A_1183 : memref<16xf32, #tpu.memory_space<hbm>>)
      tpu.yield
    }) : () -> ()
    return
  }
}

module attributes {stable_mosaic.version = 14 : i64} {
  func.func @_normalize_body(%arg0: i32, %arg1: memref<2000x256xf32, #tpu.memory_space<vmem>>, %arg2: memref<2000x256xf32, #tpu.memory_space<vmem>>, %arg3: memref<2000x256xi32, #tpu.memory_space<vmem>>) attributes {dimension_semantics = [#tpu.dimension_semantics<arbitrary>], iteration_bounds = array<i64: 5>, scalar_prefetch = 0 : i64, scratch_operands = 0 : i64, tpu.core_type = #tpu.core_type<tc>, window_params = [{transform_indices = @transform_0, window_bounds = array<i64: 2000, 256>}, {transform_indices = @transform_1, window_bounds = array<i64: 2000, 256>}, {transform_indices = @transform_2, window_bounds = array<i64: 2000, 256>}]} {
    %get3A = arith.constant 0 : index
    %get3A_0 = arith.constant 0 : index
    %get3A_1 = vector.load %arg1[%get3A, %get3A_0] : memref<2000x256xf32, #tpu.memory_space<vmem>>, vector<2000x256xf32>
    %mul3A = arith.constant 2.000000e+00 : f32
    %mul3A_2 = vector.broadcast %mul3A : f32 to vector<2000x256xf32>
    %mul3A_3 = arith.mulf %get3A_1, %mul3A_2 : vector<2000x256xf32>
    %reduce_max3A = arith.constant dense<0xFF800000> : vector<2000xf32>
    %reduce_max3A_4 = vector.multi_reduction <maximumf>, %mul3A_3, %reduce_max3A [1] : vector<2000x256xf32> to vector<2000xf32>
    %broadcast_in_dim3A = vector.shape_cast %reduce_max3A_4 : vector<2000xf32> to vector<2000x1xf32>
    %sub3A = vector.broadcast %broadcast_in_dim3A : vector<2000x1xf32> to vector<2000x256xf32>
    %sub3A_5 = arith.subf %mul3A_3, %sub3A : vector<2000x256xf32>
    %exp3A = math.exp %sub3A_5 : vector<2000x256xf32>
    %reduce_sum3A = arith.constant dense<0.000000e+00> : vector<2000xf32>
    %reduce_sum3A_6 = vector.multi_reduction <add>, %exp3A, %reduce_sum3A [1] : vector<2000x256xf32> to vector<2000xf32>
    %broadcast_in_dim3A_7 = vector.shape_cast %reduce_sum3A_6 : vector<2000xf32> to vector<2000x1xf32>
    %div3A = vector.broadcast %broadcast_in_dim3A_7 : vector<2000x1xf32> to vector<2000x256xf32>
    %div3A_8 = arith.divf %exp3A, %div3A : vector<2000x256xf32>
    %mul3A_9 = arith.mulf %div3A_8, %div3A_8 : vector<2000x256xf32>
    %reduce_sum3A_10 = arith.constant dense<0.000000e+00> : vector<2000xf32>
    %reduce_sum3A_11 = vector.multi_reduction <add>, %mul3A_9, %reduce_sum3A_10 [1] : vector<2000x256xf32> to vector<2000xf32>
    %broadcast_in_dim3A_12 = vector.shape_cast %reduce_sum3A_11 : vector<2000xf32> to vector<2000x1xf32>
    %sqrt3A = math.sqrt %broadcast_in_dim3A_12 : vector<2000x1xf32>
    %max3A = arith.constant 9.99999996E-13 : f32
    %max3A_13 = vector.broadcast %max3A : f32 to vector<2000x1xf32>
    %max3A_14 = arith.maximumf %sqrt3A, %max3A_13 : vector<2000x1xf32>
    %div3A_15 = vector.broadcast %max3A_14 : vector<2000x1xf32> to vector<2000x256xf32>
    %div3A_16 = arith.divf %div3A_8, %div3A_15 : vector<2000x256xf32>
    %slice3A = vector.extract_strided_slice %div3A_16 {offsets = [0, 0], sizes = [2000, 128], strides = [1, 1]} : vector<2000x256xf32> to vector<2000x128xf32>
    %bitcast_convert_type3A = tpu.bitcast %slice3A : vector<2000x128xf32> -> vector<2000x128xi32>
    %add3A = arith.constant 32767 : i32
    %add3A_17 = vector.broadcast %add3A : i32 to vector<2000x128xi32>
    %add3A_18 = arith.addi %bitcast_convert_type3A, %add3A_17 : vector<2000x128xi32>
    %shift_right_logical3A = arith.constant 16 : i32
    %shift_right_logical3A_19 = vector.broadcast %shift_right_logical3A : i32 to vector<2000x128xi32>
    %shift_right_logical3A_20 = arith.shrui %bitcast_convert_type3A, %shift_right_logical3A_19 : vector<2000x128xi32>
    %and3A = arith.constant 1 : i32
    %and3A_21 = vector.broadcast %and3A : i32 to vector<2000x128xi32>
    %and3A_22 = arith.andi %shift_right_logical3A_20, %and3A_21 : vector<2000x128xi32>
    %add3A_23 = arith.addi %add3A_18, %and3A_22 : vector<2000x128xi32>
    %shift_right_logical3A_24 = arith.constant 16 : i32
    %shift_right_logical3A_25 = vector.broadcast %shift_right_logical3A_24 : i32 to vector<2000x128xi32>
    %shift_right_logical3A_26 = arith.shrui %add3A_23, %shift_right_logical3A_25 : vector<2000x128xi32>
    %slice3A_27 = vector.extract_strided_slice %div3A_16 {offsets = [0, 128], sizes = [2000, 128], strides = [1, 1]} : vector<2000x256xf32> to vector<2000x128xf32>
    %bitcast_convert_type3A_28 = tpu.bitcast %slice3A_27 : vector<2000x128xf32> -> vector<2000x128xi32>
    %add3A_29 = arith.constant 32767 : i32
    %add3A_30 = vector.broadcast %add3A_29 : i32 to vector<2000x128xi32>
    %add3A_31 = arith.addi %bitcast_convert_type3A_28, %add3A_30 : vector<2000x128xi32>
    %shift_right_logical3A_32 = arith.constant 16 : i32
    %shift_right_logical3A_33 = vector.broadcast %shift_right_logical3A_32 : i32 to vector<2000x128xi32>
    %shift_right_logical3A_34 = arith.shrui %bitcast_convert_type3A_28, %shift_right_logical3A_33 : vector<2000x128xi32>
    %and3A_35 = arith.constant 1 : i32
    %and3A_36 = vector.broadcast %and3A_35 : i32 to vector<2000x128xi32>
    %and3A_37 = arith.andi %shift_right_logical3A_34, %and3A_36 : vector<2000x128xi32>
    %add3A_38 = arith.addi %add3A_31, %and3A_37 : vector<2000x128xi32>
    %shift_right_logical3A_39 = arith.constant 16 : i32
    %shift_right_logical3A_40 = vector.broadcast %shift_right_logical3A_39 : i32 to vector<2000x128xi32>
    %shift_right_logical3A_41 = arith.shrui %add3A_38, %shift_right_logical3A_40 : vector<2000x128xi32>
    %shift_left3A = arith.constant 16 : i32
    %shift_left3A_42 = vector.broadcast %shift_left3A : i32 to vector<2000x128xi32>
    %shift_left3A_43 = arith.shli %shift_right_logical3A_41, %shift_left3A_42 : vector<2000x128xi32>
    %or3A = arith.ori %shift_right_logical3A_26, %shift_left3A_43 : vector<2000x128xi32>
    %bitcast_convert_type3A_44 = tpu.bitcast %or3A : vector<2000x128xi32> -> vector<2000x128xi32>
    %swap3A = arith.constant 0 : index
    %swap3A_45 = arith.constant 0 : index
    %swap3A_46 = vector.load %arg3[%swap3A, %swap3A_45] : memref<2000x256xi32, #tpu.memory_space<vmem>>, vector<2000x128xi32>
    tpu.vector_store %arg3[%swap3A, %swap3A_45], %bitcast_convert_type3A_44 {strides = array<i32>} : memref<2000x256xi32, #tpu.memory_space<vmem>>, vector<2000x128xi32>,
    %get3A_47 = arith.constant 0 : index
    %get3A_48 = arith.constant 0 : index
    %get3A_49 = vector.load %arg2[%get3A_47, %get3A_48] : memref<2000x256xf32, #tpu.memory_space<vmem>>, vector<2000x256xf32>
    %mul3A_50 = arith.constant 2.000000e+00 : f32
    %mul3A_51 = vector.broadcast %mul3A_50 : f32 to vector<2000x256xf32>
    %mul3A_52 = arith.mulf %get3A_49, %mul3A_51 : vector<2000x256xf32>
    %reduce_max3A_53 = arith.constant dense<0xFF800000> : vector<2000xf32>
    %reduce_max3A_54 = vector.multi_reduction <maximumf>, %mul3A_52, %reduce_max3A_53 [1] : vector<2000x256xf32> to vector<2000xf32>
    %broadcast_in_dim3A_55 = vector.shape_cast %reduce_max3A_54 : vector<2000xf32> to vector<2000x1xf32>
    %sub3A_56 = vector.broadcast %broadcast_in_dim3A_55 : vector<2000x1xf32> to vector<2000x256xf32>
    %sub3A_57 = arith.subf %mul3A_52, %sub3A_56 : vector<2000x256xf32>
    %exp3A_58 = math.exp %sub3A_57 : vector<2000x256xf32>
    %reduce_sum3A_59 = arith.constant dense<0.000000e+00> : vector<2000xf32>
    %reduce_sum3A_60 = vector.multi_reduction <add>, %exp3A_58, %reduce_sum3A_59 [1] : vector<2000x256xf32> to vector<2000xf32>
    %broadcast_in_dim3A_61 = vector.shape_cast %reduce_sum3A_60 : vector<2000xf32> to vector<2000x1xf32>
    %div3A_62 = vector.broadcast %broadcast_in_dim3A_61 : vector<2000x1xf32> to vector<2000x256xf32>
    %div3A_63 = arith.divf %exp3A_58, %div3A_62 : vector<2000x256xf32>
    %mul3A_64 = arith.mulf %div3A_63, %div3A_63 : vector<2000x256xf32>
    %reduce_sum3A_65 = arith.constant dense<0.000000e+00> : vector<2000xf32>
    %reduce_sum3A_66 = vector.multi_reduction <add>, %mul3A_64, %reduce_sum3A_65 [1] : vector<2000x256xf32> to vector<2000xf32>
    %broadcast_in_dim3A_67 = vector.shape_cast %reduce_sum3A_66 : vector<2000xf32> to vector<2000x1xf32>
    %sqrt3A_68 = math.sqrt %broadcast_in_dim3A_67 : vector<2000x1xf32>
    %max3A_69 = arith.constant 9.99999996E-13 : f32
    %max3A_70 = vector.broadcast %max3A_69 : f32 to vector<2000x1xf32>
    %max3A_71 = arith.maximumf %sqrt3A_68, %max3A_70 : vector<2000x1xf32>
    %div3A_72 = vector.broadcast %max3A_71 : vector<2000x1xf32> to vector<2000x256xf32>
    %div3A_73 = arith.divf %div3A_63, %div3A_72 : vector<2000x256xf32>
    %slice3A_74 = vector.extract_strided_slice %div3A_73 {offsets = [0, 0], sizes = [2000, 128], strides = [1, 1]} : vector<2000x256xf32> to vector<2000x128xf32>
    %bitcast_convert_type3A_75 = tpu.bitcast %slice3A_74 : vector<2000x128xf32> -> vector<2000x128xi32>
    %add3A_76 = arith.constant 32767 : i32
    %add3A_77 = vector.broadcast %add3A_76 : i32 to vector<2000x128xi32>
    %add3A_78 = arith.addi %bitcast_convert_type3A_75, %add3A_77 : vector<2000x128xi32>
    %shift_right_logical3A_79 = arith.constant 16 : i32
    %shift_right_logical3A_80 = vector.broadcast %shift_right_logical3A_79 : i32 to vector<2000x128xi32>
    %shift_right_logical3A_81 = arith.shrui %bitcast_convert_type3A_75, %shift_right_logical3A_80 : vector<2000x128xi32>
    %and3A_82 = arith.constant 1 : i32
    %and3A_83 = vector.broadcast %and3A_82 : i32 to vector<2000x128xi32>
    %and3A_84 = arith.andi %shift_right_logical3A_81, %and3A_83 : vector<2000x128xi32>
    %add3A_85 = arith.addi %add3A_78, %and3A_84 : vector<2000x128xi32>
    %shift_right_logical3A_86 = arith.constant 16 : i32
    %shift_right_logical3A_87 = vector.broadcast %shift_right_logical3A_86 : i32 to vector<2000x128xi32>
    %shift_right_logical3A_88 = arith.shrui %add3A_85, %shift_right_logical3A_87 : vector<2000x128xi32>
    %slice3A_89 = vector.extract_strided_slice %div3A_73 {offsets = [0, 128], sizes = [2000, 128], strides = [1, 1]} : vector<2000x256xf32> to vector<2000x128xf32>
    %bitcast_convert_type3A_90 = tpu.bitcast %slice3A_89 : vector<2000x128xf32> -> vector<2000x128xi32>
    %add3A_91 = arith.constant 32767 : i32
    %add3A_92 = vector.broadcast %add3A_91 : i32 to vector<2000x128xi32>
    %add3A_93 = arith.addi %bitcast_convert_type3A_90, %add3A_92 : vector<2000x128xi32>
    %shift_right_logical3A_94 = arith.constant 16 : i32
    %shift_right_logical3A_95 = vector.broadcast %shift_right_logical3A_94 : i32 to vector<2000x128xi32>
    %shift_right_logical3A_96 = arith.shrui %bitcast_convert_type3A_90, %shift_right_logical3A_95 : vector<2000x128xi32>
    %and3A_97 = arith.constant 1 : i32
    %and3A_98 = vector.broadcast %and3A_97 : i32 to vector<2000x128xi32>
    %and3A_99 = arith.andi %shift_right_logical3A_96, %and3A_98 : vector<2000x128xi32>
    %add3A_100 = arith.addi %add3A_93, %and3A_99 : vector<2000x128xi32>
    %shift_right_logical3A_101 = arith.constant 16 : i32
    %shift_right_logical3A_102 = vector.broadcast %shift_right_logical3A_101 : i32 to vector<2000x128xi32>
    %shift_right_logical3A_103 = arith.shrui %add3A_100, %shift_right_logical3A_102 : vector<2000x128xi32>
    %shift_left3A_104 = arith.constant 16 : i32
    %shift_left3A_105 = vector.broadcast %shift_left3A_104 : i32 to vector<2000x128xi32>
    %shift_left3A_106 = arith.shli %shift_right_logical3A_103, %shift_left3A_105 : vector<2000x128xi32>
    %or3A_107 = arith.ori %shift_right_logical3A_88, %shift_left3A_106 : vector<2000x128xi32>
    %bitcast_convert_type3A_108 = tpu.bitcast %or3A_107 : vector<2000x128xi32> -> vector<2000x128xi32>
    %swap3A_109 = arith.constant 0 : index
    %swap3A_110 = arith.constant 128 : index
    %swap3A_111 = vector.load %arg3[%swap3A_109, %swap3A_110] : memref<2000x256xi32, #tpu.memory_space<vmem>>, vector<2000x128xi32>
    tpu.vector_store %arg3[%swap3A_109, %swap3A_110], %bitcast_convert_type3A_108 {strides = array<i32>} : memref<2000x256xi32, #tpu.memory_space<vmem>>, vector<2000x128xi32>,
    return
  }
  func.func @transform_0(%arg0: i32) -> (i32, i32) {
    %c0_i32 = arith.constant 0 : i32
    %c0_i32_0 = arith.constant 0 : i32
    return %arg0, %c0_i32 : i32, i32
  }
  func.func @transform_1(%arg0: i32) -> (i32, i32) {
    %c0_i32 = arith.constant 0 : i32
    %c0_i32_0 = arith.constant 0 : i32
    return %arg0, %c0_i32 : i32, i32
  }
  func.func @transform_2(%arg0: i32) -> (i32, i32) {
    %c0_i32 = arith.constant 0 : i32
    %c0_i32_0 = arith.constant 0 : i32
    return %arg0, %c0_i32 : i32, i32
  }
}

</mosaic_0001>

<sc_bundles>
// kernel: kernel.4.cloned.1.call-start
scs
__scs_entry_jumppad:
0x0: {  	(pc) =	sbr.rel $0x88, $3  }
0x1: {  	(tag) =	ssettag $0x0;
	lr =	simm.s32 $0x1  }
0x2: {  	[smem:$0x3F9E] =	sst lr;
	_ =	strace $0xD0000000  }
0x3: {  	_ = 	snop  }
0x4: {  	_ = 	snop  }
0x5: {  	_ = 	snop  }
0x6: {  	_ = 	snop  }
0x7: {  	_ = 	snop  }
__scs_overlays_trampoline_lowered:
0x8: {  	[smem:$0x3FAD] =	sst s0  }
0x9: {  	[smem:$0x3FAE] =	sst s1  }
0xa: {  	[smem:$0x3FAF] =	sst s2  }
0xb: {  	[smem:$0x3FB0] =	sst s3  }
0xc: {  	[smem:$0x3FB1] =	sst s4  }
0xd: {  	[smem:$0x3FB2] =	sst s5  }
0xe: {  	[smem:$0x3FB3] =	sst s6  }
0xf: {  	[smem:$0x3FB4] =	sst s7  }
0x10: {  	[smem:$0x3FB5] =	sst s8  }
0x11: {  	[smem:$0x3FB6] =	sst s9;
	s0 =	simm.s32 @!p0 $0x0  }
0x12: {  	s1 =	sld [smem:$0x3F9C];
	s0 =	simm.s32 @p0 $0x1  }
0x13: {  	[smem:$0x3FB7] =	sst s0;
	s0 =	simm.s32 @!p1 $0x0  }
0x14: {  	s2 =	sld [smem:$0x3F9B];
	s0 =	simm.s32 @p1 $0x1  }
0x15: {  	[smem:$0x3FB8] =	sst s0;
	s0 =	simm.s32 @!p2 $0x0  }
0x16: {  	s3 =	sld [smem:$0x3FDB];
	s0 =	simm.s32 @p2 $0x1  }
0x17: {  	s4 =	simm.s32 $0x1BF5;
	[smem:$0x3FBA] =	sst s0  }
0x18: {  	s0 =	sld [smem:$0x3F9D];
	_ =	swait.ge [sflag:s4], $0x0  }
0x19: {  	s7 =	sld [smem:$0x3F9E]  }
0x1a: {  	s8 =	sadd.s32 $0xFFFFE003, lr  }
0x1b: {  	s9 =	sadd.s32 $0xFFFFFEF7, lr;
	s5 =	simm.s32 $0xFFFFFFFF;
	p2 =	slt.u32 s8, $0xFFFFF086  }
0x1c: {  	p1 =	slt.u32 s9, $0xF7A;
	s5 =	simm.s32 @!p2 $0x0  }
0x1d: {  	s5 =	simm.s32 @p1 $0x1;
	p0 =	seq.s32 s7, s2  }
0x1e: {  	s7 =	smul.u32 @!p0 $0xF7A, s2;
	p2 =	seq.s32 @!p0 s5, $0x0  }
0x1f: {  	s9 =	smul.u32 $0xF7A, s1;
	s8 =	simm.s32 @!p0 $0x1BF5;
	p2 =	por !p2, p0  }
0x20: {  	[sflag:s8] =	ssyncset.s32 @!p0 $0xFFFFF086;
	s6 =	sadd.s32 @!p0 s3, s7;
	s7 =	simm.s32 @!p0 $0x108  }
0x21: {  	s3 =	sadd.s32 s3, s9;
	s6 =	sadd.s32 @!p0 $0x88, s6;
	s7 =	simm.s32 @p2 $0x1082  }
0x22: {  	[simem:s7], [sflag:s8] =	dma.local @!p0 [hbm:s6], $0xF7A  }
0x23: {  	s9 =	sor.u32 $0xD0000000, s2;
	s6 =	simm.s32 $0x108;
	_ =	swait.ge @!p0 [sflag:s8], $0x0  }
0x24: {  	s3 =	sadd.s32 $0x88, s3;
	s6 =	simm.s32 @!p1 $0x1082;
	[sflag:s4] =	ssyncset.s32 $0xFFFFF086  }
0x25: {  	[simem:s6], [sflag:s4] =	dma.local [hbm:s3], $0xF7A  }
0x26: {  	[smem:$0x3F9E] =	sst s1;
	(tag) =	ssettag s2;
	_ =	strace s9  }
0x27: {  	s1 =	sld [smem:$0x3FAE]  }
0x28: {  	s2 =	sld [smem:$0x3FAF]  }
0x29: {  	s4 =	sld [smem:$0x3FB1]  }
0x2a: {  	p0 =	seq.s32 s5, $0x0;
	s5 =	sld [smem:$0x3FB2]  }
0x2b: {  	s6 =	sld [smem:$0x3FB3]  }
0x2c: {  	s7 =	sld [smem:$0x3FB4]  }
0x2d: {  	s3 =	simm.s32 $0x108;
	s8 =	sld [smem:$0x3FB5]  }
0x2e: {  	s3 =	simm.s32 @!p0 $0x1082;
	s9 =	sld [smem:$0x3FB6]  }
0x2f: {  	lr =	sadd.s32 s0, s3;
	s0 =	sld [smem:$0x3FAD]  }
0x30: {  	s3 =	sld [smem:$0x3FB0]  }
0x31: {  	[smem:$0x3FB9] =	sst s10  }
0x32: {  	s10 =	sld [smem:$0x3FB7];
	_ =	sdelay $0x3  }
0x33: {  	p0 =	seq.s32 s10, $0x1;
	s10 =	sld [smem:$0x3FB9];
	_ =	sdelay $0x3  }
0x34: {  	[smem:$0x3FB9] =	sst s10  }
0x35: {  	s10 =	sld [smem:$0x3FB8];
	_ =	sdelay $0x3  }
0x36: {  	p1 =	seq.s32 s10, $0x1;
	s10 =	sld [smem:$0x3FB9];
	_ =	sdelay $0x3  }
0x37: {  	[smem:$0x3FB9] =	sst s10  }
0x38: {  	s10 =	sld [smem:$0x3FBA]  }
0x39: {  	_ = 	snop;
	(pc) =	sbr.ind lr, $3  }
0x3a: {  	_ = 	snop  }
0x3b: {  	_ = 	snop  }
0x3c: {  	p2 =	seq.s32 s10, $0x1;
	s10 =	sld [smem:$0x3FB9]  }
0x3d: {  	_ =	shalt  }
0x3e: {  	_ =	shalt  }
0x3f: {  	_ =	shalt  }
0x40: {  	_ =	shalt  }
0x41: {  	_ =	shalt  }
0x42: {  	_ =	shalt  }
0x43: {  	_ =	shalt  }
0x44: {  	_ =	shalt  }
0x45: {  	_ =	shalt  }
0x46: {  	_ =	shalt  }
0x47: {  	_ =	shalt  }
0x48: {  	_ =	shalt  }
0x49: {  	_ =	shalt  }
0x4a: {  	_ =	shalt  }
0x4b: {  	_ =	shalt  }
0x4c: {  	_ =	shalt  }
0x4d: {  	_ =	shalt  }
0x4e: {  	_ =	shalt  }
0x4f: {  	_ =	shalt  }
0x50: {  	_ =	shalt  }
0x51: {  	_ =	shalt  }
0x52: {  	_ =	shalt  }
0x53: {  	_ =	shalt  }
0x54: {  	_ =	shalt  }
0x55: {  	_ =	shalt  }
0x56: {  	_ =	shalt  }
0x57: {  	_ =	shalt  }
0x58: {  	_ =	shalt  }
0x59: {  	_ =	shalt  }
0x5a: {  	_ =	shalt  }
0x5b: {  	_ =	shalt  }
0x5c: {  	_ =	shalt  }
0x5d: {  	_ =	shalt  }
0x5e: {  	_ =	shalt  }
0x5f: {  	_ =	shalt  }
0x60: {  	_ =	shalt  }
0x61: {  	_ =	shalt  }
0x62: {  	_ =	shalt  }
0x63: {  	_ =	shalt  }
0x64: {  	_ =	shalt  }
0x65: {  	_ =	shalt  }
0x66: {  	_ =	shalt  }
0x67: {  	_ =	shalt  }
0x68: {  	_ =	shalt  }
0x69: {  	_ =	shalt  }
0x6a: {  	_ =	shalt  }
0x6b: {  	_ =	shalt  }
0x6c: {  	_ =	shalt  }
0x6d: {  	_ =	shalt  }
0x6e: {  	_ =	shalt  }
0x6f: {  	_ =	shalt  }
0x70: {  	_ =	shalt  }
0x71: {  	_ =	shalt  }
0x72: {  	_ =	shalt  }
0x73: {  	_ =	shalt  }
0x74: {  	_ =	shalt  }
0x75: {  	_ =	shalt  }
0x76: {  	_ =	shalt  }
0x77: {  	_ =	shalt  }
0x78: {  	_ =	shalt  }
0x79: {  	_ =	shalt  }
0x7a: {  	_ =	shalt  }
0x7b: {  	_ =	shalt  }
0x7c: {  	_ =	shalt  }
0x7d: {  	_ =	shalt  }
0x7e: {  	_ =	shalt  }
0x7f: {  	_ =	shalt  }
0x80: {  	_ =	shalt  }
0x81: {  	_ =	shalt  }
0x82: {  	_ =	shalt  }
0x83: {  	_ =	shalt  }
0x84: {  	_ =	shalt  }
0x85: {  	_ =	shalt  }
0x86: {  	_ =	shalt  }
0x87: {  	_ =	shalt  }
.Lfunc_end0:
.L_simem_size_0:
called_computation_lowered:
.L_overlay_start_0:
0x88: {  	s2 =	sld [smem:$0x3FD9]  }
0x89: {  	s3 =	sld [smem:$0x3FFE];
	_ =	sdelay $0x1  }
0x8a: {  	s1 =	srdreg.scid  }
0x8b: {  	s0 =	sand.u32 $0x1, s1  }
0x8c: {  	s16 =	sshll.u32 s0, $0xA;
	s2 =	sadd.s32 s3, s2  }
0x8d: {  	s2 =	sadd.s32 s2, s16  }
0x8e: {  	[smem:$0x3FC5] =	sst s2  }
0x8f: {  	_ = 	snop  }
0x90: {  	(tm) =	ssettm $0x1  }
0x91: {  	s17 =	sld [smem:$0x3FFB];
	_ =	sdelay $0x3  }
0x92: {  	_ =	strace s17  }
0x93: {  	s2 =	sld [smem:$0x3FFC];
	_ =	sdelay $0x3  }
0x94: {  	_ =	strace s2  }
0x95: {  	s2 =	sld [smem:$0x3FFD];
	_ =	sdelay $0x3  }
0x96: {  	_ =	strace s2  }
0x97: {  	_ =	strace $0x8FFFFFFF  }
0x98: {  	s18 =	sld [smem:$0x3FDB];
	_ =	sdelay $0x1  }
0x99: {  	s19 =	simm.s32 $_scs_section_size  }
0x9a: {  	s4 =	simm.s32 $_size__tile_overlayer_lowered;
	s5 =	simm.s32 $_tile_overlayer_lowered  }
0x9b: {  	s22 =	simm.s32 $0x1BFF;
	s21 =	sshll.u32 s5, $0x1;
	s2 =	sadd.s32 s19, s18  }
0x9c: {  	s6 =	simm.s32 $0x0;
	s20 =	sshll.u32 s4, $0x1;
	s4 =	sadd.s32 s21, s2  }
0x9d: {  	[timem:s6], [sflag:s22] =	dma.local [hbm:s4], s20  }
0x9e: {  	_ =	swait.ge [sflag:s22], s20  }
0x9f: {  	s3 =	ssub.s32 $0x0, s20;
	[sflag:s22] =	ssyncset.done $0x0  }
0xa0: {  	[sflag:s22] =	ssyncadd.s32 s3;
	_ =	sdelay $0x1  }
0xa1: {  	s23 =	simm.s32 $0x1B8B  }
0xa2: {  	_ =	swait.ge [sflag:s23], $0x1  }
0xa3: {  	[sflag:s23] =	ssyncset.done $0x0  }
0xa4: {  	s25 =	simm.s32 $0x1B8E;
	s24 =	sld [smem:$0x3FFE];
	[sflag:s23] =	ssyncadd.s32 $0xFFFFFFFF  }
0xa5: {  	s26 =	simm.s32 $execute0_lowered;
	[smem:$0x3FD2] =	sst s25  }
0xa6: {  	s4 =	sshll.u32 s26, $0x1;
	_ =	strace $0x80000046;
	[dreg:$0x1] =	wrdreg $0xFFFFFFFF  }
0xa7: {  	s28 =	simm.s32 $_size_execute0_lowered;
	s2 =	sadd.s32 s2, s4;
	[dreg:$0x0] =	wrdreg $0x0  }
0xa8: {  	s4 =	sshll.u32 s28, $0x1;
	[dreg:$0x2] =	wrdreg s2  }
0xa9: {  	[dreg:$0x3] =	wrdreg s4  }
0xaa: {  	[dreg:$0x4] =	wrdreg $0xC0  }
0xab: {  	_ =	task [dreg:s6], $0x5FFFF  }
0xac: {  	[dreg:$0x1] =	wrdreg $0xFFFFFFFF  }
0xad: {  	[dreg:$0x0] =	wrdreg $0x60  }
0xae: {  	[dreg:$0x2] =	wrdreg s24  }
0xaf: {  	[dreg:$0x3] =	wrdreg $0x9  }
0xb0: {  	_ =	task.clear_ibuf [dreg:s6], $0x4FFFF;
	_ =	strace $0x90000046  }
0xb1: {  	s29 =	simm.s32 $0x9;
	_ =	strace $0x80000048  }
0xb2: {  	_ =	swait.ge [sflag:s29], $0x1  }
0xb3: {  	[sflag:s29] =	ssyncadd.s32 $0xFFFFFFFF  }
0xb4: {  	_ =	strace $0x90000048  }
0xb5: {  	_ =	sfence  }
0xb6: {  	s30 =	sld [smem:$0x0];
	_ =	sdelay $0x2  }
0xb7: {  	s31 =	sshll.u32 s1, $0xD;
	s1 =	sshrl.u32 s1, $0x2  }
0xb8: {  	s3 =	sand.u32 $0x4000, s31;
	s1 =	sadd.s32 s1, s30  }
0xb9: {  	s0 =	sor.u32 s3, s0;
	s1 =	sshll.u32 s1, $0x11  }
0xba: {  	s0 =	sor.u32 s1, s0  }
0xbb: {  	s0 =	sadd.s32 $0x8F2B, s0  }
0xbc: {  	[sflag:s0] =	ssyncadd.remote.s32 $0x1  }
0xbd: {  	_ =	sfence.sel $0xFFFF  }
0xbe: {  	[dreg:$0x0] =	wrdreg $0xFFFFFFFF;
	(pc) =	sbr.abs _section_cstart, $3  }
0xbf: {  	[dreg:$0x1] =	wrdreg $0xFFFFFFFF  }
0xc0: {  	_ =	task.clear_ibuf [dreg:s6], $0x2FFFF;
	_ =	strace $0x9FFFFFFF  }
0xc1: {  	(tm) =	ssettm $0x7FFFFFFF  }
tec
execute0_lowered:
.L_overlay_start_1:
0x0: {  	(tag) =	ssettag $0x1  }
0x1: {  	s0 =	srdreg.scid;
	s2 =	stileid.u32  }
0x2: {  	s1 =	rddreg [dreg:$0x0];
	s8 =	simm.s32 $0x7;
	s9 =	simm.s32 $0x1388  }
0x3: {  	s10 =	simm.s32 $0x40;
	s11 =	simm.s32 $0x2710;
	s12 =	simm.s32 $0x6710  }
0x4: {  	s16 =	simm.s32 $0x12710;
	s17 =	simm.s32 $0x16710;
	s18 =	simm.s32 $0x1  }
0x5: {  	s19 =	simm.s32 $0x2;
	s20 =	simm.s32 $0x1A710;
	s21 =	simm.s32 $0x3  }
0x6: {  	v0 =	vlaneseq.u32;
	s22 =	simm.s32 $0x4;
	s23 =	simm.s32 $0x5;
	s24 =	simm.s32 $0x6  }
0x7: {  	s25 =	simm.s32 $0x8;
	s0 =	sand.u32 $0x1, s0;
	s3 =	sshll.u32 s2, $0x1;
	v0 =	vmul.u32 $0x10, v0  }
0x8: {  	v16 =	vimm.s32 $0x0;
	s30 =	simm.s32 $0x0;
	s2 =	simm.s32 $0x0;
	s4 =	sor.u32 s0, s3  }
0x9: {  	[smem:$0x7FF] =	sst s2;
	s0 =	ssub.s32 $0x2, s0;
	s5 =	smul.u32 $0x1388, s4;
	v1 =	vor.u32 $0x1, v0;
	v2 =	vor.u32 $0x2, v0;
	v3 =	vor.u32 $0x3, v0  }
0xa: {  	s3 =	sadd.s32 $0x400, s1;
	_ =	strace $0x80000047;
	s31 =	sshrl.u32 s0, $0x1;
	v4 =	vor.u32 $0x4, v0;
	v5 =	vor.u32 $0x5, v0;
	v6 =	vor.u32 $0x6, v0  }
0xb: {  	s4 =	sshll.u32 s4, $0x1;
	v7 =	vor.u32 $0x7, v0;
	v8 =	vor.u32 $0x8, v0;
	v9 =	vor.u32 $0x9, v0;
	s0 =	ssub.s32 s0, s31;
	s5 =	sshrl.u32 s5, $0x3  }
0xc: {  	v10 =	vor.u32 $0xA, v0;
	v11 =	vor.u32 $0xB, v0;
	v12 =	vor.u32 $0xC, v0;
	s7 =	smax.u32 s0, $0x1;
	s5 =	sadd.s32 s5, s1;
	s1 =	sadd.s32 s4, s1  }
0xd: {  	v13 =	vor.u32 $0xD, v0;
	v14 =	vor.u32 $0xE, v0;
	v15 =	vor.u32 $0xF, v0;
	s4 =	sadd.s32 $0x4E600, s5;
	s5 =	sadd.s32 $0x53420, s5;
	s6 =	sadd.s32 $0x58400, s1  }
.LBB2_1:
0xe: {  	[tilespmem:s2], [sflag:$0x7] =	stream.linear.gather [hbm4b:s4+s2], $0x1388, $0x38;
	[tilespmem:$0x1A820] =	vst v63  }
0xf: {  	_ =	swait.ge [sflag:s8], $0x1388  }
0x10: {  	[sflag:s8] =	ssyncset.done $0x0  }
0x11: {  	[sflag:s8] =	ssyncadd.s32 $0xFFFFEC78  }
0x12: {  	[tilespmem:s9], [sflag:$0x7] =	stream.linear.gather [hbm4b:s5+s2], $0x1388, $0x38;
	[tilespmem:$0x1A820] =	vst v63  }
0x13: {  	_ =	swait.ge [sflag:s8], $0x1388  }
0x14: {  	[sflag:s8] =	ssyncset.done $0x0  }
0x15: {  	[sflag:s8] =	ssyncadd.s32 $0xFFFFEC78  }
0x16: {  	[tilespmem:s11], [sflag:$0x1] =	stream.indirect.gather [hbm4b:s3+s10], $0x100, s2, s10, $0xb8;
	[tilespmem:$0x1A820] =	vst v63  }
0x17: {  	_ = 	snop  }
0x18: {  	[tilespmem:s12], [sflag:$0x2] =	stream.indirect.gather [hbm4b:s3+s10], $0x100, s9, s10, $0xb8;
	[tilespmem:$0x1A820] =	vst v63  }
0x19: {  	s0 =	simm.s32 $0xA710  }
0x1a: {  	[tilespmem:s0], [sflag:$0x3] =	stream.indirect.gather [hbm4b:s3+s10], $0x100, s10, s10, $0xb8;
	[tilespmem:$0x1A820] =	vst v63  }
0x1b: {  	s29 =	simm.s32 $0x13C8;
	s1 =	simm.s32 $0xE710;
	s31 =	simm.s32 $0x0  }
0x1c: {  	v17 =	vimm.f32 $0.0e+00;
	[tilespmem:s1], [sflag:$0x4] =	stream.indirect.gather [hbm4b:s3+s10], $0x100, s29, s10, $0xb8;
	[tilespmem:$0x1A820] =	vst v63  }
.LBB2_2:
0x1d: {  	s1 =	smul.u32 $0xC0, s31;
	_ =	sdelay $0x1  }
0x1e: {  	s0 =	sadd.s32 $0x80, s1  }
0x1f: {  	[tilespmem:s16], [sflag:$0x5] =	stream.indirect.gather [hbm4b:s3+s10], $0x100, s0, s10, $0xb8;
	[tilespmem:$0x1A820] =	vst v63  }
0x20: {  	s28 =	sadd.s32 $0x1408, s1  }
0x21: {  	[tilespmem:s17], [sflag:$0x6] =	stream.indirect.gather [hbm4b:s3+s10], $0x100, s28, s10, $0xb8;
	[tilespmem:$0x1A820] =	vst v63  }
0x22: {  	_ =	swait.ge [sflag:s18], $0x4000  }
0x23: {  	[sflag:s18] =	ssyncset.done $0x0  }
0x24: {  	[sflag:s18] =	ssyncadd.s32 $0xFFFFC000  }
0x25: {  	_ =	swait.ge [sflag:s19], $0x4000  }
0x26: {  	s29 =	simm.s32 $0x6810;
	[sflag:s19] =	ssyncset.done $0x0  }
0x27: {  	s14 =	simm.s32 $0x2810;
	s0 =	simm.s32 $0x0;
	[sflag:s19] =	ssyncadd.s32 $0xFFFFC000  }
.LBB2_3:
0x28: {  	v18 =	vld [tilespmem:s14+$0x0]  }
0x29: {  	v19 =	vld [tilespmem:s29+$0x0]  }
0x2a: {  	v20 =	vld [tilespmem:s14+$0x10]  }
0x2b: {  	v21 =	vld [tilespmem:s29+$0x10]  }
0x2c: {  	v22 =	vld [tilespmem:s14+$0x20]  }
0x2d: {  	v23 =	vld [tilespmem:s29+$0x20]  }
0x2e: {  	v24 =	vld [tilespmem:s29+$0x30];
	v18 =	vmul.bf16 v19, v18  }
0x2f: {  	v19 =	vld [tilespmem:s14+$0x30]  }
0x30: {  	v20 =	vmul.bf16 v21, v20;
	v21 =	vld [tilespmem:s14+$0x40];
	v25 =	vunpack.i.u.bf16.f32 v18;
	v18 =	vunpack.i.l.bf16.f32 v18  }
0x31: {  	v18 =	vadd.f32 v18, v25;
	v25 =	vld [tilespmem:s29+$0x40]  }
0x32: {  	v22 =	vmul.bf16 v23, v22;
	v23 =	vld [tilespmem:s14+$0x50];
	v26 =	vunpack.i.u.bf16.f32 v20;
	v20 =	vunpack.i.l.bf16.f32 v20  }
0x33: {  	v20 =	vadd.f32 v20, v26;
	v26 =	vld [tilespmem:s29+$0x50];
	v18 =	vadd.f32 $0.0e+00, v18  }
0x34: {  	v27 =	vunpack.i.u.bf16.f32 v22;
	v22 =	vunpack.i.l.bf16.f32 v22;
	v19 =	vmul.bf16 v24, v19;
	v24 =	vld [tilespmem:s14+$0x60]  }
0x35: {  	v18 =	vadd.f32 v20, v18;
	v20 =	vadd.f32 v22, v27;
	v22 =	vld [tilespmem:s29+$0x60]  }
0x36: {  	v27 =	vunpack.i.u.bf16.f32 v19;
	v19 =	vunpack.i.l.bf16.f32 v19;
	v21 =	vmul.bf16 v25, v21;
	v25 =	vld [tilespmem:s14+$0x70]  }
0x37: {  	v19 =	vadd.f32 v19, v27;
	v18 =	vadd.f32 v20, v18;
	v20 =	vld [tilespmem:s29+$0x70]  }
0x38: {  	v23 =	vmul.bf16 v26, v23;
	v26 =	vld [tilespmem:s14+$0x80];
	v27 =	vunpack.i.u.bf16.f32 v21;
	v21 =	vunpack.i.l.bf16.f32 v21  }
0x39: {  	v18 =	vadd.f32 v19, v18;
	v19 =	vadd.f32 v21, v27;
	v21 =	vld [tilespmem:s29+$0x80]  }
0x3a: {  	v27 =	vunpack.i.u.bf16.f32 v23;
	v23 =	vunpack.i.l.bf16.f32 v23;
	v22 =	vmul.bf16 v22, v24;
	v24 =	vld [tilespmem:s14+$0x90]  }
0x3b: {  	v18 =	vadd.f32 v19, v18;
	v19 =	vadd.f32 v23, v27;
	v23 =	vld [tilespmem:s29+$0x90]  }
0x3c: {  	v27 =	vunpack.i.u.bf16.f32 v22;
	v22 =	vunpack.i.l.bf16.f32 v22;
	v20 =	vmul.bf16 v20, v25;
	v25 =	vld [tilespmem:s14+$0xA0]  }
0x3d: {  	v18 =	vadd.f32 v19, v18;
	v19 =	vadd.f32 v22, v27;
	v22 =	vld [tilespmem:s29+$0xA0]  }
0x3e: {  	v27 =	vunpack.i.u.bf16.f32 v20;
	v20 =	vunpack.i.l.bf16.f32 v20;
	v21 =	vmul.bf16 v21, v26;
	v26 =	vld [tilespmem:s14+$0xB0]  }
0x3f: {  	v18 =	vadd.f32 v19, v18;
	v19 =	vadd.f32 v20, v27;
	v20 =	vld [tilespmem:s29+$0xB0]  }
0x40: {  	v27 =	vunpack.i.u.bf16.f32 v21;
	v21 =	vunpack.i.l.bf16.f32 v21;
	v23 =	vmul.bf16 v23, v24;
	v24 =	vld [tilespmem:s14+$0xC0]  }
0x41: {  	v18 =	vadd.f32 v19, v18;
	v19 =	vadd.f32 v21, v27;
	v21 =	vld [tilespmem:s29+$0xC0]  }
0x42: {  	v27 =	vunpack.i.u.bf16.f32 v23;
	v23 =	vunpack.i.l.bf16.f32 v23;
	v22 =	vmul.bf16 v22, v25;
	v25 =	vld [tilespmem:s14+$0xD0]  }
0x43: {  	v18 =	vsub.f32 v18, v19;
	v19 =	vadd.f32 v23, v27;
	v23 =	vld [tilespmem:s29+$0xD0]  }
0x44: {  	v27 =	vunpack.i.u.bf16.f32 v22;
	v22 =	vunpack.i.l.bf16.f32 v22;
	v20 =	vmul.bf16 v20, v26;
	v26 =	vld [tilespmem:s14+$0xE0]  }
0x45: {  	v18 =	vsub.f32 v18, v19;
	v19 =	vadd.f32 v22, v27;
	v22 =	vld [tilespmem:s29+$0xE0]  }
0x46: {  	v27 =	vunpack.i.u.bf16.f32 v20;
	v20 =	vunpack.i.l.bf16.f32 v20;
	v21 =	vmul.bf16 v21, v24;
	v24 =	vld [tilespmem:s14+$0xF0]  }
0x47: {  	v18 =	vsub.f32 v18, v19;
	v19 =	vadd.f32 v20, v27;
	v20 =	vld [tilespmem:s29+$0xF0]  }
0x48: {  	v27 =	vld [tilespmem:s29+$0xFFFFFF00];
	v28 =	vunpack.i.u.bf16.f32 v21;
	v21 =	vunpack.i.l.bf16.f32 v21;
	v23 =	vmul.bf16 v23, v25  }
0x49: {  	v25 =	vld [tilespmem:s14+$0xFFFFFF00];
	v18 =	vsub.f32 v18, v19;
	v19 =	vadd.f32 v21, v28  }
0x4a: {  	v21 =	vld [tilespmem:s14+$0xFFFFFF10];
	v57 =	vunpack.i.u.bf16.f32 v23;
	v23 =	vunpack.i.l.bf16.f32 v23;
	v22 =	vmul.bf16 v22, v26  }
0x4b: {  	v26 =	vld [tilespmem:s29+$0xFFFFFF10];
	v18 =	vsub.f32 v18, v19;
	v19 =	vadd.f32 v23, v57  }
0x4c: {  	v23 =	vld [tilespmem:s14+$0xFFFFFF20];
	v58 =	vunpack.i.u.bf16.f32 v22;
	v22 =	vunpack.i.l.bf16.f32 v22;
	v20 =	vmul.bf16 v20, v24  }
0x4d: {  	v24 =	vld [tilespmem:s29+$0xFFFFFF20];
	v18 =	vsub.f32 v18, v19;
	v19 =	vadd.f32 v22, v58  }
0x4e: {  	v59 =	vld [tilespmem:s29+$0xFFFFFF30];
	v22 =	vmul.bf16 v27, v25;
	v27 =	vunpack.i.u.bf16.f32 v20;
	v20 =	vunpack.i.l.bf16.f32 v20  }
0x4f: {  	v25 =	vld [tilespmem:s14+$0xFFFFFF30];
	v18 =	vsub.f32 v18, v19;
	v19 =	vadd.f32 v20, v27  }
0x50: {  	v20 =	vunpack.i.u.bf16.f32 v22;
	v22 =	vunpack.i.l.bf16.f32 v22;
	v21 =	vmul.bf16 v26, v21;
	v26 =	vld [tilespmem:s14+$0xFFFFFF40]  }
0x51: {  	v20 =	vadd.f32 v22, v20;
	v22 =	vld [tilespmem:s29+$0xFFFFFF40];
	v27 =	vsub.f32 v18, v19  }
0x52: {  	v18 =	vunpack.i.u.bf16.f32 v21;
	v19 =	vunpack.i.l.bf16.f32 v21;
	v21 =	vmul.bf16 v24, v23;
	v23 =	vld [tilespmem:s14+$0xFFFFFF50]  }
0x53: {  	v20 =	vadd.f32 $0.0e+00, v20;
	v18 =	vadd.f32 v19, v18;
	v19 =	vld [tilespmem:s29+$0xFFFFFF50]  }
0x54: {  	v60 =	vld [tilespmem:s14+$0xFFFFFF60];
	v25 =	vmul.bf16 v59, v25;
	v24 =	vunpack.i.u.bf16.f32 v21;
	v21 =	vunpack.i.l.bf16.f32 v21  }
0x55: {  	v18 =	vadd.f32 v18, v20;
	v20 =	vadd.f32 v21, v24;
	v21 =	vld [tilespmem:s29+$0xFFFFFF60]  }
0x56: {  	v24 =	vunpack.i.u.bf16.f32 v25;
	v25 =	vunpack.i.l.bf16.f32 v25;
	v22 =	vmul.bf16 v22, v26;
	v26 =	vld [tilespmem:s14+$0xFFFFFF70]  }
0x57: {  	v18 =	vadd.f32 v20, v18;
	v20 =	vadd.f32 v25, v24;
	v24 =	vld [tilespmem:s29+$0xFFFFFF70]  }
0x58: {  	v25 =	vunpack.i.u.bf16.f32 v22;
	v22 =	vunpack.i.l.bf16.f32 v22;
	v19 =	vmul.bf16 v19, v23;
	v23 =	vld [tilespmem:s14+$0xFFFFFF80]  }
0x59: {  	v18 =	vadd.f32 v20, v18;
	v20 =	vadd.f32 v22, v25;
	v22 =	vld [tilespmem:s29+$0xFFFFFF80]  }
0x5a: {  	v61 =	vld [tilespmem:s14+$0xFFFFFF90];
	v25 =	vunpack.i.u.bf16.f32 v19;
	v19 =	vunpack.i.l.bf16.f32 v19;
	v21 =	vmul.bf16 v21, v60  }
0x5b: {  	v18 =	vadd.f32 v20, v18;
	v19 =	vadd.f32 v19, v25;
	v20 =	vld [tilespmem:s29+$0xFFFFFF90]  }
0x5c: {  	v25 =	vunpack.i.u.bf16.f32 v21;
	v21 =	vunpack.i.l.bf16.f32 v21;
	v24 =	vmul.bf16 v24, v26;
	v26 =	vld [tilespmem:s14+$0xFFFFFFA0]  }
0x5d: {  	v18 =	vadd.f32 v19, v18;
	v19 =	vadd.f32 v21, v25;
	v21 =	vld [tilespmem:s29+$0xFFFFFFA0]  }
0x5e: {  	v25 =	vunpack.i.u.bf16.f32 v24;
	v24 =	vunpack.i.l.bf16.f32 v24;
	v22 =	vmul.bf16 v22, v23;
	v23 =	vld [tilespmem:s14+$0xFFFFFFB0]  }
0x5f: {  	v18 =	vadd.f32 v19, v18;
	v19 =	vadd.f32 v24, v25;
	v24 =	vld [tilespmem:s29+$0xFFFFFFB0]  }
0x60: {  	v62 =	vld [tilespmem:s14+$0xFFFFFFC0];
	v25 =	vunpack.i.u.bf16.f32 v22;
	v22 =	vunpack.i.l.bf16.f32 v22;
	v20 =	vmul.bf16 v20, v61  }
0x61: {  	v18 =	vadd.f32 v19, v18;
	v22 =	vadd.f32 v22, v25;
	v25 =	vld [tilespmem:s29+$0xFFFFFFC0]  }
0x62: {  	v19 =	vld [tilespmem:s14+$0xFFFFFFD0];
	v29 =	vunpack.i.u.bf16.f32 v20;
	v20 =	vunpack.i.l.bf16.f32 v20;
	v21 =	vmul.bf16 v21, v26  }
0x63: {  	v26 =	vsub.f32 v18, v22;
	v20 =	vadd.f32 v20, v29;
	v22 =	vld [tilespmem:s29+$0xFFFFFFD0]  }
0x64: {  	v18 =	vld [tilespmem:s14+$0xFFFFFFE0];
	v63 =	vunpack.i.u.bf16.f32 v21;
	v21 =	vunpack.i.l.bf16.f32 v21;
	v23 =	vmul.bf16 v24, v23  }
0x65: {  	v24 =	vsub.f32 v26, v20;
	v29 =	vadd.f32 v21, v63;
	v21 =	vld [tilespmem:s29+$0xFFFFFFE0]  }
0x66: {  	s15 =	simm.s32 $0x1A720;
	v20 =	vld [tilespmem:s14+$0xFFFFFFF0];
	v30 =	vunpack.i.u.bf16.f32 v23;
	v23 =	vunpack.i.l.bf16.f32 v23;
	v26 =	vmul.bf16 v25, v62  }
0x67: {  	s26 =	simm.s32 $0x0;
	s28 =	sadd.s32 $0x200, s14;
	s13 =	smov.u32 s29;
	[tilespmem:s15+$0x0] =	vst v27;
	v24 =	vsub.f32 v24, v29;
	v25 =	vadd.f32 v23, v30;
	v23 =	vld [tilespmem:s29+$0xFFFFFFF0]  }
.LBB2_4:
0x68: {  	v27 =	vld [tilespmem:s28+$0x0];
	v28 =	vunpack.i.u.bf16.f32 v26;
	v26 =	vunpack.i.l.bf16.f32 v26;
	v19 =	vmul.bf16 v22, v19;
	s13 =	sadd.s32 $0x200, s13  }
0x69: {  	s26 =	sadd.s32 $0x2, s26;
	v22 =	vld [tilespmem:s13+$0x0];
	v24 =	vsub.f32 v24, v25;
	v25 =	vadd.f32 v26, v28  }
0x6a: {  	p0 =	slt.u32 s26, $0xE;
	v26 =	vld [tilespmem:s28+$0x10];
	v28 =	vunpack.i.u.bf16.f32 v19;
	v19 =	vunpack.i.l.bf16.f32 v19;
	v18 =	vmul.bf16 v21, v18  }
0x6b: {  	v21 =	vld [tilespmem:s13+$0x10];
	v24 =	vsub.f32 v24, v25;
	v19 =	vadd.f32 v19, v28  }
0x6c: {  	v25 =	vld [tilespmem:s28+$0x20];
	v28 =	vunpack.i.u.bf16.f32 v18;
	v18 =	vunpack.i.l.bf16.f32 v18;
	v20 =	vmul.bf16 v23, v20  }
0x6d: {  	v23 =	vld [tilespmem:s13+$0x20];
	v19 =	vsub.f32 v24, v19;
	v18 =	vadd.f32 v18, v28  }
0x6e: {  	v22 =	vmul.bf16 v22, v27;
	v24 =	vld [tilespmem:s28+$0x30];
	v27 =	vunpack.i.u.bf16.f32 v20;
	v20 =	vunpack.i.l.bf16.f32 v20  }
0x6f: {  	v28 =	vld [tilespmem:s13+$0x30];
	v18 =	vsub.f32 v19, v18;
	v19 =	vadd.f32 v20, v27  }
0x70: {  	v20 =	vunpack.i.u.bf16.f32 v22;
	v22 =	vunpack.i.l.bf16.f32 v22;
	v21 =	vmul.bf16 v21, v26;
	v26 =	vld [tilespmem:s28+$0x40]  }
0x71: {  	v20 =	vadd.f32 v22, v20;
	v22 =	vld [tilespmem:s13+$0x40];
	v18 =	vsub.f32 v18, v19  }
0x72: {  	v19 =	vunpack.i.u.bf16.f32 v21;
	v21 =	vunpack.i.l.bf16.f32 v21;
	v23 =	vmul.bf16 v23, v25;
	v25 =	vld [tilespmem:s28+$0x50]  }
0x73: {  	v20 =	vadd.f32 $0.0e+00, v20;
	v19 =	vadd.f32 v21, v19;
	v21 =	vld [tilespmem:s13+$0x50];
	[tilespmem:s15+$0xFFFFFFF0] =	vst v18  }
0x74: {  	v18 =	vunpack.i.u.bf16.f32 v23;
	v23 =	vunpack.i.l.bf16.f32 v23;
	v24 =	vmul.bf16 v28, v24;
	v27 =	vld [tilespmem:s28+$0x60]  }
0x75: {  	v19 =	vadd.f32 v19, v20;
	v18 =	vadd.f32 v23, v18;
	v20 =	vld [tilespmem:s13+$0x60]  }
0x76: {  	v23 =	vunpack.i.u.bf16.f32 v24;
	v24 =	vunpack.i.l.bf16.f32 v24;
	v22 =	vmul.bf16 v22, v26;
	v26 =	vld [tilespmem:s28+$0x70]  }
0x77: {  	v18 =	vadd.f32 v18, v19;
	v19 =	vadd.f32 v24, v23;
	v23 =	vld [tilespmem:s13+$0x70]  }
0x78: {  	v24 =	vunpack.i.u.bf16.f32 v22;
	v22 =	vunpack.i.l.bf16.f32 v22;
	v21 =	vmul.bf16 v21, v25;
	v25 =	vld [tilespmem:s28+$0x80]  }
0x79: {  	v18 =	vadd.f32 v19, v18;
	v19 =	vadd.f32 v22, v24;
	v22 =	vld [tilespmem:s13+$0x80]  }
0x7a: {  	v24 =	vunpack.i.u.bf16.f32 v21;
	v21 =	vunpack.i.l.bf16.f32 v21;
	v20 =	vmul.bf16 v20, v27;
	v27 =	vld [tilespmem:s28+$0x90]  }
0x7b: {  	v18 =	vadd.f32 v19, v18;
	v19 =	vadd.f32 v21, v24;
	v21 =	vld [tilespmem:s13+$0x90]  }
0x7c: {  	v24 =	vunpack.i.u.bf16.f32 v20;
	v20 =	vunpack.i.l.bf16.f32 v20;
	v23 =	vmul.bf16 v23, v26;
	v26 =	vld [tilespmem:s28+$0xA0]  }
0x7d: {  	v18 =	vadd.f32 v19, v18;
	v19 =	vadd.f32 v20, v24;
	v20 =	vld [tilespmem:s13+$0xA0]  }
0x7e: {  	v24 =	vunpack.i.u.bf16.f32 v23;
	v23 =	vunpack.i.l.bf16.f32 v23;
	v22 =	vmul.bf16 v22, v25;
	v25 =	vld [tilespmem:s28+$0xB0]  }
0x7f: {  	v18 =	vadd.f32 v19, v18;
	v19 =	vadd.f32 v23, v24;
	v23 =	vld [tilespmem:s13+$0xB0]  }
0x80: {  	v24 =	vunpack.i.u.bf16.f32 v22;
	v22 =	vunpack.i.l.bf16.f32 v22;
	v21 =	vmul.bf16 v21, v27;
	v27 =	vld [tilespmem:s28+$0xC0]  }
0x81: {  	v18 =	vadd.f32 v19, v18;
	v19 =	vadd.f32 v22, v24;
	v22 =	vld [tilespmem:s13+$0xC0]  }
0x82: {  	v24 =	vunpack.i.u.bf16.f32 v21;
	v21 =	vunpack.i.l.bf16.f32 v21;
	v20 =	vmul.bf16 v20, v26;
	v26 =	vld [tilespmem:s28+$0xD0]  }
0x83: {  	v18 =	vsub.f32 v18, v19;
	v19 =	vadd.f32 v21, v24;
	v21 =	vld [tilespmem:s13+$0xD0]  }
0x84: {  	v24 =	vunpack.i.u.bf16.f32 v20;
	v20 =	vunpack.i.l.bf16.f32 v20;
	v23 =	vmul.bf16 v23, v25;
	v25 =	vld [tilespmem:s28+$0xE0]  }
0x85: {  	v18 =	vsub.f32 v18, v19;
	v19 =	vadd.f32 v20, v24;
	v20 =	vld [tilespmem:s13+$0xE0]  }
0x86: {  	v24 =	vunpack.i.u.bf16.f32 v23;
	v23 =	vunpack.i.l.bf16.f32 v23;
	v22 =	vmul.bf16 v22, v27;
	v27 =	vld [tilespmem:s28+$0xF0]  }
0x87: {  	v18 =	vsub.f32 v18, v19;
	v19 =	vadd.f32 v23, v24;
	v23 =	vld [tilespmem:s13+$0xF0]  }
0x88: {  	v24 =	vld [tilespmem:s13+$0xFFFFFF00];
	v28 =	vunpack.i.u.bf16.f32 v22;
	v22 =	vunpack.i.l.bf16.f32 v22;
	v21 =	vmul.bf16 v21, v26  }
0x89: {  	v26 =	vld [tilespmem:s28+$0xFFFFFF00];
	v18 =	vsub.f32 v18, v19;
	v19 =	vadd.f32 v22, v28  }
0x8a: {  	v22 =	vld [tilespmem:s28+$0xFFFFFF10];
	v28 =	vunpack.i.u.bf16.f32 v21;
	v21 =	vunpack.i.l.bf16.f32 v21;
	v20 =	vmul.bf16 v20, v25  }
0x8b: {  	v25 =	vld [tilespmem:s13+$0xFFFFFF10];
	v18 =	vsub.f32 v18, v19;
	v19 =	vadd.f32 v21, v28  }
0x8c: {  	v21 =	vld [tilespmem:s28+$0xFFFFFF20];
	v28 =	vunpack.i.u.bf16.f32 v20;
	v20 =	vunpack.i.l.bf16.f32 v20;
	v23 =	vmul.bf16 v23, v27  }
0x8d: {  	v27 =	vld [tilespmem:s13+$0xFFFFFF20];
	v18 =	vsub.f32 v18, v19;
	v19 =	vadd.f32 v20, v28  }
0x8e: {  	v20 =	vmul.bf16 v24, v26;
	v24 =	vld [tilespmem:s28+$0xFFFFFF30];
	v26 =	vunpack.i.u.bf16.f32 v23;
	v23 =	vunpack.i.l.bf16.f32 v23  }
0x8f: {  	v28 =	vld [tilespmem:s13+$0xFFFFFF30];
	v18 =	vsub.f32 v18, v19;
	v19 =	vadd.f32 v23, v26  }
0x90: {  	v23 =	vunpack.i.u.bf16.f32 v20;
	v20 =	vunpack.i.l.bf16.f32 v20;
	v22 =	vmul.bf16 v25, v22;
	v25 =	vld [tilespmem:s28+$0xFFFFFF40]  }
0x91: {  	v20 =	vadd.f32 v20, v23;
	v23 =	vld [tilespmem:s13+$0xFFFFFF40];
	v18 =	vsub.f32 v18, v19  }
0x92: {  	s15 =	sadd.s32 $0x20, s15;
	v19 =	vunpack.i.u.bf16.f32 v22;
	v22 =	vunpack.i.l.bf16.f32 v22;
	v21 =	vmul.bf16 v27, v21;
	v26 =	vld [tilespmem:s28+$0xFFFFFF50]  }
0x93: {  	v20 =	vadd.f32 $0.0e+00, v20;
	v19 =	vadd.f32 v22, v19;
	v22 =	vld [tilespmem:s13+$0xFFFFFF50];
	[tilespmem:s15+$0x0] =	vst v18  }
0x94: {  	v18 =	vunpack.i.u.bf16.f32 v21;
	v21 =	vunpack.i.l.bf16.f32 v21;
	v24 =	vmul.bf16 v28, v24;
	v27 =	vld [tilespmem:s28+$0xFFFFFF60]  }
0x95: {  	v19 =	vadd.f32 v19, v20;
	v18 =	vadd.f32 v21, v18;
	v20 =	vld [tilespmem:s13+$0xFFFFFF60]  }
0x96: {  	v21 =	vunpack.i.u.bf16.f32 v24;
	v24 =	vunpack.i.l.bf16.f32 v24;
	v23 =	vmul.bf16 v23, v25;
	v25 =	vld [tilespmem:s28+$0xFFFFFF70]  }
0x97: {  	v18 =	vadd.f32 v18, v19;
	v19 =	vadd.f32 v24, v21;
	v21 =	vld [tilespmem:s13+$0xFFFFFF70]  }
0x98: {  	v24 =	vunpack.i.u.bf16.f32 v23;
	v23 =	vunpack.i.l.bf16.f32 v23;
	v22 =	vmul.bf16 v22, v26;
	v26 =	vld [tilespmem:s28+$0xFFFFFF80]  }
0x99: {  	v18 =	vadd.f32 v19, v18;
	v19 =	vadd.f32 v23, v24;
	v23 =	vld [tilespmem:s13+$0xFFFFFF80]  }
0x9a: {  	v24 =	vunpack.i.u.bf16.f32 v22;
	v22 =	vunpack.i.l.bf16.f32 v22;
	v20 =	vmul.bf16 v20, v27;
	v27 =	vld [tilespmem:s28+$0xFFFFFF90]  }
0x9b: {  	v18 =	vadd.f32 v19, v18;
	v19 =	vadd.f32 v22, v24;
	v22 =	vld [tilespmem:s13+$0xFFFFFF90]  }
0x9c: {  	v24 =	vunpack.i.u.bf16.f32 v20;
	v20 =	vunpack.i.l.bf16.f32 v20;
	v21 =	vmul.bf16 v21, v25;
	v25 =	vld [tilespmem:s28+$0xFFFFFFA0]  }
0x9d: {  	v18 =	vadd.f32 v19, v18;
	v19 =	vadd.f32 v20, v24;
	v20 =	vld [tilespmem:s13+$0xFFFFFFA0]  }
0x9e: {  	v24 =	vunpack.i.u.bf16.f32 v21;
	v21 =	vunpack.i.l.bf16.f32 v21;
	v23 =	vmul.bf16 v23, v26;
	v26 =	vld [tilespmem:s28+$0xFFFFFFB0]  }
0x9f: {  	v18 =	vadd.f32 v19, v18;
	v19 =	vadd.f32 v21, v24;
	v21 =	vld [tilespmem:s13+$0xFFFFFFB0]  }
0xa0: {  	v24 =	vunpack.i.u.bf16.f32 v23;
	v23 =	vunpack.i.l.bf16.f32 v23;
	v22 =	vmul.bf16 v22, v27;
	v27 =	vld [tilespmem:s28+$0xFFFFFFC0]  }
0xa1: {  	v18 =	vadd.f32 v19, v18;
	v23 =	vadd.f32 v23, v24;
	v24 =	vld [tilespmem:s13+$0xFFFFFFC0]  }
0xa2: {  	v28 =	vunpack.i.u.bf16.f32 v22;
	v22 =	vunpack.i.l.bf16.f32 v22;
	v20 =	vmul.bf16 v20, v25;
	v19 =	vld [tilespmem:s28+$0xFFFFFFD0]  }
.Ltmp0:
0xa3: {  	v23 =	vsub.f32 v18, v23;
	v25 =	vadd.f32 v22, v28;
	v22 =	vld [tilespmem:s13+$0xFFFFFFD0];
	(pc) =	sbr.rel @p0 .LBB2_4-.Ltmp0, $4  }
0xa4: {  	v28 =	vunpack.i.u.bf16.f32 v20;
	v20 =	vunpack.i.l.bf16.f32 v20;
	v26 =	vmul.bf16 v21, v26;
	v18 =	vld [tilespmem:s28+$0xFFFFFFE0]  }
0xa5: {  	v23 =	vsub.f32 v23, v25;
	v25 =	vadd.f32 v20, v28;
	v21 =	vld [tilespmem:s13+$0xFFFFFFE0]  }
0xa6: {  	v28 =	vunpack.i.u.bf16.f32 v26;
	v29 =	vunpack.i.l.bf16.f32 v26;
	v26 =	vmul.bf16 v24, v27;
	v20 =	vld [tilespmem:s28+$0xFFFFFFF0]  }
0xa7: {  	s28 =	sadd.s32 $0x200, s28;
	v24 =	vsub.f32 v23, v25;
	v25 =	vadd.f32 v29, v28;
	v23 =	vld [tilespmem:s13+$0xFFFFFFF0]  }
0xa8: {  	v27 =	vunpack.i.u.bf16.f32 v26;
	v47 =	vunpack.i.l.bf16.f32 v26;
	v19 =	vmul.bf16 v22, v19  }
0xa9: {  	v48 =	vsub.f32 v24, v25;
	v49 =	vadd.f32 v47, v27  }
0xaa: {  	v50 =	vunpack.i.u.bf16.f32 v19;
	v19 =	vunpack.i.l.bf16.f32 v19;
	v18 =	vmul.bf16 v21, v18  }
0xab: {  	v51 =	vsub.f32 v48, v49;
	v19 =	vadd.f32 v19, v50  }
0xac: {  	v52 =	vunpack.i.u.bf16.f32 v18;
	v18 =	vunpack.i.l.bf16.f32 v18;
	v20 =	vmul.bf16 v23, v20  }
0xad: {  	v19 =	vsub.f32 v51, v19;
	v18 =	vadd.f32 v18, v52  }
0xae: {  	v53 =	vunpack.i.u.bf16.f32 v20;
	v20 =	vunpack.i.l.bf16.f32 v20  }
0xaf: {  	v18 =	vsub.f32 v19, v18;
	v19 =	vadd.f32 v20, v53;
	_ =	sdelay $0x1  }
0xb0: {  	v18 =	vsub.f32 v18, v19;
	_ =	sdelay $0x1  }
0xb1: {  	[tilespmem:s15+$0xFFFFFFF0] =	vst v18  }
0xb2: {  	v18 =	vld.idx.msk [tilespmem:v0+s20+$0x0], $0xffff;
	_ =	sdelay $0x1  }
0xb3: {  	v19 =	vld.idx.msk [tilespmem:v1+s20+$0x0], $0xffff;
	_ =	sdelay $0x1  }
0xb4: {  	v54 =	vld.idx.msk [tilespmem:v2+s20+$0x0], $0xffff  }
0xb5: {  	v18 =	vadd.f32 $0.0e+00, v18  }
0xb6: {  	v55 =	vld.idx.msk [tilespmem:v3+s20+$0x0], $0xffff  }
0xb7: {  	v18 =	vadd.f32 v19, v18  }
0xb8: {  	v19 =	vld.idx.msk [tilespmem:v4+s20+$0x0], $0xffff  }
0xb9: {  	v18 =	vadd.f32 v54, v18  }
0xba: {  	v56 =	vld.idx.msk [tilespmem:v5+s20+$0x0], $0xffff  }
0xbb: {  	v18 =	vadd.f32 v55, v18  }
0xbc: {  	v57 =	vld.idx.msk [tilespmem:v6+s20+$0x0], $0xffff  }
0xbd: {  	v18 =	vadd.f32 v19, v18  }
0xbe: {  	v19 =	vld.idx.msk [tilespmem:v7+s20+$0x0], $0xffff  }
0xbf: {  	v18 =	vadd.f32 v56, v18  }
0xc0: {  	v58 =	vld.idx.msk [tilespmem:v8+s20+$0x0], $0xffff  }
0xc1: {  	v18 =	vadd.f32 v57, v18  }
0xc2: {  	v59 =	vld.idx.msk [tilespmem:v9+s20+$0x0], $0xffff  }
0xc3: {  	v18 =	vadd.f32 v19, v18  }
0xc4: {  	v19 =	vld.idx.msk [tilespmem:v10+s20+$0x0], $0xffff  }
0xc5: {  	v18 =	vadd.f32 v58, v18  }
0xc6: {  	v60 =	vld.idx.msk [tilespmem:v11+s20+$0x0], $0xffff  }
0xc7: {  	v18 =	vadd.f32 v59, v18  }
0xc8: {  	v61 =	vld.idx.msk [tilespmem:v12+s20+$0x0], $0xffff  }
0xc9: {  	v18 =	vadd.f32 v19, v18  }
0xca: {  	v19 =	vld.idx.msk [tilespmem:v13+s20+$0x0], $0xffff  }
0xcb: {  	v18 =	vadd.f32 v60, v18  }
0xcc: {  	v62 =	vld.idx.msk [tilespmem:v14+s20+$0x0], $0xffff  }
0xcd: {  	v18 =	vadd.f32 v61, v18  }
0xce: {  	v63 =	vld.idx.msk [tilespmem:v15+s20+$0x0], $0xffff  }
0xcf: {  	v18 =	vadd.f32 v19, v18;
	_ =	sdelay $0x1  }
0xd0: {  	s0 =	sadd.s32 $0x1, s0;
	v18 =	vadd.f32 v62, v18  }
0xd1: {  	p0 =	sne.s32 s0, $0x4  }
.Ltmp1:
0xd2: {  	v18 =	vadd.f32 v63, v18;
	(pc) =	sbr.rel @p0 .LBB2_3-.Ltmp1, $3  }
0xd3: {  	_ = 	snop  }
0xd4: {  	v18 =	vmul.f32 v18, v18;
	_ =	sdelay $0x1  }
0xd5: {  	s29 =	sadd.s32 $0x1000, s29;
	s14 =	sadd.s32 $0x1000, s14;
	v17 =	vadd.f32 v18, v17  }
0xd6: {  	p0 =	seq.s32 s31, $0x19  }
0xd7: {  	s0 =	sadd.s32 @!p0 $0xC0, s1;
	s13 =	simm.s32 @!p0 $0x40;
	s14 =	simm.s32 @!p0 $0x2710  }
0xd8: {  	[tilespmem:s14], [sflag:$0x1] =	stream.indirect.gather @!p0 [hbm4b:s3+s13], $0x100, s0, s13, $0xb8;
	[tilespmem:$0x1A820] =	vst v63  }
0xd9: {  	s0 =	sadd.s32 @!p0 $0x1448, s1;
	s14 =	simm.s32 @!p0 $0x6710  }
0xda: {  	[tilespmem:s14], [sflag:$0x2] =	stream.indirect.gather @!p0 [hbm4b:s3+s13], $0x100, s0, s13, $0xb8;
	[tilespmem:$0x1A820] =	vst v63  }
0xdb: {  	_ =	swait.ge [sflag:s21], $0x4000  }
0xdc: {  	[sflag:s21] =	ssyncset.done $0x0  }
0xdd: {  	[sflag:s21] =	ssyncadd.s32 $0xFFFFC000  }
0xde: {  	_ =	swait.ge [sflag:s22], $0x4000  }
0xdf: {  	s0 =	simm.s32 $0x0;
	[sflag:s22] =	ssyncset.done $0x0  }
0xe0: {  	s13 =	simm.s32 $0xE810;
	s14 =	simm.s32 $0xA810;
	[sflag:s22] =	ssyncadd.s32 $0xFFFFC000  }
.LBB2_7:
0xe1: {  	v18 =	vld [tilespmem:s14+$0x0]  }
0xe2: {  	v19 =	vld [tilespmem:s13+$0x0]  }
0xe3: {  	v20 =	vld [tilespmem:s14+$0x10]  }
0xe4: {  	v21 =	vld [tilespmem:s13+$0x10]  }
0xe5: {  	v22 =	vld [tilespmem:s14+$0x20]  }
0xe6: {  	v23 =	vld [tilespmem:s13+$0x20]  }
0xe7: {  	v24 =	vld [tilespmem:s13+$0x30];
	v18 =	vmul.bf16 v19, v18  }
0xe8: {  	v19 =	vld [tilespmem:s14+$0x30]  }
0xe9: {  	v20 =	vmul.bf16 v21, v20;
	v21 =	vld [tilespmem:s14+$0x40];
	v25 =	vunpack.i.u.bf16.f32 v18;
	v18 =	vunpack.i.l.bf16.f32 v18  }
0xea: {  	v18 =	vadd.f32 v18, v25;
	v25 =	vld [tilespmem:s13+$0x40]  }
0xeb: {  	v22 =	vmul.bf16 v23, v22;
	v23 =	vld [tilespmem:s14+$0x50];
	v26 =	vunpack.i.u.bf16.f32 v20;
	v20 =	vunpack.i.l.bf16.f32 v20  }
0xec: {  	v20 =	vadd.f32 v20, v26;
	v26 =	vld [tilespmem:s13+$0x50];
	v18 =	vadd.f32 $0.0e+00, v18  }
0xed: {  	v27 =	vunpack.i.u.bf16.f32 v22;
	v22 =	vunpack.i.l.bf16.f32 v22;
	v19 =	vmul.bf16 v24, v19;
	v24 =	vld [tilespmem:s14+$0x60]  }
0xee: {  	v18 =	vadd.f32 v20, v18;
	v20 =	vadd.f32 v22, v27;
	v22 =	vld [tilespmem:s13+$0x60]  }
0xef: {  	v27 =	vunpack.i.u.bf16.f32 v19;
	v19 =	vunpack.i.l.bf16.f32 v19;
	v21 =	vmul.bf16 v25, v21;
	v25 =	vld [tilespmem:s14+$0x70]  }
0xf0: {  	v19 =	vadd.f32 v19, v27;
	v18 =	vadd.f32 v20, v18;
	v20 =	vld [tilespmem:s13+$0x70]  }
0xf1: {  	v23 =	vmul.bf16 v26, v23;
	v26 =	vld [tilespmem:s14+$0x80];
	v27 =	vunpack.i.u.bf16.f32 v21;
	v21 =	vunpack.i.l.bf16.f32 v21  }
0xf2: {  	v18 =	vadd.f32 v19, v18;
	v19 =	vadd.f32 v21, v27;
	v21 =	vld [tilespmem:s13+$0x80]  }
0xf3: {  	v27 =	vunpack.i.u.bf16.f32 v23;
	v23 =	vunpack.i.l.bf16.f32 v23;
	v22 =	vmul.bf16 v22, v24;
	v24 =	vld [tilespmem:s14+$0x90]  }
0xf4: {  	v18 =	vadd.f32 v19, v18;
	v19 =	vadd.f32 v23, v27;
	v23 =	vld [tilespmem:s13+$0x90]  }
0xf5: {  	v27 =	vunpack.i.u.bf16.f32 v22;
	v22 =	vunpack.i.l.bf16.f32 v22;
	v20 =	vmul.bf16 v20, v25;
	v25 =	vld [tilespmem:s14+$0xA0]  }
0xf6: {  	v18 =	vadd.f32 v19, v18;
	v19 =	vadd.f32 v22, v27;
	v22 =	vld [tilespmem:s13+$0xA0]  }
0xf7: {  	v27 =	vunpack.i.u.bf16.f32 v20;
	v20 =	vunpack.i.l.bf16.f32 v20;
	v21 =	vmul.bf16 v21, v26;
	v26 =	vld [tilespmem:s14+$0xB0]  }
0xf8: {  	v18 =	vadd.f32 v19, v18;
	v19 =	vadd.f32 v20, v27;
	v20 =	vld [tilespmem:s13+$0xB0]  }
0xf9: {  	v27 =	vunpack.i.u.bf16.f32 v21;
	v21 =	vunpack.i.l.bf16.f32 v21;
	v23 =	vmul.bf16 v23, v24;
	v24 =	vld [tilespmem:s14+$0xC0]  }
0xfa: {  	v18 =	vadd.f32 v19, v18;
	v19 =	vadd.f32 v21, v27;
	v21 =	vld [tilespmem:s13+$0xC0]  }
0xfb: {  	v27 =	vunpack.i.u.bf16.f32 v23;
	v23 =	vunpack.i.l.bf16.f32 v23;
	v22 =	vmul.bf16 v22, v25;
	v25 =	vld [tilespmem:s14+$0xD0]  }
0xfc: {  	v18 =	vsub.f32 v18, v19;
	v19 =	vadd.f32 v23, v27;
	v23 =	vld [tilespmem:s13+$0xD0]  }
0xfd: {  	v27 =	vunpack.i.u.bf16.f32 v22;
	v22 =	vunpack.i.l.bf16.f32 v22;
	v20 =	vmul.bf16 v20, v26;
	v26 =	vld [tilespmem:s14+$0xE0]  }
0xfe: {  	v18 =	vsub.f32 v18, v19;
	v19 =	vadd.f32 v22, v27;
	v22 =	vld [tilespmem:s13+$0xE0]  }
0xff: {  	v27 =	vunpack.i.u.bf16.f32 v20;
	v20 =	vunpack.i.l.bf16.f32 v20;
	v21 =	vmul.bf16 v21, v24;
	v24 =	vld [tilespmem:s14+$0xF0]  }
0x100: {  	v18 =	vsub.f32 v18, v19;
	v19 =	vadd.f32 v20, v27;
	v20 =	vld [tilespmem:s13+$0xF0]  }
0x101: {  	v27 =	vld [tilespmem:s13+$0xFFFFFF00];
	v28 =	vunpack.i.u.bf16.f32 v21;
	v21 =	vunpack.i.l.bf16.f32 v21;
	v23 =	vmul.bf16 v23, v25  }
0x102: {  	v25 =	vld [tilespmem:s14+$0xFFFFFF00];
	v18 =	vsub.f32 v18, v19;
	v19 =	vadd.f32 v21, v28  }
0x103: {  	v21 =	vld [tilespmem:s14+$0xFFFFFF10];
	v57 =	vunpack.i.u.bf16.f32 v23;
	v23 =	vunpack.i.l.bf16.f32 v23;
	v22 =	vmul.bf16 v22, v26  }
0x104: {  	v26 =	vld [tilespmem:s13+$0xFFFFFF10];
	v18 =	vsub.f32 v18, v19;
	v19 =	vadd.f32 v23, v57  }
0x105: {  	v23 =	vld [tilespmem:s14+$0xFFFFFF20];
	v58 =	vunpack.i.u.bf16.f32 v22;
	v22 =	vunpack.i.l.bf16.f32 v22;
	v20 =	vmul.bf16 v20, v24  }
0x106: {  	v24 =	vld [tilespmem:s13+$0xFFFFFF20];
	v18 =	vsub.f32 v18, v19;
	v19 =	vadd.f32 v22, v58  }
0x107: {  	v59 =	vld [tilespmem:s13+$0xFFFFFF30];
	v22 =	vmul.bf16 v27, v25;
	v27 =	vunpack.i.u.bf16.f32 v20;
	v20 =	vunpack.i.l.bf16.f32 v20  }
0x108: {  	v25 =	vld [tilespmem:s14+$0xFFFFFF30];
	v18 =	vsub.f32 v18, v19;
	v19 =	vadd.f32 v20, v27  }
0x109: {  	v20 =	vunpack.i.u.bf16.f32 v22;
	v22 =	vunpack.i.l.bf16.f32 v22;
	v21 =	vmul.bf16 v26, v21;
	v26 =	vld [tilespmem:s14+$0xFFFFFF40]  }
0x10a: {  	v20 =	vadd.f32 v22, v20;
	v22 =	vld [tilespmem:s13+$0xFFFFFF40];
	v27 =	vsub.f32 v18, v19  }
0x10b: {  	v18 =	vunpack.i.u.bf16.f32 v21;
	v19 =	vunpack.i.l.bf16.f32 v21;
	v21 =	vmul.bf16 v24, v23;
	v23 =	vld [tilespmem:s14+$0xFFFFFF50]  }
0x10c: {  	v20 =	vadd.f32 $0.0e+00, v20;
	v18 =	vadd.f32 v19, v18;
	v19 =	vld [tilespmem:s13+$0xFFFFFF50]  }
0x10d: {  	v60 =	vld [tilespmem:s14+$0xFFFFFF60];
	v25 =	vmul.bf16 v59, v25;
	v24 =	vunpack.i.u.bf16.f32 v21;
	v21 =	vunpack.i.l.bf16.f32 v21  }
0x10e: {  	v18 =	vadd.f32 v18, v20;
	v20 =	vadd.f32 v21, v24;
	v21 =	vld [tilespmem:s13+$0xFFFFFF60]  }
0x10f: {  	v24 =	vunpack.i.u.bf16.f32 v25;
	v25 =	vunpack.i.l.bf16.f32 v25;
	v22 =	vmul.bf16 v22, v26;
	v26 =	vld [tilespmem:s14+$0xFFFFFF70]  }
0x110: {  	v18 =	vadd.f32 v20, v18;
	v20 =	vadd.f32 v25, v24;
	v24 =	vld [tilespmem:s13+$0xFFFFFF70]  }
0x111: {  	v25 =	vunpack.i.u.bf16.f32 v22;
	v22 =	vunpack.i.l.bf16.f32 v22;
	v19 =	vmul.bf16 v19, v23;
	v23 =	vld [tilespmem:s14+$0xFFFFFF80]  }
0x112: {  	v18 =	vadd.f32 v20, v18;
	v20 =	vadd.f32 v22, v25;
	v22 =	vld [tilespmem:s13+$0xFFFFFF80]  }
0x113: {  	v61 =	vld [tilespmem:s14+$0xFFFFFF90];
	v25 =	vunpack.i.u.bf16.f32 v19;
	v19 =	vunpack.i.l.bf16.f32 v19;
	v21 =	vmul.bf16 v21, v60  }
0x114: {  	v18 =	vadd.f32 v20, v18;
	v19 =	vadd.f32 v19, v25;
	v20 =	vld [tilespmem:s13+$0xFFFFFF90]  }
0x115: {  	v25 =	vunpack.i.u.bf16.f32 v21;
	v21 =	vunpack.i.l.bf16.f32 v21;
	v24 =	vmul.bf16 v24, v26;
	v26 =	vld [tilespmem:s14+$0xFFFFFFA0]  }
0x116: {  	v18 =	vadd.f32 v19, v18;
	v19 =	vadd.f32 v21, v25;
	v21 =	vld [tilespmem:s13+$0xFFFFFFA0]  }
0x117: {  	v25 =	vunpack.i.u.bf16.f32 v24;
	v24 =	vunpack.i.l.bf16.f32 v24;
	v22 =	vmul.bf16 v22, v23;
	v23 =	vld [tilespmem:s14+$0xFFFFFFB0]  }
0x118: {  	v18 =	vadd.f32 v19, v18;
	v19 =	vadd.f32 v24, v25;
	v24 =	vld [tilespmem:s13+$0xFFFFFFB0]  }
0x119: {  	v62 =	vld [tilespmem:s14+$0xFFFFFFC0];
	v25 =	vunpack.i.u.bf16.f32 v22;
	v22 =	vunpack.i.l.bf16.f32 v22;
	v20 =	vmul.bf16 v20, v61  }
0x11a: {  	v18 =	vadd.f32 v19, v18;
	v22 =	vadd.f32 v22, v25;
	v25 =	vld [tilespmem:s13+$0xFFFFFFC0]  }
0x11b: {  	v19 =	vld [tilespmem:s14+$0xFFFFFFD0];
	v29 =	vunpack.i.u.bf16.f32 v20;
	v20 =	vunpack.i.l.bf16.f32 v20;
	v21 =	vmul.bf16 v21, v26  }
0x11c: {  	v26 =	vsub.f32 v18, v22;
	v20 =	vadd.f32 v20, v29;
	v22 =	vld [tilespmem:s13+$0xFFFFFFD0]  }
0x11d: {  	v18 =	vld [tilespmem:s14+$0xFFFFFFE0];
	v63 =	vunpack.i.u.bf16.f32 v21;
	v21 =	vunpack.i.l.bf16.f32 v21;
	v23 =	vmul.bf16 v24, v23  }
0x11e: {  	v24 =	vsub.f32 v26, v20;
	v29 =	vadd.f32 v21, v63;
	v21 =	vld [tilespmem:s13+$0xFFFFFFE0]  }
0x11f: {  	s15 =	simm.s32 $0x1A720;
	v20 =	vld [tilespmem:s14+$0xFFFFFFF0];
	v30 =	vunpack.i.u.bf16.f32 v23;
	v23 =	vunpack.i.l.bf16.f32 v23;
	v26 =	vmul.bf16 v25, v62  }
0x120: {  	s26 =	simm.s32 $0x0;
	s28 =	sadd.s32 $0x200, s14;
	s29 =	smov.u32 s13;
	[tilespmem:s15+$0x0] =	vst v27;
	v24 =	vsub.f32 v24, v29;
	v25 =	vadd.f32 v23, v30;
	v23 =	vld [tilespmem:s13+$0xFFFFFFF0]  }
.LBB2_8:
0x121: {  	v27 =	vld [tilespmem:s28+$0x0];
	v28 =	vunpack.i.u.bf16.f32 v26;
	v26 =	vunpack.i.l.bf16.f32 v26;
	v19 =	vmul.bf16 v22, v19;
	s29 =	sadd.s32 $0x200, s29  }
0x122: {  	s26 =	sadd.s32 $0x2, s26;
	v22 =	vld [tilespmem:s29+$0x0];
	v24 =	vsub.f32 v24, v25;
	v25 =	vadd.f32 v26, v28  }
0x123: {  	p1 =	slt.u32 s26, $0xE;
	v26 =	vld [tilespmem:s28+$0x10];
	v28 =	vunpack.i.u.bf16.f32 v19;
	v19 =	vunpack.i.l.bf16.f32 v19;
	v18 =	vmul.bf16 v21, v18  }
0x124: {  	v21 =	vld [tilespmem:s29+$0x10];
	v24 =	vsub.f32 v24, v25;
	v19 =	vadd.f32 v19, v28  }
0x125: {  	v25 =	vld [tilespmem:s28+$0x20];
	v28 =	vunpack.i.u.bf16.f32 v18;
	v18 =	vunpack.i.l.bf16.f32 v18;
	v20 =	vmul.bf16 v23, v20  }
0x126: {  	v23 =	vld [tilespmem:s29+$0x20];
	v19 =	vsub.f32 v24, v19;
	v18 =	vadd.f32 v18, v28  }
0x127: {  	v22 =	vmul.bf16 v22, v27;
	v24 =	vld [tilespmem:s28+$0x30];
	v27 =	vunpack.i.u.bf16.f32 v20;
	v20 =	vunpack.i.l.bf16.f32 v20  }
0x128: {  	v28 =	vld [tilespmem:s29+$0x30];
	v18 =	vsub.f32 v19, v18;
	v19 =	vadd.f32 v20, v27  }
0x129: {  	v20 =	vunpack.i.u.bf16.f32 v22;
	v22 =	vunpack.i.l.bf16.f32 v22;
	v21 =	vmul.bf16 v21, v26;
	v26 =	vld [tilespmem:s28+$0x40]  }
0x12a: {  	v20 =	vadd.f32 v22, v20;
	v22 =	vld [tilespmem:s29+$0x40];
	v18 =	vsub.f32 v18, v19  }
0x12b: {  	v19 =	vunpack.i.u.bf16.f32 v21;
	v21 =	vunpack.i.l.bf16.f32 v21;
	v23 =	vmul.bf16 v23, v25;
	v25 =	vld [tilespmem:s28+$0x50]  }
0x12c: {  	v20 =	vadd.f32 $0.0e+00, v20;
	v19 =	vadd.f32 v21, v19;
	v21 =	vld [tilespmem:s29+$0x50];
	[tilespmem:s15+$0xFFFFFFF0] =	vst v18  }
0x12d: {  	v18 =	vunpack.i.u.bf16.f32 v23;
	v23 =	vunpack.i.l.bf16.f32 v23;
	v24 =	vmul.bf16 v28, v24;
	v27 =	vld [tilespmem:s28+$0x60]  }
0x12e: {  	v19 =	vadd.f32 v19, v20;
	v18 =	vadd.f32 v23, v18;
	v20 =	vld [tilespmem:s29+$0x60]  }
0x12f: {  	v23 =	vunpack.i.u.bf16.f32 v24;
	v24 =	vunpack.i.l.bf16.f32 v24;
	v22 =	vmul.bf16 v22, v26;
	v26 =	vld [tilespmem:s28+$0x70]  }
0x130: {  	v18 =	vadd.f32 v18, v19;
	v19 =	vadd.f32 v24, v23;
	v23 =	vld [tilespmem:s29+$0x70]  }
0x131: {  	v24 =	vunpack.i.u.bf16.f32 v22;
	v22 =	vunpack.i.l.bf16.f32 v22;
	v21 =	vmul.bf16 v21, v25;
	v25 =	vld [tilespmem:s28+$0x80]  }
0x132: {  	v18 =	vadd.f32 v19, v18;
	v19 =	vadd.f32 v22, v24;
	v22 =	vld [tilespmem:s29+$0x80]  }
0x133: {  	v24 =	vunpack.i.u.bf16.f32 v21;
	v21 =	vunpack.i.l.bf16.f32 v21;
	v20 =	vmul.bf16 v20, v27;
	v27 =	vld [tilespmem:s28+$0x90]  }
0x134: {  	v18 =	vadd.f32 v19, v18;
	v19 =	vadd.f32 v21, v24;
	v21 =	vld [tilespmem:s29+$0x90]  }
0x135: {  	v24 =	vunpack.i.u.bf16.f32 v20;
	v20 =	vunpack.i.l.bf16.f32 v20;
	v23 =	vmul.bf16 v23, v26;
	v26 =	vld [tilespmem:s28+$0xA0]  }
0x136: {  	v18 =	vadd.f32 v19, v18;
	v19 =	vadd.f32 v20, v24;
	v20 =	vld [tilespmem:s29+$0xA0]  }
0x137: {  	v24 =	vunpack.i.u.bf16.f32 v23;
	v23 =	vunpack.i.l.bf16.f32 v23;
	v22 =	vmul.bf16 v22, v25;
	v25 =	vld [tilespmem:s28+$0xB0]  }
0x138: {  	v18 =	vadd.f32 v19, v18;
	v19 =	vadd.f32 v23, v24;
	v23 =	vld [tilespmem:s29+$0xB0]  }
0x139: {  	v24 =	vunpack.i.u.bf16.f32 v22;
	v22 =	vunpack.i.l.bf16.f32 v22;
	v21 =	vmul.bf16 v21, v27;
	v27 =	vld [tilespmem:s28+$0xC0]  }
0x13a: {  	v18 =	vadd.f32 v19, v18;
	v19 =	vadd.f32 v22, v24;
	v22 =	vld [tilespmem:s29+$0xC0]  }
0x13b: {  	v24 =	vunpack.i.u.bf16.f32 v21;
	v21 =	vunpack.i.l.bf16.f32 v21;
	v20 =	vmul.bf16 v20, v26;
	v26 =	vld [tilespmem:s28+$0xD0]  }
0x13c: {  	v18 =	vsub.f32 v18, v19;
	v19 =	vadd.f32 v21, v24;
	v21 =	vld [tilespmem:s29+$0xD0]  }
0x13d: {  	v24 =	vunpack.i.u.bf16.f32 v20;
	v20 =	vunpack.i.l.bf16.f32 v20;
	v23 =	vmul.bf16 v23, v25;
	v25 =	vld [tilespmem:s28+$0xE0]  }
0x13e: {  	v18 =	vsub.f32 v18, v19;
	v19 =	vadd.f32 v20, v24;
	v20 =	vld [tilespmem:s29+$0xE0]  }
0x13f: {  	v24 =	vunpack.i.u.bf16.f32 v23;
	v23 =	vunpack.i.l.bf16.f32 v23;
	v22 =	vmul.bf16 v22, v27;
	v27 =	vld [tilespmem:s28+$0xF0]  }
0x140: {  	v18 =	vsub.f32 v18, v19;
	v19 =	vadd.f32 v23, v24;
	v23 =	vld [tilespmem:s29+$0xF0]  }
0x141: {  	v24 =	vld [tilespmem:s29+$0xFFFFFF00];
	v28 =	vunpack.i.u.bf16.f32 v22;
	v22 =	vunpack.i.l.bf16.f32 v22;
	v21 =	vmul.bf16 v21, v26  }
0x142: {  	v26 =	vld [tilespmem:s28+$0xFFFFFF00];
	v18 =	vsub.f32 v18, v19;
	v19 =	vadd.f32 v22, v28  }
0x143: {  	v22 =	vld [tilespmem:s28+$0xFFFFFF10];
	v28 =	vunpack.i.u.bf16.f32 v21;
	v21 =	vunpack.i.l.bf16.f32 v21;
	v20 =	vmul.bf16 v20, v25  }
0x144: {  	v25 =	vld [tilespmem:s29+$0xFFFFFF10];
	v18 =	vsub.f32 v18, v19;
	v19 =	vadd.f32 v21, v28  }
0x145: {  	v21 =	vld [tilespmem:s28+$0xFFFFFF20];
	v28 =	vunpack.i.u.bf16.f32 v20;
	v20 =	vunpack.i.l.bf16.f32 v20;
	v23 =	vmul.bf16 v23, v27  }
0x146: {  	v27 =	vld [tilespmem:s29+$0xFFFFFF20];
	v18 =	vsub.f32 v18, v19;
	v19 =	vadd.f32 v20, v28  }
0x147: {  	v20 =	vmul.bf16 v24, v26;
	v24 =	vld [tilespmem:s28+$0xFFFFFF30];
	v26 =	vunpack.i.u.bf16.f32 v23;
	v23 =	vunpack.i.l.bf16.f32 v23  }
0x148: {  	v28 =	vld [tilespmem:s29+$0xFFFFFF30];
	v18 =	vsub.f32 v18, v19;
	v19 =	vadd.f32 v23, v26  }
0x149: {  	v23 =	vunpack.i.u.bf16.f32 v20;
	v20 =	vunpack.i.l.bf16.f32 v20;
	v22 =	vmul.bf16 v25, v22;
	v25 =	vld [tilespmem:s28+$0xFFFFFF40]  }
0x14a: {  	v20 =	vadd.f32 v20, v23;
	v23 =	vld [tilespmem:s29+$0xFFFFFF40];
	v18 =	vsub.f32 v18, v19  }
0x14b: {  	s15 =	sadd.s32 $0x20, s15;
	v19 =	vunpack.i.u.bf16.f32 v22;
	v22 =	vunpack.i.l.bf16.f32 v22;
	v21 =	vmul.bf16 v27, v21;
	v26 =	vld [tilespmem:s28+$0xFFFFFF50]  }
0x14c: {  	v20 =	vadd.f32 $0.0e+00, v20;
	v19 =	vadd.f32 v22, v19;
	v22 =	vld [tilespmem:s29+$0xFFFFFF50];
	[tilespmem:s15+$0x0] =	vst v18  }
0x14d: {  	v18 =	vunpack.i.u.bf16.f32 v21;
	v21 =	vunpack.i.l.bf16.f32 v21;
	v24 =	vmul.bf16 v28, v24;
	v27 =	vld [tilespmem:s28+$0xFFFFFF60]  }
0x14e: {  	v19 =	vadd.f32 v19, v20;
	v18 =	vadd.f32 v21, v18;
	v20 =	vld [tilespmem:s29+$0xFFFFFF60]  }
0x14f: {  	v21 =	vunpack.i.u.bf16.f32 v24;
	v24 =	vunpack.i.l.bf16.f32 v24;
	v23 =	vmul.bf16 v23, v25;
	v25 =	vld [tilespmem:s28+$0xFFFFFF70]  }
0x150: {  	v18 =	vadd.f32 v18, v19;
	v19 =	vadd.f32 v24, v21;
	v21 =	vld [tilespmem:s29+$0xFFFFFF70]  }
0x151: {  	v24 =	vunpack.i.u.bf16.f32 v23;
	v23 =	vunpack.i.l.bf16.f32 v23;
	v22 =	vmul.bf16 v22, v26;
	v26 =	vld [tilespmem:s28+$0xFFFFFF80]  }
0x152: {  	v18 =	vadd.f32 v19, v18;
	v19 =	vadd.f32 v23, v24;
	v23 =	vld [tilespmem:s29+$0xFFFFFF80]  }
0x153: {  	v24 =	vunpack.i.u.bf16.f32 v22;
	v22 =	vunpack.i.l.bf16.f32 v22;
	v20 =	vmul.bf16 v20, v27;
	v27 =	vld [tilespmem:s28+$0xFFFFFF90]  }
0x154: {  	v18 =	vadd.f32 v19, v18;
	v19 =	vadd.f32 v22, v24;
	v22 =	vld [tilespmem:s29+$0xFFFFFF90]  }
0x155: {  	v24 =	vunpack.i.u.bf16.f32 v20;
	v20 =	vunpack.i.l.bf16.f32 v20;
	v21 =	vmul.bf16 v21, v25;
	v25 =	vld [tilespmem:s28+$0xFFFFFFA0]  }
0x156: {  	v18 =	vadd.f32 v19, v18;
	v19 =	vadd.f32 v20, v24;
	v20 =	vld [tilespmem:s29+$0xFFFFFFA0]  }
0x157: {  	v24 =	vunpack.i.u.bf16.f32 v21;
	v21 =	vunpack.i.l.bf16.f32 v21;
	v23 =	vmul.bf16 v23, v26;
	v26 =	vld [tilespmem:s28+$0xFFFFFFB0]  }
0x158: {  	v18 =	vadd.f32 v19, v18;
	v19 =	vadd.f32 v21, v24;
	v21 =	vld [tilespmem:s29+$0xFFFFFFB0]  }
0x159: {  	v24 =	vunpack.i.u.bf16.f32 v23;
	v23 =	vunpack.i.l.bf16.f32 v23;
	v22 =	vmul.bf16 v22, v27;
	v27 =	vld [tilespmem:s28+$0xFFFFFFC0]  }
0x15a: {  	v18 =	vadd.f32 v19, v18;
	v23 =	vadd.f32 v23, v24;
	v24 =	vld [tilespmem:s29+$0xFFFFFFC0]  }
0x15b: {  	v28 =	vunpack.i.u.bf16.f32 v22;
	v22 =	vunpack.i.l.bf16.f32 v22;
	v20 =	vmul.bf16 v20, v25;
	v19 =	vld [tilespmem:s28+$0xFFFFFFD0]  }
.Ltmp2:
0x15c: {  	v23 =	vsub.f32 v18, v23;
	v25 =	vadd.f32 v22, v28;
	v22 =	vld [tilespmem:s29+$0xFFFFFFD0];
	(pc) =	sbr.rel @p1 .LBB2_8-.Ltmp2, $4  }
0x15d: {  	v28 =	vunpack.i.u.bf16.f32 v20;
	v20 =	vunpack.i.l.bf16.f32 v20;
	v26 =	vmul.bf16 v21, v26;
	v18 =	vld [tilespmem:s28+$0xFFFFFFE0]  }
0x15e: {  	v23 =	vsub.f32 v23, v25;
	v25 =	vadd.f32 v20, v28;
	v21 =	vld [tilespmem:s29+$0xFFFFFFE0]  }
0x15f: {  	v28 =	vunpack.i.u.bf16.f32 v26;
	v29 =	vunpack.i.l.bf16.f32 v26;
	v26 =	vmul.bf16 v24, v27;
	v20 =	vld [tilespmem:s28+$0xFFFFFFF0]  }
0x160: {  	s28 =	sadd.s32 $0x200, s28;
	v24 =	vsub.f32 v23, v25;
	v25 =	vadd.f32 v29, v28;
	v23 =	vld [tilespmem:s29+$0xFFFFFFF0]  }
0x161: {  	v27 =	vunpack.i.u.bf16.f32 v26;
	v47 =	vunpack.i.l.bf16.f32 v26;
	v19 =	vmul.bf16 v22, v19  }
0x162: {  	v48 =	vsub.f32 v24, v25;
	v49 =	vadd.f32 v47, v27  }
0x163: {  	v50 =	vunpack.i.u.bf16.f32 v19;
	v19 =	vunpack.i.l.bf16.f32 v19;
	v18 =	vmul.bf16 v21, v18  }
0x164: {  	v51 =	vsub.f32 v48, v49;
	v19 =	vadd.f32 v19, v50  }
0x165: {  	v52 =	vunpack.i.u.bf16.f32 v18;
	v18 =	vunpack.i.l.bf16.f32 v18;
	v20 =	vmul.bf16 v23, v20  }
0x166: {  	v19 =	vsub.f32 v51, v19;
	v18 =	vadd.f32 v18, v52  }
0x167: {  	v53 =	vunpack.i.u.bf16.f32 v20;
	v20 =	vunpack.i.l.bf16.f32 v20  }
0x168: {  	v18 =	vsub.f32 v19, v18;
	v19 =	vadd.f32 v20, v53;
	_ =	sdelay $0x1  }
0x169: {  	v18 =	vsub.f32 v18, v19;
	_ =	sdelay $0x1  }
0x16a: {  	[tilespmem:s15+$0xFFFFFFF0] =	vst v18  }
0x16b: {  	v18 =	vld.idx.msk [tilespmem:v0+s20+$0x0], $0xffff;
	_ =	sdelay $0x1  }
0x16c: {  	v19 =	vld.idx.msk [tilespmem:v1+s20+$0x0], $0xffff;
	_ =	sdelay $0x1  }
0x16d: {  	v54 =	vld.idx.msk [tilespmem:v2+s20+$0x0], $0xffff  }
0x16e: {  	v18 =	vadd.f32 $0.0e+00, v18  }
0x16f: {  	v55 =	vld.idx.msk [tilespmem:v3+s20+$0x0], $0xffff  }
0x170: {  	v18 =	vadd.f32 v19, v18  }
0x171: {  	v19 =	vld.idx.msk [tilespmem:v4+s20+$0x0], $0xffff  }
0x172: {  	v18 =	vadd.f32 v54, v18  }
0x173: {  	v56 =	vld.idx.msk [tilespmem:v5+s20+$0x0], $0xffff  }
0x174: {  	v18 =	vadd.f32 v55, v18  }
0x175: {  	v57 =	vld.idx.msk [tilespmem:v6+s20+$0x0], $0xffff  }
0x176: {  	v18 =	vadd.f32 v19, v18  }
0x177: {  	v19 =	vld.idx.msk [tilespmem:v7+s20+$0x0], $0xffff  }
0x178: {  	v18 =	vadd.f32 v56, v18  }
0x179: {  	v58 =	vld.idx.msk [tilespmem:v8+s20+$0x0], $0xffff  }
0x17a: {  	v18 =	vadd.f32 v57, v18  }
0x17b: {  	v59 =	vld.idx.msk [tilespmem:v9+s20+$0x0], $0xffff  }
0x17c: {  	v18 =	vadd.f32 v19, v18  }
0x17d: {  	v19 =	vld.idx.msk [tilespmem:v10+s20+$0x0], $0xffff  }
0x17e: {  	v18 =	vadd.f32 v58, v18  }
0x17f: {  	v60 =	vld.idx.msk [tilespmem:v11+s20+$0x0], $0xffff  }
0x180: {  	v18 =	vadd.f32 v59, v18  }
0x181: {  	v61 =	vld.idx.msk [tilespmem:v12+s20+$0x0], $0xffff  }
0x182: {  	v18 =	vadd.f32 v19, v18  }
0x183: {  	v19 =	vld.idx.msk [tilespmem:v13+s20+$0x0], $0xffff  }
0x184: {  	v18 =	vadd.f32 v60, v18  }
0x185: {  	v62 =	vld.idx.msk [tilespmem:v14+s20+$0x0], $0xffff  }
0x186: {  	v18 =	vadd.f32 v61, v18  }
0x187: {  	v63 =	vld.idx.msk [tilespmem:v15+s20+$0x0], $0xffff  }
0x188: {  	v18 =	vadd.f32 v19, v18;
	_ =	sdelay $0x1  }
0x189: {  	s0 =	sadd.s32 $0x1, s0;
	v18 =	vadd.f32 v62, v18  }
0x18a: {  	p1 =	sne.s32 s0, $0x4  }
.Ltmp3:
0x18b: {  	v18 =	vadd.f32 v63, v18;
	(pc) =	sbr.rel @p1 .LBB2_7-.Ltmp3, $3  }
0x18c: {  	_ = 	snop  }
0x18d: {  	v18 =	vmul.f32 v18, v18;
	_ =	sdelay $0x1  }
0x18e: {  	s13 =	sadd.s32 $0x1000, s13;
	s14 =	sadd.s32 $0x1000, s14;
	v17 =	vadd.f32 v18, v17  }
0x18f: {  	s0 =	sadd.s32 @!p0 $0x100, s1;
	s13 =	simm.s32 @!p0 $0x40;
	s14 =	simm.s32 @!p0 $0xA710  }
0x190: {  	[tilespmem:s14], [sflag:$0x3] =	stream.indirect.gather @!p0 [hbm4b:s3+s13], $0x100, s0, s13, $0xb8;
	[tilespmem:$0x1A820] =	vst v63  }
0x191: {  	s0 =	sadd.s32 @!p0 $0x1488, s1;
	s1 =	simm.s32 @!p0 $0xE710  }
0x192: {  	[tilespmem:s1], [sflag:$0x4] =	stream.indirect.gather @!p0 [hbm4b:s3+s13], $0x100, s0, s13, $0xb8;
	[tilespmem:$0x1A820] =	vst v63  }
0x193: {  	_ =	swait.ge [sflag:s23], $0x4000  }
0x194: {  	[sflag:s23] =	ssyncset.done $0x0  }
0x195: {  	[sflag:s23] =	ssyncadd.s32 $0xFFFFC000  }
0x196: {  	_ =	swait.ge [sflag:s24], $0x4000  }
0x197: {  	s0 =	simm.s32 $0x0;
	[sflag:s24] =	ssyncset.done $0x0  }
0x198: {  	s1 =	simm.s32 $0x16810;
	s13 =	simm.s32 $0x12810;
	[sflag:s24] =	ssyncadd.s32 $0xFFFFC000  }
.LBB2_11:
0x199: {  	v18 =	vld [tilespmem:s13+$0x0]  }
0x19a: {  	v19 =	vld [tilespmem:s1+$0x0]  }
0x19b: {  	v20 =	vld [tilespmem:s13+$0x10]  }
0x19c: {  	v21 =	vld [tilespmem:s1+$0x10]  }
0x19d: {  	v22 =	vld [tilespmem:s13+$0x20]  }
0x19e: {  	v23 =	vld [tilespmem:s1+$0x20]  }
0x19f: {  	v24 =	vld [tilespmem:s1+$0x30];
	v18 =	vmul.bf16 v19, v18  }
0x1a0: {  	v19 =	vld [tilespmem:s13+$0x30]  }
0x1a1: {  	v20 =	vmul.bf16 v21, v20;
	v21 =	vld [tilespmem:s13+$0x40];
	v25 =	vunpack.i.u.bf16.f32 v18;
	v18 =	vunpack.i.l.bf16.f32 v18  }
0x1a2: {  	v18 =	vadd.f32 v18, v25;
	v25 =	vld [tilespmem:s1+$0x40]  }
0x1a3: {  	v22 =	vmul.bf16 v23, v22;
	v23 =	vld [tilespmem:s13+$0x50];
	v26 =	vunpack.i.u.bf16.f32 v20;
	v20 =	vunpack.i.l.bf16.f32 v20  }
0x1a4: {  	v20 =	vadd.f32 v20, v26;
	v26 =	vld [tilespmem:s1+$0x50];
	v18 =	vadd.f32 $0.0e+00, v18  }
0x1a5: {  	v27 =	vunpack.i.u.bf16.f32 v22;
	v22 =	vunpack.i.l.bf16.f32 v22;
	v19 =	vmul.bf16 v24, v19;
	v24 =	vld [tilespmem:s13+$0x60]  }
0x1a6: {  	v18 =	vadd.f32 v20, v18;
	v20 =	vadd.f32 v22, v27;
	v22 =	vld [tilespmem:s1+$0x60]  }
0x1a7: {  	v27 =	vunpack.i.u.bf16.f32 v19;
	v19 =	vunpack.i.l.bf16.f32 v19;
	v21 =	vmul.bf16 v25, v21;
	v25 =	vld [tilespmem:s13+$0x70]  }
0x1a8: {  	v19 =	vadd.f32 v19, v27;
	v18 =	vadd.f32 v20, v18;
	v20 =	vld [tilespmem:s1+$0x70]  }
0x1a9: {  	v23 =	vmul.bf16 v26, v23;
	v26 =	vld [tilespmem:s13+$0x80];
	v27 =	vunpack.i.u.bf16.f32 v21;
	v21 =	vunpack.i.l.bf16.f32 v21  }
0x1aa: {  	v18 =	vadd.f32 v19, v18;
	v19 =	vadd.f32 v21, v27;
	v21 =	vld [tilespmem:s1+$0x80]  }
0x1ab: {  	v27 =	vunpack.i.u.bf16.f32 v23;
	v23 =	vunpack.i.l.bf16.f32 v23;
	v22 =	vmul.bf16 v22, v24;
	v24 =	vld [tilespmem:s13+$0x90]  }
0x1ac: {  	v18 =	vadd.f32 v19, v18;
	v19 =	vadd.f32 v23, v27;
	v23 =	vld [tilespmem:s1+$0x90]  }
0x1ad: {  	v27 =	vunpack.i.u.bf16.f32 v22;
	v22 =	vunpack.i.l.bf16.f32 v22;
	v20 =	vmul.bf16 v20, v25;
	v25 =	vld [tilespmem:s13+$0xA0]  }
0x1ae: {  	v18 =	vadd.f32 v19, v18;
	v19 =	vadd.f32 v22, v27;
	v22 =	vld [tilespmem:s1+$0xA0]  }
0x1af: {  	v27 =	vunpack.i.u.bf16.f32 v20;
	v20 =	vunpack.i.l.bf16.f32 v20;
	v21 =	vmul.bf16 v21, v26;
	v26 =	vld [tilespmem:s13+$0xB0]  }
0x1b0: {  	v18 =	vadd.f32 v19, v18;
	v19 =	vadd.f32 v20, v27;
	v20 =	vld [tilespmem:s1+$0xB0]  }
0x1b1: {  	v27 =	vunpack.i.u.bf16.f32 v21;
	v21 =	vunpack.i.l.bf16.f32 v21;
	v23 =	vmul.bf16 v23, v24;
	v24 =	vld [tilespmem:s13+$0xC0]  }
0x1b2: {  	v18 =	vadd.f32 v19, v18;
	v19 =	vadd.f32 v21, v27;
	v21 =	vld [tilespmem:s1+$0xC0]  }
0x1b3: {  	v27 =	vunpack.i.u.bf16.f32 v23;
	v23 =	vunpack.i.l.bf16.f32 v23;
	v22 =	vmul.bf16 v22, v25;
	v25 =	vld [tilespmem:s13+$0xD0]  }
0x1b4: {  	v18 =	vsub.f32 v18, v19;
	v19 =	vadd.f32 v23, v27;
	v23 =	vld [tilespmem:s1+$0xD0]  }
0x1b5: {  	v27 =	vunpack.i.u.bf16.f32 v22;
	v22 =	vunpack.i.l.bf16.f32 v22;
	v20 =	vmul.bf16 v20, v26;
	v26 =	vld [tilespmem:s13+$0xE0]  }
0x1b6: {  	v18 =	vsub.f32 v18, v19;
	v19 =	vadd.f32 v22, v27;
	v22 =	vld [tilespmem:s1+$0xE0]  }
0x1b7: {  	v27 =	vunpack.i.u.bf16.f32 v20;
	v20 =	vunpack.i.l.bf16.f32 v20;
	v21 =	vmul.bf16 v21, v24;
	v24 =	vld [tilespmem:s13+$0xF0]  }
0x1b8: {  	v18 =	vsub.f32 v18, v19;
	v19 =	vadd.f32 v20, v27;
	v20 =	vld [tilespmem:s1+$0xF0]  }
0x1b9: {  	v27 =	vld [tilespmem:s1+$0xFFFFFF00];
	v28 =	vunpack.i.u.bf16.f32 v21;
	v21 =	vunpack.i.l.bf16.f32 v21;
	v23 =	vmul.bf16 v23, v25  }
0x1ba: {  	v25 =	vld [tilespmem:s13+$0xFFFFFF00];
	v18 =	vsub.f32 v18, v19;
	v19 =	vadd.f32 v21, v28  }
0x1bb: {  	v21 =	vld [tilespmem:s13+$0xFFFFFF10];
	v57 =	vunpack.i.u.bf16.f32 v23;
	v23 =	vunpack.i.l.bf16.f32 v23;
	v22 =	vmul.bf16 v22, v26  }
0x1bc: {  	v26 =	vld [tilespmem:s1+$0xFFFFFF10];
	v18 =	vsub.f32 v18, v19;
	v19 =	vadd.f32 v23, v57  }
0x1bd: {  	v23 =	vld [tilespmem:s13+$0xFFFFFF20];
	v58 =	vunpack.i.u.bf16.f32 v22;
	v22 =	vunpack.i.l.bf16.f32 v22;
	v20 =	vmul.bf16 v20, v24  }
0x1be: {  	v24 =	vld [tilespmem:s1+$0xFFFFFF20];
	v18 =	vsub.f32 v18, v19;
	v19 =	vadd.f32 v22, v58  }
0x1bf: {  	v59 =	vld [tilespmem:s1+$0xFFFFFF30];
	v22 =	vmul.bf16 v27, v25;
	v27 =	vunpack.i.u.bf16.f32 v20;
	v20 =	vunpack.i.l.bf16.f32 v20  }
0x1c0: {  	v25 =	vld [tilespmem:s13+$0xFFFFFF30];
	v18 =	vsub.f32 v18, v19;
	v19 =	vadd.f32 v20, v27  }
0x1c1: {  	v20 =	vunpack.i.u.bf16.f32 v22;
	v22 =	vunpack.i.l.bf16.f32 v22;
	v21 =	vmul.bf16 v26, v21;
	v26 =	vld [tilespmem:s13+$0xFFFFFF40]  }
0x1c2: {  	v20 =	vadd.f32 v22, v20;
	v22 =	vld [tilespmem:s1+$0xFFFFFF40];
	v27 =	vsub.f32 v18, v19  }
0x1c3: {  	v18 =	vunpack.i.u.bf16.f32 v21;
	v19 =	vunpack.i.l.bf16.f32 v21;
	v21 =	vmul.bf16 v24, v23;
	v23 =	vld [tilespmem:s13+$0xFFFFFF50]  }
0x1c4: {  	v20 =	vadd.f32 $0.0e+00, v20;
	v18 =	vadd.f32 v19, v18;
	v19 =	vld [tilespmem:s1+$0xFFFFFF50]  }
0x1c5: {  	v60 =	vld [tilespmem:s13+$0xFFFFFF60];
	v25 =	vmul.bf16 v59, v25;
	v24 =	vunpack.i.u.bf16.f32 v21;
	v21 =	vunpack.i.l.bf16.f32 v21  }
0x1c6: {  	v18 =	vadd.f32 v18, v20;
	v20 =	vadd.f32 v21, v24;
	v21 =	vld [tilespmem:s1+$0xFFFFFF60]  }
0x1c7: {  	v24 =	vunpack.i.u.bf16.f32 v25;
	v25 =	vunpack.i.l.bf16.f32 v25;
	v22 =	vmul.bf16 v22, v26;
	v26 =	vld [tilespmem:s13+$0xFFFFFF70]  }
0x1c8: {  	v18 =	vadd.f32 v20, v18;
	v20 =	vadd.f32 v25, v24;
	v24 =	vld [tilespmem:s1+$0xFFFFFF70]  }
0x1c9: {  	v25 =	vunpack.i.u.bf16.f32 v22;
	v22 =	vunpack.i.l.bf16.f32 v22;
	v19 =	vmul.bf16 v19, v23;
	v23 =	vld [tilespmem:s13+$0xFFFFFF80]  }
0x1ca: {  	v18 =	vadd.f32 v20, v18;
	v20 =	vadd.f32 v22, v25;
	v22 =	vld [tilespmem:s1+$0xFFFFFF80]  }
0x1cb: {  	v61 =	vld [tilespmem:s13+$0xFFFFFF90];
	v25 =	vunpack.i.u.bf16.f32 v19;
	v19 =	vunpack.i.l.bf16.f32 v19;
	v21 =	vmul.bf16 v21, v60  }
0x1cc: {  	v18 =	vadd.f32 v20, v18;
	v19 =	vadd.f32 v19, v25;
	v20 =	vld [tilespmem:s1+$0xFFFFFF90]  }
0x1cd: {  	v25 =	vunpack.i.u.bf16.f32 v21;
	v21 =	vunpack.i.l.bf16.f32 v21;
	v24 =	vmul.bf16 v24, v26;
	v26 =	vld [tilespmem:s13+$0xFFFFFFA0]  }
0x1ce: {  	v18 =	vadd.f32 v19, v18;
	v19 =	vadd.f32 v21, v25;
	v21 =	vld [tilespmem:s1+$0xFFFFFFA0]  }
0x1cf: {  	v25 =	vunpack.i.u.bf16.f32 v24;
	v24 =	vunpack.i.l.bf16.f32 v24;
	v22 =	vmul.bf16 v22, v23;
	v23 =	vld [tilespmem:s13+$0xFFFFFFB0]  }
0x1d0: {  	v18 =	vadd.f32 v19, v18;
	v19 =	vadd.f32 v24, v25;
	v24 =	vld [tilespmem:s1+$0xFFFFFFB0]  }
0x1d1: {  	v62 =	vld [tilespmem:s13+$0xFFFFFFC0];
	v25 =	vunpack.i.u.bf16.f32 v22;
	v22 =	vunpack.i.l.bf16.f32 v22;
	v20 =	vmul.bf16 v20, v61  }
0x1d2: {  	v18 =	vadd.f32 v19, v18;
	v22 =	vadd.f32 v22, v25;
	v25 =	vld [tilespmem:s1+$0xFFFFFFC0]  }
0x1d3: {  	v19 =	vld [tilespmem:s13+$0xFFFFFFD0];
	v29 =	vunpack.i.u.bf16.f32 v20;
	v20 =	vunpack.i.l.bf16.f32 v20;
	v21 =	vmul.bf16 v21, v26  }
0x1d4: {  	v26 =	vsub.f32 v18, v22;
	v20 =	vadd.f32 v20, v29;
	v22 =	vld [tilespmem:s1+$0xFFFFFFD0]  }
0x1d5: {  	v18 =	vld [tilespmem:s13+$0xFFFFFFE0];
	v63 =	vunpack.i.u.bf16.f32 v21;
	v21 =	vunpack.i.l.bf16.f32 v21;
	v23 =	vmul.bf16 v24, v23  }
0x1d6: {  	v24 =	vsub.f32 v26, v20;
	v29 =	vadd.f32 v21, v63;
	v21 =	vld [tilespmem:s1+$0xFFFFFFE0]  }
0x1d7: {  	s14 =	simm.s32 $0x1A720;
	v20 =	vld [tilespmem:s13+$0xFFFFFFF0];
	v30 =	vunpack.i.u.bf16.f32 v23;
	v23 =	vunpack.i.l.bf16.f32 v23;
	v26 =	vmul.bf16 v25, v62  }
0x1d8: {  	s15 =	simm.s32 $0x0;
	s26 =	sadd.s32 $0x200, s13;
	s28 =	smov.u32 s1;
	[tilespmem:s14+$0x0] =	vst v27;
	v24 =	vsub.f32 v24, v29;
	v25 =	vadd.f32 v23, v30;
	v23 =	vld [tilespmem:s1+$0xFFFFFFF0]  }
.LBB2_12:
0x1d9: {  	v27 =	vld [tilespmem:s26+$0x0];
	v28 =	vunpack.i.u.bf16.f32 v26;
	v26 =	vunpack.i.l.bf16.f32 v26;
	v19 =	vmul.bf16 v22, v19;
	s28 =	sadd.s32 $0x200, s28  }
0x1da: {  	s15 =	sadd.s32 $0x2, s15;
	v22 =	vld [tilespmem:s28+$0x0];
	v24 =	vsub.f32 v24, v25;
	v25 =	vadd.f32 v26, v28  }
0x1db: {  	p0 =	slt.u32 s15, $0xE;
	v26 =	vld [tilespmem:s26+$0x10];
	v28 =	vunpack.i.u.bf16.f32 v19;
	v19 =	vunpack.i.l.bf16.f32 v19;
	v18 =	vmul.bf16 v21, v18  }
0x1dc: {  	v21 =	vld [tilespmem:s28+$0x10];
	v24 =	vsub.f32 v24, v25;
	v19 =	vadd.f32 v19, v28  }
0x1dd: {  	v25 =	vld [tilespmem:s26+$0x20];
	v28 =	vunpack.i.u.bf16.f32 v18;
	v18 =	vunpack.i.l.bf16.f32 v18;
	v20 =	vmul.bf16 v23, v20  }
0x1de: {  	v23 =	vld [tilespmem:s28+$0x20];
	v19 =	vsub.f32 v24, v19;
	v18 =	vadd.f32 v18, v28  }
0x1df: {  	v22 =	vmul.bf16 v22, v27;
	v24 =	vld [tilespmem:s26+$0x30];
	v27 =	vunpack.i.u.bf16.f32 v20;
	v20 =	vunpack.i.l.bf16.f32 v20  }
0x1e0: {  	v28 =	vld [tilespmem:s28+$0x30];
	v18 =	vsub.f32 v19, v18;
	v19 =	vadd.f32 v20, v27  }
0x1e1: {  	v20 =	vunpack.i.u.bf16.f32 v22;
	v22 =	vunpack.i.l.bf16.f32 v22;
	v21 =	vmul.bf16 v21, v26;
	v26 =	vld [tilespmem:s26+$0x40]  }
0x1e2: {  	v20 =	vadd.f32 v22, v20;
	v22 =	vld [tilespmem:s28+$0x40];
	v18 =	vsub.f32 v18, v19  }
0x1e3: {  	v19 =	vunpack.i.u.bf16.f32 v21;
	v21 =	vunpack.i.l.bf16.f32 v21;
	v23 =	vmul.bf16 v23, v25;
	v25 =	vld [tilespmem:s26+$0x50]  }
0x1e4: {  	v20 =	vadd.f32 $0.0e+00, v20;
	v19 =	vadd.f32 v21, v19;
	v21 =	vld [tilespmem:s28+$0x50];
	[tilespmem:s14+$0xFFFFFFF0] =	vst v18  }
0x1e5: {  	v18 =	vunpack.i.u.bf16.f32 v23;
	v23 =	vunpack.i.l.bf16.f32 v23;
	v24 =	vmul.bf16 v28, v24;
	v27 =	vld [tilespmem:s26+$0x60]  }
0x1e6: {  	v19 =	vadd.f32 v19, v20;
	v18 =	vadd.f32 v23, v18;
	v20 =	vld [tilespmem:s28+$0x60]  }
0x1e7: {  	v23 =	vunpack.i.u.bf16.f32 v24;
	v24 =	vunpack.i.l.bf16.f32 v24;
	v22 =	vmul.bf16 v22, v26;
	v26 =	vld [tilespmem:s26+$0x70]  }
0x1e8: {  	v18 =	vadd.f32 v18, v19;
	v19 =	vadd.f32 v24, v23;
	v23 =	vld [tilespmem:s28+$0x70]  }
0x1e9: {  	v24 =	vunpack.i.u.bf16.f32 v22;
	v22 =	vunpack.i.l.bf16.f32 v22;
	v21 =	vmul.bf16 v21, v25;
	v25 =	vld [tilespmem:s26+$0x80]  }
0x1ea: {  	v18 =	vadd.f32 v19, v18;
	v19 =	vadd.f32 v22, v24;
	v22 =	vld [tilespmem:s28+$0x80]  }
0x1eb: {  	v24 =	vunpack.i.u.bf16.f32 v21;
	v21 =	vunpack.i.l.bf16.f32 v21;
	v20 =	vmul.bf16 v20, v27;
	v27 =	vld [tilespmem:s26+$0x90]  }
0x1ec: {  	v18 =	vadd.f32 v19, v18;
	v19 =	vadd.f32 v21, v24;
	v21 =	vld [tilespmem:s28+$0x90]  }
0x1ed: {  	v24 =	vunpack.i.u.bf16.f32 v20;
	v20 =	vunpack.i.l.bf16.f32 v20;
	v23 =	vmul.bf16 v23, v26;
	v26 =	vld [tilespmem:s26+$0xA0]  }
0x1ee: {  	v18 =	vadd.f32 v19, v18;
	v19 =	vadd.f32 v20, v24;
	v20 =	vld [tilespmem:s28+$0xA0]  }
0x1ef: {  	v24 =	vunpack.i.u.bf16.f32 v23;
	v23 =	vunpack.i.l.bf16.f32 v23;
	v22 =	vmul.bf16 v22, v25;
	v25 =	vld [tilespmem:s26+$0xB0]  }
0x1f0: {  	v18 =	vadd.f32 v19, v18;
	v19 =	vadd.f32 v23, v24;
	v23 =	vld [tilespmem:s28+$0xB0]  }
0x1f1: {  	v24 =	vunpack.i.u.bf16.f32 v22;
	v22 =	vunpack.i.l.bf16.f32 v22;
	v21 =	vmul.bf16 v21, v27;
	v27 =	vld [tilespmem:s26+$0xC0]  }
0x1f2: {  	v18 =	vadd.f32 v19, v18;
	v19 =	vadd.f32 v22, v24;
	v22 =	vld [tilespmem:s28+$0xC0]  }
0x1f3: {  	v24 =	vunpack.i.u.bf16.f32 v21;
	v21 =	vunpack.i.l.bf16.f32 v21;
	v20 =	vmul.bf16 v20, v26;
	v26 =	vld [tilespmem:s26+$0xD0]  }
0x1f4: {  	v18 =	vsub.f32 v18, v19;
	v19 =	vadd.f32 v21, v24;
	v21 =	vld [tilespmem:s28+$0xD0]  }
0x1f5: {  	v24 =	vunpack.i.u.bf16.f32 v20;
	v20 =	vunpack.i.l.bf16.f32 v20;
	v23 =	vmul.bf16 v23, v25;
	v25 =	vld [tilespmem:s26+$0xE0]  }
0x1f6: {  	v18 =	vsub.f32 v18, v19;
	v19 =	vadd.f32 v20, v24;
	v20 =	vld [tilespmem:s28+$0xE0]  }
0x1f7: {  	v24 =	vunpack.i.u.bf16.f32 v23;
	v23 =	vunpack.i.l.bf16.f32 v23;
	v22 =	vmul.bf16 v22, v27;
	v27 =	vld [tilespmem:s26+$0xF0]  }
0x1f8: {  	v18 =	vsub.f32 v18, v19;
	v19 =	vadd.f32 v23, v24;
	v23 =	vld [tilespmem:s28+$0xF0]  }
0x1f9: {  	v24 =	vld [tilespmem:s28+$0xFFFFFF00];
	v28 =	vunpack.i.u.bf16.f32 v22;
	v22 =	vunpack.i.l.bf16.f32 v22;
	v21 =	vmul.bf16 v21, v26  }
0x1fa: {  	v26 =	vld [tilespmem:s26+$0xFFFFFF00];
	v18 =	vsub.f32 v18, v19;
	v19 =	vadd.f32 v22, v28  }
0x1fb: {  	v22 =	vld [tilespmem:s26+$0xFFFFFF10];
	v28 =	vunpack.i.u.bf16.f32 v21;
	v21 =	vunpack.i.l.bf16.f32 v21;
	v20 =	vmul.bf16 v20, v25  }
0x1fc: {  	v25 =	vld [tilespmem:s28+$0xFFFFFF10];
	v18 =	vsub.f32 v18, v19;
	v19 =	vadd.f32 v21, v28  }
0x1fd: {  	v21 =	vld [tilespmem:s26+$0xFFFFFF20];
	v28 =	vunpack.i.u.bf16.f32 v20;
	v20 =	vunpack.i.l.bf16.f32 v20;
	v23 =	vmul.bf16 v23, v27  }
0x1fe: {  	v27 =	vld [tilespmem:s28+$0xFFFFFF20];
	v18 =	vsub.f32 v18, v19;
	v19 =	vadd.f32 v20, v28  }
0x1ff: {  	v20 =	vmul.bf16 v24, v26;
	v24 =	vld [tilespmem:s26+$0xFFFFFF30];
	v26 =	vunpack.i.u.bf16.f32 v23;
	v23 =	vunpack.i.l.bf16.f32 v23  }
0x200: {  	v28 =	vld [tilespmem:s28+$0xFFFFFF30];
	v18 =	vsub.f32 v18, v19;
	v19 =	vadd.f32 v23, v26  }
0x201: {  	v23 =	vunpack.i.u.bf16.f32 v20;
	v20 =	vunpack.i.l.bf16.f32 v20;
	v22 =	vmul.bf16 v25, v22;
	v25 =	vld [tilespmem:s26+$0xFFFFFF40]  }
0x202: {  	v20 =	vadd.f32 v20, v23;
	v23 =	vld [tilespmem:s28+$0xFFFFFF40];
	v18 =	vsub.f32 v18, v19  }
0x203: {  	s14 =	sadd.s32 $0x20, s14;
	v19 =	vunpack.i.u.bf16.f32 v22;
	v22 =	vunpack.i.l.bf16.f32 v22;
	v21 =	vmul.bf16 v27, v21;
	v26 =	vld [tilespmem:s26+$0xFFFFFF50]  }
0x204: {  	v20 =	vadd.f32 $0.0e+00, v20;
	v19 =	vadd.f32 v22, v19;
	v22 =	vld [tilespmem:s28+$0xFFFFFF50];
	[tilespmem:s14+$0x0] =	vst v18  }
0x205: {  	v18 =	vunpack.i.u.bf16.f32 v21;
	v21 =	vunpack.i.l.bf16.f32 v21;
	v24 =	vmul.bf16 v28, v24;
	v27 =	vld [tilespmem:s26+$0xFFFFFF60]  }
0x206: {  	v19 =	vadd.f32 v19, v20;
	v18 =	vadd.f32 v21, v18;
	v20 =	vld [tilespmem:s28+$0xFFFFFF60]  }
0x207: {  	v21 =	vunpack.i.u.bf16.f32 v24;
	v24 =	vunpack.i.l.bf16.f32 v24;
	v23 =	vmul.bf16 v23, v25;
	v25 =	vld [tilespmem:s26+$0xFFFFFF70]  }
0x208: {  	v18 =	vadd.f32 v18, v19;
	v19 =	vadd.f32 v24, v21;
	v21 =	vld [tilespmem:s28+$0xFFFFFF70]  }
0x209: {  	v24 =	vunpack.i.u.bf16.f32 v23;
	v23 =	vunpack.i.l.bf16.f32 v23;
	v22 =	vmul.bf16 v22, v26;
	v26 =	vld [tilespmem:s26+$0xFFFFFF80]  }
0x20a: {  	v18 =	vadd.f32 v19, v18;
	v19 =	vadd.f32 v23, v24;
	v23 =	vld [tilespmem:s28+$0xFFFFFF80]  }
0x20b: {  	v24 =	vunpack.i.u.bf16.f32 v22;
	v22 =	vunpack.i.l.bf16.f32 v22;
	v20 =	vmul.bf16 v20, v27;
	v27 =	vld [tilespmem:s26+$0xFFFFFF90]  }
0x20c: {  	v18 =	vadd.f32 v19, v18;
	v19 =	vadd.f32 v22, v24;
	v22 =	vld [tilespmem:s28+$0xFFFFFF90]  }
0x20d: {  	v24 =	vunpack.i.u.bf16.f32 v20;
	v20 =	vunpack.i.l.bf16.f32 v20;
	v21 =	vmul.bf16 v21, v25;
	v25 =	vld [tilespmem:s26+$0xFFFFFFA0]  }
0x20e: {  	v18 =	vadd.f32 v19, v18;
	v19 =	vadd.f32 v20, v24;
	v20 =	vld [tilespmem:s28+$0xFFFFFFA0]  }
0x20f: {  	v24 =	vunpack.i.u.bf16.f32 v21;
	v21 =	vunpack.i.l.bf16.f32 v21;
	v23 =	vmul.bf16 v23, v26;
	v26 =	vld [tilespmem:s26+$0xFFFFFFB0]  }
0x210: {  	v18 =	vadd.f32 v19, v18;
	v19 =	vadd.f32 v21, v24;
	v21 =	vld [tilespmem:s28+$0xFFFFFFB0]  }
0x211: {  	v24 =	vunpack.i.u.bf16.f32 v23;
	v23 =	vunpack.i.l.bf16.f32 v23;
	v22 =	vmul.bf16 v22, v27;
	v27 =	vld [tilespmem:s26+$0xFFFFFFC0]  }
0x212: {  	v18 =	vadd.f32 v19, v18;
	v23 =	vadd.f32 v23, v24;
	v24 =	vld [tilespmem:s28+$0xFFFFFFC0]  }
0x213: {  	v28 =	vunpack.i.u.bf16.f32 v22;
	v22 =	vunpack.i.l.bf16.f32 v22;
	v20 =	vmul.bf16 v20, v25;
	v19 =	vld [tilespmem:s26+$0xFFFFFFD0]  }
.Ltmp4:
0x214: {  	v23 =	vsub.f32 v18, v23;
	v25 =	vadd.f32 v22, v28;
	v22 =	vld [tilespmem:s28+$0xFFFFFFD0];
	(pc) =	sbr.rel @p0 .LBB2_12-.Ltmp4, $4  }
0x215: {  	v28 =	vunpack.i.u.bf16.f32 v20;
	v20 =	vunpack.i.l.bf16.f32 v20;
	v26 =	vmul.bf16 v21, v26;
	v18 =	vld [tilespmem:s26+$0xFFFFFFE0]  }
0x216: {  	v23 =	vsub.f32 v23, v25;
	v25 =	vadd.f32 v20, v28;
	v21 =	vld [tilespmem:s28+$0xFFFFFFE0]  }
0x217: {  	v28 =	vunpack.i.u.bf16.f32 v26;
	v29 =	vunpack.i.l.bf16.f32 v26;
	v26 =	vmul.bf16 v24, v27;
	v20 =	vld [tilespmem:s26+$0xFFFFFFF0]  }
0x218: {  	s26 =	sadd.s32 $0x200, s26;
	v24 =	vsub.f32 v23, v25;
	v25 =	vadd.f32 v29, v28;
	v23 =	vld [tilespmem:s28+$0xFFFFFFF0]  }
0x219: {  	v27 =	vunpack.i.u.bf16.f32 v26;
	v47 =	vunpack.i.l.bf16.f32 v26;
	v19 =	vmul.bf16 v22, v19  }
0x21a: {  	v48 =	vsub.f32 v24, v25;
	v49 =	vadd.f32 v47, v27  }
0x21b: {  	v50 =	vunpack.i.u.bf16.f32 v19;
	v19 =	vunpack.i.l.bf16.f32 v19;
	v18 =	vmul.bf16 v21, v18  }
0x21c: {  	v51 =	vsub.f32 v48, v49;
	v19 =	vadd.f32 v19, v50  }
0x21d: {  	v52 =	vunpack.i.u.bf16.f32 v18;
	v18 =	vunpack.i.l.bf16.f32 v18;
	v20 =	vmul.bf16 v23, v20  }
0x21e: {  	v19 =	vsub.f32 v51, v19;
	v18 =	vadd.f32 v18, v52  }
0x21f: {  	v53 =	vunpack.i.u.bf16.f32 v20;
	v20 =	vunpack.i.l.bf16.f32 v20  }
0x220: {  	v18 =	vsub.f32 v19, v18;
	v19 =	vadd.f32 v20, v53;
	_ =	sdelay $0x1  }
0x221: {  	v18 =	vsub.f32 v18, v19;
	_ =	sdelay $0x1  }
0x222: {  	[tilespmem:s14+$0xFFFFFFF0] =	vst v18  }
0x223: {  	v18 =	vld.idx.msk [tilespmem:v0+s20+$0x0], $0xffff;
	_ =	sdelay $0x1  }
0x224: {  	v19 =	vld.idx.msk [tilespmem:v1+s20+$0x0], $0xffff;
	_ =	sdelay $0x1  }
0x225: {  	v54 =	vld.idx.msk [tilespmem:v2+s20+$0x0], $0xffff  }
0x226: {  	v18 =	vadd.f32 $0.0e+00, v18  }
0x227: {  	v55 =	vld.idx.msk [tilespmem:v3+s20+$0x0], $0xffff  }
0x228: {  	v18 =	vadd.f32 v19, v18  }
0x229: {  	v19 =	vld.idx.msk [tilespmem:v4+s20+$0x0], $0xffff  }
0x22a: {  	v18 =	vadd.f32 v54, v18  }
0x22b: {  	v56 =	vld.idx.msk [tilespmem:v5+s20+$0x0], $0xffff  }
0x22c: {  	v18 =	vadd.f32 v55, v18  }
0x22d: {  	v57 =	vld.idx.msk [tilespmem:v6+s20+$0x0], $0xffff  }
0x22e: {  	v18 =	vadd.f32 v19, v18  }
0x22f: {  	v19 =	vld.idx.msk [tilespmem:v7+s20+$0x0], $0xffff  }
0x230: {  	v18 =	vadd.f32 v56, v18  }
0x231: {  	v58 =	vld.idx.msk [tilespmem:v8+s20+$0x0], $0xffff  }
0x232: {  	v18 =	vadd.f32 v57, v18  }
0x233: {  	v59 =	vld.idx.msk [tilespmem:v9+s20+$0x0], $0xffff  }
0x234: {  	v18 =	vadd.f32 v19, v18  }
0x235: {  	v19 =	vld.idx.msk [tilespmem:v10+s20+$0x0], $0xffff  }
0x236: {  	v18 =	vadd.f32 v58, v18  }
0x237: {  	v60 =	vld.idx.msk [tilespmem:v11+s20+$0x0], $0xffff  }
0x238: {  	v18 =	vadd.f32 v59, v18  }
0x239: {  	v61 =	vld.idx.msk [tilespmem:v12+s20+$0x0], $0xffff  }
0x23a: {  	v18 =	vadd.f32 v19, v18  }
0x23b: {  	v19 =	vld.idx.msk [tilespmem:v13+s20+$0x0], $0xffff  }
0x23c: {  	v18 =	vadd.f32 v60, v18  }
0x23d: {  	v62 =	vld.idx.msk [tilespmem:v14+s20+$0x0], $0xffff  }
0x23e: {  	v18 =	vadd.f32 v61, v18  }
0x23f: {  	v63 =	vld.idx.msk [tilespmem:v15+s20+$0x0], $0xffff  }
0x240: {  	v18 =	vadd.f32 v19, v18;
	_ =	sdelay $0x1  }
0x241: {  	s0 =	sadd.s32 $0x1, s0;
	v18 =	vadd.f32 v62, v18  }
0x242: {  	p0 =	sne.s32 s0, $0x4  }
.Ltmp5:
0x243: {  	v18 =	vadd.f32 v63, v18;
	(pc) =	sbr.rel @p0 .LBB2_11-.Ltmp5, $3  }
0x244: {  	_ = 	snop  }
0x245: {  	v18 =	vmul.f32 v18, v18;
	_ =	sdelay $0x1  }
0x246: {  	s1 =	sadd.s32 $0x1000, s1;
	s13 =	sadd.s32 $0x1000, s13;
	v17 =	vadd.f32 v18, v17  }
0x247: {  	s31 =	sadd.s32 $0x1, s31  }
0x248: {  	p0 =	sne.s32 s31, $0x1A  }
.Ltmp6:
0x249: {  	_ = 	snop;
	(pc) =	sbr.rel @p0 .LBB2_2-.Ltmp6, $1  }
0x24a: {  	_ =	sdelay $0x3  }
0x24b: {  	s0 =	simm.s32 $0x1380  }
0x24c: {  	[tilespmem:s11], [sflag:$0x1] =	stream.indirect.gather [hbm4b:s3+s25], $0x100, s0, s25, $0xb8;
	[tilespmem:$0x1A820] =	vst v63  }
0x24d: {  	s31 =	simm.s32 $0x2708  }
0x24e: {  	[tilespmem:s12], [sflag:$0x2] =	stream.indirect.gather [hbm4b:s3+s25], $0x100, s31, s25, $0xb8;
	[tilespmem:$0x1A820] =	vst v63  }
0x24f: {  	[tilespmem:$0x2F10] =	vst v16  }
0x250: {  	[tilespmem:$0x6F10] =	vst v16  }
0x251: {  	[tilespmem:$0x2F20] =	vst v16  }
0x252: {  	[tilespmem:$0x6F20] =	vst v16  }
0x253: {  	[tilespmem:$0x2F30] =	vst v16  }
0x254: {  	[tilespmem:$0x6F30] =	vst v16  }
0x255: {  	[tilespmem:$0x2F40] =	vst v16  }
0x256: {  	[tilespmem:$0x6F40] =	vst v16  }
0x257: {  	[tilespmem:$0x2F50] =	vst v16  }
0x258: {  	[tilespmem:$0x6F50] =	vst v16  }
0x259: {  	[tilespmem:$0x2F60] =	vst v16  }
0x25a: {  	[tilespmem:$0x6F60] =	vst v16  }
0x25b: {  	[tilespmem:$0x2F70] =	vst v16  }
0x25c: {  	[tilespmem:$0x6F70] =	vst v16  }
0x25d: {  	[tilespmem:$0x2F80] =	vst v16  }
0x25e: {  	[tilespmem:$0x6F80] =	vst v16  }
0x25f: {  	[tilespmem:$0x2F90] =	vst v16  }
0x260: {  	[tilespmem:$0x6F90] =	vst v16  }
0x261: {  	[tilespmem:$0x2FA0] =	vst v16  }
0x262: {  	[tilespmem:$0x6FA0] =	vst v16  }
0x263: {  	[tilespmem:$0x2FB0] =	vst v16  }
0x264: {  	[tilespmem:$0x6FB0] =	vst v16  }
0x265: {  	[tilespmem:$0x2FC0] =	vst v16  }
0x266: {  	[tilespmem:$0x6FC0] =	vst v16  }
0x267: {  	[tilespmem:$0x2FD0] =	vst v16  }
0x268: {  	[tilespmem:$0x6FD0] =	vst v16  }
0x269: {  	[tilespmem:$0x2FE0] =	vst v16  }
0x26a: {  	[tilespmem:$0x6FE0] =	vst v16  }
0x26b: {  	[tilespmem:$0x2FF0] =	vst v16  }
0x26c: {  	[tilespmem:$0x6FF0] =	vst v16  }
0x26d: {  	[tilespmem:$0x3000] =	vst v16  }
0x26e: {  	[tilespmem:$0x7000] =	vst v16  }
0x26f: {  	[tilespmem:$0x3010] =	vst v16  }
0x270: {  	[tilespmem:$0x7010] =	vst v16  }
0x271: {  	[tilespmem:$0x3020] =	vst v16  }
0x272: {  	[tilespmem:$0x7020] =	vst v16  }
0x273: {  	[tilespmem:$0x3030] =	vst v16  }
0x274: {  	[tilespmem:$0x7030] =	vst v16  }
0x275: {  	[tilespmem:$0x3040] =	vst v16  }
0x276: {  	[tilespmem:$0x7040] =	vst v16  }
0x277: {  	[tilespmem:$0x3050] =	vst v16  }
0x278: {  	[tilespmem:$0x7050] =	vst v16  }
0x279: {  	[tilespmem:$0x3060] =	vst v16  }
0x27a: {  	[tilespmem:$0x7060] =	vst v16  }
0x27b: {  	[tilespmem:$0x3070] =	vst v16  }
0x27c: {  	[tilespmem:$0x7070] =	vst v16  }
0x27d: {  	[tilespmem:$0x3080] =	vst v16  }
0x27e: {  	[tilespmem:$0x7080] =	vst v16  }
0x27f: {  	[tilespmem:$0x3090] =	vst v16  }
0x280: {  	[tilespmem:$0x7090] =	vst v16  }
0x281: {  	[tilespmem:$0x30A0] =	vst v16  }
0x282: {  	[tilespmem:$0x70A0] =	vst v16  }
0x283: {  	[tilespmem:$0x30B0] =	vst v16  }
0x284: {  	[tilespmem:$0x70B0] =	vst v16  }
0x285: {  	[tilespmem:$0x30C0] =	vst v16  }
0x286: {  	[tilespmem:$0x70C0] =	vst v16  }
0x287: {  	[tilespmem:$0x30D0] =	vst v16  }
0x288: {  	[tilespmem:$0x70D0] =	vst v16  }
0x289: {  	[tilespmem:$0x30E0] =	vst v16  }
0x28a: {  	[tilespmem:$0x70E0] =	vst v16  }
0x28b: {  	[tilespmem:$0x30F0] =	vst v16  }
0x28c: {  	[tilespmem:$0x70F0] =	vst v16  }
0x28d: {  	[tilespmem:$0x3100] =	vst v16  }
0x28e: {  	[tilespmem:$0x7100] =	vst v16  }
0x28f: {  	[tilespmem:$0x3110] =	vst v16  }
0x290: {  	[tilespmem:$0x7110] =	vst v16  }
0x291: {  	[tilespmem:$0x3120] =	vst v16  }
0x292: {  	[tilespmem:$0x7120] =	vst v16  }
0x293: {  	[tilespmem:$0x3130] =	vst v16  }
0x294: {  	[tilespmem:$0x7130] =	vst v16  }
0x295: {  	[tilespmem:$0x3140] =	vst v16  }
0x296: {  	[tilespmem:$0x7140] =	vst v16  }
0x297: {  	[tilespmem:$0x3150] =	vst v16  }
0x298: {  	[tilespmem:$0x7150] =	vst v16  }
0x299: {  	[tilespmem:$0x3160] =	vst v16  }
0x29a: {  	[tilespmem:$0x7160] =	vst v16  }
0x29b: {  	[tilespmem:$0x3170] =	vst v16  }
0x29c: {  	[tilespmem:$0x7170] =	vst v16  }
0x29d: {  	[tilespmem:$0x3180] =	vst v16  }
0x29e: {  	[tilespmem:$0x7180] =	vst v16  }
0x29f: {  	[tilespmem:$0x3190] =	vst v16  }
0x2a0: {  	[tilespmem:$0x7190] =	vst v16  }
0x2a1: {  	[tilespmem:$0x31A0] =	vst v16  }
0x2a2: {  	[tilespmem:$0x71A0] =	vst v16  }
0x2a3: {  	[tilespmem:$0x31B0] =	vst v16  }
0x2a4: {  	[tilespmem:$0x71B0] =	vst v16  }
0x2a5: {  	[tilespmem:$0x31C0] =	vst v16  }
0x2a6: {  	[tilespmem:$0x71C0] =	vst v16  }
0x2a7: {  	[tilespmem:$0x31D0] =	vst v16  }
0x2a8: {  	[tilespmem:$0x71D0] =	vst v16  }
0x2a9: {  	[tilespmem:$0x31E0] =	vst v16  }
0x2aa: {  	[tilespmem:$0x71E0] =	vst v16  }
0x2ab: {  	[tilespmem:$0x31F0] =	vst v16  }
0x2ac: {  	[tilespmem:$0x71F0] =	vst v16  }
0x2ad: {  	[tilespmem:$0x3200] =	vst v16  }
0x2ae: {  	[tilespmem:$0x7200] =	vst v16  }
0x2af: {  	[tilespmem:$0x3210] =	vst v16  }
0x2b0: {  	[tilespmem:$0x7210] =	vst v16  }
0x2b1: {  	[tilespmem:$0x3220] =	vst v16  }
0x2b2: {  	[tilespmem:$0x7220] =	vst v16  }
0x2b3: {  	[tilespmem:$0x3230] =	vst v16  }
0x2b4: {  	[tilespmem:$0x7230] =	vst v16  }
0x2b5: {  	[tilespmem:$0x3240] =	vst v16  }
0x2b6: {  	[tilespmem:$0x7240] =	vst v16  }
0x2b7: {  	[tilespmem:$0x3250] =	vst v16  }
0x2b8: {  	[tilespmem:$0x7250] =	vst v16  }
0x2b9: {  	[tilespmem:$0x3260] =	vst v16  }
0x2ba: {  	[tilespmem:$0x7260] =	vst v16  }
0x2bb: {  	[tilespmem:$0x3270] =	vst v16  }
0x2bc: {  	[tilespmem:$0x7270] =	vst v16  }
0x2bd: {  	[tilespmem:$0x3280] =	vst v16  }
0x2be: {  	[tilespmem:$0x7280] =	vst v16  }
0x2bf: {  	[tilespmem:$0x3290] =	vst v16  }
0x2c0: {  	[tilespmem:$0x7290] =	vst v16  }
0x2c1: {  	[tilespmem:$0x32A0] =	vst v16  }
0x2c2: {  	[tilespmem:$0x72A0] =	vst v16  }
0x2c3: {  	[tilespmem:$0x32B0] =	vst v16  }
0x2c4: {  	[tilespmem:$0x72B0] =	vst v16  }
0x2c5: {  	[tilespmem:$0x32C0] =	vst v16  }
0x2c6: {  	[tilespmem:$0x72C0] =	vst v16  }
0x2c7: {  	[tilespmem:$0x32D0] =	vst v16  }
0x2c8: {  	[tilespmem:$0x72D0] =	vst v16  }
0x2c9: {  	[tilespmem:$0x32E0] =	vst v16  }
0x2ca: {  	[tilespmem:$0x72E0] =	vst v16  }
0x2cb: {  	[tilespmem:$0x32F0] =	vst v16  }
0x2cc: {  	[tilespmem:$0x72F0] =	vst v16  }
0x2cd: {  	[tilespmem:$0x3300] =	vst v16  }
0x2ce: {  	[tilespmem:$0x7300] =	vst v16  }
0x2cf: {  	[tilespmem:$0x3310] =	vst v16  }
0x2d0: {  	[tilespmem:$0x7310] =	vst v16  }
0x2d1: {  	[tilespmem:$0x3320] =	vst v16  }
0x2d2: {  	[tilespmem:$0x7320] =	vst v16  }
0x2d3: {  	[tilespmem:$0x3330] =	vst v16  }
0x2d4: {  	[tilespmem:$0x7330] =	vst v16  }
0x2d5: {  	[tilespmem:$0x3340] =	vst v16  }
0x2d6: {  	[tilespmem:$0x7340] =	vst v16  }
0x2d7: {  	[tilespmem:$0x3350] =	vst v16  }
0x2d8: {  	[tilespmem:$0x7350] =	vst v16  }
0x2d9: {  	[tilespmem:$0x3360] =	vst v16  }
0x2da: {  	[tilespmem:$0x7360] =	vst v16  }
0x2db: {  	[tilespmem:$0x3370] =	vst v16  }
0x2dc: {  	[tilespmem:$0x7370] =	vst v16  }
0x2dd: {  	[tilespmem:$0x3380] =	vst v16  }
0x2de: {  	[tilespmem:$0x7380] =	vst v16  }
0x2df: {  	[tilespmem:$0x3390] =	vst v16  }
0x2e0: {  	[tilespmem:$0x7390] =	vst v16  }
0x2e1: {  	[tilespmem:$0x33A0] =	vst v16  }
0x2e2: {  	[tilespmem:$0x73A0] =	vst v16  }
0x2e3: {  	[tilespmem:$0x33B0] =	vst v16  }
0x2e4: {  	[tilespmem:$0x73B0] =	vst v16  }
0x2e5: {  	[tilespmem:$0x33C0] =	vst v16  }
0x2e6: {  	[tilespmem:$0x73C0] =	vst v16  }
0x2e7: {  	[tilespmem:$0x33D0] =	vst v16  }
0x2e8: {  	[tilespmem:$0x73D0] =	vst v16  }
0x2e9: {  	[tilespmem:$0x33E0] =	vst v16  }
0x2ea: {  	[tilespmem:$0x73E0] =	vst v16  }
0x2eb: {  	[tilespmem:$0x33F0] =	vst v16  }
0x2ec: {  	[tilespmem:$0x73F0] =	vst v16  }
0x2ed: {  	[tilespmem:$0x3400] =	vst v16  }
0x2ee: {  	[tilespmem:$0x7400] =	vst v16  }
0x2ef: {  	[tilespmem:$0x3410] =	vst v16  }
0x2f0: {  	[tilespmem:$0x7410] =	vst v16  }
0x2f1: {  	[tilespmem:$0x3420] =	vst v16  }
0x2f2: {  	[tilespmem:$0x7420] =	vst v16  }
0x2f3: {  	[tilespmem:$0x3430] =	vst v16  }
0x2f4: {  	[tilespmem:$0x7430] =	vst v16  }
0x2f5: {  	[tilespmem:$0x3440] =	vst v16  }
0x2f6: {  	[tilespmem:$0x7440] =	vst v16  }
0x2f7: {  	[tilespmem:$0x3450] =	vst v16  }
0x2f8: {  	[tilespmem:$0x7450] =	vst v16  }
0x2f9: {  	[tilespmem:$0x3460] =	vst v16  }
0x2fa: {  	[tilespmem:$0x7460] =	vst v16  }
0x2fb: {  	[tilespmem:$0x3470] =	vst v16  }
0x2fc: {  	[tilespmem:$0x7470] =	vst v16  }
0x2fd: {  	[tilespmem:$0x3480] =	vst v16  }
0x2fe: {  	[tilespmem:$0x7480] =	vst v16  }
0x2ff: {  	[tilespmem:$0x3490] =	vst v16  }
0x300: {  	[tilespmem:$0x7490] =	vst v16  }
0x301: {  	[tilespmem:$0x34A0] =	vst v16  }
0x302: {  	[tilespmem:$0x74A0] =	vst v16  }
0x303: {  	[tilespmem:$0x34B0] =	vst v16  }
0x304: {  	[tilespmem:$0x74B0] =	vst v16  }
0x305: {  	[tilespmem:$0x34C0] =	vst v16  }
0x306: {  	[tilespmem:$0x74C0] =	vst v16  }
0x307: {  	[tilespmem:$0x34D0] =	vst v16  }
0x308: {  	[tilespmem:$0x74D0] =	vst v16  }
0x309: {  	[tilespmem:$0x34E0] =	vst v16  }
0x30a: {  	[tilespmem:$0x74E0] =	vst v16  }
0x30b: {  	[tilespmem:$0x34F0] =	vst v16  }
0x30c: {  	[tilespmem:$0x74F0] =	vst v16  }
0x30d: {  	[tilespmem:$0x3500] =	vst v16  }
0x30e: {  	[tilespmem:$0x7500] =	vst v16  }
0x30f: {  	[tilespmem:$0x3510] =	vst v16  }
0x310: {  	[tilespmem:$0x7510] =	vst v16  }
0x311: {  	[tilespmem:$0x3520] =	vst v16  }
0x312: {  	[tilespmem:$0x7520] =	vst v16  }
0x313: {  	[tilespmem:$0x3530] =	vst v16  }
0x314: {  	[tilespmem:$0x7530] =	vst v16  }
0x315: {  	[tilespmem:$0x3540] =	vst v16  }
0x316: {  	[tilespmem:$0x7540] =	vst v16  }
0x317: {  	[tilespmem:$0x3550] =	vst v16  }
0x318: {  	[tilespmem:$0x7550] =	vst v16  }
0x319: {  	[tilespmem:$0x3560] =	vst v16  }
0x31a: {  	[tilespmem:$0x7560] =	vst v16  }
0x31b: {  	[tilespmem:$0x3570] =	vst v16  }
0x31c: {  	[tilespmem:$0x7570] =	vst v16  }
0x31d: {  	[tilespmem:$0x3580] =	vst v16  }
0x31e: {  	[tilespmem:$0x7580] =	vst v16  }
0x31f: {  	[tilespmem:$0x3590] =	vst v16  }
0x320: {  	[tilespmem:$0x7590] =	vst v16  }
0x321: {  	[tilespmem:$0x35A0] =	vst v16  }
0x322: {  	[tilespmem:$0x75A0] =	vst v16  }
0x323: {  	[tilespmem:$0x35B0] =	vst v16  }
0x324: {  	[tilespmem:$0x75B0] =	vst v16  }
0x325: {  	[tilespmem:$0x35C0] =	vst v16  }
0x326: {  	[tilespmem:$0x75C0] =	vst v16  }
0x327: {  	[tilespmem:$0x35D0] =	vst v16  }
0x328: {  	[tilespmem:$0x75D0] =	vst v16  }
0x329: {  	[tilespmem:$0x35E0] =	vst v16  }
0x32a: {  	[tilespmem:$0x75E0] =	vst v16  }
0x32b: {  	[tilespmem:$0x35F0] =	vst v16  }
0x32c: {  	[tilespmem:$0x75F0] =	vst v16  }
0x32d: {  	[tilespmem:$0x3600] =	vst v16  }
0x32e: {  	[tilespmem:$0x7600] =	vst v16  }
0x32f: {  	[tilespmem:$0x3610] =	vst v16  }
0x330: {  	[tilespmem:$0x7610] =	vst v16  }
0x331: {  	[tilespmem:$0x3620] =	vst v16  }
0x332: {  	[tilespmem:$0x7620] =	vst v16  }
0x333: {  	[tilespmem:$0x3630] =	vst v16  }
0x334: {  	[tilespmem:$0x7630] =	vst v16  }
0x335: {  	[tilespmem:$0x3640] =	vst v16  }
0x336: {  	[tilespmem:$0x7640] =	vst v16  }
0x337: {  	[tilespmem:$0x3650] =	vst v16  }
0x338: {  	[tilespmem:$0x7650] =	vst v16  }
0x339: {  	[tilespmem:$0x3660] =	vst v16  }
0x33a: {  	[tilespmem:$0x7660] =	vst v16  }
0x33b: {  	[tilespmem:$0x3670] =	vst v16  }
0x33c: {  	[tilespmem:$0x7670] =	vst v16  }
0x33d: {  	[tilespmem:$0x3680] =	vst v16  }
0x33e: {  	[tilespmem:$0x7680] =	vst v16  }
0x33f: {  	[tilespmem:$0x3690] =	vst v16  }
0x340: {  	[tilespmem:$0x7690] =	vst v16  }
0x341: {  	[tilespmem:$0x36A0] =	vst v16  }
0x342: {  	[tilespmem:$0x76A0] =	vst v16  }
0x343: {  	[tilespmem:$0x36B0] =	vst v16  }
0x344: {  	[tilespmem:$0x76B0] =	vst v16  }
0x345: {  	[tilespmem:$0x36C0] =	vst v16  }
0x346: {  	[tilespmem:$0x76C0] =	vst v16  }
0x347: {  	[tilespmem:$0x36D0] =	vst v16  }
0x348: {  	[tilespmem:$0x76D0] =	vst v16  }
0x349: {  	[tilespmem:$0x36E0] =	vst v16  }
0x34a: {  	[tilespmem:$0x76E0] =	vst v16  }
0x34b: {  	[tilespmem:$0x36F0] =	vst v16  }
0x34c: {  	[tilespmem:$0x76F0] =	vst v16  }
0x34d: {  	[tilespmem:$0x3700] =	vst v16  }
0x34e: {  	[tilespmem:$0x7700] =	vst v16  }
0x34f: {  	_ =	swait.ge [sflag:s18], $0x800  }
0x350: {  	[sflag:s18] =	ssyncset.done $0x0  }
0x351: {  	[sflag:s18] =	ssyncadd.s32 $0xFFFFF800  }
0x352: {  	_ =	swait.ge [sflag:s19], $0x800  }
0x353: {  	[sflag:s19] =	ssyncset.done $0x0  }
0x354: {  	s13 =	simm.s32 $0x2810;
	[sflag:s19] =	ssyncadd.s32 $0xFFFFF800  }
0x355: {  	s0 =	simm.s32 $0x6810;
	v18 =	vld [tilespmem:s13+$0x0]  }
0x356: {  	v19 =	vld [tilespmem:s0+$0x0]  }
0x357: {  	v20 =	vld [tilespmem:s13+$0x10]  }
0x358: {  	v21 =	vld [tilespmem:s0+$0x10]  }
0x359: {  	v22 =	vld [tilespmem:s13+$0x20]  }
0x35a: {  	v23 =	vld [tilespmem:s0+$0x20]  }
0x35b: {  	v24 =	vld [tilespmem:s0+$0x30];
	v18 =	vmul.bf16 v19, v18  }
0x35c: {  	v19 =	vld [tilespmem:s13+$0x30]  }
0x35d: {  	v20 =	vmul.bf16 v21, v20;
	v21 =	vld [tilespmem:s13+$0x40];
	v25 =	vunpack.i.u.bf16.f32 v18;
	v18 =	vunpack.i.l.bf16.f32 v18  }
0x35e: {  	v18 =	vadd.f32 v18, v25;
	v25 =	vld [tilespmem:s0+$0x40]  }
0x35f: {  	v22 =	vmul.bf16 v23, v22;
	v23 =	vld [tilespmem:s13+$0x50];
	v26 =	vunpack.i.u.bf16.f32 v20;
	v20 =	vunpack.i.l.bf16.f32 v20  }
0x360: {  	v20 =	vadd.f32 v20, v26;
	v26 =	vld [tilespmem:s0+$0x50];
	v18 =	vadd.f32 $0.0e+00, v18  }
0x361: {  	v27 =	vunpack.i.u.bf16.f32 v22;
	v22 =	vunpack.i.l.bf16.f32 v22;
	v19 =	vmul.bf16 v24, v19;
	v24 =	vld [tilespmem:s13+$0x60]  }
0x362: {  	v18 =	vadd.f32 v20, v18;
	v20 =	vadd.f32 v22, v27;
	v22 =	vld [tilespmem:s0+$0x60]  }
0x363: {  	v27 =	vunpack.i.u.bf16.f32 v19;
	v19 =	vunpack.i.l.bf16.f32 v19;
	v21 =	vmul.bf16 v25, v21;
	v25 =	vld [tilespmem:s13+$0x70]  }
0x364: {  	v19 =	vadd.f32 v19, v27;
	v18 =	vadd.f32 v20, v18;
	v20 =	vld [tilespmem:s0+$0x70]  }
0x365: {  	v23 =	vmul.bf16 v26, v23;
	v26 =	vld [tilespmem:s13+$0x80];
	v27 =	vunpack.i.u.bf16.f32 v21;
	v21 =	vunpack.i.l.bf16.f32 v21  }
0x366: {  	v18 =	vadd.f32 v19, v18;
	v19 =	vadd.f32 v21, v27;
	v21 =	vld [tilespmem:s0+$0x80]  }
0x367: {  	v27 =	vunpack.i.u.bf16.f32 v23;
	v23 =	vunpack.i.l.bf16.f32 v23;
	v22 =	vmul.bf16 v22, v24;
	v24 =	vld [tilespmem:s13+$0x90]  }
0x368: {  	v18 =	vadd.f32 v19, v18;
	v19 =	vadd.f32 v23, v27;
	v23 =	vld [tilespmem:s0+$0x90]  }
0x369: {  	v27 =	vunpack.i.u.bf16.f32 v22;
	v22 =	vunpack.i.l.bf16.f32 v22;
	v20 =	vmul.bf16 v20, v25;
	v25 =	vld [tilespmem:s13+$0xA0]  }
0x36a: {  	v18 =	vadd.f32 v19, v18;
	v19 =	vadd.f32 v22, v27;
	v22 =	vld [tilespmem:s0+$0xA0]  }
0x36b: {  	v27 =	vunpack.i.u.bf16.f32 v20;
	v20 =	vunpack.i.l.bf16.f32 v20;
	v21 =	vmul.bf16 v21, v26;
	v26 =	vld [tilespmem:s13+$0xB0]  }
0x36c: {  	v18 =	vadd.f32 v19, v18;
	v19 =	vadd.f32 v20, v27;
	v20 =	vld [tilespmem:s0+$0xB0]  }
0x36d: {  	v27 =	vunpack.i.u.bf16.f32 v21;
	v21 =	vunpack.i.l.bf16.f32 v21;
	v23 =	vmul.bf16 v23, v24;
	v24 =	vld [tilespmem:s13+$0xC0]  }
0x36e: {  	v18 =	vadd.f32 v19, v18;
	v19 =	vadd.f32 v21, v27;
	v21 =	vld [tilespmem:s0+$0xC0]  }
0x36f: {  	v27 =	vunpack.i.u.bf16.f32 v23;
	v23 =	vunpack.i.l.bf16.f32 v23;
	v22 =	vmul.bf16 v22, v25;
	v25 =	vld [tilespmem:s13+$0xD0]  }
0x370: {  	v18 =	vsub.f32 v18, v19;
	v19 =	vadd.f32 v23, v27;
	v23 =	vld [tilespmem:s0+$0xD0]  }
0x371: {  	v27 =	vunpack.i.u.bf16.f32 v22;
	v22 =	vunpack.i.l.bf16.f32 v22;
	v20 =	vmul.bf16 v20, v26;
	v26 =	vld [tilespmem:s13+$0xE0]  }
0x372: {  	v18 =	vsub.f32 v18, v19;
	v19 =	vadd.f32 v22, v27;
	v22 =	vld [tilespmem:s0+$0xE0]  }
0x373: {  	v27 =	vunpack.i.u.bf16.f32 v20;
	v20 =	vunpack.i.l.bf16.f32 v20;
	v21 =	vmul.bf16 v21, v24;
	v24 =	vld [tilespmem:s13+$0xF0]  }
0x374: {  	v18 =	vsub.f32 v18, v19;
	v19 =	vadd.f32 v20, v27;
	v20 =	vld [tilespmem:s0+$0xF0]  }
0x375: {  	v27 =	vld [tilespmem:s0+$0xFFFFFF00];
	v28 =	vunpack.i.u.bf16.f32 v21;
	v21 =	vunpack.i.l.bf16.f32 v21;
	v23 =	vmul.bf16 v23, v25  }
0x376: {  	v25 =	vld [tilespmem:s13+$0xFFFFFF00];
	v18 =	vsub.f32 v18, v19;
	v19 =	vadd.f32 v21, v28  }
0x377: {  	v21 =	vld [tilespmem:s13+$0xFFFFFF10];
	v57 =	vunpack.i.u.bf16.f32 v23;
	v23 =	vunpack.i.l.bf16.f32 v23;
	v22 =	vmul.bf16 v22, v26  }
0x378: {  	v26 =	vld [tilespmem:s0+$0xFFFFFF10];
	v18 =	vsub.f32 v18, v19;
	v19 =	vadd.f32 v23, v57  }
0x379: {  	v23 =	vld [tilespmem:s13+$0xFFFFFF20];
	v58 =	vunpack.i.u.bf16.f32 v22;
	v22 =	vunpack.i.l.bf16.f32 v22;
	v20 =	vmul.bf16 v20, v24  }
0x37a: {  	v24 =	vld [tilespmem:s0+$0xFFFFFF20];
	v18 =	vsub.f32 v18, v19;
	v19 =	vadd.f32 v22, v58  }
0x37b: {  	v59 =	vld [tilespmem:s0+$0xFFFFFF30];
	v22 =	vmul.bf16 v27, v25;
	v27 =	vunpack.i.u.bf16.f32 v20;
	v20 =	vunpack.i.l.bf16.f32 v20  }
0x37c: {  	v25 =	vld [tilespmem:s13+$0xFFFFFF30];
	v18 =	vsub.f32 v18, v19;
	v19 =	vadd.f32 v20, v27  }
0x37d: {  	v20 =	vunpack.i.u.bf16.f32 v22;
	v22 =	vunpack.i.l.bf16.f32 v22;
	v21 =	vmul.bf16 v26, v21;
	v26 =	vld [tilespmem:s13+$0xFFFFFF40]  }
0x37e: {  	v20 =	vadd.f32 v22, v20;
	v22 =	vld [tilespmem:s0+$0xFFFFFF40];
	v27 =	vsub.f32 v18, v19  }
0x37f: {  	v18 =	vunpack.i.u.bf16.f32 v21;
	v19 =	vunpack.i.l.bf16.f32 v21;
	v21 =	vmul.bf16 v24, v23;
	v23 =	vld [tilespmem:s13+$0xFFFFFF50]  }
0x380: {  	v20 =	vadd.f32 $0.0e+00, v20;
	v18 =	vadd.f32 v19, v18;
	v19 =	vld [tilespmem:s0+$0xFFFFFF50]  }
0x381: {  	v60 =	vld [tilespmem:s13+$0xFFFFFF60];
	v25 =	vmul.bf16 v59, v25;
	v24 =	vunpack.i.u.bf16.f32 v21;
	v21 =	vunpack.i.l.bf16.f32 v21  }
0x382: {  	v18 =	vadd.f32 v18, v20;
	v20 =	vadd.f32 v21, v24;
	v21 =	vld [tilespmem:s0+$0xFFFFFF60]  }
0x383: {  	v24 =	vunpack.i.u.bf16.f32 v25;
	v25 =	vunpack.i.l.bf16.f32 v25;
	v22 =	vmul.bf16 v22, v26;
	v26 =	vld [tilespmem:s13+$0xFFFFFF70]  }
0x384: {  	v18 =	vadd.f32 v20, v18;
	v20 =	vadd.f32 v25, v24;
	v24 =	vld [tilespmem:s0+$0xFFFFFF70]  }
0x385: {  	v25 =	vunpack.i.u.bf16.f32 v22;
	v22 =	vunpack.i.l.bf16.f32 v22;
	v19 =	vmul.bf16 v19, v23;
	v23 =	vld [tilespmem:s13+$0xFFFFFF80]  }
0x386: {  	v18 =	vadd.f32 v20, v18;
	v20 =	vadd.f32 v22, v25;
	v22 =	vld [tilespmem:s0+$0xFFFFFF80]  }
0x387: {  	v61 =	vld [tilespmem:s13+$0xFFFFFF90];
	v25 =	vunpack.i.u.bf16.f32 v19;
	v19 =	vunpack.i.l.bf16.f32 v19;
	v21 =	vmul.bf16 v21, v60  }
0x388: {  	v18 =	vadd.f32 v20, v18;
	v19 =	vadd.f32 v19, v25;
	v20 =	vld [tilespmem:s0+$0xFFFFFF90]  }
0x389: {  	v25 =	vunpack.i.u.bf16.f32 v21;
	v21 =	vunpack.i.l.bf16.f32 v21;
	v24 =	vmul.bf16 v24, v26;
	v26 =	vld [tilespmem:s13+$0xFFFFFFA0]  }
0x38a: {  	v18 =	vadd.f32 v19, v18;
	v19 =	vadd.f32 v21, v25;
	v21 =	vld [tilespmem:s0+$0xFFFFFFA0]  }
0x38b: {  	v25 =	vunpack.i.u.bf16.f32 v24;
	v24 =	vunpack.i.l.bf16.f32 v24;
	v22 =	vmul.bf16 v22, v23;
	v23 =	vld [tilespmem:s13+$0xFFFFFFB0]  }
0x38c: {  	v18 =	vadd.f32 v19, v18;
	v19 =	vadd.f32 v24, v25;
	v24 =	vld [tilespmem:s0+$0xFFFFFFB0]  }
0x38d: {  	v62 =	vld [tilespmem:s13+$0xFFFFFFC0];
	v25 =	vunpack.i.u.bf16.f32 v22;
	v22 =	vunpack.i.l.bf16.f32 v22;
	v20 =	vmul.bf16 v20, v61  }
0x38e: {  	v18 =	vadd.f32 v19, v18;
	v22 =	vadd.f32 v22, v25;
	v25 =	vld [tilespmem:s0+$0xFFFFFFC0]  }
0x38f: {  	v19 =	vld [tilespmem:s13+$0xFFFFFFD0];
	v29 =	vunpack.i.u.bf16.f32 v20;
	v20 =	vunpack.i.l.bf16.f32 v20;
	v21 =	vmul.bf16 v21, v26  }
0x390: {  	v26 =	vsub.f32 v18, v22;
	v20 =	vadd.f32 v20, v29;
	v22 =	vld [tilespmem:s0+$0xFFFFFFD0]  }
0x391: {  	v18 =	vld [tilespmem:s13+$0xFFFFFFE0];
	v63 =	vunpack.i.u.bf16.f32 v21;
	v21 =	vunpack.i.l.bf16.f32 v21;
	v23 =	vmul.bf16 v24, v23  }
0x392: {  	v24 =	vsub.f32 v26, v20;
	v29 =	vadd.f32 v21, v63;
	v21 =	vld [tilespmem:s0+$0xFFFFFFE0]  }
0x393: {  	s1 =	simm.s32 $0x1A720;
	v20 =	vld [tilespmem:s13+$0xFFFFFFF0];
	v30 =	vunpack.i.u.bf16.f32 v23;
	v23 =	vunpack.i.l.bf16.f32 v23;
	v26 =	vmul.bf16 v25, v62  }
0x394: {  	s14 =	simm.s32 $0x2A10;
	[tilespmem:s1+$0x0] =	vst v27;
	s13 =	simm.s32 $0x0;
	v24 =	vsub.f32 v24, v29;
	v25 =	vadd.f32 v23, v30;
	v23 =	vld [tilespmem:s0+$0xFFFFFFF0]  }
.LBB2_16:
0x395: {  	v27 =	vld [tilespmem:s14+$0x0];
	v28 =	vunpack.i.u.bf16.f32 v26;
	v26 =	vunpack.i.l.bf16.f32 v26;
	v19 =	vmul.bf16 v22, v19;
	s0 =	sadd.s32 $0x200, s0  }
0x396: {  	s13 =	sadd.s32 $0x2, s13;
	v22 =	vld [tilespmem:s0+$0x0];
	v24 =	vsub.f32 v24, v25;
	v25 =	vadd.f32 v26, v28  }
0x397: {  	p0 =	slt.u32 s13, $0xE;
	v26 =	vld [tilespmem:s14+$0x10];
	v28 =	vunpack.i.u.bf16.f32 v19;
	v19 =	vunpack.i.l.bf16.f32 v19;
	v18 =	vmul.bf16 v21, v18  }
0x398: {  	v21 =	vld [tilespmem:s0+$0x10];
	v24 =	vsub.f32 v24, v25;
	v19 =	vadd.f32 v19, v28  }
0x399: {  	v25 =	vld [tilespmem:s14+$0x20];
	v28 =	vunpack.i.u.bf16.f32 v18;
	v18 =	vunpack.i.l.bf16.f32 v18;
	v20 =	vmul.bf16 v23, v20  }
0x39a: {  	v23 =	vld [tilespmem:s0+$0x20];
	v19 =	vsub.f32 v24, v19;
	v18 =	vadd.f32 v18, v28  }
0x39b: {  	v22 =	vmul.bf16 v22, v27;
	v24 =	vld [tilespmem:s14+$0x30];
	v27 =	vunpack.i.u.bf16.f32 v20;
	v20 =	vunpack.i.l.bf16.f32 v20  }
0x39c: {  	v28 =	vld [tilespmem:s0+$0x30];
	v18 =	vsub.f32 v19, v18;
	v19 =	vadd.f32 v20, v27  }
0x39d: {  	v20 =	vunpack.i.u.bf16.f32 v22;
	v22 =	vunpack.i.l.bf16.f32 v22;
	v21 =	vmul.bf16 v21, v26;
	v26 =	vld [tilespmem:s14+$0x40]  }
0x39e: {  	v20 =	vadd.f32 v22, v20;
	v22 =	vld [tilespmem:s0+$0x40];
	v18 =	vsub.f32 v18, v19  }
0x39f: {  	v19 =	vunpack.i.u.bf16.f32 v21;
	v21 =	vunpack.i.l.bf16.f32 v21;
	v23 =	vmul.bf16 v23, v25;
	v25 =	vld [tilespmem:s14+$0x50]  }
0x3a0: {  	v20 =	vadd.f32 $0.0e+00, v20;
	v19 =	vadd.f32 v21, v19;
	v21 =	vld [tilespmem:s0+$0x50];
	[tilespmem:s1+$0xFFFFFFF0] =	vst v18  }
0x3a1: {  	v18 =	vunpack.i.u.bf16.f32 v23;
	v23 =	vunpack.i.l.bf16.f32 v23;
	v24 =	vmul.bf16 v28, v24;
	v27 =	vld [tilespmem:s14+$0x60]  }
0x3a2: {  	v19 =	vadd.f32 v19, v20;
	v18 =	vadd.f32 v23, v18;
	v20 =	vld [tilespmem:s0+$0x60]  }
0x3a3: {  	v23 =	vunpack.i.u.bf16.f32 v24;
	v24 =	vunpack.i.l.bf16.f32 v24;
	v22 =	vmul.bf16 v22, v26;
	v26 =	vld [tilespmem:s14+$0x70]  }
0x3a4: {  	v18 =	vadd.f32 v18, v19;
	v19 =	vadd.f32 v24, v23;
	v23 =	vld [tilespmem:s0+$0x70]  }
0x3a5: {  	v24 =	vunpack.i.u.bf16.f32 v22;
	v22 =	vunpack.i.l.bf16.f32 v22;
	v21 =	vmul.bf16 v21, v25;
	v25 =	vld [tilespmem:s14+$0x80]  }
0x3a6: {  	v18 =	vadd.f32 v19, v18;
	v19 =	vadd.f32 v22, v24;
	v22 =	vld [tilespmem:s0+$0x80]  }
0x3a7: {  	v24 =	vunpack.i.u.bf16.f32 v21;
	v21 =	vunpack.i.l.bf16.f32 v21;
	v20 =	vmul.bf16 v20, v27;
	v27 =	vld [tilespmem:s14+$0x90]  }
0x3a8: {  	v18 =	vadd.f32 v19, v18;
	v19 =	vadd.f32 v21, v24;
	v21 =	vld [tilespmem:s0+$0x90]  }
0x3a9: {  	v24 =	vunpack.i.u.bf16.f32 v20;
	v20 =	vunpack.i.l.bf16.f32 v20;
	v23 =	vmul.bf16 v23, v26;
	v26 =	vld [tilespmem:s14+$0xA0]  }
0x3aa: {  	v18 =	vadd.f32 v19, v18;
	v19 =	vadd.f32 v20, v24;
	v20 =	vld [tilespmem:s0+$0xA0]  }
0x3ab: {  	v24 =	vunpack.i.u.bf16.f32 v23;
	v23 =	vunpack.i.l.bf16.f32 v23;
	v22 =	vmul.bf16 v22, v25;
	v25 =	vld [tilespmem:s14+$0xB0]  }
0x3ac: {  	v18 =	vadd.f32 v19, v18;
	v19 =	vadd.f32 v23, v24;
	v23 =	vld [tilespmem:s0+$0xB0]  }
0x3ad: {  	v24 =	vunpack.i.u.bf16.f32 v22;
	v22 =	vunpack.i.l.bf16.f32 v22;
	v21 =	vmul.bf16 v21, v27;
	v27 =	vld [tilespmem:s14+$0xC0]  }
0x3ae: {  	v18 =	vadd.f32 v19, v18;
	v19 =	vadd.f32 v22, v24;
	v22 =	vld [tilespmem:s0+$0xC0]  }
0x3af: {  	v24 =	vunpack.i.u.bf16.f32 v21;
	v21 =	vunpack.i.l.bf16.f32 v21;
	v20 =	vmul.bf16 v20, v26;
	v26 =	vld [tilespmem:s14+$0xD0]  }
0x3b0: {  	v18 =	vsub.f32 v18, v19;
	v19 =	vadd.f32 v21, v24;
	v21 =	vld [tilespmem:s0+$0xD0]  }
0x3b1: {  	v24 =	vunpack.i.u.bf16.f32 v20;
	v20 =	vunpack.i.l.bf16.f32 v20;
	v23 =	vmul.bf16 v23, v25;
	v25 =	vld [tilespmem:s14+$0xE0]  }
0x3b2: {  	v18 =	vsub.f32 v18, v19;
	v19 =	vadd.f32 v20, v24;
	v20 =	vld [tilespmem:s0+$0xE0]  }
0x3b3: {  	v24 =	vunpack.i.u.bf16.f32 v23;
	v23 =	vunpack.i.l.bf16.f32 v23;
	v22 =	vmul.bf16 v22, v27;
	v27 =	vld [tilespmem:s14+$0xF0]  }
0x3b4: {  	v18 =	vsub.f32 v18, v19;
	v19 =	vadd.f32 v23, v24;
	v23 =	vld [tilespmem:s0+$0xF0]  }
0x3b5: {  	v24 =	vld [tilespmem:s0+$0xFFFFFF00];
	v28 =	vunpack.i.u.bf16.f32 v22;
	v22 =	vunpack.i.l.bf16.f32 v22;
	v21 =	vmul.bf16 v21, v26  }
0x3b6: {  	v26 =	vld [tilespmem:s14+$0xFFFFFF00];
	v18 =	vsub.f32 v18, v19;
	v19 =	vadd.f32 v22, v28  }
0x3b7: {  	v22 =	vld [tilespmem:s14+$0xFFFFFF10];
	v28 =	vunpack.i.u.bf16.f32 v21;
	v21 =	vunpack.i.l.bf16.f32 v21;
	v20 =	vmul.bf16 v20, v25  }
0x3b8: {  	v25 =	vld [tilespmem:s0+$0xFFFFFF10];
	v18 =	vsub.f32 v18, v19;
	v19 =	vadd.f32 v21, v28  }
0x3b9: {  	v21 =	vld [tilespmem:s14+$0xFFFFFF20];
	v28 =	vunpack.i.u.bf16.f32 v20;
	v20 =	vunpack.i.l.bf16.f32 v20;
	v23 =	vmul.bf16 v23, v27  }
0x3ba: {  	v27 =	vld [tilespmem:s0+$0xFFFFFF20];
	v18 =	vsub.f32 v18, v19;
	v19 =	vadd.f32 v20, v28  }
0x3bb: {  	v20 =	vmul.bf16 v24, v26;
	v24 =	vld [tilespmem:s14+$0xFFFFFF30];
	v26 =	vunpack.i.u.bf16.f32 v23;
	v23 =	vunpack.i.l.bf16.f32 v23  }
0x3bc: {  	v28 =	vld [tilespmem:s0+$0xFFFFFF30];
	v18 =	vsub.f32 v18, v19;
	v19 =	vadd.f32 v23, v26  }
0x3bd: {  	v23 =	vunpack.i.u.bf16.f32 v20;
	v20 =	vunpack.i.l.bf16.f32 v20;
	v22 =	vmul.bf16 v25, v22;
	v25 =	vld [tilespmem:s14+$0xFFFFFF40]  }
0x3be: {  	v20 =	vadd.f32 v20, v23;
	v23 =	vld [tilespmem:s0+$0xFFFFFF40];
	v18 =	vsub.f32 v18, v19  }
0x3bf: {  	s1 =	sadd.s32 $0x20, s1;
	v19 =	vunpack.i.u.bf16.f32 v22;
	v22 =	vunpack.i.l.bf16.f32 v22;
	v21 =	vmul.bf16 v27, v21;
	v26 =	vld [tilespmem:s14+$0xFFFFFF50]  }
0x3c0: {  	v20 =	vadd.f32 $0.0e+00, v20;
	v19 =	vadd.f32 v22, v19;
	v22 =	vld [tilespmem:s0+$0xFFFFFF50];
	[tilespmem:s1+$0x0] =	vst v18  }
0x3c1: {  	v18 =	vunpack.i.u.bf16.f32 v21;
	v21 =	vunpack.i.l.bf16.f32 v21;
	v24 =	vmul.bf16 v28, v24;
	v27 =	vld [tilespmem:s14+$0xFFFFFF60]  }
0x3c2: {  	v19 =	vadd.f32 v19, v20;
	v18 =	vadd.f32 v21, v18;
	v20 =	vld [tilespmem:s0+$0xFFFFFF60]  }
0x3c3: {  	v21 =	vunpack.i.u.bf16.f32 v24;
	v24 =	vunpack.i.l.bf16.f32 v24;
	v23 =	vmul.bf16 v23, v25;
	v25 =	vld [tilespmem:s14+$0xFFFFFF70]  }
0x3c4: {  	v18 =	vadd.f32 v18, v19;
	v19 =	vadd.f32 v24, v21;
	v21 =	vld [tilespmem:s0+$0xFFFFFF70]  }
0x3c5: {  	v24 =	vunpack.i.u.bf16.f32 v23;
	v23 =	vunpack.i.l.bf16.f32 v23;
	v22 =	vmul.bf16 v22, v26;
	v26 =	vld [tilespmem:s14+$0xFFFFFF80]  }
0x3c6: {  	v18 =	vadd.f32 v19, v18;
	v19 =	vadd.f32 v23, v24;
	v23 =	vld [tilespmem:s0+$0xFFFFFF80]  }
0x3c7: {  	v24 =	vunpack.i.u.bf16.f32 v22;
	v22 =	vunpack.i.l.bf16.f32 v22;
	v20 =	vmul.bf16 v20, v27;
	v27 =	vld [tilespmem:s14+$0xFFFFFF90]  }
0x3c8: {  	v18 =	vadd.f32 v19, v18;
	v19 =	vadd.f32 v22, v24;
	v22 =	vld [tilespmem:s0+$0xFFFFFF90]  }
0x3c9: {  	v24 =	vunpack.i.u.bf16.f32 v20;
	v20 =	vunpack.i.l.bf16.f32 v20;
	v21 =	vmul.bf16 v21, v25;
	v25 =	vld [tilespmem:s14+$0xFFFFFFA0]  }
0x3ca: {  	v18 =	vadd.f32 v19, v18;
	v19 =	vadd.f32 v20, v24;
	v20 =	vld [tilespmem:s0+$0xFFFFFFA0]  }
0x3cb: {  	v24 =	vunpack.i.u.bf16.f32 v21;
	v21 =	vunpack.i.l.bf16.f32 v21;
	v23 =	vmul.bf16 v23, v26;
	v26 =	vld [tilespmem:s14+$0xFFFFFFB0]  }
0x3cc: {  	v18 =	vadd.f32 v19, v18;
	v19 =	vadd.f32 v21, v24;
	v21 =	vld [tilespmem:s0+$0xFFFFFFB0]  }
0x3cd: {  	v24 =	vunpack.i.u.bf16.f32 v23;
	v23 =	vunpack.i.l.bf16.f32 v23;
	v22 =	vmul.bf16 v22, v27;
	v27 =	vld [tilespmem:s14+$0xFFFFFFC0]  }
0x3ce: {  	v18 =	vadd.f32 v19, v18;
	v23 =	vadd.f32 v23, v24;
	v24 =	vld [tilespmem:s0+$0xFFFFFFC0]  }
0x3cf: {  	v28 =	vunpack.i.u.bf16.f32 v22;
	v22 =	vunpack.i.l.bf16.f32 v22;
	v20 =	vmul.bf16 v20, v25;
	v19 =	vld [tilespmem:s14+$0xFFFFFFD0]  }
.Ltmp7:
0x3d0: {  	v23 =	vsub.f32 v18, v23;
	v25 =	vadd.f32 v22, v28;
	v22 =	vld [tilespmem:s0+$0xFFFFFFD0];
	(pc) =	sbr.rel @p0 .LBB2_16-.Ltmp7, $4  }
0x3d1: {  	v28 =	vunpack.i.u.bf16.f32 v20;
	v20 =	vunpack.i.l.bf16.f32 v20;
	v26 =	vmul.bf16 v21, v26;
	v18 =	vld [tilespmem:s14+$0xFFFFFFE0]  }
0x3d2: {  	v23 =	vsub.f32 v23, v25;
	v25 =	vadd.f32 v20, v28;
	v21 =	vld [tilespmem:s0+$0xFFFFFFE0]  }
0x3d3: {  	v28 =	vunpack.i.u.bf16.f32 v26;
	v29 =	vunpack.i.l.bf16.f32 v26;
	v26 =	vmul.bf16 v24, v27;
	v20 =	vld [tilespmem:s14+$0xFFFFFFF0]  }
0x3d4: {  	s14 =	sadd.s32 $0x200, s14;
	v24 =	vsub.f32 v23, v25;
	v25 =	vadd.f32 v29, v28;
	v23 =	vld [tilespmem:s0+$0xFFFFFFF0]  }
0x3d5: {  	v27 =	vunpack.i.u.bf16.f32 v26;
	v47 =	vunpack.i.l.bf16.f32 v26;
	v19 =	vmul.bf16 v22, v19  }
0x3d6: {  	v48 =	vsub.f32 v24, v25;
	v49 =	vadd.f32 v47, v27  }
0x3d7: {  	v50 =	vunpack.i.u.bf16.f32 v19;
	v19 =	vunpack.i.l.bf16.f32 v19;
	v18 =	vmul.bf16 v21, v18  }
0x3d8: {  	v51 =	vsub.f32 v48, v49;
	v19 =	vadd.f32 v19, v50  }
0x3d9: {  	v52 =	vunpack.i.u.bf16.f32 v18;
	v18 =	vunpack.i.l.bf16.f32 v18;
	v20 =	vmul.bf16 v23, v20  }
0x3da: {  	v19 =	vsub.f32 v51, v19;
	v18 =	vadd.f32 v18, v52  }
0x3db: {  	v53 =	vunpack.i.u.bf16.f32 v20;
	v20 =	vunpack.i.l.bf16.f32 v20  }
0x3dc: {  	v18 =	vsub.f32 v19, v18;
	v19 =	vadd.f32 v20, v53;
	_ =	sdelay $0x1  }
0x3dd: {  	v18 =	vsub.f32 v18, v19;
	_ =	sdelay $0x1  }
0x3de: {  	[tilespmem:s1+$0xFFFFFFF0] =	vst v18  }
0x3df: {  	v18 =	vld.idx.msk [tilespmem:v0+s20+$0x0], $0xffff;
	_ =	sdelay $0x1  }
0x3e0: {  	v19 =	vld.idx.msk [tilespmem:v1+s20+$0x0], $0xffff;
	_ =	sdelay $0x1  }
0x3e1: {  	v54 =	vld.idx.msk [tilespmem:v2+s20+$0x0], $0xffff  }
0x3e2: {  	v18 =	vadd.f32 $0.0e+00, v18  }
0x3e3: {  	v55 =	vld.idx.msk [tilespmem:v3+s20+$0x0], $0xffff  }
0x3e4: {  	v18 =	vadd.f32 v19, v18  }
0x3e5: {  	v19 =	vld.idx.msk [tilespmem:v4+s20+$0x0], $0xffff  }
0x3e6: {  	v18 =	vadd.f32 v54, v18  }
0x3e7: {  	v56 =	vld.idx.msk [tilespmem:v5+s20+$0x0], $0xffff  }
0x3e8: {  	v18 =	vadd.f32 v55, v18  }
0x3e9: {  	v57 =	vld.idx.msk [tilespmem:v6+s20+$0x0], $0xffff  }
0x3ea: {  	v18 =	vadd.f32 v19, v18  }
0x3eb: {  	v19 =	vld.idx.msk [tilespmem:v7+s20+$0x0], $0xffff  }
0x3ec: {  	v18 =	vadd.f32 v56, v18  }
0x3ed: {  	v58 =	vld.idx.msk [tilespmem:v8+s20+$0x0], $0xffff  }
0x3ee: {  	v18 =	vadd.f32 v57, v18  }
0x3ef: {  	v59 =	vld.idx.msk [tilespmem:v9+s20+$0x0], $0xffff  }
0x3f0: {  	v18 =	vadd.f32 v19, v18  }
0x3f1: {  	v19 =	vld.idx.msk [tilespmem:v10+s20+$0x0], $0xffff  }
0x3f2: {  	v18 =	vadd.f32 v58, v18  }
0x3f3: {  	v60 =	vld.idx.msk [tilespmem:v11+s20+$0x0], $0xffff  }
0x3f4: {  	v18 =	vadd.f32 v59, v18  }
0x3f5: {  	v61 =	vld.idx.msk [tilespmem:v12+s20+$0x0], $0xffff  }
0x3f6: {  	v18 =	vadd.f32 v19, v18  }
0x3f7: {  	v19 =	vld.idx.msk [tilespmem:v13+s20+$0x0], $0xffff  }
0x3f8: {  	v18 =	vadd.f32 v60, v18  }
0x3f9: {  	v62 =	vld.idx.msk [tilespmem:v14+s20+$0x0], $0xffff  }
0x3fa: {  	v18 =	vadd.f32 v61, v18  }
0x3fb: {  	v63 =	vld.idx.msk [tilespmem:v15+s20+$0x0], $0xffff  }
0x3fc: {  	v18 =	vadd.f32 v19, v18;
	_ =	sdelay $0x1  }
0x3fd: {  	v18 =	vadd.f32 v62, v18;
	_ =	sdelay $0x1  }
0x3fe: {  	v18 =	vadd.f32 v63, v18;
	_ =	sdelay $0x1  }
0x3ff: {  	v18 =	vmul.f32 v18, v18;
	_ =	sdelay $0x1  }
0x400: {  	v17 =	vadd.f32 v18, v17;
	_ =	sdelay $0x1  }
0x401: {  	s30 =	sadd.s32 $0x1, s30;
	v17 =	vmul.f32 $6.249999840e-06, v17  }
0x402: {  	p0 =	sne.s32 s30, s7  }
.Ltmp8:
0x403: {  	s0 =	simm.s32 $0x1A810;
	[tilespmem:$0x1A810] =	vst v17;
	(pc) =	sbr.rel @p0 .LBB2_1-.Ltmp8, $4  }
0x404: {  	[hbm4b:s6+s2] =	stream.linear.scatter [tilespmem:s0], [sflag:$0x7], $0x10, $0x38;
	[tilespmem:$0x1A820] =	vst v63  }
0x405: {  	_ =	swait.ge [sflag:s8], $0x10  }
0x406: {  	[sflag:s8] =	ssyncset.done $0x0  }
0x407: {  	[sflag:s8] =	ssyncadd.s32 $0xFFFFFFF0  }
0x408: {  	_ =	sfence.sel $0x180000  }
0x409: {  	[bflag:$0x0] =	sbarrier.arrive $0xFFFF  }
0x40a: {  	_ =	strace $0x90000047  }
0x40b: {  	s0 =	stileid.u32;
	[bflag:$0x2] =	sbarrier.arrive $0xFFFF  }
0x40c: {  	p0 =	sne.s32 s0, $0x0;
	s0 =	rddreg [dreg:$0x1]  }
0x40d: {  	s0 =	sadd.s32 @!p0 $0x100000, s0  }
0x40e: {  	[sflag:s0] =	ssyncadd.tile.s32 @!p0 $0x1;
	_ =	shalt  }
.Lfunc_end2:
_tile_overlayer_lowered:
.L_overlay_start_2:
0x40f: {  	(tag) =	ssettag $0x2  }
0x410: {  	s0 =	rddreg [dreg:$0x0];
	s2 =	stileid.u32  }
0x411: {  	s1 =	rddreg [dreg:$0x1];
	p0 =	sne.s32 s2, $0x0  }
0x412: {  	s3 =	rddreg [dreg:$0x2];
	[bflag:$0x3] =	sbarrier.arrive $0xFFFF;
	s2 =	simm.s32 @!p0 $0x1C07  }
0x413: {  	[timem:s3], [sflag:s2] =	dma.local @!p0 [hbm:s0], s1  }
0x414: {  	s0 =	simm.s32 @!p0 $0x7  }
0x415: {  	_ =	swait.ge @!p0 [sflag:s0], s1  }
0x416: {  	s1 =	ssub.s32 @!p0 $0x0, s1;
	[sflag:s0] =	ssyncset.done @!p0 $0x0  }
0x417: {  	[sflag:s0] =	ssyncadd.s32 @!p0 s1  }
0x418: {  	[bflag:$0x3] =	sbarrier.arrive $0xFFFF  }
0x419: {  	_ =	shalt  }

</sc_bundles>
